<compile_context>
chip_gen: v7x
topology: tpu7x:2x2x1
jax: 0.10.2.dev20260603
libtpu: 0.0.44.dev20260713+nightly
codegen_flags: <defaults>
</compile_context>

<pallas_src>
import functools

import jax
import jax.numpy as jnp
from jax.experimental import pallas as pl
from jax.experimental.pallas import tpu as pltpu
from jax.experimental.pallas import tpu_sc as plsc

N_NODES = 10000
N_PAD = 10240
F_IN = 256
F_HALF = 128
HID = 512
N_CLS = 128
BLK = 1280
N_TILES = 16
CHUNK = 128
DUMMY = 10008
E_PAD = 2 * N_TILES * 40 * CHUNK
ACC_GAP = 512
ACC_ALLOC = N_PAD + ACC_GAP

_SC_MESH = plsc.VectorSubcoreMesh(core_axis_name="c", subcore_axis_name="s")


def _sc_fill(ref, val):
    v = jnp.full((16,), val, jnp.float32)

    @pl.loop(0, ref.shape[0])
    def _(i):
        @pl.loop(0, ref.shape[1], step=16)
        def _(k):
            ref[i, pl.ds(k, 16)] = v


def _sc_deg(dst_idx):
    nchunks = 40
    rows = N_PAD // N_TILES

    @functools.partial(
        pl.kernel,
        out_type=jax.ShapeDtypeStruct((2 * N_PAD, F_HALF), jnp.float32),
        mesh=_SC_MESH,
        scratch_types=[
            pltpu.VMEM((nchunks, CHUNK), jnp.int32),
            pltpu.VMEM((CHUNK, F_HALF), jnp.float32),
            pltpu.VMEM_SHARED((ACC_ALLOC, F_HALF), jnp.float32),
        ],
    )
    def k(dst_hbm, out_hbm, idx_v, buf_v, acc_sh):
        cid = jax.lax.axis_index("c")
        sid = jax.lax.axis_index("s")
        base = sid * rows + jnp.where(sid >= 2, ACC_GAP, 0)
        wid = cid * N_TILES + sid

        _sc_fill(buf_v, 0.0)

        @pl.loop(0, rows, step=CHUNK)
        def _(r):
            pltpu.sync_copy(buf_v, acc_sh.at[pl.ds(base + r, CHUNK)])

        pltpu.sync_copy(dst_hbm.at[pl.ds(wid * nchunks, nchunks)], idx_v)
        _sc_fill(buf_v, 1.0)
        plsc.subcore_barrier()

        @pl.loop(0, nchunks)
        def _(j):
            pltpu.sync_copy(buf_v, acc_sh.at[idx_v.at[j]], add=True)

        plsc.subcore_barrier()
        pltpu.sync_copy(acc_sh.at[pl.ds(base, rows)],
                        out_hbm.at[pl.ds(cid * N_PAD + sid * rows, rows)])

    return k(dst_idx)


def _sc_agg(table, src_idx, dst_idx, nchunks):
    rows = N_PAD // N_TILES

    @functools.partial(
        pl.kernel,
        out_type=jax.ShapeDtypeStruct((2 * N_PAD, F_HALF), jnp.float32),
        mesh=_SC_MESH,
        scratch_types=[
            pltpu.VMEM((4, CHUNK), jnp.int32),
            pltpu.VMEM((4, CHUNK), jnp.int32),
            pltpu.VMEM((CHUNK, F_HALF), jnp.float32),
            pltpu.VMEM((CHUNK, F_HALF), jnp.float32),
            pltpu.VMEM_SHARED((ACC_ALLOC, F_HALF), jnp.float32),
            pltpu.SemaphoreType.DMA,
            pltpu.SemaphoreType.DMA,
            pltpu.SemaphoreType.DMA,
            pltpu.SemaphoreType.DMA,
            pltpu.SemaphoreType.DMA,
            pltpu.SemaphoreType.DMA,
            pltpu.SemaphoreType.DMA,
            pltpu.SemaphoreType.DMA,
        ],
    )
    def k(tab_hbm, src_hbm, dst_hbm, out_hbm, srcv, dstv, buf_a, buf_b,
          acc_sh, sem_a, sem_b, si0, si1, si2, si3, ss0, ss1):
        cid = jax.lax.axis_index("c")
        sid = jax.lax.axis_index("s")
        base = sid * rows + jnp.where(sid >= 2, ACC_GAP, 0)
        wid = cid * N_TILES + sid
        ibase = wid * nchunks
        sem_i = [si0, si1, si2, si3]
        bufs = [buf_a, buf_b]
        sem_g = [sem_a, sem_b]

        def idx_load(chunk, slot):
            pltpu.async_copy(src_hbm.at[ibase + chunk], srcv.at[slot],
                             sem_i[slot])
            pltpu.async_copy(dst_hbm.at[ibase + chunk], dstv.at[slot],
                             sem_i[slot])

        def idx_wait(slot):
            pltpu.make_async_copy(src_hbm.at[0], srcv.at[slot],
                                  sem_i[slot]).wait()
            pltpu.make_async_copy(dst_hbm.at[0], dstv.at[slot],
                                  sem_i[slot]).wait()

        def gather(slot, b):
            pltpu.async_copy(tab_hbm.at[srcv.at[slot]], bufs[b], sem_g[b])

        def gather_wait(b):
            pltpu.make_async_copy(tab_hbm.at[srcv.at[0]], bufs[b],
                                  sem_g[b]).wait()

        sem_s = [ss0, ss1]

        def scat_start(slot, b):
            pltpu.async_copy(bufs[b], acc_sh.at[dstv.at[slot]], sem_s[b],
                             add=True)

        def scat_wait(b):
            pltpu.make_async_copy(bufs[b], acc_sh.at[dstv.at[0]],
                                  sem_s[b]).wait()

        _sc_fill(buf_a, 0.0)

        @pl.loop(0, rows, step=CHUNK)
        def _(r):
            pltpu.sync_copy(buf_a, acc_sh.at[pl.ds(base + r, CHUNK)])

        plsc.subcore_barrier()

        for s in range(4):
            idx_load(s, s)
        idx_wait(0)
        gather(0, 0)
        idx_wait(1)
        gather(1, 1)

        @pl.loop(0, nchunks - 4, step=4)
        def _(j):
            gather_wait(0)
            scat_start(0, 0)
            idx_wait(2)
            gather_wait(1)
            scat_start(1, 1)
            idx_wait(3)
            scat_wait(0)
            idx_load(j + 4, 0)
            gather(2, 0)
            scat_wait(1)
            idx_load(j + 5, 1)
            gather(3, 1)
            gather_wait(0)
            scat_start(2, 0)
            idx_wait(0)
            gather_wait(1)
            scat_start(3, 1)
            idx_wait(1)
            scat_wait(0)
            idx_load(j + 6, 2)
            gather(0, 0)
            scat_wait(1)
            idx_load(j + 7, 3)
            gather(1, 1)

        gather_wait(0)
        scat_start(0, 0)
        idx_wait(2)
        gather_wait(1)
        scat_start(1, 1)
        idx_wait(3)
        scat_wait(0)
        gather(2, 0)
        scat_wait(1)
        gather(3, 1)
        gather_wait(0)
        scat_start(2, 0)
        gather_wait(1)
        scat_start(3, 1)
        scat_wait(0)
        scat_wait(1)

        plsc.subcore_barrier()
        pltpu.sync_copy(acc_sh.at[pl.ds(base, rows)],
                        out_hbm.at[pl.ds(cid * N_PAD + sid * rows, rows)])

    return k(table, src_idx, dst_idx)


def _k1_body(x_ref, dp0_ref, dp1_ref, dinv_ref, ya_ref, yb_ref):
    deg = 1.0 + dp0_ref[:, 0:1] + dp1_ref[:, 0:1]
    row = jax.lax.broadcasted_iota(jnp.int32, (N_PAD, 1), 0)
    dinv = jnp.where(row < N_NODES,
                     jax.lax.rsqrt(jnp.maximum(deg, 1e-12)), 0.0)
    dinv_ref[...] = dinv
    x = x_ref[...]
    ya_ref[...] = x[:, :F_HALF] * dinv
    yb_ref[...] = x[:, F_HALF:] * dinv


def _k1(x_pad, dp0, dp1):
    return pl.pallas_call(
        _k1_body,
        out_shape=(
            jax.ShapeDtypeStruct((N_PAD, 1), jnp.float32),
            jax.ShapeDtypeStruct((N_PAD, F_HALF), jnp.float32),
            jax.ShapeDtypeStruct((N_PAD, F_HALF), jnp.float32),
        ),
    )(x_pad, dp0, dp1)


def _k2_body(a1_ref, a2_ref, ya_ref, yb_ref, dinv_ref, w1a_ref, w1b_ref,
             b1_ref, w2_ref, z_ref):
    dinv = dinv_ref[...]
    u1 = (a1_ref[...] + ya_ref[...]) * dinv
    u2 = (a2_ref[...] + yb_ref[...]) * dinv
    h = (jnp.dot(u1, w1a_ref[...], preferred_element_type=jnp.float32)
         + jnp.dot(u2, w1b_ref[...], preferred_element_type=jnp.float32)
         + b1_ref[...])
    h = jnp.maximum(h, 0.0)
    t = jnp.dot(h, w2_ref[...], preferred_element_type=jnp.float32)
    z_ref[...] = t * dinv


def _k2(a1, a2, ya, yb, dinv, W1, b1, W2):
    grid = (N_PAD // BLK,)
    row_spec = lambda w: pl.BlockSpec((BLK, w), lambda i: (i, 0))
    full = lambda shape: pl.BlockSpec(shape, lambda i: (0,) * len(shape))
    return pl.pallas_call(
        _k2_body,
        grid=grid,
        in_specs=[
            row_spec(F_HALF), row_spec(F_HALF),
            row_spec(F_HALF), row_spec(F_HALF),
            row_spec(1),
            full((F_HALF, HID)), full((F_HALF, HID)),
            full((1, HID)),
            full((HID, N_CLS)),
        ],
        out_specs=row_spec(N_CLS),
        out_shape=jax.ShapeDtypeStruct((N_PAD, N_CLS), jnp.float32),
    )(a1, a2, ya, yb, dinv, W1[:F_HALF], W1[F_HALF:], b1[None, :], W2)


def _k3_body(p0_ref, p1_ref, z_ref, dinv_ref, b2_ref, o_ref):
    o = (p0_ref[...] + p1_ref[...] + z_ref[...]) * dinv_ref[...] + b2_ref[...]
    m = jnp.max(o, axis=1, keepdims=True)
    e = jnp.exp(o - m)
    lse = jnp.log(jnp.sum(e, axis=1, keepdims=True))
    o_ref[...] = o - m - lse


def _k3(p0, p1, z, dinv, b2):
    grid = (N_PAD // BLK,)
    row_spec = lambda w: pl.BlockSpec((BLK, w), lambda i: (i, 0))
    return pl.pallas_call(
        _k3_body,
        grid=grid,
        in_specs=[
            row_spec(N_CLS), row_spec(N_CLS), row_spec(N_CLS), row_spec(1),
            pl.BlockSpec((1, N_CLS), lambda i: (0, 0)),
        ],
        out_specs=row_spec(N_CLS),
        out_shape=jax.ShapeDtypeStruct((N_PAD, N_CLS), jnp.float32),
    )(p0, p1, z, dinv, b2[None, :])


def kernel(x, edge_index, W1, b1, W2, b2):
    src = edge_index[0]
    dst = edge_index[1]
    e = src.shape[0]

    pad = E_PAD - e
    src_p = jnp.concatenate([src, jnp.full((pad,), DUMMY, jnp.int32)])
    dst_p = jnp.concatenate([dst, jnp.full((pad,), DUMMY, jnp.int32)])
    dst_p = dst_p + jnp.where(dst_p >= 1280, ACC_GAP, 0).astype(jnp.int32)

    src_32 = src_p.reshape(2 * N_TILES * 40, CHUNK)
    dst_32 = dst_p.reshape(2 * N_TILES * 40, CHUNK)
    src_16 = src_p.reshape(1, N_TILES * 80, CHUNK)
    offs = jnp.array([0, N_PAD], jnp.int32).reshape(2, 1, 1)
    src_a1 = (src_16 + offs).reshape(2 * N_TILES * 80, CHUNK)
    dst_a1 = jnp.broadcast_to(dst_p.reshape(1, N_TILES * 80, CHUNK),
                              (2, N_TILES * 80, CHUNK)).reshape(-1, CHUNK)

    dp = _sc_deg(dst_32)
    x_pad = jnp.pad(x, ((0, N_PAD - N_NODES), (0, 0)))
    dinv, ya, yb = _k1(x_pad, dp[:N_PAD], dp[N_PAD:])

    y_flat = jnp.concatenate([ya, yb], axis=0)
    a = _sc_agg(y_flat, src_a1, dst_a1, 80)
    z = _k2(a[:N_PAD], a[N_PAD:], ya, yb, dinv, W1, b1, W2)

    p = _sc_agg(z, src_32, dst_32, 40)
    out = _k3(p[:N_PAD], p[N_PAD:], z, dinv, b2)
    return out[:N_NODES]

# --- scband reference (transcript-rebuilt; emitter-appended) ---
"""Pipeline reference for scband-gnnmodel-23545010716969 (READ-ONLY COPY).

The authoritative reference and input builder live on the scoring server;
editing this copy changes nothing except your own understanding.
"""

import jax, jax.numpy as jnp
import numpy as np

NUM_NODES = 10000
NUM_EDGES = 160000
NUM_FEATURES = 256
HIDDEN_DIM = 512
NUM_CLASSES = 128


def setup_inputs(seed: int = 0) -> dict:
    key = jax.random.key(seed)
    k1, k2, k3, k4, k5, k6 = jax.random.split(key, 6)
    x = jax.random.normal(k1, (NUM_NODES, NUM_FEATURES), dtype=jnp.float32)
    edge_index = jax.random.randint(k2, (2, NUM_EDGES), 0, NUM_NODES, dtype=jnp.int64 if jax.config.jax_enable_x64 else jnp.int32).astype(jnp.int32)
    W1 = jax.random.normal(k3, (NUM_FEATURES, HIDDEN_DIM), dtype=jnp.float32) * (1.0 / np.sqrt(NUM_FEATURES))
    b1 = jnp.zeros((HIDDEN_DIM,), dtype=jnp.float32)
    W2 = jax.random.normal(k4, (HIDDEN_DIM, NUM_CLASSES), dtype=jnp.float32) * (1.0 / np.sqrt(HIDDEN_DIM))
    b2 = jnp.zeros((NUM_CLASSES,), dtype=jnp.float32)
    return {"x": x, "edge_index": edge_index, "W1": W1, "b1": b1, "W2": W2, "b2": b2}


def _gcn_conv(x, src, dst, W, b, num_nodes):
    # GCNConv: out = D^{-1/2} (A + I) D^{-1/2} (x @ W) + b  (with self-loops already appended to src/dst)
    deg = jnp.zeros((num_nodes,), dtype=jnp.float32).at[dst].add(1.0)
    dinv = jnp.where(deg > 0, jax.lax.rsqrt(jnp.maximum(deg, 1e-12)), 0.0)
    norm = dinv[src] * dinv[dst]
    h = x @ W
    msg = h[src] * norm[:, None]
    out = jnp.zeros((num_nodes, W.shape[1]), dtype=x.dtype).at[dst].add(msg)
    return out + b


def reference(x, edge_index, W1, b1, W2, b2):
    num_nodes = x.shape[0]
    loop = jnp.arange(num_nodes, dtype=edge_index.dtype)
    src = jnp.concatenate([edge_index[0], loop])
    dst = jnp.concatenate([edge_index[1], loop])
    h = jax.nn.relu(_gcn_conv(x, src, dst, W1, b1, num_nodes))
    # F.dropout(training=self.training) -> identity in eval mode
    o = _gcn_conv(h, src, dst, W2, b2, num_nodes)
    return jax.nn.log_softmax(o, axis=1)

if __name__ == "__main__":
    import jax
    _d = setup_inputs()
    print(jax.jit(kernel)(*tuple(_d.values())))

</pallas_src>

<mosaic_0001>
#map = affine_map<(d0, d1) -> (0, 0)>
module attributes {stable_mosaic.version = 14 : i64} {
  func.func @k(%arg0: i32, %arg1: i32, %arg2: memref<10240x128xf32, #tpu.memory_space<hbm>>, %arg3: memref<1280x128xi32, #tpu.memory_space<hbm>>, %arg4: memref<1280x128xi32, #tpu.memory_space<hbm>>, %arg5: memref<20480x128xf32, #tpu.memory_space<hbm>>, %arg6: memref<4x128xi32, #tpu.memory_space<vmem>>, %arg7: memref<4x128xi32, #tpu.memory_space<vmem>>, %arg8: memref<128x128xf32, #tpu.memory_space<vmem>>, %arg9: memref<128x128xf32, #tpu.memory_space<vmem>>, %arg10: memref<10752x128xf32, #tpu.memory_space<vmem_shared>>, %arg11: memref<!tpu.dma_semaphore, #tpu.memory_space<semaphore_mem>>, %arg12: memref<!tpu.dma_semaphore, #tpu.memory_space<semaphore_mem>>, %arg13: memref<!tpu.dma_semaphore, #tpu.memory_space<semaphore_mem>>, %arg14: memref<!tpu.dma_semaphore, #tpu.memory_space<semaphore_mem>>, %arg15: memref<!tpu.dma_semaphore, #tpu.memory_space<semaphore_mem>>, %arg16: memref<!tpu.dma_semaphore, #tpu.memory_space<semaphore_mem>>, %arg17: memref<!tpu.dma_semaphore, #tpu.memory_space<semaphore_mem>>, %arg18: memref<!tpu.dma_semaphore, #tpu.memory_space<semaphore_mem>>) attributes {dimension_semantics = [#tpu.dimension_semantics<core_parallel>, #tpu.dimension_semantics<subcore_parallel>], iteration_bounds = array<i64: 2, 16>, scalar_prefetch = 0 : i64, scratch_operands = 13 : i64, tpu.core_type = #tpu.core_type<sc_vector_subcore>, window_params = [{transform_indices = #map}, {transform_indices = #map}, {transform_indices = #map}, {transform_indices = #map}]} {
    %mul3A = arith.constant 640 : i32
    %mul3A_0 = arith.muli %arg1, %mul3A : i32
    %ge3A = arith.constant 2 : i32
    %ge3A_1 = arith.cmpi sge, %arg1, %ge3A : i32
    %jit3A = arith.constant 512 : i32
    %jit3A_2 = arith.constant 0 : i32
    %select_n3A = arith.select %ge3A_1, %jit3A, %jit3A_2 : i32
    %add3A = arith.addi %mul3A_0, %select_n3A : i32
    %mul3A_3 = arith.constant 16 : i32
    %mul3A_4 = arith.muli %arg0, %mul3A_3 : i32
    %add3A_5 = arith.addi %mul3A_4, %arg1 : i32
    %mul3A_6 = arith.constant 40 : i32
    %mul3A_7 = arith.muli %add3A_5, %mul3A_6 : i32
    %broadcast_in_dim3A = arith.constant 0.000000e+00 : f32
    %broadcast_in_dim3A_8 = vector.broadcast %broadcast_in_dim3A : f32 to vector<16xf32>
    %scan3A = arith.constant 0 : i32
    %scan3A_9 = arith.constant 128 : i32
    %scan3A_10 = arith.addi %scan3A, %scan3A_9 : i32
    %scan3A_11 = arith.constant 1 : i32
    scf.for %scan3A_371 = %scan3A to %scan3A_10 step %scan3A_11  : i32 {
      %mul3A_372 = arith.constant 1 : i32
      %mul3A_373 = arith.muli %scan3A_371, %mul3A_372 : i32
      %add3A_374 = arith.constant 0 : i32
      %add3A_375 = arith.addi %add3A_374, %mul3A_373 : i32
      %scan3A_376 = arith.constant 0 : i32
      %scan3A_377 = arith.constant 8 : i32
      %scan3A_378 = arith.addi %scan3A_376, %scan3A_377 : i32
      %scan3A_379 = arith.constant 1 : i32
      scf.for %scan3A_381 = %scan3A_376 to %scan3A_378 step %scan3A_379  : i32 {
        %mul3A_382 = arith.constant 16 : i32
        %mul3A_383 = arith.muli %scan3A_381, %mul3A_382 : i32
        %add3A_384 = arith.constant 0 : i32
        %add3A_385 = arith.addi %add3A_384, %mul3A_383 : i32
        %swap3A = arith.index_cast %add3A_375 : i32 to index
        %swap3A_386 = arith.index_cast %add3A_385 : i32 to index
        %swap3A_387 = tpu.vector_load %arg8[%swap3A, %swap3A_386] {strides = array<i32>} : memref<128x128xf32, #tpu.memory_space<vmem>>, vector<1x16xf32>,
        %swap3A_388 = vector.shape_cast %swap3A_387 : vector<1x16xf32> to vector<16xf32>
        %swap3A_389 = vector.shape_cast %broadcast_in_dim3A_8 : vector<16xf32> to vector<1x16xf32>
        tpu.vector_store %arg8[%swap3A, %swap3A_386], %swap3A_389 {strides = array<i32>} : memref<128x128xf32, #tpu.memory_space<vmem>>, vector<1x16xf32>,
      }
      %scan3A_380 = arith.constant 8 : i32
    }
    %scan3A_12 = arith.constant 128 : i32
    %scan3A_13 = arith.constant 0 : i32
    %scan3A_14 = arith.constant 5 : i32
    %scan3A_15 = arith.addi %scan3A_13, %scan3A_14 : i32
    %scan3A_16 = arith.constant 1 : i32
    scf.for %scan3A_371 = %scan3A_13 to %scan3A_15 step %scan3A_16  : i32 {
      %mul3A_372 = arith.constant 128 : i32
      %mul3A_373 = arith.muli %scan3A_371, %mul3A_372 : i32
      %add3A_374 = arith.constant 0 : i32
      %add3A_375 = arith.addi %add3A_374, %mul3A_373 : i32
      %add3A_376 = arith.addi %add3A, %add3A_375 : i32
      "tpu.region"() ({
        %run_scoped3A = tpu.sem_alloc : memref<!tpu.dma_semaphore, #tpu.memory_space<semaphore_mem>>
        %dma_start3A_377 = arith.constant 0 : i32
        %dma_start3A_378 = tpu.memref_slice %arg10[%add3A_376, %dma_start3A_377] : memref<10752x128xf32, #tpu.memory_space<vmem_shared>> -> memref<128x128xf32, #tpu.memory_space<vmem_shared>>
        %dma_start3A_379 = arith.constant 0 : i32
        %dma_start3A_380 = tpu.memref_slice %arg10[%add3A_376, %dma_start3A_379] : memref<10752x128xf32, #tpu.memory_space<vmem_shared>> -> memref<128x128xf32, #tpu.memory_space<vmem_shared>>
        tpu.enqueue_dma source(%arg8 : memref<128x128xf32, #tpu.memory_space<vmem>>) target(%dma_start3A_380 : memref<128x128xf32, #tpu.memory_space<vmem_shared>>) target_semaphore(%run_scoped3A : memref<!tpu.dma_semaphore, #tpu.memory_space<semaphore_mem>>)
        %dma_wait3A_381 = arith.constant 0 : i32
        %dma_wait3A_382 = tpu.memref_slice %arg10[%add3A_376, %dma_wait3A_381] : memref<10752x128xf32, #tpu.memory_space<vmem_shared>> -> memref<128x128xf32, #tpu.memory_space<vmem_shared>>
        %dma_wait3A_383 = arith.constant 0 : i32
        %dma_wait3A_384 = tpu.memref_slice %arg10[%add3A_376, %dma_wait3A_383] : memref<10752x128xf32, #tpu.memory_space<vmem_shared>> -> memref<128x128xf32, #tpu.memory_space<vmem_shared>>
        tpu.wait_dma2 semaphore(%run_scoped3A : memref<!tpu.dma_semaphore, #tpu.memory_space<semaphore_mem>>) src(%arg8 : memref<128x128xf32, #tpu.memory_space<vmem>>) dst(%dma_wait3A_384 : memref<128x128xf32, #tpu.memory_space<vmem_shared>>)
        tpu.yield
      }) : () -> ()
    }
    %scan3A_17 = arith.constant 5 : i32
    %barrier3A = arith.constant 0 : index
    tpu.barrier barrier_id(%barrier3A)
    %add3A_18 = arith.constant 0 : i32
    %add3A_19 = arith.addi %mul3A_7, %add3A_18 : i32
    %dma_start3A = arith.constant 0 : i32
    %dma_start3A_20 = arith.constant 0 : i32
    %dma_start3A_21 = tpu.memref_slice %arg6[%dma_start3A, %dma_start3A_20] : memref<4x128xi32, #tpu.memory_space<vmem>> -> memref<1x128xi32, #tpu.memory_space<vmem>>
    %dma_start3A_22 = tpu.memref_squeeze %dma_start3A_21 : memref<1x128xi32, #tpu.memory_space<vmem>> -> memref<128xi32, #tpu.memory_space<vmem>>
    %dma_start3A_23 = arith.constant 0 : i32
    %dma_start3A_24 = tpu.memref_slice %arg3[%add3A_19, %dma_start3A_23] : memref<1280x128xi32, #tpu.memory_space<hbm>> -> memref<1x128xi32, #tpu.memory_space<hbm>>
    %dma_start3A_25 = tpu.memref_squeeze %dma_start3A_24 : memref<1x128xi32, #tpu.memory_space<hbm>> -> memref<128xi32, #tpu.memory_space<hbm>>
    %dma_start3A_26 = arith.constant 0 : i32
    %dma_start3A_27 = tpu.memref_slice %arg6[%dma_start3A, %dma_start3A_26] : memref<4x128xi32, #tpu.memory_space<vmem>> -> memref<1x128xi32, #tpu.memory_space<vmem>>
    %dma_start3A_28 = tpu.memref_squeeze %dma_start3A_27 : memref<1x128xi32, #tpu.memory_space<vmem>> -> memref<128xi32, #tpu.memory_space<vmem>>
    %dma_start3A_29 = arith.constant 0 : i32
    %dma_start3A_30 = tpu.memref_slice %arg3[%add3A_19, %dma_start3A_29] : memref<1280x128xi32, #tpu.memory_space<hbm>> -> memref<1x128xi32, #tpu.memory_space<hbm>>
    %dma_start3A_31 = tpu.memref_squeeze %dma_start3A_30 : memref<1x128xi32, #tpu.memory_space<hbm>> -> memref<128xi32, #tpu.memory_space<hbm>>
    tpu.enqueue_dma source(%dma_start3A_31 : memref<128xi32, #tpu.memory_space<hbm>>) target(%dma_start3A_28 : memref<128xi32, #tpu.memory_space<vmem>>) target_semaphore(%arg13 : memref<!tpu.dma_semaphore, #tpu.memory_space<semaphore_mem>>)
    %add3A_32 = arith.constant 0 : i32
    %add3A_33 = arith.addi %mul3A_7, %add3A_32 : i32
    %dma_start3A_34 = arith.constant 0 : i32
    %dma_start3A_35 = arith.constant 0 : i32
    %dma_start3A_36 = tpu.memref_slice %arg7[%dma_start3A_34, %dma_start3A_35] : memref<4x128xi32, #tpu.memory_space<vmem>> -> memref<1x128xi32, #tpu.memory_space<vmem>>
    %dma_start3A_37 = tpu.memref_squeeze %dma_start3A_36 : memref<1x128xi32, #tpu.memory_space<vmem>> -> memref<128xi32, #tpu.memory_space<vmem>>
    %dma_start3A_38 = arith.constant 0 : i32
    %dma_start3A_39 = tpu.memref_slice %arg4[%add3A_33, %dma_start3A_38] : memref<1280x128xi32, #tpu.memory_space<hbm>> -> memref<1x128xi32, #tpu.memory_space<hbm>>
    %dma_start3A_40 = tpu.memref_squeeze %dma_start3A_39 : memref<1x128xi32, #tpu.memory_space<hbm>> -> memref<128xi32, #tpu.memory_space<hbm>>
    %dma_start3A_41 = arith.constant 0 : i32
    %dma_start3A_42 = tpu.memref_slice %arg7[%dma_start3A_34, %dma_start3A_41] : memref<4x128xi32, #tpu.memory_space<vmem>> -> memref<1x128xi32, #tpu.memory_space<vmem>>
    %dma_start3A_43 = tpu.memref_squeeze %dma_start3A_42 : memref<1x128xi32, #tpu.memory_space<vmem>> -> memref<128xi32, #tpu.memory_space<vmem>>
    %dma_start3A_44 = arith.constant 0 : i32
    %dma_start3A_45 = tpu.memref_slice %arg4[%add3A_33, %dma_start3A_44] : memref<1280x128xi32, #tpu.memory_space<hbm>> -> memref<1x128xi32, #tpu.memory_space<hbm>>
    %dma_start3A_46 = tpu.memref_squeeze %dma_start3A_45 : memref<1x128xi32, #tpu.memory_space<hbm>> -> memref<128xi32, #tpu.memory_space<hbm>>
    tpu.enqueue_dma source(%dma_start3A_46 : memref<128xi32, #tpu.memory_space<hbm>>) target(%dma_start3A_43 : memref<128xi32, #tpu.memory_space<vmem>>) target_semaphore(%arg13 : memref<!tpu.dma_semaphore, #tpu.memory_space<semaphore_mem>>)
    %add3A_47 = arith.constant 1 : i32
    %add3A_48 = arith.addi %mul3A_7, %add3A_47 : i32
    %dma_start3A_49 = arith.constant 1 : i32
    %dma_start3A_50 = arith.constant 0 : i32
    %dma_start3A_51 = tpu.memref_slice %arg6[%dma_start3A_49, %dma_start3A_50] : memref<4x128xi32, #tpu.memory_space<vmem>> -> memref<1x128xi32, #tpu.memory_space<vmem>>
    %dma_start3A_52 = tpu.memref_squeeze %dma_start3A_51 : memref<1x128xi32, #tpu.memory_space<vmem>> -> memref<128xi32, #tpu.memory_space<vmem>>
    %dma_start3A_53 = arith.constant 0 : i32
    %dma_start3A_54 = tpu.memref_slice %arg3[%add3A_48, %dma_start3A_53] : memref<1280x128xi32, #tpu.memory_space<hbm>> -> memref<1x128xi32, #tpu.memory_space<hbm>>
    %dma_start3A_55 = tpu.memref_squeeze %dma_start3A_54 : memref<1x128xi32, #tpu.memory_space<hbm>> -> memref<128xi32, #tpu.memory_space<hbm>>
    %dma_start3A_56 = arith.constant 0 : i32
    %dma_start3A_57 = tpu.memref_slice %arg6[%dma_start3A_49, %dma_start3A_56] : memref<4x128xi32, #tpu.memory_space<vmem>> -> memref<1x128xi32, #tpu.memory_space<vmem>>
    %dma_start3A_58 = tpu.memref_squeeze %dma_start3A_57 : memref<1x128xi32, #tpu.memory_space<vmem>> -> memref<128xi32, #tpu.memory_space<vmem>>
    %dma_start3A_59 = arith.constant 0 : i32
    %dma_start3A_60 = tpu.memref_slice %arg3[%add3A_48, %dma_start3A_59] : memref<1280x128xi32, #tpu.memory_space<hbm>> -> memref<1x128xi32, #tpu.memory_space<hbm>>
    %dma_start3A_61 = tpu.memref_squeeze %dma_start3A_60 : memref<1x128xi32, #tpu.memory_space<hbm>> -> memref<128xi32, #tpu.memory_space<hbm>>
    tpu.enqueue_dma source(%dma_start3A_61 : memref<128xi32, #tpu.memory_space<hbm>>) target(%dma_start3A_58 : memref<128xi32, #tpu.memory_space<vmem>>) target_semaphore(%arg14 : memref<!tpu.dma_semaphore, #tpu.memory_space<semaphore_mem>>)
    %add3A_62 = arith.constant 1 : i32
    %add3A_63 = arith.addi %mul3A_7, %add3A_62 : i32
    %dma_start3A_64 = arith.constant 1 : i32
    %dma_start3A_65 = arith.constant 0 : i32
    %dma_start3A_66 = tpu.memref_slice %arg7[%dma_start3A_64, %dma_start3A_65] : memref<4x128xi32, #tpu.memory_space<vmem>> -> memref<1x128xi32, #tpu.memory_space<vmem>>
    %dma_start3A_67 = tpu.memref_squeeze %dma_start3A_66 : memref<1x128xi32, #tpu.memory_space<vmem>> -> memref<128xi32, #tpu.memory_space<vmem>>
    %dma_start3A_68 = arith.constant 0 : i32
    %dma_start3A_69 = tpu.memref_slice %arg4[%add3A_63, %dma_start3A_68] : memref<1280x128xi32, #tpu.memory_space<hbm>> -> memref<1x128xi32, #tpu.memory_space<hbm>>
    %dma_start3A_70 = tpu.memref_squeeze %dma_start3A_69 : memref<1x128xi32, #tpu.memory_space<hbm>> -> memref<128xi32, #tpu.memory_space<hbm>>
    %dma_start3A_71 = arith.constant 0 : i32
    %dma_start3A_72 = tpu.memref_slice %arg7[%dma_start3A_64, %dma_start3A_71] : memref<4x128xi32, #tpu.memory_space<vmem>> -> memref<1x128xi32, #tpu.memory_space<vmem>>
    %dma_start3A_73 = tpu.memref_squeeze %dma_start3A_72 : memref<1x128xi32, #tpu.memory_space<vmem>> -> memref<128xi32, #tpu.memory_space<vmem>>
    %dma_start3A_74 = arith.constant 0 : i32
    %dma_start3A_75 = tpu.memref_slice %arg4[%add3A_63, %dma_start3A_74] : memref<1280x128xi32, #tpu.memory_space<hbm>> -> memref<1x128xi32, #tpu.memory_space<hbm>>
    %dma_start3A_76 = tpu.memref_squeeze %dma_start3A_75 : memref<1x128xi32, #tpu.memory_space<hbm>> -> memref<128xi32, #tpu.memory_space<hbm>>
    tpu.enqueue_dma source(%dma_start3A_76 : memref<128xi32, #tpu.memory_space<hbm>>) target(%dma_start3A_73 : memref<128xi32, #tpu.memory_space<vmem>>) target_semaphore(%arg14 : memref<!tpu.dma_semaphore, #tpu.memory_space<semaphore_mem>>)
    %add3A_77 = arith.constant 2 : i32
    %add3A_78 = arith.addi %mul3A_7, %add3A_77 : i32
    %dma_start3A_79 = arith.constant 2 : i32
    %dma_start3A_80 = arith.constant 0 : i32
    %dma_start3A_81 = tpu.memref_slice %arg6[%dma_start3A_79, %dma_start3A_80] : memref<4x128xi32, #tpu.memory_space<vmem>> -> memref<1x128xi32, #tpu.memory_space<vmem>>
    %dma_start3A_82 = tpu.memref_squeeze %dma_start3A_81 : memref<1x128xi32, #tpu.memory_space<vmem>> -> memref<128xi32, #tpu.memory_space<vmem>>
    %dma_start3A_83 = arith.constant 0 : i32
    %dma_start3A_84 = tpu.memref_slice %arg3[%add3A_78, %dma_start3A_83] : memref<1280x128xi32, #tpu.memory_space<hbm>> -> memref<1x128xi32, #tpu.memory_space<hbm>>
    %dma_start3A_85 = tpu.memref_squeeze %dma_start3A_84 : memref<1x128xi32, #tpu.memory_space<hbm>> -> memref<128xi32, #tpu.memory_space<hbm>>
    %dma_start3A_86 = arith.constant 0 : i32
    %dma_start3A_87 = tpu.memref_slice %arg6[%dma_start3A_79, %dma_start3A_86] : memref<4x128xi32, #tpu.memory_space<vmem>> -> memref<1x128xi32, #tpu.memory_space<vmem>>
    %dma_start3A_88 = tpu.memref_squeeze %dma_start3A_87 : memref<1x128xi32, #tpu.memory_space<vmem>> -> memref<128xi32, #tpu.memory_space<vmem>>
    %dma_start3A_89 = arith.constant 0 : i32
    %dma_start3A_90 = tpu.memref_slice %arg3[%add3A_78, %dma_start3A_89] : memref<1280x128xi32, #tpu.memory_space<hbm>> -> memref<1x128xi32, #tpu.memory_space<hbm>>
    %dma_start3A_91 = tpu.memref_squeeze %dma_start3A_90 : memref<1x128xi32, #tpu.memory_space<hbm>> -> memref<128xi32, #tpu.memory_space<hbm>>
    tpu.enqueue_dma source(%dma_start3A_91 : memref<128xi32, #tpu.memory_space<hbm>>) target(%dma_start3A_88 : memref<128xi32, #tpu.memory_space<vmem>>) target_semaphore(%arg15 : memref<!tpu.dma_semaphore, #tpu.memory_space<semaphore_mem>>)
    %add3A_92 = arith.constant 2 : i32
    %add3A_93 = arith.addi %mul3A_7, %add3A_92 : i32
    %dma_start3A_94 = arith.constant 2 : i32
    %dma_start3A_95 = arith.constant 0 : i32
    %dma_start3A_96 = tpu.memref_slice %arg7[%dma_start3A_94, %dma_start3A_95] : memref<4x128xi32, #tpu.memory_space<vmem>> -> memref<1x128xi32, #tpu.memory_space<vmem>>
    %dma_start3A_97 = tpu.memref_squeeze %dma_start3A_96 : memref<1x128xi32, #tpu.memory_space<vmem>> -> memref<128xi32, #tpu.memory_space<vmem>>
    %dma_start3A_98 = arith.constant 0 : i32
    %dma_start3A_99 = tpu.memref_slice %arg4[%add3A_93, %dma_start3A_98] : memref<1280x128xi32, #tpu.memory_space<hbm>> -> memref<1x128xi32, #tpu.memory_space<hbm>>
    %dma_start3A_100 = tpu.memref_squeeze %dma_start3A_99 : memref<1x128xi32, #tpu.memory_space<hbm>> -> memref<128xi32, #tpu.memory_space<hbm>>
    %dma_start3A_101 = arith.constant 0 : i32
    %dma_start3A_102 = tpu.memref_slice %arg7[%dma_start3A_94, %dma_start3A_101] : memref<4x128xi32, #tpu.memory_space<vmem>> -> memref<1x128xi32, #tpu.memory_space<vmem>>
    %dma_start3A_103 = tpu.memref_squeeze %dma_start3A_102 : memref<1x128xi32, #tpu.memory_space<vmem>> -> memref<128xi32, #tpu.memory_space<vmem>>
    %dma_start3A_104 = arith.constant 0 : i32
    %dma_start3A_105 = tpu.memref_slice %arg4[%add3A_93, %dma_start3A_104] : memref<1280x128xi32, #tpu.memory_space<hbm>> -> memref<1x128xi32, #tpu.memory_space<hbm>>
    %dma_start3A_106 = tpu.memref_squeeze %dma_start3A_105 : memref<1x128xi32, #tpu.memory_space<hbm>> -> memref<128xi32, #tpu.memory_space<hbm>>
    tpu.enqueue_dma source(%dma_start3A_106 : memref<128xi32, #tpu.memory_space<hbm>>) target(%dma_start3A_103 : memref<128xi32, #tpu.memory_space<vmem>>) target_semaphore(%arg15 : memref<!tpu.dma_semaphore, #tpu.memory_space<semaphore_mem>>)
    %add3A_107 = arith.constant 3 : i32
    %add3A_108 = arith.addi %mul3A_7, %add3A_107 : i32
    %dma_start3A_109 = arith.constant 3 : i32
    %dma_start3A_110 = arith.constant 0 : i32
    %dma_start3A_111 = tpu.memref_slice %arg6[%dma_start3A_109, %dma_start3A_110] : memref<4x128xi32, #tpu.memory_space<vmem>> -> memref<1x128xi32, #tpu.memory_space<vmem>>
    %dma_start3A_112 = tpu.memref_squeeze %dma_start3A_111 : memref<1x128xi32, #tpu.memory_space<vmem>> -> memref<128xi32, #tpu.memory_space<vmem>>
    %dma_start3A_113 = arith.constant 0 : i32
    %dma_start3A_114 = tpu.memref_slice %arg3[%add3A_108, %dma_start3A_113] : memref<1280x128xi32, #tpu.memory_space<hbm>> -> memref<1x128xi32, #tpu.memory_space<hbm>>
    %dma_start3A_115 = tpu.memref_squeeze %dma_start3A_114 : memref<1x128xi32, #tpu.memory_space<hbm>> -> memref<128xi32, #tpu.memory_space<hbm>>
    %dma_start3A_116 = arith.constant 0 : i32
    %dma_start3A_117 = tpu.memref_slice %arg6[%dma_start3A_109, %dma_start3A_116] : memref<4x128xi32, #tpu.memory_space<vmem>> -> memref<1x128xi32, #tpu.memory_space<vmem>>
    %dma_start3A_118 = tpu.memref_squeeze %dma_start3A_117 : memref<1x128xi32, #tpu.memory_space<vmem>> -> memref<128xi32, #tpu.memory_space<vmem>>
    %dma_start3A_119 = arith.constant 0 : i32
    %dma_start3A_120 = tpu.memref_slice %arg3[%add3A_108, %dma_start3A_119] : memref<1280x128xi32, #tpu.memory_space<hbm>> -> memref<1x128xi32, #tpu.memory_space<hbm>>
    %dma_start3A_121 = tpu.memref_squeeze %dma_start3A_120 : memref<1x128xi32, #tpu.memory_space<hbm>> -> memref<128xi32, #tpu.memory_space<hbm>>
    tpu.enqueue_dma source(%dma_start3A_121 : memref<128xi32, #tpu.memory_space<hbm>>) target(%dma_start3A_118 : memref<128xi32, #tpu.memory_space<vmem>>) target_semaphore(%arg16 : memref<!tpu.dma_semaphore, #tpu.memory_space<semaphore_mem>>)
    %add3A_122 = arith.constant 3 : i32
    %add3A_123 = arith.addi %mul3A_7, %add3A_122 : i32
    %dma_start3A_124 = arith.constant 3 : i32
    %dma_start3A_125 = arith.constant 0 : i32
    %dma_start3A_126 = tpu.memref_slice %arg7[%dma_start3A_124, %dma_start3A_125] : memref<4x128xi32, #tpu.memory_space<vmem>> -> memref<1x128xi32, #tpu.memory_space<vmem>>
    %dma_start3A_127 = tpu.memref_squeeze %dma_start3A_126 : memref<1x128xi32, #tpu.memory_space<vmem>> -> memref<128xi32, #tpu.memory_space<vmem>>
    %dma_start3A_128 = arith.constant 0 : i32
    %dma_start3A_129 = tpu.memref_slice %arg4[%add3A_123, %dma_start3A_128] : memref<1280x128xi32, #tpu.memory_space<hbm>> -> memref<1x128xi32, #tpu.memory_space<hbm>>
    %dma_start3A_130 = tpu.memref_squeeze %dma_start3A_129 : memref<1x128xi32, #tpu.memory_space<hbm>> -> memref<128xi32, #tpu.memory_space<hbm>>
    %dma_start3A_131 = arith.constant 0 : i32
    %dma_start3A_132 = tpu.memref_slice %arg7[%dma_start3A_124, %dma_start3A_131] : memref<4x128xi32, #tpu.memory_space<vmem>> -> memref<1x128xi32, #tpu.memory_space<vmem>>
    %dma_start3A_133 = tpu.memref_squeeze %dma_start3A_132 : memref<1x128xi32, #tpu.memory_space<vmem>> -> memref<128xi32, #tpu.memory_space<vmem>>
    %dma_start3A_134 = arith.constant 0 : i32
    %dma_start3A_135 = tpu.memref_slice %arg4[%add3A_123, %dma_start3A_134] : memref<1280x128xi32, #tpu.memory_space<hbm>> -> memref<1x128xi32, #tpu.memory_space<hbm>>
    %dma_start3A_136 = tpu.memref_squeeze %dma_start3A_135 : memref<1x128xi32, #tpu.memory_space<hbm>> -> memref<128xi32, #tpu.memory_space<hbm>>
    tpu.enqueue_dma source(%dma_start3A_136 : memref<128xi32, #tpu.memory_space<hbm>>) target(%dma_start3A_133 : memref<128xi32, #tpu.memory_space<vmem>>) target_semaphore(%arg16 : memref<!tpu.dma_semaphore, #tpu.memory_space<semaphore_mem>>)
    %dma_wait3A = arith.constant 0 : i32
    %dma_wait3A_137 = arith.constant 0 : i32
    %dma_wait3A_138 = arith.constant 0 : i32
    %dma_wait3A_139 = tpu.memref_slice %arg6[%dma_wait3A_137, %dma_wait3A_138] : memref<4x128xi32, #tpu.memory_space<vmem>> -> memref<1x128xi32, #tpu.memory_space<vmem>>
    %dma_wait3A_140 = tpu.memref_squeeze %dma_wait3A_139 : memref<1x128xi32, #tpu.memory_space<vmem>> -> memref<128xi32, #tpu.memory_space<vmem>>
    %dma_wait3A_141 = arith.constant 0 : i32
    %dma_wait3A_142 = tpu.memref_slice %arg3[%dma_wait3A, %dma_wait3A_141] : memref<1280x128xi32, #tpu.memory_space<hbm>> -> memref<1x128xi32, #tpu.memory_space<hbm>>
    %dma_wait3A_143 = tpu.memref_squeeze %dma_wait3A_142 : memref<1x128xi32, #tpu.memory_space<hbm>> -> memref<128xi32, #tpu.memory_space<hbm>>
    %dma_wait3A_144 = arith.constant 0 : i32
    %dma_wait3A_145 = tpu.memref_slice %arg6[%dma_wait3A_137, %dma_wait3A_144] : memref<4x128xi32, #tpu.memory_space<vmem>> -> memref<1x128xi32, #tpu.memory_space<vmem>>
    %dma_wait3A_146 = tpu.memref_squeeze %dma_wait3A_145 : memref<1x128xi32, #tpu.memory_space<vmem>> -> memref<128xi32, #tpu.memory_space<vmem>>
    %dma_wait3A_147 = arith.constant 0 : i32
    %dma_wait3A_148 = tpu.memref_slice %arg3[%dma_wait3A, %dma_wait3A_147] : memref<1280x128xi32, #tpu.memory_space<hbm>> -> memref<1x128xi32, #tpu.memory_space<hbm>>
    %dma_wait3A_149 = tpu.memref_squeeze %dma_wait3A_148 : memref<1x128xi32, #tpu.memory_space<hbm>> -> memref<128xi32, #tpu.memory_space<hbm>>
    tpu.wait_dma2 semaphore(%arg13 : memref<!tpu.dma_semaphore, #tpu.memory_space<semaphore_mem>>) src(%dma_wait3A_149 : memref<128xi32, #tpu.memory_space<hbm>>) dst(%dma_wait3A_146 : memref<128xi32, #tpu.memory_space<vmem>>)
    %dma_wait3A_150 = arith.constant 0 : i32
    %dma_wait3A_151 = arith.constant 0 : i32
    %dma_wait3A_152 = arith.constant 0 : i32
    %dma_wait3A_153 = tpu.memref_slice %arg7[%dma_wait3A_151, %dma_wait3A_152] : memref<4x128xi32, #tpu.memory_space<vmem>> -> memref<1x128xi32, #tpu.memory_space<vmem>>
    %dma_wait3A_154 = tpu.memref_squeeze %dma_wait3A_153 : memref<1x128xi32, #tpu.memory_space<vmem>> -> memref<128xi32, #tpu.memory_space<vmem>>
    %dma_wait3A_155 = arith.constant 0 : i32
    %dma_wait3A_156 = tpu.memref_slice %arg4[%dma_wait3A_150, %dma_wait3A_155] : memref<1280x128xi32, #tpu.memory_space<hbm>> -> memref<1x128xi32, #tpu.memory_space<hbm>>
    %dma_wait3A_157 = tpu.memref_squeeze %dma_wait3A_156 : memref<1x128xi32, #tpu.memory_space<hbm>> -> memref<128xi32, #tpu.memory_space<hbm>>
    %dma_wait3A_158 = arith.constant 0 : i32
    %dma_wait3A_159 = tpu.memref_slice %arg7[%dma_wait3A_151, %dma_wait3A_158] : memref<4x128xi32, #tpu.memory_space<vmem>> -> memref<1x128xi32, #tpu.memory_space<vmem>>
    %dma_wait3A_160 = tpu.memref_squeeze %dma_wait3A_159 : memref<1x128xi32, #tpu.memory_space<vmem>> -> memref<128xi32, #tpu.memory_space<vmem>>
    %dma_wait3A_161 = arith.constant 0 : i32
    %dma_wait3A_162 = tpu.memref_slice %arg4[%dma_wait3A_150, %dma_wait3A_161] : memref<1280x128xi32, #tpu.memory_space<hbm>> -> memref<1x128xi32, #tpu.memory_space<hbm>>
    %dma_wait3A_163 = tpu.memref_squeeze %dma_wait3A_162 : memref<1x128xi32, #tpu.memory_space<hbm>> -> memref<128xi32, #tpu.memory_space<hbm>>
    tpu.wait_dma2 semaphore(%arg13 : memref<!tpu.dma_semaphore, #tpu.memory_space<semaphore_mem>>) src(%dma_wait3A_163 : memref<128xi32, #tpu.memory_space<hbm>>) dst(%dma_wait3A_160 : memref<128xi32, #tpu.memory_space<vmem>>)
    %dma_start3A_164 = arith.constant 0 : i32
    %dma_start3A_165 = arith.constant 0 : i32
    %dma_start3A_166 = tpu.memref_slice %arg6[%dma_start3A_164, %dma_start3A_165] : memref<4x128xi32, #tpu.memory_space<vmem>> -> memref<1x128xi32, #tpu.memory_space<vmem>>
    %dma_start3A_167 = tpu.memref_squeeze %dma_start3A_166 : memref<1x128xi32, #tpu.memory_space<vmem>> -> memref<128xi32, #tpu.memory_space<vmem>>
    %dma_start3A_168 = arith.constant 0 : i32
    %dma_start3A_169 = arith.constant 0 : i32
    %dma_start3A_170 = tpu.memref_slice %arg2[%dma_start3A_168, %dma_start3A_169] : memref<10240x128xf32, #tpu.memory_space<hbm>> -> memref<10240x128xf32, #tpu.memory_space<hbm>>
    tpu.enqueue_indirect_dma source(%dma_start3A_170 : memref<10240x128xf32, #tpu.memory_space<hbm>>) target(%arg8 : memref<128x128xf32, #tpu.memory_space<vmem>>) offsets(%dma_start3A_167 : memref<128xi32, #tpu.memory_space<vmem>>) semaphore(%arg11 : memref<!tpu.dma_semaphore, #tpu.memory_space<semaphore_mem>>)
    %dma_wait3A_171 = arith.constant 0 : i32
    %dma_wait3A_172 = arith.constant 1 : i32
    %dma_wait3A_173 = arith.constant 0 : i32
    %dma_wait3A_174 = tpu.memref_slice %arg6[%dma_wait3A_172, %dma_wait3A_173] : memref<4x128xi32, #tpu.memory_space<vmem>> -> memref<1x128xi32, #tpu.memory_space<vmem>>
    %dma_wait3A_175 = tpu.memref_squeeze %dma_wait3A_174 : memref<1x128xi32, #tpu.memory_space<vmem>> -> memref<128xi32, #tpu.memory_space<vmem>>
    %dma_wait3A_176 = arith.constant 0 : i32
    %dma_wait3A_177 = tpu.memref_slice %arg3[%dma_wait3A_171, %dma_wait3A_176] : memref<1280x128xi32, #tpu.memory_space<hbm>> -> memref<1x128xi32, #tpu.memory_space<hbm>>
    %dma_wait3A_178 = tpu.memref_squeeze %dma_wait3A_177 : memref<1x128xi32, #tpu.memory_space<hbm>> -> memref<128xi32, #tpu.memory_space<hbm>>
    %dma_wait3A_179 = arith.constant 0 : i32
    %dma_wait3A_180 = tpu.memref_slice %arg6[%dma_wait3A_172, %dma_wait3A_179] : memref<4x128xi32, #tpu.memory_space<vmem>> -> memref<1x128xi32, #tpu.memory_space<vmem>>
    %dma_wait3A_181 = tpu.memref_squeeze %dma_wait3A_180 : memref<1x128xi32, #tpu.memory_space<vmem>> -> memref<128xi32, #tpu.memory_space<vmem>>
    %dma_wait3A_182 = arith.constant 0 : i32
    %dma_wait3A_183 = tpu.memref_slice %arg3[%dma_wait3A_171, %dma_wait3A_182] : memref<1280x128xi32, #tpu.memory_space<hbm>> -> memref<1x128xi32, #tpu.memory_space<hbm>>
    %dma_wait3A_184 = tpu.memref_squeeze %dma_wait3A_183 : memref<1x128xi32, #tpu.memory_space<hbm>> -> memref<128xi32, #tpu.memory_space<hbm>>
    tpu.wait_dma2 semaphore(%arg14 : memref<!tpu.dma_semaphore, #tpu.memory_space<semaphore_mem>>) src(%dma_wait3A_184 : memref<128xi32, #tpu.memory_space<hbm>>) dst(%dma_wait3A_181 : memref<128xi32, #tpu.memory_space<vmem>>)
    %dma_wait3A_185 = arith.constant 0 : i32
    %dma_wait3A_186 = arith.constant 1 : i32
    %dma_wait3A_187 = arith.constant 0 : i32
    %dma_wait3A_188 = tpu.memref_slice %arg7[%dma_wait3A_186, %dma_wait3A_187] : memref<4x128xi32, #tpu.memory_space<vmem>> -> memref<1x128xi32, #tpu.memory_space<vmem>>
    %dma_wait3A_189 = tpu.memref_squeeze %dma_wait3A_188 : memref<1x128xi32, #tpu.memory_space<vmem>> -> memref<128xi32, #tpu.memory_space<vmem>>
    %dma_wait3A_190 = arith.constant 0 : i32
    %dma_wait3A_191 = tpu.memref_slice %arg4[%dma_wait3A_185, %dma_wait3A_190] : memref<1280x128xi32, #tpu.memory_space<hbm>> -> memref<1x128xi32, #tpu.memory_space<hbm>>
    %dma_wait3A_192 = tpu.memref_squeeze %dma_wait3A_191 : memref<1x128xi32, #tpu.memory_space<hbm>> -> memref<128xi32, #tpu.memory_space<hbm>>
    %dma_wait3A_193 = arith.constant 0 : i32
    %dma_wait3A_194 = tpu.memref_slice %arg7[%dma_wait3A_186, %dma_wait3A_193] : memref<4x128xi32, #tpu.memory_space<vmem>> -> memref<1x128xi32, #tpu.memory_space<vmem>>
    %dma_wait3A_195 = tpu.memref_squeeze %dma_wait3A_194 : memref<1x128xi32, #tpu.memory_space<vmem>> -> memref<128xi32, #tpu.memory_space<vmem>>
    %dma_wait3A_196 = arith.constant 0 : i32
    %dma_wait3A_197 = tpu.memref_slice %arg4[%dma_wait3A_185, %dma_wait3A_196] : memref<1280x128xi32, #tpu.memory_space<hbm>> -> memref<1x128xi32, #tpu.memory_space<hbm>>
    %dma_wait3A_198 = tpu.memref_squeeze %dma_wait3A_197 : memref<1x128xi32, #tpu.memory_space<hbm>> -> memref<128xi32, #tpu.memory_space<hbm>>
    tpu.wait_dma2 semaphore(%arg14 : memref<!tpu.dma_semaphore, #tpu.memory_space<semaphore_mem>>) src(%dma_wait3A_198 : memref<128xi32, #tpu.memory_space<hbm>>) dst(%dma_wait3A_195 : memref<128xi32, #tpu.memory_space<vmem>>)
    %dma_start3A_199 = arith.constant 1 : i32
    %dma_start3A_200 = arith.constant 0 : i32
    %dma_start3A_201 = tpu.memref_slice %arg6[%dma_start3A_199, %dma_start3A_200] : memref<4x128xi32, #tpu.memory_space<vmem>> -> memref<1x128xi32, #tpu.memory_space<vmem>>
    %dma_start3A_202 = tpu.memref_squeeze %dma_start3A_201 : memref<1x128xi32, #tpu.memory_space<vmem>> -> memref<128xi32, #tpu.memory_space<vmem>>
    %dma_start3A_203 = arith.constant 0 : i32
    %dma_start3A_204 = arith.constant 0 : i32
    %dma_start3A_205 = tpu.memref_slice %arg2[%dma_start3A_203, %dma_start3A_204] : memref<10240x128xf32, #tpu.memory_space<hbm>> -> memref<10240x128xf32, #tpu.memory_space<hbm>>
    tpu.enqueue_indirect_dma source(%dma_start3A_205 : memref<10240x128xf32, #tpu.memory_space<hbm>>) target(%arg9 : memref<128x128xf32, #tpu.memory_space<vmem>>) offsets(%dma_start3A_202 : memref<128xi32, #tpu.memory_space<vmem>>) semaphore(%arg12 : memref<!tpu.dma_semaphore, #tpu.memory_space<semaphore_mem>>)
    %scan3A_206 = arith.constant 0 : i32
    %scan3A_207 = arith.constant 9 : i32
    %scan3A_208 = arith.addi %scan3A_206, %scan3A_207 : i32
    %scan3A_209 = arith.constant 1 : i32
    scf.for %scan3A_371 = %scan3A_206 to %scan3A_208 step %scan3A_209  : i32 {
      %mul3A_372 = arith.constant 4 : i32
      %mul3A_373 = arith.muli %scan3A_371, %mul3A_372 : i32
      %add3A_374 = arith.constant 0 : i32
      %add3A_375 = arith.addi %add3A_374, %mul3A_373 : i32
      %dma_wait3A_376 = arith.constant 0 : i32
      %dma_wait3A_377 = arith.constant 0 : i32
      %dma_wait3A_378 = tpu.memref_slice %arg6[%dma_wait3A_376, %dma_wait3A_377] : memref<4x128xi32, #tpu.memory_space<vmem>> -> memref<1x128xi32, #tpu.memory_space<vmem>>
      %dma_wait3A_379 = tpu.memref_squeeze %dma_wait3A_378 : memref<1x128xi32, #tpu.memory_space<vmem>> -> memref<128xi32, #tpu.memory_space<vmem>>
      %dma_wait3A_380 = arith.constant 0 : i32
      %dma_wait3A_381 = arith.constant 0 : i32
      %dma_wait3A_382 = tpu.memref_slice %arg2[%dma_wait3A_380, %dma_wait3A_381] : memref<10240x128xf32, #tpu.memory_space<hbm>> -> memref<10240x128xf32, #tpu.memory_space<hbm>>
      tpu.wait_indirect_dma semaphore(%arg11 : memref<!tpu.dma_semaphore, #tpu.memory_space<semaphore_mem>>) src(%dma_wait3A_382 : memref<10240x128xf32, #tpu.memory_space<hbm>>) dst(%arg8 : memref<128x128xf32, #tpu.memory_space<vmem>>)
      %dma_start3A_383 = arith.constant 0 : i32
      %dma_start3A_384 = arith.constant 0 : i32
      %dma_start3A_385 = tpu.memref_slice %arg7[%dma_start3A_383, %dma_start3A_384] : memref<4x128xi32, #tpu.memory_space<vmem>> -> memref<1x128xi32, #tpu.memory_space<vmem>>
      %dma_start3A_386 = tpu.memref_squeeze %dma_start3A_385 : memref<1x128xi32, #tpu.memory_space<vmem>> -> memref<128xi32, #tpu.memory_space<vmem>>
      %dma_start3A_387 = arith.constant 0 : i32
      %dma_start3A_388 = arith.constant 0 : i32
      %dma_start3A_389 = tpu.memref_slice %arg10[%dma_start3A_387, %dma_start3A_388] : memref<10752x128xf32, #tpu.memory_space<vmem_shared>> -> memref<10752x128xf32, #tpu.memory_space<vmem_shared>>
      tpu.enqueue_indirect_dma source(%arg8 : memref<128x128xf32, #tpu.memory_space<vmem>>) target(%dma_start3A_389 : memref<10752x128xf32, #tpu.memory_space<vmem_shared>>) offsets(%dma_start3A_386 : memref<128xi32, #tpu.memory_space<vmem>>) semaphore(%arg17 : memref<!tpu.dma_semaphore, #tpu.memory_space<semaphore_mem>>) {add = true}
      %dma_wait3A_390 = arith.constant 0 : i32
      %dma_wait3A_391 = arith.constant 2 : i32
      %dma_wait3A_392 = arith.constant 0 : i32
      %dma_wait3A_393 = tpu.memref_slice %arg6[%dma_wait3A_391, %dma_wait3A_392] : memref<4x128xi32, #tpu.memory_space<vmem>> -> memref<1x128xi32, #tpu.memory_space<vmem>>
      %dma_wait3A_394 = tpu.memref_squeeze %dma_wait3A_393 : memref<1x128xi32, #tpu.memory_space<vmem>> -> memref<128xi32, #tpu.memory_space<vmem>>
      %dma_wait3A_395 = arith.constant 0 : i32
      %dma_wait3A_396 = tpu.memref_slice %arg3[%dma_wait3A_390, %dma_wait3A_395] : memref<1280x128xi32, #tpu.memory_space<hbm>> -> memref<1x128xi32, #tpu.memory_space<hbm>>
      %dma_wait3A_397 = tpu.memref_squeeze %dma_wait3A_396 : memref<1x128xi32, #tpu.memory_space<hbm>> -> memref<128xi32, #tpu.memory_space<hbm>>
      %dma_wait3A_398 = arith.constant 0 : i32
      %dma_wait3A_399 = tpu.memref_slice %arg6[%dma_wait3A_391, %dma_wait3A_398] : memref<4x128xi32, #tpu.memory_space<vmem>> -> memref<1x128xi32, #tpu.memory_space<vmem>>
      %dma_wait3A_400 = tpu.memref_squeeze %dma_wait3A_399 : memref<1x128xi32, #tpu.memory_space<vmem>> -> memref<128xi32, #tpu.memory_space<vmem>>
      %dma_wait3A_401 = arith.constant 0 : i32
      %dma_wait3A_402 = tpu.memref_slice %arg3[%dma_wait3A_390, %dma_wait3A_401] : memref<1280x128xi32, #tpu.memory_space<hbm>> -> memref<1x128xi32, #tpu.memory_space<hbm>>
      %dma_wait3A_403 = tpu.memref_squeeze %dma_wait3A_402 : memref<1x128xi32, #tpu.memory_space<hbm>> -> memref<128xi32, #tpu.memory_space<hbm>>
      tpu.wait_dma2 semaphore(%arg15 : memref<!tpu.dma_semaphore, #tpu.memory_space<semaphore_mem>>) src(%dma_wait3A_403 : memref<128xi32, #tpu.memory_space<hbm>>) dst(%dma_wait3A_400 : memref<128xi32, #tpu.memory_space<vmem>>)
      %dma_wait3A_404 = arith.constant 0 : i32
      %dma_wait3A_405 = arith.constant 2 : i32
      %dma_wait3A_406 = arith.constant 0 : i32
      %dma_wait3A_407 = tpu.memref_slice %arg7[%dma_wait3A_405, %dma_wait3A_406] : memref<4x128xi32, #tpu.memory_space<vmem>> -> memref<1x128xi32, #tpu.memory_space<vmem>>
      %dma_wait3A_408 = tpu.memref_squeeze %dma_wait3A_407 : memref<1x128xi32, #tpu.memory_space<vmem>> -> memref<128xi32, #tpu.memory_space<vmem>>
      %dma_wait3A_409 = arith.constant 0 : i32
      %dma_wait3A_410 = tpu.memref_slice %arg4[%dma_wait3A_404, %dma_wait3A_409] : memref<1280x128xi32, #tpu.memory_space<hbm>> -> memref<1x128xi32, #tpu.memory_space<hbm>>
      %dma_wait3A_411 = tpu.memref_squeeze %dma_wait3A_410 : memref<1x128xi32, #tpu.memory_space<hbm>> -> memref<128xi32, #tpu.memory_space<hbm>>
      %dma_wait3A_412 = arith.constant 0 : i32
      %dma_wait3A_413 = tpu.memref_slice %arg7[%dma_wait3A_405, %dma_wait3A_412] : memref<4x128xi32, #tpu.memory_space<vmem>> -> memref<1x128xi32, #tpu.memory_space<vmem>>
      %dma_wait3A_414 = tpu.memref_squeeze %dma_wait3A_413 : memref<1x128xi32, #tpu.memory_space<vmem>> -> memref<128xi32, #tpu.memory_space<vmem>>
      %dma_wait3A_415 = arith.constant 0 : i32
      %dma_wait3A_416 = tpu.memref_slice %arg4[%dma_wait3A_404, %dma_wait3A_415] : memref<1280x128xi32, #tpu.memory_space<hbm>> -> memref<1x128xi32, #tpu.memory_space<hbm>>
      %dma_wait3A_417 = tpu.memref_squeeze %dma_wait3A_416 : memref<1x128xi32, #tpu.memory_space<hbm>> -> memref<128xi32, #tpu.memory_space<hbm>>
      tpu.wait_dma2 semaphore(%arg15 : memref<!tpu.dma_semaphore, #tpu.memory_space<semaphore_mem>>) src(%dma_wait3A_417 : memref<128xi32, #tpu.memory_space<hbm>>) dst(%dma_wait3A_414 : memref<128xi32, #tpu.memory_space<vmem>>)
      %dma_wait3A_418 = arith.constant 0 : i32
      %dma_wait3A_419 = arith.constant 0 : i32
      %dma_wait3A_420 = tpu.memref_slice %arg6[%dma_wait3A_418, %dma_wait3A_419] : memref<4x128xi32, #tpu.memory_space<vmem>> -> memref<1x128xi32, #tpu.memory_space<vmem>>
      %dma_wait3A_421 = tpu.memref_squeeze %dma_wait3A_420 : memref<1x128xi32, #tpu.memory_space<vmem>> -> memref<128xi32, #tpu.memory_space<vmem>>
      %dma_wait3A_422 = arith.constant 0 : i32
      %dma_wait3A_423 = arith.constant 0 : i32
      %dma_wait3A_424 = tpu.memref_slice %arg2[%dma_wait3A_422, %dma_wait3A_423] : memref<10240x128xf32, #tpu.memory_space<hbm>> -> memref<10240x128xf32, #tpu.memory_space<hbm>>
      tpu.wait_indirect_dma semaphore(%arg12 : memref<!tpu.dma_semaphore, #tpu.memory_space<semaphore_mem>>) src(%dma_wait3A_424 : memref<10240x128xf32, #tpu.memory_space<hbm>>) dst(%arg9 : memref<128x128xf32, #tpu.memory_space<vmem>>)
      %dma_start3A_425 = arith.constant 1 : i32
      %dma_start3A_426 = arith.constant 0 : i32
      %dma_start3A_427 = tpu.memref_slice %arg7[%dma_start3A_425, %dma_start3A_426] : memref<4x128xi32, #tpu.memory_space<vmem>> -> memref<1x128xi32, #tpu.memory_space<vmem>>
      %dma_start3A_428 = tpu.memref_squeeze %dma_start3A_427 : memref<1x128xi32, #tpu.memory_space<vmem>> -> memref<128xi32, #tpu.memory_space<vmem>>
      %dma_start3A_429 = arith.constant 0 : i32
      %dma_start3A_430 = arith.constant 0 : i32
      %dma_start3A_431 = tpu.memref_slice %arg10[%dma_start3A_429, %dma_start3A_430] : memref<10752x128xf32, #tpu.memory_space<vmem_shared>> -> memref<10752x128xf32, #tpu.memory_space<vmem_shared>>
      tpu.enqueue_indirect_dma source(%arg9 : memref<128x128xf32, #tpu.memory_space<vmem>>) target(%dma_start3A_431 : memref<10752x128xf32, #tpu.memory_space<vmem_shared>>) offsets(%dma_start3A_428 : memref<128xi32, #tpu.memory_space<vmem>>) semaphore(%arg18 : memref<!tpu.dma_semaphore, #tpu.memory_space<semaphore_mem>>) {add = true}
      %dma_wait3A_432 = arith.constant 0 : i32
      %dma_wait3A_433 = arith.constant 3 : i32
      %dma_wait3A_434 = arith.constant 0 : i32
      %dma_wait3A_435 = tpu.memref_slice %arg6[%dma_wait3A_433, %dma_wait3A_434] : memref<4x128xi32, #tpu.memory_space<vmem>> -> memref<1x128xi32, #tpu.memory_space<vmem>>
      %dma_wait3A_436 = tpu.memref_squeeze %dma_wait3A_435 : memref<1x128xi32, #tpu.memory_space<vmem>> -> memref<128xi32, #tpu.memory_space<vmem>>
      %dma_wait3A_437 = arith.constant 0 : i32
      %dma_wait3A_438 = tpu.memref_slice %arg3[%dma_wait3A_432, %dma_wait3A_437] : memref<1280x128xi32, #tpu.memory_space<hbm>> -> memref<1x128xi32, #tpu.memory_space<hbm>>
      %dma_wait3A_439 = tpu.memref_squeeze %dma_wait3A_438 : memref<1x128xi32, #tpu.memory_space<hbm>> -> memref<128xi32, #tpu.memory_space<hbm>>
      %dma_wait3A_440 = arith.constant 0 : i32
      %dma_wait3A_441 = tpu.memref_slice %arg6[%dma_wait3A_433, %dma_wait3A_440] : memref<4x128xi32, #tpu.memory_space<vmem>> -> memref<1x128xi32, #tpu.memory_space<vmem>>
      %dma_wait3A_442 = tpu.memref_squeeze %dma_wait3A_441 : memref<1x128xi32, #tpu.memory_space<vmem>> -> memref<128xi32, #tpu.memory_space<vmem>>
      %dma_wait3A_443 = arith.constant 0 : i32
      %dma_wait3A_444 = tpu.memref_slice %arg3[%dma_wait3A_432, %dma_wait3A_443] : memref<1280x128xi32, #tpu.memory_space<hbm>> -> memref<1x128xi32, #tpu.memory_space<hbm>>
      %dma_wait3A_445 = tpu.memref_squeeze %dma_wait3A_444 : memref<1x128xi32, #tpu.memory_space<hbm>> -> memref<128xi32, #tpu.memory_space<hbm>>
      tpu.wait_dma2 semaphore(%arg16 : memref<!tpu.dma_semaphore, #tpu.memory_space<semaphore_mem>>) src(%dma_wait3A_445 : memref<128xi32, #tpu.memory_space<hbm>>) dst(%dma_wait3A_442 : memref<128xi32, #tpu.memory_space<vmem>>)
      %dma_wait3A_446 = arith.constant 0 : i32
      %dma_wait3A_447 = arith.constant 3 : i32
      %dma_wait3A_448 = arith.constant 0 : i32
      %dma_wait3A_449 = tpu.memref_slice %arg7[%dma_wait3A_447, %dma_wait3A_448] : memref<4x128xi32, #tpu.memory_space<vmem>> -> memref<1x128xi32, #tpu.memory_space<vmem>>
      %dma_wait3A_450 = tpu.memref_squeeze %dma_wait3A_449 : memref<1x128xi32, #tpu.memory_space<vmem>> -> memref<128xi32, #tpu.memory_space<vmem>>
      %dma_wait3A_451 = arith.constant 0 : i32
      %dma_wait3A_452 = tpu.memref_slice %arg4[%dma_wait3A_446, %dma_wait3A_451] : memref<1280x128xi32, #tpu.memory_space<hbm>> -> memref<1x128xi32, #tpu.memory_space<hbm>>
      %dma_wait3A_453 = tpu.memref_squeeze %dma_wait3A_452 : memref<1x128xi32, #tpu.memory_space<hbm>> -> memref<128xi32, #tpu.memory_space<hbm>>
      %dma_wait3A_454 = arith.constant 0 : i32
      %dma_wait3A_455 = tpu.memref_slice %arg7[%dma_wait3A_447, %dma_wait3A_454] : memref<4x128xi32, #tpu.memory_space<vmem>> -> memref<1x128xi32, #tpu.memory_space<vmem>>
      %dma_wait3A_456 = tpu.memref_squeeze %dma_wait3A_455 : memref<1x128xi32, #tpu.memory_space<vmem>> -> memref<128xi32, #tpu.memory_space<vmem>>
      %dma_wait3A_457 = arith.constant 0 : i32
      %dma_wait3A_458 = tpu.memref_slice %arg4[%dma_wait3A_446, %dma_wait3A_457] : memref<1280x128xi32, #tpu.memory_space<hbm>> -> memref<1x128xi32, #tpu.memory_space<hbm>>
      %dma_wait3A_459 = tpu.memref_squeeze %dma_wait3A_458 : memref<1x128xi32, #tpu.memory_space<hbm>> -> memref<128xi32, #tpu.memory_space<hbm>>
      tpu.wait_dma2 semaphore(%arg16 : memref<!tpu.dma_semaphore, #tpu.memory_space<semaphore_mem>>) src(%dma_wait3A_459 : memref<128xi32, #tpu.memory_space<hbm>>) dst(%dma_wait3A_456 : memref<128xi32, #tpu.memory_space<vmem>>)
      %dma_wait3A_460 = arith.constant 0 : i32
      %dma_wait3A_461 = arith.constant 0 : i32
      %dma_wait3A_462 = tpu.memref_slice %arg7[%dma_wait3A_460, %dma_wait3A_461] : memref<4x128xi32, #tpu.memory_space<vmem>> -> memref<1x128xi32, #tpu.memory_space<vmem>>
      %dma_wait3A_463 = tpu.memref_squeeze %dma_wait3A_462 : memref<1x128xi32, #tpu.memory_space<vmem>> -> memref<128xi32, #tpu.memory_space<vmem>>
      %dma_wait3A_464 = arith.constant 0 : i32
      %dma_wait3A_465 = arith.constant 0 : i32
      %dma_wait3A_466 = tpu.memref_slice %arg10[%dma_wait3A_464, %dma_wait3A_465] : memref<10752x128xf32, #tpu.memory_space<vmem_shared>> -> memref<10752x128xf32, #tpu.memory_space<vmem_shared>>
      tpu.wait_indirect_dma semaphore(%arg17 : memref<!tpu.dma_semaphore, #tpu.memory_space<semaphore_mem>>) src(%arg8 : memref<128x128xf32, #tpu.memory_space<vmem>>) dst(%dma_wait3A_466 : memref<10752x128xf32, #tpu.memory_space<vmem_shared>>)
      %add3A_467 = arith.constant 4 : i32
      %add3A_468 = arith.addi %add3A_375, %add3A_467 : i32
      %add3A_469 = arith.addi %mul3A_7, %add3A_468 : i32
      %dma_start3A_470 = arith.constant 0 : i32
      %dma_start3A_471 = arith.constant 0 : i32
      %dma_start3A_472 = tpu.memref_slice %arg6[%dma_start3A_470, %dma_start3A_471] : memref<4x128xi32, #tpu.memory_space<vmem>> -> memref<1x128xi32, #tpu.memory_space<vmem>>
      %dma_start3A_473 = tpu.memref_squeeze %dma_start3A_472 : memref<1x128xi32, #tpu.memory_space<vmem>> -> memref<128xi32, #tpu.memory_space<vmem>>
      %dma_start3A_474 = arith.constant 0 : i32
      %dma_start3A_475 = tpu.memref_slice %arg3[%add3A_469, %dma_start3A_474] : memref<1280x128xi32, #tpu.memory_space<hbm>> -> memref<1x128xi32, #tpu.memory_space<hbm>>
      %dma_start3A_476 = tpu.memref_squeeze %dma_start3A_475 : memref<1x128xi32, #tpu.memory_space<hbm>> -> memref<128xi32, #tpu.memory_space<hbm>>
      %dma_start3A_477 = arith.constant 0 : i32
      %dma_start3A_478 = tpu.memref_slice %arg6[%dma_start3A_470, %dma_start3A_477] : memref<4x128xi32, #tpu.memory_space<vmem>> -> memref<1x128xi32, #tpu.memory_space<vmem>>
      %dma_start3A_479 = tpu.memref_squeeze %dma_start3A_478 : memref<1x128xi32, #tpu.memory_space<vmem>> -> memref<128xi32, #tpu.memory_space<vmem>>
      %dma_start3A_480 = arith.constant 0 : i32
      %dma_start3A_481 = tpu.memref_slice %arg3[%add3A_469, %dma_start3A_480] : memref<1280x128xi32, #tpu.memory_space<hbm>> -> memref<1x128xi32, #tpu.memory_space<hbm>>
      %dma_start3A_482 = tpu.memref_squeeze %dma_start3A_481 : memref<1x128xi32, #tpu.memory_space<hbm>> -> memref<128xi32, #tpu.memory_space<hbm>>
      tpu.enqueue_dma source(%dma_start3A_482 : memref<128xi32, #tpu.memory_space<hbm>>) target(%dma_start3A_479 : memref<128xi32, #tpu.memory_space<vmem>>) target_semaphore(%arg13 : memref<!tpu.dma_semaphore, #tpu.memory_space<semaphore_mem>>)
      %add3A_483 = arith.addi %mul3A_7, %add3A_468 : i32
      %dma_start3A_484 = arith.constant 0 : i32
      %dma_start3A_485 = arith.constant 0 : i32
      %dma_start3A_486 = tpu.memref_slice %arg7[%dma_start3A_484, %dma_start3A_485] : memref<4x128xi32, #tpu.memory_space<vmem>> -> memref<1x128xi32, #tpu.memory_space<vmem>>
      %dma_start3A_487 = tpu.memref_squeeze %dma_start3A_486 : memref<1x128xi32, #tpu.memory_space<vmem>> -> memref<128xi32, #tpu.memory_space<vmem>>
      %dma_start3A_488 = arith.constant 0 : i32
      %dma_start3A_489 = tpu.memref_slice %arg4[%add3A_483, %dma_start3A_488] : memref<1280x128xi32, #tpu.memory_space<hbm>> -> memref<1x128xi32, #tpu.memory_space<hbm>>
      %dma_start3A_490 = tpu.memref_squeeze %dma_start3A_489 : memref<1x128xi32, #tpu.memory_space<hbm>> -> memref<128xi32, #tpu.memory_space<hbm>>
      %dma_start3A_491 = arith.constant 0 : i32
      %dma_start3A_492 = tpu.memref_slice %arg7[%dma_start3A_484, %dma_start3A_491] : memref<4x128xi32, #tpu.memory_space<vmem>> -> memref<1x128xi32, #tpu.memory_space<vmem>>
      %dma_start3A_493 = tpu.memref_squeeze %dma_start3A_492 : memref<1x128xi32, #tpu.memory_space<vmem>> -> memref<128xi32, #tpu.memory_space<vmem>>
      %dma_start3A_494 = arith.constant 0 : i32
      %dma_start3A_495 = tpu.memref_slice %arg4[%add3A_483, %dma_start3A_494] : memref<1280x128xi32, #tpu.memory_space<hbm>> -> memref<1x128xi32, #tpu.memory_space<hbm>>
      %dma_start3A_496 = tpu.memref_squeeze %dma_start3A_495 : memref<1x128xi32, #tpu.memory_space<hbm>> -> memref<128xi32, #tpu.memory_space<hbm>>
      tpu.enqueue_dma source(%dma_start3A_496 : memref<128xi32, #tpu.memory_space<hbm>>) target(%dma_start3A_493 : memref<128xi32, #tpu.memory_space<vmem>>) target_semaphore(%arg13 : memref<!tpu.dma_semaphore, #tpu.memory_space<semaphore_mem>>)
      %dma_start3A_497 = arith.constant 2 : i32
      %dma_start3A_498 = arith.constant 0 : i32
      %dma_start3A_499 = tpu.memref_slice %arg6[%dma_start3A_497, %dma_start3A_498] : memref<4x128xi32, #tpu.memory_space<vmem>> -> memref<1x128xi32, #tpu.memory_space<vmem>>
      %dma_start3A_500 = tpu.memref_squeeze %dma_start3A_499 : memref<1x128xi32, #tpu.memory_space<vmem>> -> memref<128xi32, #tpu.memory_space<vmem>>
      %dma_start3A_501 = arith.constant 0 : i32
      %dma_start3A_502 = arith.constant 0 : i32
      %dma_start3A_503 = tpu.memref_slice %arg2[%dma_start3A_501, %dma_start3A_502] : memref<10240x128xf32, #tpu.memory_space<hbm>> -> memref<10240x128xf32, #tpu.memory_space<hbm>>
      tpu.enqueue_indirect_dma source(%dma_start3A_503 : memref<10240x128xf32, #tpu.memory_space<hbm>>) target(%arg8 : memref<128x128xf32, #tpu.memory_space<vmem>>) offsets(%dma_start3A_500 : memref<128xi32, #tpu.memory_space<vmem>>) semaphore(%arg11 : memref<!tpu.dma_semaphore, #tpu.memory_space<semaphore_mem>>)
      %dma_wait3A_504 = arith.constant 0 : i32
      %dma_wait3A_505 = arith.constant 0 : i32
      %dma_wait3A_506 = tpu.memref_slice %arg7[%dma_wait3A_504, %dma_wait3A_505] : memref<4x128xi32, #tpu.memory_space<vmem>> -> memref<1x128xi32, #tpu.memory_space<vmem>>
      %dma_wait3A_507 = tpu.memref_squeeze %dma_wait3A_506 : memref<1x128xi32, #tpu.memory_space<vmem>> -> memref<128xi32, #tpu.memory_space<vmem>>
      %dma_wait3A_508 = arith.constant 0 : i32
      %dma_wait3A_509 = arith.constant 0 : i32
      %dma_wait3A_510 = tpu.memref_slice %arg10[%dma_wait3A_508, %dma_wait3A_509] : memref<10752x128xf32, #tpu.memory_space<vmem_shared>> -> memref<10752x128xf32, #tpu.memory_space<vmem_shared>>
      tpu.wait_indirect_dma semaphore(%arg18 : memref<!tpu.dma_semaphore, #tpu.memory_space<semaphore_mem>>) src(%arg9 : memref<128x128xf32, #tpu.memory_space<vmem>>) dst(%dma_wait3A_510 : memref<10752x128xf32, #tpu.memory_space<vmem_shared>>)
      %add3A_511 = arith.constant 5 : i32
      %add3A_512 = arith.addi %add3A_375, %add3A_511 : i32
      %add3A_513 = arith.addi %mul3A_7, %add3A_512 : i32
      %dma_start3A_514 = arith.constant 1 : i32
      %dma_start3A_515 = arith.constant 0 : i32
      %dma_start3A_516 = tpu.memref_slice %arg6[%dma_start3A_514, %dma_start3A_515] : memref<4x128xi32, #tpu.memory_space<vmem>> -> memref<1x128xi32, #tpu.memory_space<vmem>>
      %dma_start3A_517 = tpu.memref_squeeze %dma_start3A_516 : memref<1x128xi32, #tpu.memory_space<vmem>> -> memref<128xi32, #tpu.memory_space<vmem>>
      %dma_start3A_518 = arith.constant 0 : i32
      %dma_start3A_519 = tpu.memref_slice %arg3[%add3A_513, %dma_start3A_518] : memref<1280x128xi32, #tpu.memory_space<hbm>> -> memref<1x128xi32, #tpu.memory_space<hbm>>
      %dma_start3A_520 = tpu.memref_squeeze %dma_start3A_519 : memref<1x128xi32, #tpu.memory_space<hbm>> -> memref<128xi32, #tpu.memory_space<hbm>>
      %dma_start3A_521 = arith.constant 0 : i32
      %dma_start3A_522 = tpu.memref_slice %arg6[%dma_start3A_514, %dma_start3A_521] : memref<4x128xi32, #tpu.memory_space<vmem>> -> memref<1x128xi32, #tpu.memory_space<vmem>>
      %dma_start3A_523 = tpu.memref_squeeze %dma_start3A_522 : memref<1x128xi32, #tpu.memory_space<vmem>> -> memref<128xi32, #tpu.memory_space<vmem>>
      %dma_start3A_524 = arith.constant 0 : i32
      %dma_start3A_525 = tpu.memref_slice %arg3[%add3A_513, %dma_start3A_524] : memref<1280x128xi32, #tpu.memory_space<hbm>> -> memref<1x128xi32, #tpu.memory_space<hbm>>
      %dma_start3A_526 = tpu.memref_squeeze %dma_start3A_525 : memref<1x128xi32, #tpu.memory_space<hbm>> -> memref<128xi32, #tpu.memory_space<hbm>>
      tpu.enqueue_dma source(%dma_start3A_526 : memref<128xi32, #tpu.memory_space<hbm>>) target(%dma_start3A_523 : memref<128xi32, #tpu.memory_space<vmem>>) target_semaphore(%arg14 : memref<!tpu.dma_semaphore, #tpu.memory_space<semaphore_mem>>)
      %add3A_527 = arith.addi %mul3A_7, %add3A_512 : i32
      %dma_start3A_528 = arith.constant 1 : i32
      %dma_start3A_529 = arith.constant 0 : i32
      %dma_start3A_530 = tpu.memref_slice %arg7[%dma_start3A_528, %dma_start3A_529] : memref<4x128xi32, #tpu.memory_space<vmem>> -> memref<1x128xi32, #tpu.memory_space<vmem>>
      %dma_start3A_531 = tpu.memref_squeeze %dma_start3A_530 : memref<1x128xi32, #tpu.memory_space<vmem>> -> memref<128xi32, #tpu.memory_space<vmem>>
      %dma_start3A_532 = arith.constant 0 : i32
      %dma_start3A_533 = tpu.memref_slice %arg4[%add3A_527, %dma_start3A_532] : memref<1280x128xi32, #tpu.memory_space<hbm>> -> memref<1x128xi32, #tpu.memory_space<hbm>>
      %dma_start3A_534 = tpu.memref_squeeze %dma_start3A_533 : memref<1x128xi32, #tpu.memory_space<hbm>> -> memref<128xi32, #tpu.memory_space<hbm>>
      %dma_start3A_535 = arith.constant 0 : i32
      %dma_start3A_536 = tpu.memref_slice %arg7[%dma_start3A_528, %dma_start3A_535] : memref<4x128xi32, #tpu.memory_space<vmem>> -> memref<1x128xi32, #tpu.memory_space<vmem>>
      %dma_start3A_537 = tpu.memref_squeeze %dma_start3A_536 : memref<1x128xi32, #tpu.memory_space<vmem>> -> memref<128xi32, #tpu.memory_space<vmem>>
      %dma_start3A_538 = arith.constant 0 : i32
      %dma_start3A_539 = tpu.memref_slice %arg4[%add3A_527, %dma_start3A_538] : memref<1280x128xi32, #tpu.memory_space<hbm>> -> memref<1x128xi32, #tpu.memory_space<hbm>>
      %dma_start3A_540 = tpu.memref_squeeze %dma_start3A_539 : memref<1x128xi32, #tpu.memory_space<hbm>> -> memref<128xi32, #tpu.memory_space<hbm>>
      tpu.enqueue_dma source(%dma_start3A_540 : memref<128xi32, #tpu.memory_space<hbm>>) target(%dma_start3A_537 : memref<128xi32, #tpu.memory_space<vmem>>) target_semaphore(%arg14 : memref<!tpu.dma_semaphore, #tpu.memory_space<semaphore_mem>>)
      %dma_start3A_541 = arith.constant 3 : i32
      %dma_start3A_542 = arith.constant 0 : i32
      %dma_start3A_543 = tpu.memref_slice %arg6[%dma_start3A_541, %dma_start3A_542] : memref<4x128xi32, #tpu.memory_space<vmem>> -> memref<1x128xi32, #tpu.memory_space<vmem>>
      %dma_start3A_544 = tpu.memref_squeeze %dma_start3A_543 : memref<1x128xi32, #tpu.memory_space<vmem>> -> memref<128xi32, #tpu.memory_space<vmem>>
      %dma_start3A_545 = arith.constant 0 : i32
      %dma_start3A_546 = arith.constant 0 : i32
      %dma_start3A_547 = tpu.memref_slice %arg2[%dma_start3A_545, %dma_start3A_546] : memref<10240x128xf32, #tpu.memory_space<hbm>> -> memref<10240x128xf32, #tpu.memory_space<hbm>>
      tpu.enqueue_indirect_dma source(%dma_start3A_547 : memref<10240x128xf32, #tpu.memory_space<hbm>>) target(%arg9 : memref<128x128xf32, #tpu.memory_space<vmem>>) offsets(%dma_start3A_544 : memref<128xi32, #tpu.memory_space<vmem>>) semaphore(%arg12 : memref<!tpu.dma_semaphore, #tpu.memory_space<semaphore_mem>>)
      %dma_wait3A_548 = arith.constant 0 : i32
      %dma_wait3A_549 = arith.constant 0 : i32
      %dma_wait3A_550 = tpu.memref_slice %arg6[%dma_wait3A_548, %dma_wait3A_549] : memref<4x128xi32, #tpu.memory_space<vmem>> -> memref<1x128xi32, #tpu.memory_space<vmem>>
      %dma_wait3A_551 = tpu.memref_squeeze %dma_wait3A_550 : memref<1x128xi32, #tpu.memory_space<vmem>> -> memref<128xi32, #tpu.memory_space<vmem>>
      %dma_wait3A_552 = arith.constant 0 : i32
      %dma_wait3A_553 = arith.constant 0 : i32
      %dma_wait3A_554 = tpu.memref_slice %arg2[%dma_wait3A_552, %dma_wait3A_553] : memref<10240x128xf32, #tpu.memory_space<hbm>> -> memref<10240x128xf32, #tpu.memory_space<hbm>>
      tpu.wait_indirect_dma semaphore(%arg11 : memref<!tpu.dma_semaphore, #tpu.memory_space<semaphore_mem>>) src(%dma_wait3A_554 : memref<10240x128xf32, #tpu.memory_space<hbm>>) dst(%arg8 : memref<128x128xf32, #tpu.memory_space<vmem>>)
      %dma_start3A_555 = arith.constant 2 : i32
      %dma_start3A_556 = arith.constant 0 : i32
      %dma_start3A_557 = tpu.memref_slice %arg7[%dma_start3A_555, %dma_start3A_556] : memref<4x128xi32, #tpu.memory_space<vmem>> -> memref<1x128xi32, #tpu.memory_space<vmem>>
      %dma_start3A_558 = tpu.memref_squeeze %dma_start3A_557 : memref<1x128xi32, #tpu.memory_space<vmem>> -> memref<128xi32, #tpu.memory_space<vmem>>
      %dma_start3A_559 = arith.constant 0 : i32
      %dma_start3A_560 = arith.constant 0 : i32
      %dma_start3A_561 = tpu.memref_slice %arg10[%dma_start3A_559, %dma_start3A_560] : memref<10752x128xf32, #tpu.memory_space<vmem_shared>> -> memref<10752x128xf32, #tpu.memory_space<vmem_shared>>
      tpu.enqueue_indirect_dma source(%arg8 : memref<128x128xf32, #tpu.memory_space<vmem>>) target(%dma_start3A_561 : memref<10752x128xf32, #tpu.memory_space<vmem_shared>>) offsets(%dma_start3A_558 : memref<128xi32, #tpu.memory_space<vmem>>) semaphore(%arg17 : memref<!tpu.dma_semaphore, #tpu.memory_space<semaphore_mem>>) {add = true}
      %dma_wait3A_562 = arith.constant 0 : i32
      %dma_wait3A_563 = arith.constant 0 : i32
      %dma_wait3A_564 = arith.constant 0 : i32
      %dma_wait3A_565 = tpu.memref_slice %arg6[%dma_wait3A_563, %dma_wait3A_564] : memref<4x128xi32, #tpu.memory_space<vmem>> -> memref<1x128xi32, #tpu.memory_space<vmem>>
      %dma_wait3A_566 = tpu.memref_squeeze %dma_wait3A_565 : memref<1x128xi32, #tpu.memory_space<vmem>> -> memref<128xi32, #tpu.memory_space<vmem>>
      %dma_wait3A_567 = arith.constant 0 : i32
      %dma_wait3A_568 = tpu.memref_slice %arg3[%dma_wait3A_562, %dma_wait3A_567] : memref<1280x128xi32, #tpu.memory_space<hbm>> -> memref<1x128xi32, #tpu.memory_space<hbm>>
      %dma_wait3A_569 = tpu.memref_squeeze %dma_wait3A_568 : memref<1x128xi32, #tpu.memory_space<hbm>> -> memref<128xi32, #tpu.memory_space<hbm>>
      %dma_wait3A_570 = arith.constant 0 : i32
      %dma_wait3A_571 = tpu.memref_slice %arg6[%dma_wait3A_563, %dma_wait3A_570] : memref<4x128xi32, #tpu.memory_space<vmem>> -> memref<1x128xi32, #tpu.memory_space<vmem>>
      %dma_wait3A_572 = tpu.memref_squeeze %dma_wait3A_571 : memref<1x128xi32, #tpu.memory_space<vmem>> -> memref<128xi32, #tpu.memory_space<vmem>>
      %dma_wait3A_573 = arith.constant 0 : i32
      %dma_wait3A_574 = tpu.memref_slice %arg3[%dma_wait3A_562, %dma_wait3A_573] : memref<1280x128xi32, #tpu.memory_space<hbm>> -> memref<1x128xi32, #tpu.memory_space<hbm>>
      %dma_wait3A_575 = tpu.memref_squeeze %dma_wait3A_574 : memref<1x128xi32, #tpu.memory_space<hbm>> -> memref<128xi32, #tpu.memory_space<hbm>>
      tpu.wait_dma2 semaphore(%arg13 : memref<!tpu.dma_semaphore, #tpu.memory_space<semaphore_mem>>) src(%dma_wait3A_575 : memref<128xi32, #tpu.memory_space<hbm>>) dst(%dma_wait3A_572 : memref<128xi32, #tpu.memory_space<vmem>>)
      %dma_wait3A_576 = arith.constant 0 : i32
      %dma_wait3A_577 = arith.constant 0 : i32
      %dma_wait3A_578 = arith.constant 0 : i32
      %dma_wait3A_579 = tpu.memref_slice %arg7[%dma_wait3A_577, %dma_wait3A_578] : memref<4x128xi32, #tpu.memory_space<vmem>> -> memref<1x128xi32, #tpu.memory_space<vmem>>
      %dma_wait3A_580 = tpu.memref_squeeze %dma_wait3A_579 : memref<1x128xi32, #tpu.memory_space<vmem>> -> memref<128xi32, #tpu.memory_space<vmem>>
      %dma_wait3A_581 = arith.constant 0 : i32
      %dma_wait3A_582 = tpu.memref_slice %arg4[%dma_wait3A_576, %dma_wait3A_581] : memref<1280x128xi32, #tpu.memory_space<hbm>> -> memref<1x128xi32, #tpu.memory_space<hbm>>
      %dma_wait3A_583 = tpu.memref_squeeze %dma_wait3A_582 : memref<1x128xi32, #tpu.memory_space<hbm>> -> memref<128xi32, #tpu.memory_space<hbm>>
      %dma_wait3A_584 = arith.constant 0 : i32
      %dma_wait3A_585 = tpu.memref_slice %arg7[%dma_wait3A_577, %dma_wait3A_584] : memref<4x128xi32, #tpu.memory_space<vmem>> -> memref<1x128xi32, #tpu.memory_space<vmem>>
      %dma_wait3A_586 = tpu.memref_squeeze %dma_wait3A_585 : memref<1x128xi32, #tpu.memory_space<vmem>> -> memref<128xi32, #tpu.memory_space<vmem>>
      %dma_wait3A_587 = arith.constant 0 : i32
      %dma_wait3A_588 = tpu.memref_slice %arg4[%dma_wait3A_576, %dma_wait3A_587] : memref<1280x128xi32, #tpu.memory_space<hbm>> -> memref<1x128xi32, #tpu.memory_space<hbm>>
      %dma_wait3A_589 = tpu.memref_squeeze %dma_wait3A_588 : memref<1x128xi32, #tpu.memory_space<hbm>> -> memref<128xi32, #tpu.memory_space<hbm>>
      tpu.wait_dma2 semaphore(%arg13 : memref<!tpu.dma_semaphore, #tpu.memory_space<semaphore_mem>>) src(%dma_wait3A_589 : memref<128xi32, #tpu.memory_space<hbm>>) dst(%dma_wait3A_586 : memref<128xi32, #tpu.memory_space<vmem>>)
      %dma_wait3A_590 = arith.constant 0 : i32
      %dma_wait3A_591 = arith.constant 0 : i32
      %dma_wait3A_592 = tpu.memref_slice %arg6[%dma_wait3A_590, %dma_wait3A_591] : memref<4x128xi32, #tpu.memory_space<vmem>> -> memref<1x128xi32, #tpu.memory_space<vmem>>
      %dma_wait3A_593 = tpu.memref_squeeze %dma_wait3A_592 : memref<1x128xi32, #tpu.memory_space<vmem>> -> memref<128xi32, #tpu.memory_space<vmem>>
      %dma_wait3A_594 = arith.constant 0 : i32
      %dma_wait3A_595 = arith.constant 0 : i32
      %dma_wait3A_596 = tpu.memref_slice %arg2[%dma_wait3A_594, %dma_wait3A_595] : memref<10240x128xf32, #tpu.memory_space<hbm>> -> memref<10240x128xf32, #tpu.memory_space<hbm>>
      tpu.wait_indirect_dma semaphore(%arg12 : memref<!tpu.dma_semaphore, #tpu.memory_space<semaphore_mem>>) src(%dma_wait3A_596 : memref<10240x128xf32, #tpu.memory_space<hbm>>) dst(%arg9 : memref<128x128xf32, #tpu.memory_space<vmem>>)
      %dma_start3A_597 = arith.constant 3 : i32
      %dma_start3A_598 = arith.constant 0 : i32
      %dma_start3A_599 = tpu.memref_slice %arg7[%dma_start3A_597, %dma_start3A_598] : memref<4x128xi32, #tpu.memory_space<vmem>> -> memref<1x128xi32, #tpu.memory_space<vmem>>
      %dma_start3A_600 = tpu.memref_squeeze %dma_start3A_599 : memref<1x128xi32, #tpu.memory_space<vmem>> -> memref<128xi32, #tpu.memory_space<vmem>>
      %dma_start3A_601 = arith.constant 0 : i32
      %dma_start3A_602 = arith.constant 0 : i32
      %dma_start3A_603 = tpu.memref_slice %arg10[%dma_start3A_601, %dma_start3A_602] : memref<10752x128xf32, #tpu.memory_space<vmem_shared>> -> memref<10752x128xf32, #tpu.memory_space<vmem_shared>>
      tpu.enqueue_indirect_dma source(%arg9 : memref<128x128xf32, #tpu.memory_space<vmem>>) target(%dma_start3A_603 : memref<10752x128xf32, #tpu.memory_space<vmem_shared>>) offsets(%dma_start3A_600 : memref<128xi32, #tpu.memory_space<vmem>>) semaphore(%arg18 : memref<!tpu.dma_semaphore, #tpu.memory_space<semaphore_mem>>) {add = true}
      %dma_wait3A_604 = arith.constant 0 : i32
      %dma_wait3A_605 = arith.constant 1 : i32
      %dma_wait3A_606 = arith.constant 0 : i32
      %dma_wait3A_607 = tpu.memref_slice %arg6[%dma_wait3A_605, %dma_wait3A_606] : memref<4x128xi32, #tpu.memory_space<vmem>> -> memref<1x128xi32, #tpu.memory_space<vmem>>
      %dma_wait3A_608 = tpu.memref_squeeze %dma_wait3A_607 : memref<1x128xi32, #tpu.memory_space<vmem>> -> memref<128xi32, #tpu.memory_space<vmem>>
      %dma_wait3A_609 = arith.constant 0 : i32
      %dma_wait3A_610 = tpu.memref_slice %arg3[%dma_wait3A_604, %dma_wait3A_609] : memref<1280x128xi32, #tpu.memory_space<hbm>> -> memref<1x128xi32, #tpu.memory_space<hbm>>
      %dma_wait3A_611 = tpu.memref_squeeze %dma_wait3A_610 : memref<1x128xi32, #tpu.memory_space<hbm>> -> memref<128xi32, #tpu.memory_space<hbm>>
      %dma_wait3A_612 = arith.constant 0 : i32
      %dma_wait3A_613 = tpu.memref_slice %arg6[%dma_wait3A_605, %dma_wait3A_612] : memref<4x128xi32, #tpu.memory_space<vmem>> -> memref<1x128xi32, #tpu.memory_space<vmem>>
      %dma_wait3A_614 = tpu.memref_squeeze %dma_wait3A_613 : memref<1x128xi32, #tpu.memory_space<vmem>> -> memref<128xi32, #tpu.memory_space<vmem>>
      %dma_wait3A_615 = arith.constant 0 : i32
      %dma_wait3A_616 = tpu.memref_slice %arg3[%dma_wait3A_604, %dma_wait3A_615] : memref<1280x128xi32, #tpu.memory_space<hbm>> -> memref<1x128xi32, #tpu.memory_space<hbm>>
      %dma_wait3A_617 = tpu.memref_squeeze %dma_wait3A_616 : memref<1x128xi32, #tpu.memory_space<hbm>> -> memref<128xi32, #tpu.memory_space<hbm>>
      tpu.wait_dma2 semaphore(%arg14 : memref<!tpu.dma_semaphore, #tpu.memory_space<semaphore_mem>>) src(%dma_wait3A_617 : memref<128xi32, #tpu.memory_space<hbm>>) dst(%dma_wait3A_614 : memref<128xi32, #tpu.memory_space<vmem>>)
      %dma_wait3A_618 = arith.constant 0 : i32
      %dma_wait3A_619 = arith.constant 1 : i32
      %dma_wait3A_620 = arith.constant 0 : i32
      %dma_wait3A_621 = tpu.memref_slice %arg7[%dma_wait3A_619, %dma_wait3A_620] : memref<4x128xi32, #tpu.memory_space<vmem>> -> memref<1x128xi32, #tpu.memory_space<vmem>>
      %dma_wait3A_622 = tpu.memref_squeeze %dma_wait3A_621 : memref<1x128xi32, #tpu.memory_space<vmem>> -> memref<128xi32, #tpu.memory_space<vmem>>
      %dma_wait3A_623 = arith.constant 0 : i32
      %dma_wait3A_624 = tpu.memref_slice %arg4[%dma_wait3A_618, %dma_wait3A_623] : memref<1280x128xi32, #tpu.memory_space<hbm>> -> memref<1x128xi32, #tpu.memory_space<hbm>>
      %dma_wait3A_625 = tpu.memref_squeeze %dma_wait3A_624 : memref<1x128xi32, #tpu.memory_space<hbm>> -> memref<128xi32, #tpu.memory_space<hbm>>
      %dma_wait3A_626 = arith.constant 0 : i32
      %dma_wait3A_627 = tpu.memref_slice %arg7[%dma_wait3A_619, %dma_wait3A_626] : memref<4x128xi32, #tpu.memory_space<vmem>> -> memref<1x128xi32, #tpu.memory_space<vmem>>
      %dma_wait3A_628 = tpu.memref_squeeze %dma_wait3A_627 : memref<1x128xi32, #tpu.memory_space<vmem>> -> memref<128xi32, #tpu.memory_space<vmem>>
      %dma_wait3A_629 = arith.constant 0 : i32
      %dma_wait3A_630 = tpu.memref_slice %arg4[%dma_wait3A_618, %dma_wait3A_629] : memref<1280x128xi32, #tpu.memory_space<hbm>> -> memref<1x128xi32, #tpu.memory_space<hbm>>
      %dma_wait3A_631 = tpu.memref_squeeze %dma_wait3A_630 : memref<1x128xi32, #tpu.memory_space<hbm>> -> memref<128xi32, #tpu.memory_space<hbm>>
      tpu.wait_dma2 semaphore(%arg14 : memref<!tpu.dma_semaphore, #tpu.memory_space<semaphore_mem>>) src(%dma_wait3A_631 : memref<128xi32, #tpu.memory_space<hbm>>) dst(%dma_wait3A_628 : memref<128xi32, #tpu.memory_space<vmem>>)
      %dma_wait3A_632 = arith.constant 0 : i32
      %dma_wait3A_633 = arith.constant 0 : i32
      %dma_wait3A_634 = tpu.memref_slice %arg7[%dma_wait3A_632, %dma_wait3A_633] : memref<4x128xi32, #tpu.memory_space<vmem>> -> memref<1x128xi32, #tpu.memory_space<vmem>>
      %dma_wait3A_635 = tpu.memref_squeeze %dma_wait3A_634 : memref<1x128xi32, #tpu.memory_space<vmem>> -> memref<128xi32, #tpu.memory_space<vmem>>
      %dma_wait3A_636 = arith.constant 0 : i32
      %dma_wait3A_637 = arith.constant 0 : i32
      %dma_wait3A_638 = tpu.memref_slice %arg10[%dma_wait3A_636, %dma_wait3A_637] : memref<10752x128xf32, #tpu.memory_space<vmem_shared>> -> memref<10752x128xf32, #tpu.memory_space<vmem_shared>>
      tpu.wait_indirect_dma semaphore(%arg17 : memref<!tpu.dma_semaphore, #tpu.memory_space<semaphore_mem>>) src(%arg8 : memref<128x128xf32, #tpu.memory_space<vmem>>) dst(%dma_wait3A_638 : memref<10752x128xf32, #tpu.memory_space<vmem_shared>>)
      %add3A_639 = arith.constant 6 : i32
      %add3A_640 = arith.addi %add3A_375, %add3A_639 : i32
      %add3A_641 = arith.addi %mul3A_7, %add3A_640 : i32
      %dma_start3A_642 = arith.constant 2 : i32
      %dma_start3A_643 = arith.constant 0 : i32
      %dma_start3A_644 = tpu.memref_slice %arg6[%dma_start3A_642, %dma_start3A_643] : memref<4x128xi32, #tpu.memory_space<vmem>> -> memref<1x128xi32, #tpu.memory_space<vmem>>
      %dma_start3A_645 = tpu.memref_squeeze %dma_start3A_644 : memref<1x128xi32, #tpu.memory_space<vmem>> -> memref<128xi32, #tpu.memory_space<vmem>>
      %dma_start3A_646 = arith.constant 0 : i32
      %dma_start3A_647 = tpu.memref_slice %arg3[%add3A_641, %dma_start3A_646] : memref<1280x128xi32, #tpu.memory_space<hbm>> -> memref<1x128xi32, #tpu.memory_space<hbm>>
      %dma_start3A_648 = tpu.memref_squeeze %dma_start3A_647 : memref<1x128xi32, #tpu.memory_space<hbm>> -> memref<128xi32, #tpu.memory_space<hbm>>
      %dma_start3A_649 = arith.constant 0 : i32
      %dma_start3A_650 = tpu.memref_slice %arg6[%dma_start3A_642, %dma_start3A_649] : memref<4x128xi32, #tpu.memory_space<vmem>> -> memref<1x128xi32, #tpu.memory_space<vmem>>
      %dma_start3A_651 = tpu.memref_squeeze %dma_start3A_650 : memref<1x128xi32, #tpu.memory_space<vmem>> -> memref<128xi32, #tpu.memory_space<vmem>>
      %dma_start3A_652 = arith.constant 0 : i32
      %dma_start3A_653 = tpu.memref_slice %arg3[%add3A_641, %dma_start3A_652] : memref<1280x128xi32, #tpu.memory_space<hbm>> -> memref<1x128xi32, #tpu.memory_space<hbm>>
      %dma_start3A_654 = tpu.memref_squeeze %dma_start3A_653 : memref<1x128xi32, #tpu.memory_space<hbm>> -> memref<128xi32, #tpu.memory_space<hbm>>
      tpu.enqueue_dma source(%dma_start3A_654 : memref<128xi32, #tpu.memory_space<hbm>>) target(%dma_start3A_651 : memref<128xi32, #tpu.memory_space<vmem>>) target_semaphore(%arg15 : memref<!tpu.dma_semaphore, #tpu.memory_space<semaphore_mem>>)
      %add3A_655 = arith.addi %mul3A_7, %add3A_640 : i32
      %dma_start3A_656 = arith.constant 2 : i32
      %dma_start3A_657 = arith.constant 0 : i32
      %dma_start3A_658 = tpu.memref_slice %arg7[%dma_start3A_656, %dma_start3A_657] : memref<4x128xi32, #tpu.memory_space<vmem>> -> memref<1x128xi32, #tpu.memory_space<vmem>>
      %dma_start3A_659 = tpu.memref_squeeze %dma_start3A_658 : memref<1x128xi32, #tpu.memory_space<vmem>> -> memref<128xi32, #tpu.memory_space<vmem>>
      %dma_start3A_660 = arith.constant 0 : i32
      %dma_start3A_661 = tpu.memref_slice %arg4[%add3A_655, %dma_start3A_660] : memref<1280x128xi32, #tpu.memory_space<hbm>> -> memref<1x128xi32, #tpu.memory_space<hbm>>
      %dma_start3A_662 = tpu.memref_squeeze %dma_start3A_661 : memref<1x128xi32, #tpu.memory_space<hbm>> -> memref<128xi32, #tpu.memory_space<hbm>>
      %dma_start3A_663 = arith.constant 0 : i32
      %dma_start3A_664 = tpu.memref_slice %arg7[%dma_start3A_656, %dma_start3A_663] : memref<4x128xi32, #tpu.memory_space<vmem>> -> memref<1x128xi32, #tpu.memory_space<vmem>>
      %dma_start3A_665 = tpu.memref_squeeze %dma_start3A_664 : memref<1x128xi32, #tpu.memory_space<vmem>> -> memref<128xi32, #tpu.memory_space<vmem>>
      %dma_start3A_666 = arith.constant 0 : i32
      %dma_start3A_667 = tpu.memref_slice %arg4[%add3A_655, %dma_start3A_666] : memref<1280x128xi32, #tpu.memory_space<hbm>> -> memref<1x128xi32, #tpu.memory_space<hbm>>
      %dma_start3A_668 = tpu.memref_squeeze %dma_start3A_667 : memref<1x128xi32, #tpu.memory_space<hbm>> -> memref<128xi32, #tpu.memory_space<hbm>>
      tpu.enqueue_dma source(%dma_start3A_668 : memref<128xi32, #tpu.memory_space<hbm>>) target(%dma_start3A_665 : memref<128xi32, #tpu.memory_space<vmem>>) target_semaphore(%arg15 : memref<!tpu.dma_semaphore, #tpu.memory_space<semaphore_mem>>)
      %dma_start3A_669 = arith.constant 0 : i32
      %dma_start3A_670 = arith.constant 0 : i32
      %dma_start3A_671 = tpu.memref_slice %arg6[%dma_start3A_669, %dma_start3A_670] : memref<4x128xi32, #tpu.memory_space<vmem>> -> memref<1x128xi32, #tpu.memory_space<vmem>>
      %dma_start3A_672 = tpu.memref_squeeze %dma_start3A_671 : memref<1x128xi32, #tpu.memory_space<vmem>> -> memref<128xi32, #tpu.memory_space<vmem>>
      %dma_start3A_673 = arith.constant 0 : i32
      %dma_start3A_674 = arith.constant 0 : i32
      %dma_start3A_675 = tpu.memref_slice %arg2[%dma_start3A_673, %dma_start3A_674] : memref<10240x128xf32, #tpu.memory_space<hbm>> -> memref<10240x128xf32, #tpu.memory_space<hbm>>
      tpu.enqueue_indirect_dma source(%dma_start3A_675 : memref<10240x128xf32, #tpu.memory_space<hbm>>) target(%arg8 : memref<128x128xf32, #tpu.memory_space<vmem>>) offsets(%dma_start3A_672 : memref<128xi32, #tpu.memory_space<vmem>>) semaphore(%arg11 : memref<!tpu.dma_semaphore, #tpu.memory_space<semaphore_mem>>)
      %dma_wait3A_676 = arith.constant 0 : i32
      %dma_wait3A_677 = arith.constant 0 : i32
      %dma_wait3A_678 = tpu.memref_slice %arg7[%dma_wait3A_676, %dma_wait3A_677] : memref<4x128xi32, #tpu.memory_space<vmem>> -> memref<1x128xi32, #tpu.memory_space<vmem>>
      %dma_wait3A_679 = tpu.memref_squeeze %dma_wait3A_678 : memref<1x128xi32, #tpu.memory_space<vmem>> -> memref<128xi32, #tpu.memory_space<vmem>>
      %dma_wait3A_680 = arith.constant 0 : i32
      %dma_wait3A_681 = arith.constant 0 : i32
      %dma_wait3A_682 = tpu.memref_slice %arg10[%dma_wait3A_680, %dma_wait3A_681] : memref<10752x128xf32, #tpu.memory_space<vmem_shared>> -> memref<10752x128xf32, #tpu.memory_space<vmem_shared>>
      tpu.wait_indirect_dma semaphore(%arg18 : memref<!tpu.dma_semaphore, #tpu.memory_space<semaphore_mem>>) src(%arg9 : memref<128x128xf32, #tpu.memory_space<vmem>>) dst(%dma_wait3A_682 : memref<10752x128xf32, #tpu.memory_space<vmem_shared>>)
      %add3A_683 = arith.constant 7 : i32
      %add3A_684 = arith.addi %add3A_375, %add3A_683 : i32
      %add3A_685 = arith.addi %mul3A_7, %add3A_684 : i32
      %dma_start3A_686 = arith.constant 3 : i32
      %dma_start3A_687 = arith.constant 0 : i32
      %dma_start3A_688 = tpu.memref_slice %arg6[%dma_start3A_686, %dma_start3A_687] : memref<4x128xi32, #tpu.memory_space<vmem>> -> memref<1x128xi32, #tpu.memory_space<vmem>>
      %dma_start3A_689 = tpu.memref_squeeze %dma_start3A_688 : memref<1x128xi32, #tpu.memory_space<vmem>> -> memref<128xi32, #tpu.memory_space<vmem>>
      %dma_start3A_690 = arith.constant 0 : i32
      %dma_start3A_691 = tpu.memref_slice %arg3[%add3A_685, %dma_start3A_690] : memref<1280x128xi32, #tpu.memory_space<hbm>> -> memref<1x128xi32, #tpu.memory_space<hbm>>
      %dma_start3A_692 = tpu.memref_squeeze %dma_start3A_691 : memref<1x128xi32, #tpu.memory_space<hbm>> -> memref<128xi32, #tpu.memory_space<hbm>>
      %dma_start3A_693 = arith.constant 0 : i32
      %dma_start3A_694 = tpu.memref_slice %arg6[%dma_start3A_686, %dma_start3A_693] : memref<4x128xi32, #tpu.memory_space<vmem>> -> memref<1x128xi32, #tpu.memory_space<vmem>>
      %dma_start3A_695 = tpu.memref_squeeze %dma_start3A_694 : memref<1x128xi32, #tpu.memory_space<vmem>> -> memref<128xi32, #tpu.memory_space<vmem>>
      %dma_start3A_696 = arith.constant 0 : i32
      %dma_start3A_697 = tpu.memref_slice %arg3[%add3A_685, %dma_start3A_696] : memref<1280x128xi32, #tpu.memory_space<hbm>> -> memref<1x128xi32, #tpu.memory_space<hbm>>
      %dma_start3A_698 = tpu.memref_squeeze %dma_start3A_697 : memref<1x128xi32, #tpu.memory_space<hbm>> -> memref<128xi32, #tpu.memory_space<hbm>>
      tpu.enqueue_dma source(%dma_start3A_698 : memref<128xi32, #tpu.memory_space<hbm>>) target(%dma_start3A_695 : memref<128xi32, #tpu.memory_space<vmem>>) target_semaphore(%arg16 : memref<!tpu.dma_semaphore, #tpu.memory_space<semaphore_mem>>)
      %add3A_699 = arith.addi %mul3A_7, %add3A_684 : i32
      %dma_start3A_700 = arith.constant 3 : i32
      %dma_start3A_701 = arith.constant 0 : i32
      %dma_start3A_702 = tpu.memref_slice %arg7[%dma_start3A_700, %dma_start3A_701] : memref<4x128xi32, #tpu.memory_space<vmem>> -> memref<1x128xi32, #tpu.memory_space<vmem>>
      %dma_start3A_703 = tpu.memref_squeeze %dma_start3A_702 : memref<1x128xi32, #tpu.memory_space<vmem>> -> memref<128xi32, #tpu.memory_space<vmem>>
      %dma_start3A_704 = arith.constant 0 : i32
      %dma_start3A_705 = tpu.memref_slice %arg4[%add3A_699, %dma_start3A_704] : memref<1280x128xi32, #tpu.memory_space<hbm>> -> memref<1x128xi32, #tpu.memory_space<hbm>>
      %dma_start3A_706 = tpu.memref_squeeze %dma_start3A_705 : memref<1x128xi32, #tpu.memory_space<hbm>> -> memref<128xi32, #tpu.memory_space<hbm>>
      %dma_start3A_707 = arith.constant 0 : i32
      %dma_start3A_708 = tpu.memref_slice %arg7[%dma_start3A_700, %dma_start3A_707] : memref<4x128xi32, #tpu.memory_space<vmem>> -> memref<1x128xi32, #tpu.memory_space<vmem>>
      %dma_start3A_709 = tpu.memref_squeeze %dma_start3A_708 : memref<1x128xi32, #tpu.memory_space<vmem>> -> memref<128xi32, #tpu.memory_space<vmem>>
      %dma_start3A_710 = arith.constant 0 : i32
      %dma_start3A_711 = tpu.memref_slice %arg4[%add3A_699, %dma_start3A_710] : memref<1280x128xi32, #tpu.memory_space<hbm>> -> memref<1x128xi32, #tpu.memory_space<hbm>>
      %dma_start3A_712 = tpu.memref_squeeze %dma_start3A_711 : memref<1x128xi32, #tpu.memory_space<hbm>> -> memref<128xi32, #tpu.memory_space<hbm>>
      tpu.enqueue_dma source(%dma_start3A_712 : memref<128xi32, #tpu.memory_space<hbm>>) target(%dma_start3A_709 : memref<128xi32, #tpu.memory_space<vmem>>) target_semaphore(%arg16 : memref<!tpu.dma_semaphore, #tpu.memory_space<semaphore_mem>>)
      %dma_start3A_713 = arith.constant 1 : i32
      %dma_start3A_714 = arith.constant 0 : i32
      %dma_start3A_715 = tpu.memref_slice %arg6[%dma_start3A_713, %dma_start3A_714] : memref<4x128xi32, #tpu.memory_space<vmem>> -> memref<1x128xi32, #tpu.memory_space<vmem>>
      %dma_start3A_716 = tpu.memref_squeeze %dma_start3A_715 : memref<1x128xi32, #tpu.memory_space<vmem>> -> memref<128xi32, #tpu.memory_space<vmem>>
      %dma_start3A_717 = arith.constant 0 : i32
      %dma_start3A_718 = arith.constant 0 : i32
      %dma_start3A_719 = tpu.memref_slice %arg2[%dma_start3A_717, %dma_start3A_718] : memref<10240x128xf32, #tpu.memory_space<hbm>> -> memref<10240x128xf32, #tpu.memory_space<hbm>>
      tpu.enqueue_indirect_dma source(%dma_start3A_719 : memref<10240x128xf32, #tpu.memory_space<hbm>>) target(%arg9 : memref<128x128xf32, #tpu.memory_space<vmem>>) offsets(%dma_start3A_716 : memref<128xi32, #tpu.memory_space<vmem>>) semaphore(%arg12 : memref<!tpu.dma_semaphore, #tpu.memory_space<semaphore_mem>>)
    }
    %scan3A_210 = arith.constant 9 : i32
    %dma_wait3A_211 = arith.constant 0 : i32
    %dma_wait3A_212 = arith.constant 0 : i32
    %dma_wait3A_213 = tpu.memref_slice %arg6[%dma_wait3A_211, %dma_wait3A_212] : memref<4x128xi32, #tpu.memory_space<vmem>> -> memref<1x128xi32, #tpu.memory_space<vmem>>
    %dma_wait3A_214 = tpu.memref_squeeze %dma_wait3A_213 : memref<1x128xi32, #tpu.memory_space<vmem>> -> memref<128xi32, #tpu.memory_space<vmem>>
    %dma_wait3A_215 = arith.constant 0 : i32
    %dma_wait3A_216 = arith.constant 0 : i32
    %dma_wait3A_217 = tpu.memref_slice %arg2[%dma_wait3A_215, %dma_wait3A_216] : memref<10240x128xf32, #tpu.memory_space<hbm>> -> memref<10240x128xf32, #tpu.memory_space<hbm>>
    tpu.wait_indirect_dma semaphore(%arg11 : memref<!tpu.dma_semaphore, #tpu.memory_space<semaphore_mem>>) src(%dma_wait3A_217 : memref<10240x128xf32, #tpu.memory_space<hbm>>) dst(%arg8 : memref<128x128xf32, #tpu.memory_space<vmem>>)
    %dma_start3A_218 = arith.constant 0 : i32
    %dma_start3A_219 = arith.constant 0 : i32
    %dma_start3A_220 = tpu.memref_slice %arg7[%dma_start3A_218, %dma_start3A_219] : memref<4x128xi32, #tpu.memory_space<vmem>> -> memref<1x128xi32, #tpu.memory_space<vmem>>
    %dma_start3A_221 = tpu.memref_squeeze %dma_start3A_220 : memref<1x128xi32, #tpu.memory_space<vmem>> -> memref<128xi32, #tpu.memory_space<vmem>>
    %dma_start3A_222 = arith.constant 0 : i32
    %dma_start3A_223 = arith.constant 0 : i32
    %dma_start3A_224 = tpu.memref_slice %arg10[%dma_start3A_222, %dma_start3A_223] : memref<10752x128xf32, #tpu.memory_space<vmem_shared>> -> memref<10752x128xf32, #tpu.memory_space<vmem_shared>>
    tpu.enqueue_indirect_dma source(%arg8 : memref<128x128xf32, #tpu.memory_space<vmem>>) target(%dma_start3A_224 : memref<10752x128xf32, #tpu.memory_space<vmem_shared>>) offsets(%dma_start3A_221 : memref<128xi32, #tpu.memory_space<vmem>>) semaphore(%arg17 : memref<!tpu.dma_semaphore, #tpu.memory_space<semaphore_mem>>) {add = true}
    %dma_wait3A_225 = arith.constant 0 : i32
    %dma_wait3A_226 = arith.constant 2 : i32
    %dma_wait3A_227 = arith.constant 0 : i32
    %dma_wait3A_228 = tpu.memref_slice %arg6[%dma_wait3A_226, %dma_wait3A_227] : memref<4x128xi32, #tpu.memory_space<vmem>> -> memref<1x128xi32, #tpu.memory_space<vmem>>
    %dma_wait3A_229 = tpu.memref_squeeze %dma_wait3A_228 : memref<1x128xi32, #tpu.memory_space<vmem>> -> memref<128xi32, #tpu.memory_space<vmem>>
    %dma_wait3A_230 = arith.constant 0 : i32
    %dma_wait3A_231 = tpu.memref_slice %arg3[%dma_wait3A_225, %dma_wait3A_230] : memref<1280x128xi32, #tpu.memory_space<hbm>> -> memref<1x128xi32, #tpu.memory_space<hbm>>
    %dma_wait3A_232 = tpu.memref_squeeze %dma_wait3A_231 : memref<1x128xi32, #tpu.memory_space<hbm>> -> memref<128xi32, #tpu.memory_space<hbm>>
    %dma_wait3A_233 = arith.constant 0 : i32
    %dma_wait3A_234 = tpu.memref_slice %arg6[%dma_wait3A_226, %dma_wait3A_233] : memref<4x128xi32, #tpu.memory_space<vmem>> -> memref<1x128xi32, #tpu.memory_space<vmem>>
    %dma_wait3A_235 = tpu.memref_squeeze %dma_wait3A_234 : memref<1x128xi32, #tpu.memory_space<vmem>> -> memref<128xi32, #tpu.memory_space<vmem>>
    %dma_wait3A_236 = arith.constant 0 : i32
    %dma_wait3A_237 = tpu.memref_slice %arg3[%dma_wait3A_225, %dma_wait3A_236] : memref<1280x128xi32, #tpu.memory_space<hbm>> -> memref<1x128xi32, #tpu.memory_space<hbm>>
    %dma_wait3A_238 = tpu.memref_squeeze %dma_wait3A_237 : memref<1x128xi32, #tpu.memory_space<hbm>> -> memref<128xi32, #tpu.memory_space<hbm>>
    tpu.wait_dma2 semaphore(%arg15 : memref<!tpu.dma_semaphore, #tpu.memory_space<semaphore_mem>>) src(%dma_wait3A_238 : memref<128xi32, #tpu.memory_space<hbm>>) dst(%dma_wait3A_235 : memref<128xi32, #tpu.memory_space<vmem>>)
    %dma_wait3A_239 = arith.constant 0 : i32
    %dma_wait3A_240 = arith.constant 2 : i32
    %dma_wait3A_241 = arith.constant 0 : i32
    %dma_wait3A_242 = tpu.memref_slice %arg7[%dma_wait3A_240, %dma_wait3A_241] : memref<4x128xi32, #tpu.memory_space<vmem>> -> memref<1x128xi32, #tpu.memory_space<vmem>>
    %dma_wait3A_243 = tpu.memref_squeeze %dma_wait3A_242 : memref<1x128xi32, #tpu.memory_space<vmem>> -> memref<128xi32, #tpu.memory_space<vmem>>
    %dma_wait3A_244 = arith.constant 0 : i32
    %dma_wait3A_245 = tpu.memref_slice %arg4[%dma_wait3A_239, %dma_wait3A_244] : memref<1280x128xi32, #tpu.memory_space<hbm>> -> memref<1x128xi32, #tpu.memory_space<hbm>>
    %dma_wait3A_246 = tpu.memref_squeeze %dma_wait3A_245 : memref<1x128xi32, #tpu.memory_space<hbm>> -> memref<128xi32, #tpu.memory_space<hbm>>
    %dma_wait3A_247 = arith.constant 0 : i32
    %dma_wait3A_248 = tpu.memref_slice %arg7[%dma_wait3A_240, %dma_wait3A_247] : memref<4x128xi32, #tpu.memory_space<vmem>> -> memref<1x128xi32, #tpu.memory_space<vmem>>
    %dma_wait3A_249 = tpu.memref_squeeze %dma_wait3A_248 : memref<1x128xi32, #tpu.memory_space<vmem>> -> memref<128xi32, #tpu.memory_space<vmem>>
    %dma_wait3A_250 = arith.constant 0 : i32
    %dma_wait3A_251 = tpu.memref_slice %arg4[%dma_wait3A_239, %dma_wait3A_250] : memref<1280x128xi32, #tpu.memory_space<hbm>> -> memref<1x128xi32, #tpu.memory_space<hbm>>
    %dma_wait3A_252 = tpu.memref_squeeze %dma_wait3A_251 : memref<1x128xi32, #tpu.memory_space<hbm>> -> memref<128xi32, #tpu.memory_space<hbm>>
    tpu.wait_dma2 semaphore(%arg15 : memref<!tpu.dma_semaphore, #tpu.memory_space<semaphore_mem>>) src(%dma_wait3A_252 : memref<128xi32, #tpu.memory_space<hbm>>) dst(%dma_wait3A_249 : memref<128xi32, #tpu.memory_space<vmem>>)
    %dma_wait3A_253 = arith.constant 0 : i32
    %dma_wait3A_254 = arith.constant 0 : i32
    %dma_wait3A_255 = tpu.memref_slice %arg6[%dma_wait3A_253, %dma_wait3A_254] : memref<4x128xi32, #tpu.memory_space<vmem>> -> memref<1x128xi32, #tpu.memory_space<vmem>>
    %dma_wait3A_256 = tpu.memref_squeeze %dma_wait3A_255 : memref<1x128xi32, #tpu.memory_space<vmem>> -> memref<128xi32, #tpu.memory_space<vmem>>
    %dma_wait3A_257 = arith.constant 0 : i32
    %dma_wait3A_258 = arith.constant 0 : i32
    %dma_wait3A_259 = tpu.memref_slice %arg2[%dma_wait3A_257, %dma_wait3A_258] : memref<10240x128xf32, #tpu.memory_space<hbm>> -> memref<10240x128xf32, #tpu.memory_space<hbm>>
    tpu.wait_indirect_dma semaphore(%arg12 : memref<!tpu.dma_semaphore, #tpu.memory_space<semaphore_mem>>) src(%dma_wait3A_259 : memref<10240x128xf32, #tpu.memory_space<hbm>>) dst(%arg9 : memref<128x128xf32, #tpu.memory_space<vmem>>)
    %dma_start3A_260 = arith.constant 1 : i32
    %dma_start3A_261 = arith.constant 0 : i32
    %dma_start3A_262 = tpu.memref_slice %arg7[%dma_start3A_260, %dma_start3A_261] : memref<4x128xi32, #tpu.memory_space<vmem>> -> memref<1x128xi32, #tpu.memory_space<vmem>>
    %dma_start3A_263 = tpu.memref_squeeze %dma_start3A_262 : memref<1x128xi32, #tpu.memory_space<vmem>> -> memref<128xi32, #tpu.memory_space<vmem>>
    %dma_start3A_264 = arith.constant 0 : i32
    %dma_start3A_265 = arith.constant 0 : i32
    %dma_start3A_266 = tpu.memref_slice %arg10[%dma_start3A_264, %dma_start3A_265] : memref<10752x128xf32, #tpu.memory_space<vmem_shared>> -> memref<10752x128xf32, #tpu.memory_space<vmem_shared>>
    tpu.enqueue_indirect_dma source(%arg9 : memref<128x128xf32, #tpu.memory_space<vmem>>) target(%dma_start3A_266 : memref<10752x128xf32, #tpu.memory_space<vmem_shared>>) offsets(%dma_start3A_263 : memref<128xi32, #tpu.memory_space<vmem>>) semaphore(%arg18 : memref<!tpu.dma_semaphore, #tpu.memory_space<semaphore_mem>>) {add = true}
    %dma_wait3A_267 = arith.constant 0 : i32
    %dma_wait3A_268 = arith.constant 3 : i32
    %dma_wait3A_269 = arith.constant 0 : i32
    %dma_wait3A_270 = tpu.memref_slice %arg6[%dma_wait3A_268, %dma_wait3A_269] : memref<4x128xi32, #tpu.memory_space<vmem>> -> memref<1x128xi32, #tpu.memory_space<vmem>>
    %dma_wait3A_271 = tpu.memref_squeeze %dma_wait3A_270 : memref<1x128xi32, #tpu.memory_space<vmem>> -> memref<128xi32, #tpu.memory_space<vmem>>
    %dma_wait3A_272 = arith.constant 0 : i32
    %dma_wait3A_273 = tpu.memref_slice %arg3[%dma_wait3A_267, %dma_wait3A_272] : memref<1280x128xi32, #tpu.memory_space<hbm>> -> memref<1x128xi32, #tpu.memory_space<hbm>>
    %dma_wait3A_274 = tpu.memref_squeeze %dma_wait3A_273 : memref<1x128xi32, #tpu.memory_space<hbm>> -> memref<128xi32, #tpu.memory_space<hbm>>
    %dma_wait3A_275 = arith.constant 0 : i32
    %dma_wait3A_276 = tpu.memref_slice %arg6[%dma_wait3A_268, %dma_wait3A_275] : memref<4x128xi32, #tpu.memory_space<vmem>> -> memref<1x128xi32, #tpu.memory_space<vmem>>
    %dma_wait3A_277 = tpu.memref_squeeze %dma_wait3A_276 : memref<1x128xi32, #tpu.memory_space<vmem>> -> memref<128xi32, #tpu.memory_space<vmem>>
    %dma_wait3A_278 = arith.constant 0 : i32
    %dma_wait3A_279 = tpu.memref_slice %arg3[%dma_wait3A_267, %dma_wait3A_278] : memref<1280x128xi32, #tpu.memory_space<hbm>> -> memref<1x128xi32, #tpu.memory_space<hbm>>
    %dma_wait3A_280 = tpu.memref_squeeze %dma_wait3A_279 : memref<1x128xi32, #tpu.memory_space<hbm>> -> memref<128xi32, #tpu.memory_space<hbm>>
    tpu.wait_dma2 semaphore(%arg16 : memref<!tpu.dma_semaphore, #tpu.memory_space<semaphore_mem>>) src(%dma_wait3A_280 : memref<128xi32, #tpu.memory_space<hbm>>) dst(%dma_wait3A_277 : memref<128xi32, #tpu.memory_space<vmem>>)
    %dma_wait3A_281 = arith.constant 0 : i32
    %dma_wait3A_282 = arith.constant 3 : i32
    %dma_wait3A_283 = arith.constant 0 : i32
    %dma_wait3A_284 = tpu.memref_slice %arg7[%dma_wait3A_282, %dma_wait3A_283] : memref<4x128xi32, #tpu.memory_space<vmem>> -> memref<1x128xi32, #tpu.memory_space<vmem>>
    %dma_wait3A_285 = tpu.memref_squeeze %dma_wait3A_284 : memref<1x128xi32, #tpu.memory_space<vmem>> -> memref<128xi32, #tpu.memory_space<vmem>>
    %dma_wait3A_286 = arith.constant 0 : i32
    %dma_wait3A_287 = tpu.memref_slice %arg4[%dma_wait3A_281, %dma_wait3A_286] : memref<1280x128xi32, #tpu.memory_space<hbm>> -> memref<1x128xi32, #tpu.memory_space<hbm>>
    %dma_wait3A_288 = tpu.memref_squeeze %dma_wait3A_287 : memref<1x128xi32, #tpu.memory_space<hbm>> -> memref<128xi32, #tpu.memory_space<hbm>>
    %dma_wait3A_289 = arith.constant 0 : i32
    %dma_wait3A_290 = tpu.memref_slice %arg7[%dma_wait3A_282, %dma_wait3A_289] : memref<4x128xi32, #tpu.memory_space<vmem>> -> memref<1x128xi32, #tpu.memory_space<vmem>>
    %dma_wait3A_291 = tpu.memref_squeeze %dma_wait3A_290 : memref<1x128xi32, #tpu.memory_space<vmem>> -> memref<128xi32, #tpu.memory_space<vmem>>
    %dma_wait3A_292 = arith.constant 0 : i32
    %dma_wait3A_293 = tpu.memref_slice %arg4[%dma_wait3A_281, %dma_wait3A_292] : memref<1280x128xi32, #tpu.memory_space<hbm>> -> memref<1x128xi32, #tpu.memory_space<hbm>>
    %dma_wait3A_294 = tpu.memref_squeeze %dma_wait3A_293 : memref<1x128xi32, #tpu.memory_space<hbm>> -> memref<128xi32, #tpu.memory_space<hbm>>
    tpu.wait_dma2 semaphore(%arg16 : memref<!tpu.dma_semaphore, #tpu.memory_space<semaphore_mem>>) src(%dma_wait3A_294 : memref<128xi32, #tpu.memory_space<hbm>>) dst(%dma_wait3A_291 : memref<128xi32, #tpu.memory_space<vmem>>)
    %dma_wait3A_295 = arith.constant 0 : i32
    %dma_wait3A_296 = arith.constant 0 : i32
    %dma_wait3A_297 = tpu.memref_slice %arg7[%dma_wait3A_295, %dma_wait3A_296] : memref<4x128xi32, #tpu.memory_space<vmem>> -> memref<1x128xi32, #tpu.memory_space<vmem>>
    %dma_wait3A_298 = tpu.memref_squeeze %dma_wait3A_297 : memref<1x128xi32, #tpu.memory_space<vmem>> -> memref<128xi32, #tpu.memory_space<vmem>>
    %dma_wait3A_299 = arith.constant 0 : i32
    %dma_wait3A_300 = arith.constant 0 : i32
    %dma_wait3A_301 = tpu.memref_slice %arg10[%dma_wait3A_299, %dma_wait3A_300] : memref<10752x128xf32, #tpu.memory_space<vmem_shared>> -> memref<10752x128xf32, #tpu.memory_space<vmem_shared>>
    tpu.wait_indirect_dma semaphore(%arg17 : memref<!tpu.dma_semaphore, #tpu.memory_space<semaphore_mem>>) src(%arg8 : memref<128x128xf32, #tpu.memory_space<vmem>>) dst(%dma_wait3A_301 : memref<10752x128xf32, #tpu.memory_space<vmem_shared>>)
    %dma_start3A_302 = arith.constant 2 : i32
    %dma_start3A_303 = arith.constant 0 : i32
    %dma_start3A_304 = tpu.memref_slice %arg6[%dma_start3A_302, %dma_start3A_303] : memref<4x128xi32, #tpu.memory_space<vmem>> -> memref<1x128xi32, #tpu.memory_space<vmem>>
    %dma_start3A_305 = tpu.memref_squeeze %dma_start3A_304 : memref<1x128xi32, #tpu.memory_space<vmem>> -> memref<128xi32, #tpu.memory_space<vmem>>
    %dma_start3A_306 = arith.constant 0 : i32
    %dma_start3A_307 = arith.constant 0 : i32
    %dma_start3A_308 = tpu.memref_slice %arg2[%dma_start3A_306, %dma_start3A_307] : memref<10240x128xf32, #tpu.memory_space<hbm>> -> memref<10240x128xf32, #tpu.memory_space<hbm>>
    tpu.enqueue_indirect_dma source(%dma_start3A_308 : memref<10240x128xf32, #tpu.memory_space<hbm>>) target(%arg8 : memref<128x128xf32, #tpu.memory_space<vmem>>) offsets(%dma_start3A_305 : memref<128xi32, #tpu.memory_space<vmem>>) semaphore(%arg11 : memref<!tpu.dma_semaphore, #tpu.memory_space<semaphore_mem>>)
    %dma_wait3A_309 = arith.constant 0 : i32
    %dma_wait3A_310 = arith.constant 0 : i32
    %dma_wait3A_311 = tpu.memref_slice %arg7[%dma_wait3A_309, %dma_wait3A_310] : memref<4x128xi32, #tpu.memory_space<vmem>> -> memref<1x128xi32, #tpu.memory_space<vmem>>
    %dma_wait3A_312 = tpu.memref_squeeze %dma_wait3A_311 : memref<1x128xi32, #tpu.memory_space<vmem>> -> memref<128xi32, #tpu.memory_space<vmem>>
    %dma_wait3A_313 = arith.constant 0 : i32
    %dma_wait3A_314 = arith.constant 0 : i32
    %dma_wait3A_315 = tpu.memref_slice %arg10[%dma_wait3A_313, %dma_wait3A_314] : memref<10752x128xf32, #tpu.memory_space<vmem_shared>> -> memref<10752x128xf32, #tpu.memory_space<vmem_shared>>
    tpu.wait_indirect_dma semaphore(%arg18 : memref<!tpu.dma_semaphore, #tpu.memory_space<semaphore_mem>>) src(%arg9 : memref<128x128xf32, #tpu.memory_space<vmem>>) dst(%dma_wait3A_315 : memref<10752x128xf32, #tpu.memory_space<vmem_shared>>)
    %dma_start3A_316 = arith.constant 3 : i32
    %dma_start3A_317 = arith.constant 0 : i32
    %dma_start3A_318 = tpu.memref_slice %arg6[%dma_start3A_316, %dma_start3A_317] : memref<4x128xi32, #tpu.memory_space<vmem>> -> memref<1x128xi32, #tpu.memory_space<vmem>>
    %dma_start3A_319 = tpu.memref_squeeze %dma_start3A_318 : memref<1x128xi32, #tpu.memory_space<vmem>> -> memref<128xi32, #tpu.memory_space<vmem>>
    %dma_start3A_320 = arith.constant 0 : i32
    %dma_start3A_321 = arith.constant 0 : i32
    %dma_start3A_322 = tpu.memref_slice %arg2[%dma_start3A_320, %dma_start3A_321] : memref<10240x128xf32, #tpu.memory_space<hbm>> -> memref<10240x128xf32, #tpu.memory_space<hbm>>
    tpu.enqueue_indirect_dma source(%dma_start3A_322 : memref<10240x128xf32, #tpu.memory_space<hbm>>) target(%arg9 : memref<128x128xf32, #tpu.memory_space<vmem>>) offsets(%dma_start3A_319 : memref<128xi32, #tpu.memory_space<vmem>>) semaphore(%arg12 : memref<!tpu.dma_semaphore, #tpu.memory_space<semaphore_mem>>)
    %dma_wait3A_323 = arith.constant 0 : i32
    %dma_wait3A_324 = arith.constant 0 : i32
    %dma_wait3A_325 = tpu.memref_slice %arg6[%dma_wait3A_323, %dma_wait3A_324] : memref<4x128xi32, #tpu.memory_space<vmem>> -> memref<1x128xi32, #tpu.memory_space<vmem>>
    %dma_wait3A_326 = tpu.memref_squeeze %dma_wait3A_325 : memref<1x128xi32, #tpu.memory_space<vmem>> -> memref<128xi32, #tpu.memory_space<vmem>>
    %dma_wait3A_327 = arith.constant 0 : i32
    %dma_wait3A_328 = arith.constant 0 : i32
    %dma_wait3A_329 = tpu.memref_slice %arg2[%dma_wait3A_327, %dma_wait3A_328] : memref<10240x128xf32, #tpu.memory_space<hbm>> -> memref<10240x128xf32, #tpu.memory_space<hbm>>
    tpu.wait_indirect_dma semaphore(%arg11 : memref<!tpu.dma_semaphore, #tpu.memory_space<semaphore_mem>>) src(%dma_wait3A_329 : memref<10240x128xf32, #tpu.memory_space<hbm>>) dst(%arg8 : memref<128x128xf32, #tpu.memory_space<vmem>>)
    %dma_start3A_330 = arith.constant 2 : i32
    %dma_start3A_331 = arith.constant 0 : i32
    %dma_start3A_332 = tpu.memref_slice %arg7[%dma_start3A_330, %dma_start3A_331] : memref<4x128xi32, #tpu.memory_space<vmem>> -> memref<1x128xi32, #tpu.memory_space<vmem>>
    %dma_start3A_333 = tpu.memref_squeeze %dma_start3A_332 : memref<1x128xi32, #tpu.memory_space<vmem>> -> memref<128xi32, #tpu.memory_space<vmem>>
    %dma_start3A_334 = arith.constant 0 : i32
    %dma_start3A_335 = arith.constant 0 : i32
    %dma_start3A_336 = tpu.memref_slice %arg10[%dma_start3A_334, %dma_start3A_335] : memref<10752x128xf32, #tpu.memory_space<vmem_shared>> -> memref<10752x128xf32, #tpu.memory_space<vmem_shared>>
    tpu.enqueue_indirect_dma source(%arg8 : memref<128x128xf32, #tpu.memory_space<vmem>>) target(%dma_start3A_336 : memref<10752x128xf32, #tpu.memory_space<vmem_shared>>) offsets(%dma_start3A_333 : memref<128xi32, #tpu.memory_space<vmem>>) semaphore(%arg17 : memref<!tpu.dma_semaphore, #tpu.memory_space<semaphore_mem>>) {add = true}
    %dma_wait3A_337 = arith.constant 0 : i32
    %dma_wait3A_338 = arith.constant 0 : i32
    %dma_wait3A_339 = tpu.memref_slice %arg6[%dma_wait3A_337, %dma_wait3A_338] : memref<4x128xi32, #tpu.memory_space<vmem>> -> memref<1x128xi32, #tpu.memory_space<vmem>>
    %dma_wait3A_340 = tpu.memref_squeeze %dma_wait3A_339 : memref<1x128xi32, #tpu.memory_space<vmem>> -> memref<128xi32, #tpu.memory_space<vmem>>
    %dma_wait3A_341 = arith.constant 0 : i32
    %dma_wait3A_342 = arith.constant 0 : i32
    %dma_wait3A_343 = tpu.memref_slice %arg2[%dma_wait3A_341, %dma_wait3A_342] : memref<10240x128xf32, #tpu.memory_space<hbm>> -> memref<10240x128xf32, #tpu.memory_space<hbm>>
    tpu.wait_indirect_dma semaphore(%arg12 : memref<!tpu.dma_semaphore, #tpu.memory_space<semaphore_mem>>) src(%dma_wait3A_343 : memref<10240x128xf32, #tpu.memory_space<hbm>>) dst(%arg9 : memref<128x128xf32, #tpu.memory_space<vmem>>)
    %dma_start3A_344 = arith.constant 3 : i32
    %dma_start3A_345 = arith.constant 0 : i32
    %dma_start3A_346 = tpu.memref_slice %arg7[%dma_start3A_344, %dma_start3A_345] : memref<4x128xi32, #tpu.memory_space<vmem>> -> memref<1x128xi32, #tpu.memory_space<vmem>>
    %dma_start3A_347 = tpu.memref_squeeze %dma_start3A_346 : memref<1x128xi32, #tpu.memory_space<vmem>> -> memref<128xi32, #tpu.memory_space<vmem>>
    %dma_start3A_348 = arith.constant 0 : i32
    %dma_start3A_349 = arith.constant 0 : i32
    %dma_start3A_350 = tpu.memref_slice %arg10[%dma_start3A_348, %dma_start3A_349] : memref<10752x128xf32, #tpu.memory_space<vmem_shared>> -> memref<10752x128xf32, #tpu.memory_space<vmem_shared>>
    tpu.enqueue_indirect_dma source(%arg9 : memref<128x128xf32, #tpu.memory_space<vmem>>) target(%dma_start3A_350 : memref<10752x128xf32, #tpu.memory_space<vmem_shared>>) offsets(%dma_start3A_347 : memref<128xi32, #tpu.memory_space<vmem>>) semaphore(%arg18 : memref<!tpu.dma_semaphore, #tpu.memory_space<semaphore_mem>>) {add = true}
    %dma_wait3A_351 = arith.constant 0 : i32
    %dma_wait3A_352 = arith.constant 0 : i32
    %dma_wait3A_353 = tpu.memref_slice %arg7[%dma_wait3A_351, %dma_wait3A_352] : memref<4x128xi32, #tpu.memory_space<vmem>> -> memref<1x128xi32, #tpu.memory_space<vmem>>
    %dma_wait3A_354 = tpu.memref_squeeze %dma_wait3A_353 : memref<1x128xi32, #tpu.memory_space<vmem>> -> memref<128xi32, #tpu.memory_space<vmem>>
    %dma_wait3A_355 = arith.constant 0 : i32
    %dma_wait3A_356 = arith.constant 0 : i32
    %dma_wait3A_357 = tpu.memref_slice %arg10[%dma_wait3A_355, %dma_wait3A_356] : memref<10752x128xf32, #tpu.memory_space<vmem_shared>> -> memref<10752x128xf32, #tpu.memory_space<vmem_shared>>
    tpu.wait_indirect_dma semaphore(%arg17 : memref<!tpu.dma_semaphore, #tpu.memory_space<semaphore_mem>>) src(%arg8 : memref<128x128xf32, #tpu.memory_space<vmem>>) dst(%dma_wait3A_357 : memref<10752x128xf32, #tpu.memory_space<vmem_shared>>)
    %dma_wait3A_358 = arith.constant 0 : i32
    %dma_wait3A_359 = arith.constant 0 : i32
    %dma_wait3A_360 = tpu.memref_slice %arg7[%dma_wait3A_358, %dma_wait3A_359] : memref<4x128xi32, #tpu.memory_space<vmem>> -> memref<1x128xi32, #tpu.memory_space<vmem>>
    %dma_wait3A_361 = tpu.memref_squeeze %dma_wait3A_360 : memref<1x128xi32, #tpu.memory_space<vmem>> -> memref<128xi32, #tpu.memory_space<vmem>>
    %dma_wait3A_362 = arith.constant 0 : i32
    %dma_wait3A_363 = arith.constant 0 : i32
    %dma_wait3A_364 = tpu.memref_slice %arg10[%dma_wait3A_362, %dma_wait3A_363] : memref<10752x128xf32, #tpu.memory_space<vmem_shared>> -> memref<10752x128xf32, #tpu.memory_space<vmem_shared>>
    tpu.wait_indirect_dma semaphore(%arg18 : memref<!tpu.dma_semaphore, #tpu.memory_space<semaphore_mem>>) src(%arg9 : memref<128x128xf32, #tpu.memory_space<vmem>>) dst(%dma_wait3A_364 : memref<10752x128xf32, #tpu.memory_space<vmem_shared>>)
    %barrier3A_365 = arith.constant 0 : index
    tpu.barrier barrier_id(%barrier3A_365)
    %mul3A_366 = arith.constant 10240 : i32
    %mul3A_367 = arith.muli %arg0, %mul3A_366 : i32
    %mul3A_368 = arith.constant 640 : i32
    %mul3A_369 = arith.muli %arg1, %mul3A_368 : i32
    %add3A_370 = arith.addi %mul3A_367, %mul3A_369 : i32
    "tpu.region"() ({
      %run_scoped3A = tpu.sem_alloc : memref<!tpu.dma_semaphore, #tpu.memory_space<semaphore_mem>>
      %dma_start3A_371 = arith.constant 0 : i32
      %dma_start3A_372 = tpu.memref_slice %arg5[%add3A_370, %dma_start3A_371] : memref<20480x128xf32, #tpu.memory_space<hbm>> -> memref<640x128xf32, #tpu.memory_space<hbm>>
      %dma_start3A_373 = arith.constant 0 : i32
      %dma_start3A_374 = tpu.memref_slice %arg10[%add3A, %dma_start3A_373] : memref<10752x128xf32, #tpu.memory_space<vmem_shared>> -> memref<640x128xf32, #tpu.memory_space<vmem_shared>>
      tpu.enqueue_dma source(%dma_start3A_374 : memref<640x128xf32, #tpu.memory_space<vmem_shared>>) target(%dma_start3A_372 : memref<640x128xf32, #tpu.memory_space<hbm>>) target_semaphore(%run_scoped3A : memref<!tpu.dma_semaphore, #tpu.memory_space<semaphore_mem>>)
      %dma_wait3A_375 = arith.constant 0 : i32
      %dma_wait3A_376 = tpu.memref_slice %arg5[%add3A_370, %dma_wait3A_375] : memref<20480x128xf32, #tpu.memory_space<hbm>> -> memref<640x128xf32, #tpu.memory_space<hbm>>
      %dma_wait3A_377 = arith.constant 0 : i32
      %dma_wait3A_378 = tpu.memref_slice %arg10[%add3A, %dma_wait3A_377] : memref<10752x128xf32, #tpu.memory_space<vmem_shared>> -> memref<640x128xf32, #tpu.memory_space<vmem_shared>>
      tpu.wait_dma2 semaphore(%run_scoped3A : memref<!tpu.dma_semaphore, #tpu.memory_space<semaphore_mem>>) src(%dma_wait3A_378 : memref<640x128xf32, #tpu.memory_space<vmem_shared>>) dst(%dma_wait3A_376 : memref<640x128xf32, #tpu.memory_space<hbm>>)
      tpu.yield
    }) : () -> ()
    return
  }
}

#map = affine_map<(d0, d1) -> (0, 0)>
module attributes {stable_mosaic.version = 14 : i64} {
  func.func @k(%arg0: i32, %arg1: i32, %arg2: memref<1280x128xi32, #tpu.memory_space<hbm>>, %arg3: memref<20480x128xf32, #tpu.memory_space<hbm>>, %arg4: memref<40x128xi32, #tpu.memory_space<vmem>>, %arg5: memref<128x128xf32, #tpu.memory_space<vmem>>, %arg6: memref<10752x128xf32, #tpu.memory_space<vmem_shared>>) attributes {dimension_semantics = [#tpu.dimension_semantics<core_parallel>, #tpu.dimension_semantics<subcore_parallel>], iteration_bounds = array<i64: 2, 16>, scalar_prefetch = 0 : i64, scratch_operands = 3 : i64, tpu.core_type = #tpu.core_type<sc_vector_subcore>, window_params = [{transform_indices = #map}, {transform_indices = #map}]} {
    %mul3A = arith.constant 640 : i32
    %mul3A_0 = arith.muli %arg1, %mul3A : i32
    %ge3A = arith.constant 2 : i32
    %ge3A_1 = arith.cmpi sge, %arg1, %ge3A : i32
    %jit3A = arith.constant 512 : i32
    %jit3A_2 = arith.constant 0 : i32
    %select_n3A = arith.select %ge3A_1, %jit3A, %jit3A_2 : i32
    %add3A = arith.addi %mul3A_0, %select_n3A : i32
    %mul3A_3 = arith.constant 16 : i32
    %mul3A_4 = arith.muli %arg0, %mul3A_3 : i32
    %add3A_5 = arith.addi %mul3A_4, %arg1 : i32
    %broadcast_in_dim3A = arith.constant 0.000000e+00 : f32
    %broadcast_in_dim3A_6 = vector.broadcast %broadcast_in_dim3A : f32 to vector<16xf32>
    %scan3A = arith.constant 0 : i32
    %scan3A_7 = arith.constant 128 : i32
    %scan3A_8 = arith.addi %scan3A, %scan3A_7 : i32
    %scan3A_9 = arith.constant 1 : i32
    scf.for %scan3A_36 = %scan3A to %scan3A_8 step %scan3A_9  : i32 {
      %mul3A_37 = arith.constant 1 : i32
      %mul3A_38 = arith.muli %scan3A_36, %mul3A_37 : i32
      %add3A_39 = arith.constant 0 : i32
      %add3A_40 = arith.addi %add3A_39, %mul3A_38 : i32
      %scan3A_41 = arith.constant 0 : i32
      %scan3A_42 = arith.constant 8 : i32
      %scan3A_43 = arith.addi %scan3A_41, %scan3A_42 : i32
      %scan3A_44 = arith.constant 1 : i32
      scf.for %scan3A_46 = %scan3A_41 to %scan3A_43 step %scan3A_44  : i32 {
        %mul3A_47 = arith.constant 16 : i32
        %mul3A_48 = arith.muli %scan3A_46, %mul3A_47 : i32
        %add3A_49 = arith.constant 0 : i32
        %add3A_50 = arith.addi %add3A_49, %mul3A_48 : i32
        %swap3A = arith.index_cast %add3A_40 : i32 to index
        %swap3A_51 = arith.index_cast %add3A_50 : i32 to index
        %swap3A_52 = tpu.vector_load %arg5[%swap3A, %swap3A_51] {strides = array<i32>} : memref<128x128xf32, #tpu.memory_space<vmem>>, vector<1x16xf32>,
        %swap3A_53 = vector.shape_cast %swap3A_52 : vector<1x16xf32> to vector<16xf32>
        %swap3A_54 = vector.shape_cast %broadcast_in_dim3A_6 : vector<16xf32> to vector<1x16xf32>
        tpu.vector_store %arg5[%swap3A, %swap3A_51], %swap3A_54 {strides = array<i32>} : memref<128x128xf32, #tpu.memory_space<vmem>>, vector<1x16xf32>,
      }
      %scan3A_45 = arith.constant 8 : i32
    }
    %scan3A_10 = arith.constant 128 : i32
    %scan3A_11 = arith.constant 0 : i32
    %scan3A_12 = arith.constant 5 : i32
    %scan3A_13 = arith.addi %scan3A_11, %scan3A_12 : i32
    %scan3A_14 = arith.constant 1 : i32
    scf.for %scan3A_36 = %scan3A_11 to %scan3A_13 step %scan3A_14  : i32 {
      %mul3A_37 = arith.constant 128 : i32
      %mul3A_38 = arith.muli %scan3A_36, %mul3A_37 : i32
      %add3A_39 = arith.constant 0 : i32
      %add3A_40 = arith.addi %add3A_39, %mul3A_38 : i32
      %add3A_41 = arith.addi %add3A, %add3A_40 : i32
      "tpu.region"() ({
        %run_scoped3A = tpu.sem_alloc : memref<!tpu.dma_semaphore, #tpu.memory_space<semaphore_mem>>
        %dma_start3A = arith.constant 0 : i32
        %dma_start3A_42 = tpu.memref_slice %arg6[%add3A_41, %dma_start3A] : memref<10752x128xf32, #tpu.memory_space<vmem_shared>> -> memref<128x128xf32, #tpu.memory_space<vmem_shared>>
        %dma_start3A_43 = arith.constant 0 : i32
        %dma_start3A_44 = tpu.memref_slice %arg6[%add3A_41, %dma_start3A_43] : memref<10752x128xf32, #tpu.memory_space<vmem_shared>> -> memref<128x128xf32, #tpu.memory_space<vmem_shared>>
        tpu.enqueue_dma source(%arg5 : memref<128x128xf32, #tpu.memory_space<vmem>>) target(%dma_start3A_44 : memref<128x128xf32, #tpu.memory_space<vmem_shared>>) target_semaphore(%run_scoped3A : memref<!tpu.dma_semaphore, #tpu.memory_space<semaphore_mem>>)
        %dma_wait3A = arith.constant 0 : i32
        %dma_wait3A_45 = tpu.memref_slice %arg6[%add3A_41, %dma_wait3A] : memref<10752x128xf32, #tpu.memory_space<vmem_shared>> -> memref<128x128xf32, #tpu.memory_space<vmem_shared>>
        %dma_wait3A_46 = arith.constant 0 : i32
        %dma_wait3A_47 = tpu.memref_slice %arg6[%add3A_41, %dma_wait3A_46] : memref<10752x128xf32, #tpu.memory_space<vmem_shared>> -> memref<128x128xf32, #tpu.memory_space<vmem_shared>>
        tpu.wait_dma2 semaphore(%run_scoped3A : memref<!tpu.dma_semaphore, #tpu.memory_space<semaphore_mem>>) src(%arg5 : memref<128x128xf32, #tpu.memory_space<vmem>>) dst(%dma_wait3A_47 : memref<128x128xf32, #tpu.memory_space<vmem_shared>>)
        tpu.yield
      }) : () -> ()
    }
    %scan3A_15 = arith.constant 5 : i32
    %mul3A_16 = arith.constant 40 : i32
    %mul3A_17 = arith.muli %add3A_5, %mul3A_16 : i32
    "tpu.region"() ({
      %run_scoped3A = tpu.sem_alloc : memref<!tpu.dma_semaphore, #tpu.memory_space<semaphore_mem>>
      %dma_start3A = arith.constant 0 : i32
      %dma_start3A_36 = tpu.memref_slice %arg2[%mul3A_17, %dma_start3A] : memref<1280x128xi32, #tpu.memory_space<hbm>> -> memref<40x128xi32, #tpu.memory_space<hbm>>
      %dma_start3A_37 = arith.constant 0 : i32
      %dma_start3A_38 = tpu.memref_slice %arg2[%mul3A_17, %dma_start3A_37] : memref<1280x128xi32, #tpu.memory_space<hbm>> -> memref<40x128xi32, #tpu.memory_space<hbm>>
      tpu.enqueue_dma source(%dma_start3A_38 : memref<40x128xi32, #tpu.memory_space<hbm>>) target(%arg4 : memref<40x128xi32, #tpu.memory_space<vmem>>) target_semaphore(%run_scoped3A : memref<!tpu.dma_semaphore, #tpu.memory_space<semaphore_mem>>)
      %dma_wait3A = arith.constant 0 : i32
      %dma_wait3A_39 = tpu.memref_slice %arg2[%mul3A_17, %dma_wait3A] : memref<1280x128xi32, #tpu.memory_space<hbm>> -> memref<40x128xi32, #tpu.memory_space<hbm>>
      %dma_wait3A_40 = arith.constant 0 : i32
      %dma_wait3A_41 = tpu.memref_slice %arg2[%mul3A_17, %dma_wait3A_40] : memref<1280x128xi32, #tpu.memory_space<hbm>> -> memref<40x128xi32, #tpu.memory_space<hbm>>
      tpu.wait_dma2 semaphore(%run_scoped3A : memref<!tpu.dma_semaphore, #tpu.memory_space<semaphore_mem>>) src(%dma_wait3A_41 : memref<40x128xi32, #tpu.memory_space<hbm>>) dst(%arg4 : memref<40x128xi32, #tpu.memory_space<vmem>>)
      tpu.yield
    }) : () -> ()
    %broadcast_in_dim3A_18 = arith.constant 1.000000e+00 : f32
    %broadcast_in_dim3A_19 = vector.broadcast %broadcast_in_dim3A_18 : f32 to vector<16xf32>
    %scan3A_20 = arith.constant 0 : i32
    %scan3A_21 = arith.constant 128 : i32
    %scan3A_22 = arith.addi %scan3A_20, %scan3A_21 : i32
    %scan3A_23 = arith.constant 1 : i32
    scf.for %scan3A_36 = %scan3A_20 to %scan3A_22 step %scan3A_23  : i32 {
      %mul3A_37 = arith.constant 1 : i32
      %mul3A_38 = arith.muli %scan3A_36, %mul3A_37 : i32
      %add3A_39 = arith.constant 0 : i32
      %add3A_40 = arith.addi %add3A_39, %mul3A_38 : i32
      %scan3A_41 = arith.constant 0 : i32
      %scan3A_42 = arith.constant 8 : i32
      %scan3A_43 = arith.addi %scan3A_41, %scan3A_42 : i32
      %scan3A_44 = arith.constant 1 : i32
      scf.for %scan3A_46 = %scan3A_41 to %scan3A_43 step %scan3A_44  : i32 {
        %mul3A_47 = arith.constant 16 : i32
        %mul3A_48 = arith.muli %scan3A_46, %mul3A_47 : i32
        %add3A_49 = arith.constant 0 : i32
        %add3A_50 = arith.addi %add3A_49, %mul3A_48 : i32
        %swap3A = arith.index_cast %add3A_40 : i32 to index
        %swap3A_51 = arith.index_cast %add3A_50 : i32 to index
        %swap3A_52 = tpu.vector_load %arg5[%swap3A, %swap3A_51] {strides = array<i32>} : memref<128x128xf32, #tpu.memory_space<vmem>>, vector<1x16xf32>,
        %swap3A_53 = vector.shape_cast %swap3A_52 : vector<1x16xf32> to vector<16xf32>
        %swap3A_54 = vector.shape_cast %broadcast_in_dim3A_19 : vector<16xf32> to vector<1x16xf32>
        tpu.vector_store %arg5[%swap3A, %swap3A_51], %swap3A_54 {strides = array<i32>} : memref<128x128xf32, #tpu.memory_space<vmem>>, vector<1x16xf32>,
      }
      %scan3A_45 = arith.constant 8 : i32
    }
    %scan3A_24 = arith.constant 128 : i32
    %barrier3A = arith.constant 0 : index
    tpu.barrier barrier_id(%barrier3A)
    %scan3A_25 = arith.constant 0 : i32
    %scan3A_26 = arith.constant 40 : i32
    %scan3A_27 = arith.addi %scan3A_25, %scan3A_26 : i32
    %scan3A_28 = arith.constant 1 : i32
    scf.for %scan3A_36 = %scan3A_25 to %scan3A_27 step %scan3A_28  : i32 {
      %mul3A_37 = arith.constant 1 : i32
      %mul3A_38 = arith.muli %scan3A_36, %mul3A_37 : i32
      %add3A_39 = arith.constant 0 : i32
      %add3A_40 = arith.addi %add3A_39, %mul3A_38 : i32
      "tpu.region"() ({
        %run_scoped3A = tpu.sem_alloc : memref<!tpu.dma_semaphore, #tpu.memory_space<semaphore_mem>>
        %dma_start3A = arith.constant 0 : i32
        %dma_start3A_41 = tpu.memref_slice %arg4[%add3A_40, %dma_start3A] : memref<40x128xi32, #tpu.memory_space<vmem>> -> memref<1x128xi32, #tpu.memory_space<vmem>>
        %dma_start3A_42 = tpu.memref_squeeze %dma_start3A_41 : memref<1x128xi32, #tpu.memory_space<vmem>> -> memref<128xi32, #tpu.memory_space<vmem>>
        %dma_start3A_43 = arith.constant 0 : i32
        %dma_start3A_44 = arith.constant 0 : i32
        %dma_start3A_45 = tpu.memref_slice %arg6[%dma_start3A_43, %dma_start3A_44] : memref<10752x128xf32, #tpu.memory_space<vmem_shared>> -> memref<10752x128xf32, #tpu.memory_space<vmem_shared>>
        tpu.enqueue_indirect_dma source(%arg5 : memref<128x128xf32, #tpu.memory_space<vmem>>) target(%dma_start3A_45 : memref<10752x128xf32, #tpu.memory_space<vmem_shared>>) offsets(%dma_start3A_42 : memref<128xi32, #tpu.memory_space<vmem>>) semaphore(%run_scoped3A : memref<!tpu.dma_semaphore, #tpu.memory_space<semaphore_mem>>) {add = true}
        %dma_wait3A = arith.constant 0 : i32
        %dma_wait3A_46 = tpu.memref_slice %arg4[%add3A_40, %dma_wait3A] : memref<40x128xi32, #tpu.memory_space<vmem>> -> memref<1x128xi32, #tpu.memory_space<vmem>>
        %dma_wait3A_47 = tpu.memref_squeeze %dma_wait3A_46 : memref<1x128xi32, #tpu.memory_space<vmem>> -> memref<128xi32, #tpu.memory_space<vmem>>
        %dma_wait3A_48 = arith.constant 0 : i32
        %dma_wait3A_49 = arith.constant 0 : i32
        %dma_wait3A_50 = tpu.memref_slice %arg6[%dma_wait3A_48, %dma_wait3A_49] : memref<10752x128xf32, #tpu.memory_space<vmem_shared>> -> memref<10752x128xf32, #tpu.memory_space<vmem_shared>>
        tpu.wait_indirect_dma semaphore(%run_scoped3A : memref<!tpu.dma_semaphore, #tpu.memory_space<semaphore_mem>>) src(%arg5 : memref<128x128xf32, #tpu.memory_space<vmem>>) dst(%dma_wait3A_50 : memref<10752x128xf32, #tpu.memory_space<vmem_shared>>)
        tpu.yield
      }) : () -> ()
    }
    %scan3A_29 = arith.constant 40 : i32
    %barrier3A_30 = arith.constant 0 : index
    tpu.barrier barrier_id(%barrier3A_30)
    %mul3A_31 = arith.constant 10240 : i32
    %mul3A_32 = arith.muli %arg0, %mul3A_31 : i32
    %mul3A_33 = arith.constant 640 : i32
    %mul3A_34 = arith.muli %arg1, %mul3A_33 : i32
    %add3A_35 = arith.addi %mul3A_32, %mul3A_34 : i32
    "tpu.region"() ({
      %run_scoped3A = tpu.sem_alloc : memref<!tpu.dma_semaphore, #tpu.memory_space<semaphore_mem>>
      %dma_start3A = arith.constant 0 : i32
      %dma_start3A_36 = tpu.memref_slice %arg3[%add3A_35, %dma_start3A] : memref<20480x128xf32, #tpu.memory_space<hbm>> -> memref<640x128xf32, #tpu.memory_space<hbm>>
      %dma_start3A_37 = arith.constant 0 : i32
      %dma_start3A_38 = tpu.memref_slice %arg6[%add3A, %dma_start3A_37] : memref<10752x128xf32, #tpu.memory_space<vmem_shared>> -> memref<640x128xf32, #tpu.memory_space<vmem_shared>>
      tpu.enqueue_dma source(%dma_start3A_38 : memref<640x128xf32, #tpu.memory_space<vmem_shared>>) target(%dma_start3A_36 : memref<640x128xf32, #tpu.memory_space<hbm>>) target_semaphore(%run_scoped3A : memref<!tpu.dma_semaphore, #tpu.memory_space<semaphore_mem>>)
      %dma_wait3A = arith.constant 0 : i32
      %dma_wait3A_39 = tpu.memref_slice %arg3[%add3A_35, %dma_wait3A] : memref<20480x128xf32, #tpu.memory_space<hbm>> -> memref<640x128xf32, #tpu.memory_space<hbm>>
      %dma_wait3A_40 = arith.constant 0 : i32
      %dma_wait3A_41 = tpu.memref_slice %arg6[%add3A, %dma_wait3A_40] : memref<10752x128xf32, #tpu.memory_space<vmem_shared>> -> memref<640x128xf32, #tpu.memory_space<vmem_shared>>
      tpu.wait_dma2 semaphore(%run_scoped3A : memref<!tpu.dma_semaphore, #tpu.memory_space<semaphore_mem>>) src(%dma_wait3A_41 : memref<640x128xf32, #tpu.memory_space<vmem_shared>>) dst(%dma_wait3A_39 : memref<640x128xf32, #tpu.memory_space<hbm>>)
      tpu.yield
    }) : () -> ()
    return
  }
}

#map = affine_map<(d0, d1) -> (0, 0)>
module attributes {stable_mosaic.version = 14 : i64} {
  func.func @k(%arg0: i32, %arg1: i32, %arg2: memref<20480x128xf32, #tpu.memory_space<hbm>>, %arg3: memref<2560x128xi32, #tpu.memory_space<hbm>>, %arg4: memref<2560x128xi32, #tpu.memory_space<hbm>>, %arg5: memref<20480x128xf32, #tpu.memory_space<hbm>>, %arg6: memref<4x128xi32, #tpu.memory_space<vmem>>, %arg7: memref<4x128xi32, #tpu.memory_space<vmem>>, %arg8: memref<128x128xf32, #tpu.memory_space<vmem>>, %arg9: memref<128x128xf32, #tpu.memory_space<vmem>>, %arg10: memref<10752x128xf32, #tpu.memory_space<vmem_shared>>, %arg11: memref<!tpu.dma_semaphore, #tpu.memory_space<semaphore_mem>>, %arg12: memref<!tpu.dma_semaphore, #tpu.memory_space<semaphore_mem>>, %arg13: memref<!tpu.dma_semaphore, #tpu.memory_space<semaphore_mem>>, %arg14: memref<!tpu.dma_semaphore, #tpu.memory_space<semaphore_mem>>, %arg15: memref<!tpu.dma_semaphore, #tpu.memory_space<semaphore_mem>>, %arg16: memref<!tpu.dma_semaphore, #tpu.memory_space<semaphore_mem>>, %arg17: memref<!tpu.dma_semaphore, #tpu.memory_space<semaphore_mem>>, %arg18: memref<!tpu.dma_semaphore, #tpu.memory_space<semaphore_mem>>) attributes {dimension_semantics = [#tpu.dimension_semantics<core_parallel>, #tpu.dimension_semantics<subcore_parallel>], iteration_bounds = array<i64: 2, 16>, scalar_prefetch = 0 : i64, scratch_operands = 13 : i64, tpu.core_type = #tpu.core_type<sc_vector_subcore>, window_params = [{transform_indices = #map}, {transform_indices = #map}, {transform_indices = #map}, {transform_indices = #map}]} {
    %mul3A = arith.constant 640 : i32
    %mul3A_0 = arith.muli %arg1, %mul3A : i32
    %ge3A = arith.constant 2 : i32
    %ge3A_1 = arith.cmpi sge, %arg1, %ge3A : i32
    %jit3A = arith.constant 512 : i32
    %jit3A_2 = arith.constant 0 : i32
    %select_n3A = arith.select %ge3A_1, %jit3A, %jit3A_2 : i32
    %add3A = arith.addi %mul3A_0, %select_n3A : i32
    %mul3A_3 = arith.constant 16 : i32
    %mul3A_4 = arith.muli %arg0, %mul3A_3 : i32
    %add3A_5 = arith.addi %mul3A_4, %arg1 : i32
    %mul3A_6 = arith.constant 80 : i32
    %mul3A_7 = arith.muli %add3A_5, %mul3A_6 : i32
    %broadcast_in_dim3A = arith.constant 0.000000e+00 : f32
    %broadcast_in_dim3A_8 = vector.broadcast %broadcast_in_dim3A : f32 to vector<16xf32>
    %scan3A = arith.constant 0 : i32
    %scan3A_9 = arith.constant 128 : i32
    %scan3A_10 = arith.addi %scan3A, %scan3A_9 : i32
    %scan3A_11 = arith.constant 1 : i32
    scf.for %scan3A_371 = %scan3A to %scan3A_10 step %scan3A_11  : i32 {
      %mul3A_372 = arith.constant 1 : i32
      %mul3A_373 = arith.muli %scan3A_371, %mul3A_372 : i32
      %add3A_374 = arith.constant 0 : i32
      %add3A_375 = arith.addi %add3A_374, %mul3A_373 : i32
      %scan3A_376 = arith.constant 0 : i32
      %scan3A_377 = arith.constant 8 : i32
      %scan3A_378 = arith.addi %scan3A_376, %scan3A_377 : i32
      %scan3A_379 = arith.constant 1 : i32
      scf.for %scan3A_381 = %scan3A_376 to %scan3A_378 step %scan3A_379  : i32 {
        %mul3A_382 = arith.constant 16 : i32
        %mul3A_383 = arith.muli %scan3A_381, %mul3A_382 : i32
        %add3A_384 = arith.constant 0 : i32
        %add3A_385 = arith.addi %add3A_384, %mul3A_383 : i32
        %swap3A = arith.index_cast %add3A_375 : i32 to index
        %swap3A_386 = arith.index_cast %add3A_385 : i32 to index
        %swap3A_387 = tpu.vector_load %arg8[%swap3A, %swap3A_386] {strides = array<i32>} : memref<128x128xf32, #tpu.memory_space<vmem>>, vector<1x16xf32>,
        %swap3A_388 = vector.shape_cast %swap3A_387 : vector<1x16xf32> to vector<16xf32>
        %swap3A_389 = vector.shape_cast %broadcast_in_dim3A_8 : vector<16xf32> to vector<1x16xf32>
        tpu.vector_store %arg8[%swap3A, %swap3A_386], %swap3A_389 {strides = array<i32>} : memref<128x128xf32, #tpu.memory_space<vmem>>, vector<1x16xf32>,
      }
      %scan3A_380 = arith.constant 8 : i32
    }
    %scan3A_12 = arith.constant 128 : i32
    %scan3A_13 = arith.constant 0 : i32
    %scan3A_14 = arith.constant 5 : i32
    %scan3A_15 = arith.addi %scan3A_13, %scan3A_14 : i32
    %scan3A_16 = arith.constant 1 : i32
    scf.for %scan3A_371 = %scan3A_13 to %scan3A_15 step %scan3A_16  : i32 {
      %mul3A_372 = arith.constant 128 : i32
      %mul3A_373 = arith.muli %scan3A_371, %mul3A_372 : i32
      %add3A_374 = arith.constant 0 : i32
      %add3A_375 = arith.addi %add3A_374, %mul3A_373 : i32
      %add3A_376 = arith.addi %add3A, %add3A_375 : i32
      "tpu.region"() ({
        %run_scoped3A = tpu.sem_alloc : memref<!tpu.dma_semaphore, #tpu.memory_space<semaphore_mem>>
        %dma_start3A_377 = arith.constant 0 : i32
        %dma_start3A_378 = tpu.memref_slice %arg10[%add3A_376, %dma_start3A_377] : memref<10752x128xf32, #tpu.memory_space<vmem_shared>> -> memref<128x128xf32, #tpu.memory_space<vmem_shared>>
        %dma_start3A_379 = arith.constant 0 : i32
        %dma_start3A_380 = tpu.memref_slice %arg10[%add3A_376, %dma_start3A_379] : memref<10752x128xf32, #tpu.memory_space<vmem_shared>> -> memref<128x128xf32, #tpu.memory_space<vmem_shared>>
        tpu.enqueue_dma source(%arg8 : memref<128x128xf32, #tpu.memory_space<vmem>>) target(%dma_start3A_380 : memref<128x128xf32, #tpu.memory_space<vmem_shared>>) target_semaphore(%run_scoped3A : memref<!tpu.dma_semaphore, #tpu.memory_space<semaphore_mem>>)
        %dma_wait3A_381 = arith.constant 0 : i32
        %dma_wait3A_382 = tpu.memref_slice %arg10[%add3A_376, %dma_wait3A_381] : memref<10752x128xf32, #tpu.memory_space<vmem_shared>> -> memref<128x128xf32, #tpu.memory_space<vmem_shared>>
        %dma_wait3A_383 = arith.constant 0 : i32
        %dma_wait3A_384 = tpu.memref_slice %arg10[%add3A_376, %dma_wait3A_383] : memref<10752x128xf32, #tpu.memory_space<vmem_shared>> -> memref<128x128xf32, #tpu.memory_space<vmem_shared>>
        tpu.wait_dma2 semaphore(%run_scoped3A : memref<!tpu.dma_semaphore, #tpu.memory_space<semaphore_mem>>) src(%arg8 : memref<128x128xf32, #tpu.memory_space<vmem>>) dst(%dma_wait3A_384 : memref<128x128xf32, #tpu.memory_space<vmem_shared>>)
        tpu.yield
      }) : () -> ()
    }
    %scan3A_17 = arith.constant 5 : i32
    %barrier3A = arith.constant 0 : index
    tpu.barrier barrier_id(%barrier3A)
    %add3A_18 = arith.constant 0 : i32
    %add3A_19 = arith.addi %mul3A_7, %add3A_18 : i32
    %dma_start3A = arith.constant 0 : i32
    %dma_start3A_20 = arith.constant 0 : i32
    %dma_start3A_21 = tpu.memref_slice %arg6[%dma_start3A, %dma_start3A_20] : memref<4x128xi32, #tpu.memory_space<vmem>> -> memref<1x128xi32, #tpu.memory_space<vmem>>
    %dma_start3A_22 = tpu.memref_squeeze %dma_start3A_21 : memref<1x128xi32, #tpu.memory_space<vmem>> -> memref<128xi32, #tpu.memory_space<vmem>>
    %dma_start3A_23 = arith.constant 0 : i32
    %dma_start3A_24 = tpu.memref_slice %arg3[%add3A_19, %dma_start3A_23] : memref<2560x128xi32, #tpu.memory_space<hbm>> -> memref<1x128xi32, #tpu.memory_space<hbm>>
    %dma_start3A_25 = tpu.memref_squeeze %dma_start3A_24 : memref<1x128xi32, #tpu.memory_space<hbm>> -> memref<128xi32, #tpu.memory_space<hbm>>
    %dma_start3A_26 = arith.constant 0 : i32
    %dma_start3A_27 = tpu.memref_slice %arg6[%dma_start3A, %dma_start3A_26] : memref<4x128xi32, #tpu.memory_space<vmem>> -> memref<1x128xi32, #tpu.memory_space<vmem>>
    %dma_start3A_28 = tpu.memref_squeeze %dma_start3A_27 : memref<1x128xi32, #tpu.memory_space<vmem>> -> memref<128xi32, #tpu.memory_space<vmem>>
    %dma_start3A_29 = arith.constant 0 : i32
    %dma_start3A_30 = tpu.memref_slice %arg3[%add3A_19, %dma_start3A_29] : memref<2560x128xi32, #tpu.memory_space<hbm>> -> memref<1x128xi32, #tpu.memory_space<hbm>>
    %dma_start3A_31 = tpu.memref_squeeze %dma_start3A_30 : memref<1x128xi32, #tpu.memory_space<hbm>> -> memref<128xi32, #tpu.memory_space<hbm>>
    tpu.enqueue_dma source(%dma_start3A_31 : memref<128xi32, #tpu.memory_space<hbm>>) target(%dma_start3A_28 : memref<128xi32, #tpu.memory_space<vmem>>) target_semaphore(%arg13 : memref<!tpu.dma_semaphore, #tpu.memory_space<semaphore_mem>>)
    %add3A_32 = arith.constant 0 : i32
    %add3A_33 = arith.addi %mul3A_7, %add3A_32 : i32
    %dma_start3A_34 = arith.constant 0 : i32
    %dma_start3A_35 = arith.constant 0 : i32
    %dma_start3A_36 = tpu.memref_slice %arg7[%dma_start3A_34, %dma_start3A_35] : memref<4x128xi32, #tpu.memory_space<vmem>> -> memref<1x128xi32, #tpu.memory_space<vmem>>
    %dma_start3A_37 = tpu.memref_squeeze %dma_start3A_36 : memref<1x128xi32, #tpu.memory_space<vmem>> -> memref<128xi32, #tpu.memory_space<vmem>>
    %dma_start3A_38 = arith.constant 0 : i32
    %dma_start3A_39 = tpu.memref_slice %arg4[%add3A_33, %dma_start3A_38] : memref<2560x128xi32, #tpu.memory_space<hbm>> -> memref<1x128xi32, #tpu.memory_space<hbm>>
    %dma_start3A_40 = tpu.memref_squeeze %dma_start3A_39 : memref<1x128xi32, #tpu.memory_space<hbm>> -> memref<128xi32, #tpu.memory_space<hbm>>
    %dma_start3A_41 = arith.constant 0 : i32
    %dma_start3A_42 = tpu.memref_slice %arg7[%dma_start3A_34, %dma_start3A_41] : memref<4x128xi32, #tpu.memory_space<vmem>> -> memref<1x128xi32, #tpu.memory_space<vmem>>
    %dma_start3A_43 = tpu.memref_squeeze %dma_start3A_42 : memref<1x128xi32, #tpu.memory_space<vmem>> -> memref<128xi32, #tpu.memory_space<vmem>>
    %dma_start3A_44 = arith.constant 0 : i32
    %dma_start3A_45 = tpu.memref_slice %arg4[%add3A_33, %dma_start3A_44] : memref<2560x128xi32, #tpu.memory_space<hbm>> -> memref<1x128xi32, #tpu.memory_space<hbm>>
    %dma_start3A_46 = tpu.memref_squeeze %dma_start3A_45 : memref<1x128xi32, #tpu.memory_space<hbm>> -> memref<128xi32, #tpu.memory_space<hbm>>
    tpu.enqueue_dma source(%dma_start3A_46 : memref<128xi32, #tpu.memory_space<hbm>>) target(%dma_start3A_43 : memref<128xi32, #tpu.memory_space<vmem>>) target_semaphore(%arg13 : memref<!tpu.dma_semaphore, #tpu.memory_space<semaphore_mem>>)
    %add3A_47 = arith.constant 1 : i32
    %add3A_48 = arith.addi %mul3A_7, %add3A_47 : i32
    %dma_start3A_49 = arith.constant 1 : i32
    %dma_start3A_50 = arith.constant 0 : i32
    %dma_start3A_51 = tpu.memref_slice %arg6[%dma_start3A_49, %dma_start3A_50] : memref<4x128xi32, #tpu.memory_space<vmem>> -> memref<1x128xi32, #tpu.memory_space<vmem>>
    %dma_start3A_52 = tpu.memref_squeeze %dma_start3A_51 : memref<1x128xi32, #tpu.memory_space<vmem>> -> memref<128xi32, #tpu.memory_space<vmem>>
    %dma_start3A_53 = arith.constant 0 : i32
    %dma_start3A_54 = tpu.memref_slice %arg3[%add3A_48, %dma_start3A_53] : memref<2560x128xi32, #tpu.memory_space<hbm>> -> memref<1x128xi32, #tpu.memory_space<hbm>>
    %dma_start3A_55 = tpu.memref_squeeze %dma_start3A_54 : memref<1x128xi32, #tpu.memory_space<hbm>> -> memref<128xi32, #tpu.memory_space<hbm>>
    %dma_start3A_56 = arith.constant 0 : i32
    %dma_start3A_57 = tpu.memref_slice %arg6[%dma_start3A_49, %dma_start3A_56] : memref<4x128xi32, #tpu.memory_space<vmem>> -> memref<1x128xi32, #tpu.memory_space<vmem>>
    %dma_start3A_58 = tpu.memref_squeeze %dma_start3A_57 : memref<1x128xi32, #tpu.memory_space<vmem>> -> memref<128xi32, #tpu.memory_space<vmem>>
    %dma_start3A_59 = arith.constant 0 : i32
    %dma_start3A_60 = tpu.memref_slice %arg3[%add3A_48, %dma_start3A_59] : memref<2560x128xi32, #tpu.memory_space<hbm>> -> memref<1x128xi32, #tpu.memory_space<hbm>>
    %dma_start3A_61 = tpu.memref_squeeze %dma_start3A_60 : memref<1x128xi32, #tpu.memory_space<hbm>> -> memref<128xi32, #tpu.memory_space<hbm>>
    tpu.enqueue_dma source(%dma_start3A_61 : memref<128xi32, #tpu.memory_space<hbm>>) target(%dma_start3A_58 : memref<128xi32, #tpu.memory_space<vmem>>) target_semaphore(%arg14 : memref<!tpu.dma_semaphore, #tpu.memory_space<semaphore_mem>>)
    %add3A_62 = arith.constant 1 : i32
    %add3A_63 = arith.addi %mul3A_7, %add3A_62 : i32
    %dma_start3A_64 = arith.constant 1 : i32
    %dma_start3A_65 = arith.constant 0 : i32
    %dma_start3A_66 = tpu.memref_slice %arg7[%dma_start3A_64, %dma_start3A_65] : memref<4x128xi32, #tpu.memory_space<vmem>> -> memref<1x128xi32, #tpu.memory_space<vmem>>
    %dma_start3A_67 = tpu.memref_squeeze %dma_start3A_66 : memref<1x128xi32, #tpu.memory_space<vmem>> -> memref<128xi32, #tpu.memory_space<vmem>>
    %dma_start3A_68 = arith.constant 0 : i32
    %dma_start3A_69 = tpu.memref_slice %arg4[%add3A_63, %dma_start3A_68] : memref<2560x128xi32, #tpu.memory_space<hbm>> -> memref<1x128xi32, #tpu.memory_space<hbm>>
    %dma_start3A_70 = tpu.memref_squeeze %dma_start3A_69 : memref<1x128xi32, #tpu.memory_space<hbm>> -> memref<128xi32, #tpu.memory_space<hbm>>
    %dma_start3A_71 = arith.constant 0 : i32
    %dma_start3A_72 = tpu.memref_slice %arg7[%dma_start3A_64, %dma_start3A_71] : memref<4x128xi32, #tpu.memory_space<vmem>> -> memref<1x128xi32, #tpu.memory_space<vmem>>
    %dma_start3A_73 = tpu.memref_squeeze %dma_start3A_72 : memref<1x128xi32, #tpu.memory_space<vmem>> -> memref<128xi32, #tpu.memory_space<vmem>>
    %dma_start3A_74 = arith.constant 0 : i32
    %dma_start3A_75 = tpu.memref_slice %arg4[%add3A_63, %dma_start3A_74] : memref<2560x128xi32, #tpu.memory_space<hbm>> -> memref<1x128xi32, #tpu.memory_space<hbm>>
    %dma_start3A_76 = tpu.memref_squeeze %dma_start3A_75 : memref<1x128xi32, #tpu.memory_space<hbm>> -> memref<128xi32, #tpu.memory_space<hbm>>
    tpu.enqueue_dma source(%dma_start3A_76 : memref<128xi32, #tpu.memory_space<hbm>>) target(%dma_start3A_73 : memref<128xi32, #tpu.memory_space<vmem>>) target_semaphore(%arg14 : memref<!tpu.dma_semaphore, #tpu.memory_space<semaphore_mem>>)
    %add3A_77 = arith.constant 2 : i32
    %add3A_78 = arith.addi %mul3A_7, %add3A_77 : i32
    %dma_start3A_79 = arith.constant 2 : i32
    %dma_start3A_80 = arith.constant 0 : i32
    %dma_start3A_81 = tpu.memref_slice %arg6[%dma_start3A_79, %dma_start3A_80] : memref<4x128xi32, #tpu.memory_space<vmem>> -> memref<1x128xi32, #tpu.memory_space<vmem>>
    %dma_start3A_82 = tpu.memref_squeeze %dma_start3A_81 : memref<1x128xi32, #tpu.memory_space<vmem>> -> memref<128xi32, #tpu.memory_space<vmem>>
    %dma_start3A_83 = arith.constant 0 : i32
    %dma_start3A_84 = tpu.memref_slice %arg3[%add3A_78, %dma_start3A_83] : memref<2560x128xi32, #tpu.memory_space<hbm>> -> memref<1x128xi32, #tpu.memory_space<hbm>>
    %dma_start3A_85 = tpu.memref_squeeze %dma_start3A_84 : memref<1x128xi32, #tpu.memory_space<hbm>> -> memref<128xi32, #tpu.memory_space<hbm>>
    %dma_start3A_86 = arith.constant 0 : i32
    %dma_start3A_87 = tpu.memref_slice %arg6[%dma_start3A_79, %dma_start3A_86] : memref<4x128xi32, #tpu.memory_space<vmem>> -> memref<1x128xi32, #tpu.memory_space<vmem>>
    %dma_start3A_88 = tpu.memref_squeeze %dma_start3A_87 : memref<1x128xi32, #tpu.memory_space<vmem>> -> memref<128xi32, #tpu.memory_space<vmem>>
    %dma_start3A_89 = arith.constant 0 : i32
    %dma_start3A_90 = tpu.memref_slice %arg3[%add3A_78, %dma_start3A_89] : memref<2560x128xi32, #tpu.memory_space<hbm>> -> memref<1x128xi32, #tpu.memory_space<hbm>>
    %dma_start3A_91 = tpu.memref_squeeze %dma_start3A_90 : memref<1x128xi32, #tpu.memory_space<hbm>> -> memref<128xi32, #tpu.memory_space<hbm>>
    tpu.enqueue_dma source(%dma_start3A_91 : memref<128xi32, #tpu.memory_space<hbm>>) target(%dma_start3A_88 : memref<128xi32, #tpu.memory_space<vmem>>) target_semaphore(%arg15 : memref<!tpu.dma_semaphore, #tpu.memory_space<semaphore_mem>>)
    %add3A_92 = arith.constant 2 : i32
    %add3A_93 = arith.addi %mul3A_7, %add3A_92 : i32
    %dma_start3A_94 = arith.constant 2 : i32
    %dma_start3A_95 = arith.constant 0 : i32
    %dma_start3A_96 = tpu.memref_slice %arg7[%dma_start3A_94, %dma_start3A_95] : memref<4x128xi32, #tpu.memory_space<vmem>> -> memref<1x128xi32, #tpu.memory_space<vmem>>
    %dma_start3A_97 = tpu.memref_squeeze %dma_start3A_96 : memref<1x128xi32, #tpu.memory_space<vmem>> -> memref<128xi32, #tpu.memory_space<vmem>>
    %dma_start3A_98 = arith.constant 0 : i32
    %dma_start3A_99 = tpu.memref_slice %arg4[%add3A_93, %dma_start3A_98] : memref<2560x128xi32, #tpu.memory_space<hbm>> -> memref<1x128xi32, #tpu.memory_space<hbm>>
    %dma_start3A_100 = tpu.memref_squeeze %dma_start3A_99 : memref<1x128xi32, #tpu.memory_space<hbm>> -> memref<128xi32, #tpu.memory_space<hbm>>
    %dma_start3A_101 = arith.constant 0 : i32
    %dma_start3A_102 = tpu.memref_slice %arg7[%dma_start3A_94, %dma_start3A_101] : memref<4x128xi32, #tpu.memory_space<vmem>> -> memref<1x128xi32, #tpu.memory_space<vmem>>
    %dma_start3A_103 = tpu.memref_squeeze %dma_start3A_102 : memref<1x128xi32, #tpu.memory_space<vmem>> -> memref<128xi32, #tpu.memory_space<vmem>>
    %dma_start3A_104 = arith.constant 0 : i32
    %dma_start3A_105 = tpu.memref_slice %arg4[%add3A_93, %dma_start3A_104] : memref<2560x128xi32, #tpu.memory_space<hbm>> -> memref<1x128xi32, #tpu.memory_space<hbm>>
    %dma_start3A_106 = tpu.memref_squeeze %dma_start3A_105 : memref<1x128xi32, #tpu.memory_space<hbm>> -> memref<128xi32, #tpu.memory_space<hbm>>
    tpu.enqueue_dma source(%dma_start3A_106 : memref<128xi32, #tpu.memory_space<hbm>>) target(%dma_start3A_103 : memref<128xi32, #tpu.memory_space<vmem>>) target_semaphore(%arg15 : memref<!tpu.dma_semaphore, #tpu.memory_space<semaphore_mem>>)
    %add3A_107 = arith.constant 3 : i32
    %add3A_108 = arith.addi %mul3A_7, %add3A_107 : i32
    %dma_start3A_109 = arith.constant 3 : i32
    %dma_start3A_110 = arith.constant 0 : i32
    %dma_start3A_111 = tpu.memref_slice %arg6[%dma_start3A_109, %dma_start3A_110] : memref<4x128xi32, #tpu.memory_space<vmem>> -> memref<1x128xi32, #tpu.memory_space<vmem>>
    %dma_start3A_112 = tpu.memref_squeeze %dma_start3A_111 : memref<1x128xi32, #tpu.memory_space<vmem>> -> memref<128xi32, #tpu.memory_space<vmem>>
    %dma_start3A_113 = arith.constant 0 : i32
    %dma_start3A_114 = tpu.memref_slice %arg3[%add3A_108, %dma_start3A_113] : memref<2560x128xi32, #tpu.memory_space<hbm>> -> memref<1x128xi32, #tpu.memory_space<hbm>>
    %dma_start3A_115 = tpu.memref_squeeze %dma_start3A_114 : memref<1x128xi32, #tpu.memory_space<hbm>> -> memref<128xi32, #tpu.memory_space<hbm>>
    %dma_start3A_116 = arith.constant 0 : i32
    %dma_start3A_117 = tpu.memref_slice %arg6[%dma_start3A_109, %dma_start3A_116] : memref<4x128xi32, #tpu.memory_space<vmem>> -> memref<1x128xi32, #tpu.memory_space<vmem>>
    %dma_start3A_118 = tpu.memref_squeeze %dma_start3A_117 : memref<1x128xi32, #tpu.memory_space<vmem>> -> memref<128xi32, #tpu.memory_space<vmem>>
    %dma_start3A_119 = arith.constant 0 : i32
    %dma_start3A_120 = tpu.memref_slice %arg3[%add3A_108, %dma_start3A_119] : memref<2560x128xi32, #tpu.memory_space<hbm>> -> memref<1x128xi32, #tpu.memory_space<hbm>>
    %dma_start3A_121 = tpu.memref_squeeze %dma_start3A_120 : memref<1x128xi32, #tpu.memory_space<hbm>> -> memref<128xi32, #tpu.memory_space<hbm>>
    tpu.enqueue_dma source(%dma_start3A_121 : memref<128xi32, #tpu.memory_space<hbm>>) target(%dma_start3A_118 : memref<128xi32, #tpu.memory_space<vmem>>) target_semaphore(%arg16 : memref<!tpu.dma_semaphore, #tpu.memory_space<semaphore_mem>>)
    %add3A_122 = arith.constant 3 : i32
    %add3A_123 = arith.addi %mul3A_7, %add3A_122 : i32
    %dma_start3A_124 = arith.constant 3 : i32
    %dma_start3A_125 = arith.constant 0 : i32
    %dma_start3A_126 = tpu.memref_slice %arg7[%dma_start3A_124, %dma_start3A_125] : memref<4x128xi32, #tpu.memory_space<vmem>> -> memref<1x128xi32, #tpu.memory_space<vmem>>
    %dma_start3A_127 = tpu.memref_squeeze %dma_start3A_126 : memref<1x128xi32, #tpu.memory_space<vmem>> -> memref<128xi32, #tpu.memory_space<vmem>>
    %dma_start3A_128 = arith.constant 0 : i32
    %dma_start3A_129 = tpu.memref_slice %arg4[%add3A_123, %dma_start3A_128] : memref<2560x128xi32, #tpu.memory_space<hbm>> -> memref<1x128xi32, #tpu.memory_space<hbm>>
    %dma_start3A_130 = tpu.memref_squeeze %dma_start3A_129 : memref<1x128xi32, #tpu.memory_space<hbm>> -> memref<128xi32, #tpu.memory_space<hbm>>
    %dma_start3A_131 = arith.constant 0 : i32
    %dma_start3A_132 = tpu.memref_slice %arg7[%dma_start3A_124, %dma_start3A_131] : memref<4x128xi32, #tpu.memory_space<vmem>> -> memref<1x128xi32, #tpu.memory_space<vmem>>
    %dma_start3A_133 = tpu.memref_squeeze %dma_start3A_132 : memref<1x128xi32, #tpu.memory_space<vmem>> -> memref<128xi32, #tpu.memory_space<vmem>>
    %dma_start3A_134 = arith.constant 0 : i32
    %dma_start3A_135 = tpu.memref_slice %arg4[%add3A_123, %dma_start3A_134] : memref<2560x128xi32, #tpu.memory_space<hbm>> -> memref<1x128xi32, #tpu.memory_space<hbm>>
    %dma_start3A_136 = tpu.memref_squeeze %dma_start3A_135 : memref<1x128xi32, #tpu.memory_space<hbm>> -> memref<128xi32, #tpu.memory_space<hbm>>
    tpu.enqueue_dma source(%dma_start3A_136 : memref<128xi32, #tpu.memory_space<hbm>>) target(%dma_start3A_133 : memref<128xi32, #tpu.memory_space<vmem>>) target_semaphore(%arg16 : memref<!tpu.dma_semaphore, #tpu.memory_space<semaphore_mem>>)
    %dma_wait3A = arith.constant 0 : i32
    %dma_wait3A_137 = arith.constant 0 : i32
    %dma_wait3A_138 = arith.constant 0 : i32
    %dma_wait3A_139 = tpu.memref_slice %arg6[%dma_wait3A_137, %dma_wait3A_138] : memref<4x128xi32, #tpu.memory_space<vmem>> -> memref<1x128xi32, #tpu.memory_space<vmem>>
    %dma_wait3A_140 = tpu.memref_squeeze %dma_wait3A_139 : memref<1x128xi32, #tpu.memory_space<vmem>> -> memref<128xi32, #tpu.memory_space<vmem>>
    %dma_wait3A_141 = arith.constant 0 : i32
    %dma_wait3A_142 = tpu.memref_slice %arg3[%dma_wait3A, %dma_wait3A_141] : memref<2560x128xi32, #tpu.memory_space<hbm>> -> memref<1x128xi32, #tpu.memory_space<hbm>>
    %dma_wait3A_143 = tpu.memref_squeeze %dma_wait3A_142 : memref<1x128xi32, #tpu.memory_space<hbm>> -> memref<128xi32, #tpu.memory_space<hbm>>
    %dma_wait3A_144 = arith.constant 0 : i32
    %dma_wait3A_145 = tpu.memref_slice %arg6[%dma_wait3A_137, %dma_wait3A_144] : memref<4x128xi32, #tpu.memory_space<vmem>> -> memref<1x128xi32, #tpu.memory_space<vmem>>
    %dma_wait3A_146 = tpu.memref_squeeze %dma_wait3A_145 : memref<1x128xi32, #tpu.memory_space<vmem>> -> memref<128xi32, #tpu.memory_space<vmem>>
    %dma_wait3A_147 = arith.constant 0 : i32
    %dma_wait3A_148 = tpu.memref_slice %arg3[%dma_wait3A, %dma_wait3A_147] : memref<2560x128xi32, #tpu.memory_space<hbm>> -> memref<1x128xi32, #tpu.memory_space<hbm>>
    %dma_wait3A_149 = tpu.memref_squeeze %dma_wait3A_148 : memref<1x128xi32, #tpu.memory_space<hbm>> -> memref<128xi32, #tpu.memory_space<hbm>>
    tpu.wait_dma2 semaphore(%arg13 : memref<!tpu.dma_semaphore, #tpu.memory_space<semaphore_mem>>) src(%dma_wait3A_149 : memref<128xi32, #tpu.memory_space<hbm>>) dst(%dma_wait3A_146 : memref<128xi32, #tpu.memory_space<vmem>>)
    %dma_wait3A_150 = arith.constant 0 : i32
    %dma_wait3A_151 = arith.constant 0 : i32
    %dma_wait3A_152 = arith.constant 0 : i32
    %dma_wait3A_153 = tpu.memref_slice %arg7[%dma_wait3A_151, %dma_wait3A_152] : memref<4x128xi32, #tpu.memory_space<vmem>> -> memref<1x128xi32, #tpu.memory_space<vmem>>
    %dma_wait3A_154 = tpu.memref_squeeze %dma_wait3A_153 : memref<1x128xi32, #tpu.memory_space<vmem>> -> memref<128xi32, #tpu.memory_space<vmem>>
    %dma_wait3A_155 = arith.constant 0 : i32
    %dma_wait3A_156 = tpu.memref_slice %arg4[%dma_wait3A_150, %dma_wait3A_155] : memref<2560x128xi32, #tpu.memory_space<hbm>> -> memref<1x128xi32, #tpu.memory_space<hbm>>
    %dma_wait3A_157 = tpu.memref_squeeze %dma_wait3A_156 : memref<1x128xi32, #tpu.memory_space<hbm>> -> memref<128xi32, #tpu.memory_space<hbm>>
    %dma_wait3A_158 = arith.constant 0 : i32
    %dma_wait3A_159 = tpu.memref_slice %arg7[%dma_wait3A_151, %dma_wait3A_158] : memref<4x128xi32, #tpu.memory_space<vmem>> -> memref<1x128xi32, #tpu.memory_space<vmem>>
    %dma_wait3A_160 = tpu.memref_squeeze %dma_wait3A_159 : memref<1x128xi32, #tpu.memory_space<vmem>> -> memref<128xi32, #tpu.memory_space<vmem>>
    %dma_wait3A_161 = arith.constant 0 : i32
    %dma_wait3A_162 = tpu.memref_slice %arg4[%dma_wait3A_150, %dma_wait3A_161] : memref<2560x128xi32, #tpu.memory_space<hbm>> -> memref<1x128xi32, #tpu.memory_space<hbm>>
    %dma_wait3A_163 = tpu.memref_squeeze %dma_wait3A_162 : memref<1x128xi32, #tpu.memory_space<hbm>> -> memref<128xi32, #tpu.memory_space<hbm>>
    tpu.wait_dma2 semaphore(%arg13 : memref<!tpu.dma_semaphore, #tpu.memory_space<semaphore_mem>>) src(%dma_wait3A_163 : memref<128xi32, #tpu.memory_space<hbm>>) dst(%dma_wait3A_160 : memref<128xi32, #tpu.memory_space<vmem>>)
    %dma_start3A_164 = arith.constant 0 : i32
    %dma_start3A_165 = arith.constant 0 : i32
    %dma_start3A_166 = tpu.memref_slice %arg6[%dma_start3A_164, %dma_start3A_165] : memref<4x128xi32, #tpu.memory_space<vmem>> -> memref<1x128xi32, #tpu.memory_space<vmem>>
    %dma_start3A_167 = tpu.memref_squeeze %dma_start3A_166 : memref<1x128xi32, #tpu.memory_space<vmem>> -> memref<128xi32, #tpu.memory_space<vmem>>
    %dma_start3A_168 = arith.constant 0 : i32
    %dma_start3A_169 = arith.constant 0 : i32
    %dma_start3A_170 = tpu.memref_slice %arg2[%dma_start3A_168, %dma_start3A_169] : memref<20480x128xf32, #tpu.memory_space<hbm>> -> memref<20480x128xf32, #tpu.memory_space<hbm>>
    tpu.enqueue_indirect_dma source(%dma_start3A_170 : memref<20480x128xf32, #tpu.memory_space<hbm>>) target(%arg8 : memref<128x128xf32, #tpu.memory_space<vmem>>) offsets(%dma_start3A_167 : memref<128xi32, #tpu.memory_space<vmem>>) semaphore(%arg11 : memref<!tpu.dma_semaphore, #tpu.memory_space<semaphore_mem>>)
    %dma_wait3A_171 = arith.constant 0 : i32
    %dma_wait3A_172 = arith.constant 1 : i32
    %dma_wait3A_173 = arith.constant 0 : i32
    %dma_wait3A_174 = tpu.memref_slice %arg6[%dma_wait3A_172, %dma_wait3A_173] : memref<4x128xi32, #tpu.memory_space<vmem>> -> memref<1x128xi32, #tpu.memory_space<vmem>>
    %dma_wait3A_175 = tpu.memref_squeeze %dma_wait3A_174 : memref<1x128xi32, #tpu.memory_space<vmem>> -> memref<128xi32, #tpu.memory_space<vmem>>
    %dma_wait3A_176 = arith.constant 0 : i32
    %dma_wait3A_177 = tpu.memref_slice %arg3[%dma_wait3A_171, %dma_wait3A_176] : memref<2560x128xi32, #tpu.memory_space<hbm>> -> memref<1x128xi32, #tpu.memory_space<hbm>>
    %dma_wait3A_178 = tpu.memref_squeeze %dma_wait3A_177 : memref<1x128xi32, #tpu.memory_space<hbm>> -> memref<128xi32, #tpu.memory_space<hbm>>
    %dma_wait3A_179 = arith.constant 0 : i32
    %dma_wait3A_180 = tpu.memref_slice %arg6[%dma_wait3A_172, %dma_wait3A_179] : memref<4x128xi32, #tpu.memory_space<vmem>> -> memref<1x128xi32, #tpu.memory_space<vmem>>
    %dma_wait3A_181 = tpu.memref_squeeze %dma_wait3A_180 : memref<1x128xi32, #tpu.memory_space<vmem>> -> memref<128xi32, #tpu.memory_space<vmem>>
    %dma_wait3A_182 = arith.constant 0 : i32
    %dma_wait3A_183 = tpu.memref_slice %arg3[%dma_wait3A_171, %dma_wait3A_182] : memref<2560x128xi32, #tpu.memory_space<hbm>> -> memref<1x128xi32, #tpu.memory_space<hbm>>
    %dma_wait3A_184 = tpu.memref_squeeze %dma_wait3A_183 : memref<1x128xi32, #tpu.memory_space<hbm>> -> memref<128xi32, #tpu.memory_space<hbm>>
    tpu.wait_dma2 semaphore(%arg14 : memref<!tpu.dma_semaphore, #tpu.memory_space<semaphore_mem>>) src(%dma_wait3A_184 : memref<128xi32, #tpu.memory_space<hbm>>) dst(%dma_wait3A_181 : memref<128xi32, #tpu.memory_space<vmem>>)
    %dma_wait3A_185 = arith.constant 0 : i32
    %dma_wait3A_186 = arith.constant 1 : i32
    %dma_wait3A_187 = arith.constant 0 : i32
    %dma_wait3A_188 = tpu.memref_slice %arg7[%dma_wait3A_186, %dma_wait3A_187] : memref<4x128xi32, #tpu.memory_space<vmem>> -> memref<1x128xi32, #tpu.memory_space<vmem>>
    %dma_wait3A_189 = tpu.memref_squeeze %dma_wait3A_188 : memref<1x128xi32, #tpu.memory_space<vmem>> -> memref<128xi32, #tpu.memory_space<vmem>>
    %dma_wait3A_190 = arith.constant 0 : i32
    %dma_wait3A_191 = tpu.memref_slice %arg4[%dma_wait3A_185, %dma_wait3A_190] : memref<2560x128xi32, #tpu.memory_space<hbm>> -> memref<1x128xi32, #tpu.memory_space<hbm>>
    %dma_wait3A_192 = tpu.memref_squeeze %dma_wait3A_191 : memref<1x128xi32, #tpu.memory_space<hbm>> -> memref<128xi32, #tpu.memory_space<hbm>>
    %dma_wait3A_193 = arith.constant 0 : i32
    %dma_wait3A_194 = tpu.memref_slice %arg7[%dma_wait3A_186, %dma_wait3A_193] : memref<4x128xi32, #tpu.memory_space<vmem>> -> memref<1x128xi32, #tpu.memory_space<vmem>>
    %dma_wait3A_195 = tpu.memref_squeeze %dma_wait3A_194 : memref<1x128xi32, #tpu.memory_space<vmem>> -> memref<128xi32, #tpu.memory_space<vmem>>
    %dma_wait3A_196 = arith.constant 0 : i32
    %dma_wait3A_197 = tpu.memref_slice %arg4[%dma_wait3A_185, %dma_wait3A_196] : memref<2560x128xi32, #tpu.memory_space<hbm>> -> memref<1x128xi32, #tpu.memory_space<hbm>>
    %dma_wait3A_198 = tpu.memref_squeeze %dma_wait3A_197 : memref<1x128xi32, #tpu.memory_space<hbm>> -> memref<128xi32, #tpu.memory_space<hbm>>
    tpu.wait_dma2 semaphore(%arg14 : memref<!tpu.dma_semaphore, #tpu.memory_space<semaphore_mem>>) src(%dma_wait3A_198 : memref<128xi32, #tpu.memory_space<hbm>>) dst(%dma_wait3A_195 : memref<128xi32, #tpu.memory_space<vmem>>)
    %dma_start3A_199 = arith.constant 1 : i32
    %dma_start3A_200 = arith.constant 0 : i32
    %dma_start3A_201 = tpu.memref_slice %arg6[%dma_start3A_199, %dma_start3A_200] : memref<4x128xi32, #tpu.memory_space<vmem>> -> memref<1x128xi32, #tpu.memory_space<vmem>>
    %dma_start3A_202 = tpu.memref_squeeze %dma_start3A_201 : memref<1x128xi32, #tpu.memory_space<vmem>> -> memref<128xi32, #tpu.memory_space<vmem>>
    %dma_start3A_203 = arith.constant 0 : i32
    %dma_start3A_204 = arith.constant 0 : i32
    %dma_start3A_205 = tpu.memref_slice %arg2[%dma_start3A_203, %dma_start3A_204] : memref<20480x128xf32, #tpu.memory_space<hbm>> -> memref<20480x128xf32, #tpu.memory_space<hbm>>
    tpu.enqueue_indirect_dma source(%dma_start3A_205 : memref<20480x128xf32, #tpu.memory_space<hbm>>) target(%arg9 : memref<128x128xf32, #tpu.memory_space<vmem>>) offsets(%dma_start3A_202 : memref<128xi32, #tpu.memory_space<vmem>>) semaphore(%arg12 : memref<!tpu.dma_semaphore, #tpu.memory_space<semaphore_mem>>)
    %scan3A_206 = arith.constant 0 : i32
    %scan3A_207 = arith.constant 19 : i32
    %scan3A_208 = arith.addi %scan3A_206, %scan3A_207 : i32
    %scan3A_209 = arith.constant 1 : i32
    scf.for %scan3A_371 = %scan3A_206 to %scan3A_208 step %scan3A_209  : i32 {
      %mul3A_372 = arith.constant 4 : i32
      %mul3A_373 = arith.muli %scan3A_371, %mul3A_372 : i32
      %add3A_374 = arith.constant 0 : i32
      %add3A_375 = arith.addi %add3A_374, %mul3A_373 : i32
      %dma_wait3A_376 = arith.constant 0 : i32
      %dma_wait3A_377 = arith.constant 0 : i32
      %dma_wait3A_378 = tpu.memref_slice %arg6[%dma_wait3A_376, %dma_wait3A_377] : memref<4x128xi32, #tpu.memory_space<vmem>> -> memref<1x128xi32, #tpu.memory_space<vmem>>
      %dma_wait3A_379 = tpu.memref_squeeze %dma_wait3A_378 : memref<1x128xi32, #tpu.memory_space<vmem>> -> memref<128xi32, #tpu.memory_space<vmem>>
      %dma_wait3A_380 = arith.constant 0 : i32
      %dma_wait3A_381 = arith.constant 0 : i32
      %dma_wait3A_382 = tpu.memref_slice %arg2[%dma_wait3A_380, %dma_wait3A_381] : memref<20480x128xf32, #tpu.memory_space<hbm>> -> memref<20480x128xf32, #tpu.memory_space<hbm>>
      tpu.wait_indirect_dma semaphore(%arg11 : memref<!tpu.dma_semaphore, #tpu.memory_space<semaphore_mem>>) src(%dma_wait3A_382 : memref<20480x128xf32, #tpu.memory_space<hbm>>) dst(%arg8 : memref<128x128xf32, #tpu.memory_space<vmem>>)
      %dma_start3A_383 = arith.constant 0 : i32
      %dma_start3A_384 = arith.constant 0 : i32
      %dma_start3A_385 = tpu.memref_slice %arg7[%dma_start3A_383, %dma_start3A_384] : memref<4x128xi32, #tpu.memory_space<vmem>> -> memref<1x128xi32, #tpu.memory_space<vmem>>
      %dma_start3A_386 = tpu.memref_squeeze %dma_start3A_385 : memref<1x128xi32, #tpu.memory_space<vmem>> -> memref<128xi32, #tpu.memory_space<vmem>>
      %dma_start3A_387 = arith.constant 0 : i32
      %dma_start3A_388 = arith.constant 0 : i32
      %dma_start3A_389 = tpu.memref_slice %arg10[%dma_start3A_387, %dma_start3A_388] : memref<10752x128xf32, #tpu.memory_space<vmem_shared>> -> memref<10752x128xf32, #tpu.memory_space<vmem_shared>>
      tpu.enqueue_indirect_dma source(%arg8 : memref<128x128xf32, #tpu.memory_space<vmem>>) target(%dma_start3A_389 : memref<10752x128xf32, #tpu.memory_space<vmem_shared>>) offsets(%dma_start3A_386 : memref<128xi32, #tpu.memory_space<vmem>>) semaphore(%arg17 : memref<!tpu.dma_semaphore, #tpu.memory_space<semaphore_mem>>) {add = true}
      %dma_wait3A_390 = arith.constant 0 : i32
      %dma_wait3A_391 = arith.constant 2 : i32
      %dma_wait3A_392 = arith.constant 0 : i32
      %dma_wait3A_393 = tpu.memref_slice %arg6[%dma_wait3A_391, %dma_wait3A_392] : memref<4x128xi32, #tpu.memory_space<vmem>> -> memref<1x128xi32, #tpu.memory_space<vmem>>
      %dma_wait3A_394 = tpu.memref_squeeze %dma_wait3A_393 : memref<1x128xi32, #tpu.memory_space<vmem>> -> memref<128xi32, #tpu.memory_space<vmem>>
      %dma_wait3A_395 = arith.constant 0 : i32
      %dma_wait3A_396 = tpu.memref_slice %arg3[%dma_wait3A_390, %dma_wait3A_395] : memref<2560x128xi32, #tpu.memory_space<hbm>> -> memref<1x128xi32, #tpu.memory_space<hbm>>
      %dma_wait3A_397 = tpu.memref_squeeze %dma_wait3A_396 : memref<1x128xi32, #tpu.memory_space<hbm>> -> memref<128xi32, #tpu.memory_space<hbm>>
      %dma_wait3A_398 = arith.constant 0 : i32
      %dma_wait3A_399 = tpu.memref_slice %arg6[%dma_wait3A_391, %dma_wait3A_398] : memref<4x128xi32, #tpu.memory_space<vmem>> -> memref<1x128xi32, #tpu.memory_space<vmem>>
      %dma_wait3A_400 = tpu.memref_squeeze %dma_wait3A_399 : memref<1x128xi32, #tpu.memory_space<vmem>> -> memref<128xi32, #tpu.memory_space<vmem>>
      %dma_wait3A_401 = arith.constant 0 : i32
      %dma_wait3A_402 = tpu.memref_slice %arg3[%dma_wait3A_390, %dma_wait3A_401] : memref<2560x128xi32, #tpu.memory_space<hbm>> -> memref<1x128xi32, #tpu.memory_space<hbm>>
      %dma_wait3A_403 = tpu.memref_squeeze %dma_wait3A_402 : memref<1x128xi32, #tpu.memory_space<hbm>> -> memref<128xi32, #tpu.memory_space<hbm>>
      tpu.wait_dma2 semaphore(%arg15 : memref<!tpu.dma_semaphore, #tpu.memory_space<semaphore_mem>>) src(%dma_wait3A_403 : memref<128xi32, #tpu.memory_space<hbm>>) dst(%dma_wait3A_400 : memref<128xi32, #tpu.memory_space<vmem>>)
      %dma_wait3A_404 = arith.constant 0 : i32
      %dma_wait3A_405 = arith.constant 2 : i32
      %dma_wait3A_406 = arith.constant 0 : i32
      %dma_wait3A_407 = tpu.memref_slice %arg7[%dma_wait3A_405, %dma_wait3A_406] : memref<4x128xi32, #tpu.memory_space<vmem>> -> memref<1x128xi32, #tpu.memory_space<vmem>>
      %dma_wait3A_408 = tpu.memref_squeeze %dma_wait3A_407 : memref<1x128xi32, #tpu.memory_space<vmem>> -> memref<128xi32, #tpu.memory_space<vmem>>
      %dma_wait3A_409 = arith.constant 0 : i32
      %dma_wait3A_410 = tpu.memref_slice %arg4[%dma_wait3A_404, %dma_wait3A_409] : memref<2560x128xi32, #tpu.memory_space<hbm>> -> memref<1x128xi32, #tpu.memory_space<hbm>>
      %dma_wait3A_411 = tpu.memref_squeeze %dma_wait3A_410 : memref<1x128xi32, #tpu.memory_space<hbm>> -> memref<128xi32, #tpu.memory_space<hbm>>
      %dma_wait3A_412 = arith.constant 0 : i32
      %dma_wait3A_413 = tpu.memref_slice %arg7[%dma_wait3A_405, %dma_wait3A_412] : memref<4x128xi32, #tpu.memory_space<vmem>> -> memref<1x128xi32, #tpu.memory_space<vmem>>
      %dma_wait3A_414 = tpu.memref_squeeze %dma_wait3A_413 : memref<1x128xi32, #tpu.memory_space<vmem>> -> memref<128xi32, #tpu.memory_space<vmem>>
      %dma_wait3A_415 = arith.constant 0 : i32
      %dma_wait3A_416 = tpu.memref_slice %arg4[%dma_wait3A_404, %dma_wait3A_415] : memref<2560x128xi32, #tpu.memory_space<hbm>> -> memref<1x128xi32, #tpu.memory_space<hbm>>
      %dma_wait3A_417 = tpu.memref_squeeze %dma_wait3A_416 : memref<1x128xi32, #tpu.memory_space<hbm>> -> memref<128xi32, #tpu.memory_space<hbm>>
      tpu.wait_dma2 semaphore(%arg15 : memref<!tpu.dma_semaphore, #tpu.memory_space<semaphore_mem>>) src(%dma_wait3A_417 : memref<128xi32, #tpu.memory_space<hbm>>) dst(%dma_wait3A_414 : memref<128xi32, #tpu.memory_space<vmem>>)
      %dma_wait3A_418 = arith.constant 0 : i32
      %dma_wait3A_419 = arith.constant 0 : i32
      %dma_wait3A_420 = tpu.memref_slice %arg6[%dma_wait3A_418, %dma_wait3A_419] : memref<4x128xi32, #tpu.memory_space<vmem>> -> memref<1x128xi32, #tpu.memory_space<vmem>>
      %dma_wait3A_421 = tpu.memref_squeeze %dma_wait3A_420 : memref<1x128xi32, #tpu.memory_space<vmem>> -> memref<128xi32, #tpu.memory_space<vmem>>
      %dma_wait3A_422 = arith.constant 0 : i32
      %dma_wait3A_423 = arith.constant 0 : i32
      %dma_wait3A_424 = tpu.memref_slice %arg2[%dma_wait3A_422, %dma_wait3A_423] : memref<20480x128xf32, #tpu.memory_space<hbm>> -> memref<20480x128xf32, #tpu.memory_space<hbm>>
      tpu.wait_indirect_dma semaphore(%arg12 : memref<!tpu.dma_semaphore, #tpu.memory_space<semaphore_mem>>) src(%dma_wait3A_424 : memref<20480x128xf32, #tpu.memory_space<hbm>>) dst(%arg9 : memref<128x128xf32, #tpu.memory_space<vmem>>)
      %dma_start3A_425 = arith.constant 1 : i32
      %dma_start3A_426 = arith.constant 0 : i32
      %dma_start3A_427 = tpu.memref_slice %arg7[%dma_start3A_425, %dma_start3A_426] : memref<4x128xi32, #tpu.memory_space<vmem>> -> memref<1x128xi32, #tpu.memory_space<vmem>>
      %dma_start3A_428 = tpu.memref_squeeze %dma_start3A_427 : memref<1x128xi32, #tpu.memory_space<vmem>> -> memref<128xi32, #tpu.memory_space<vmem>>
      %dma_start3A_429 = arith.constant 0 : i32
      %dma_start3A_430 = arith.constant 0 : i32
      %dma_start3A_431 = tpu.memref_slice %arg10[%dma_start3A_429, %dma_start3A_430] : memref<10752x128xf32, #tpu.memory_space<vmem_shared>> -> memref<10752x128xf32, #tpu.memory_space<vmem_shared>>
      tpu.enqueue_indirect_dma source(%arg9 : memref<128x128xf32, #tpu.memory_space<vmem>>) target(%dma_start3A_431 : memref<10752x128xf32, #tpu.memory_space<vmem_shared>>) offsets(%dma_start3A_428 : memref<128xi32, #tpu.memory_space<vmem>>) semaphore(%arg18 : memref<!tpu.dma_semaphore, #tpu.memory_space<semaphore_mem>>) {add = true}
      %dma_wait3A_432 = arith.constant 0 : i32
      %dma_wait3A_433 = arith.constant 3 : i32
      %dma_wait3A_434 = arith.constant 0 : i32
      %dma_wait3A_435 = tpu.memref_slice %arg6[%dma_wait3A_433, %dma_wait3A_434] : memref<4x128xi32, #tpu.memory_space<vmem>> -> memref<1x128xi32, #tpu.memory_space<vmem>>
      %dma_wait3A_436 = tpu.memref_squeeze %dma_wait3A_435 : memref<1x128xi32, #tpu.memory_space<vmem>> -> memref<128xi32, #tpu.memory_space<vmem>>
      %dma_wait3A_437 = arith.constant 0 : i32
      %dma_wait3A_438 = tpu.memref_slice %arg3[%dma_wait3A_432, %dma_wait3A_437] : memref<2560x128xi32, #tpu.memory_space<hbm>> -> memref<1x128xi32, #tpu.memory_space<hbm>>
      %dma_wait3A_439 = tpu.memref_squeeze %dma_wait3A_438 : memref<1x128xi32, #tpu.memory_space<hbm>> -> memref<128xi32, #tpu.memory_space<hbm>>
      %dma_wait3A_440 = arith.constant 0 : i32
      %dma_wait3A_441 = tpu.memref_slice %arg6[%dma_wait3A_433, %dma_wait3A_440] : memref<4x128xi32, #tpu.memory_space<vmem>> -> memref<1x128xi32, #tpu.memory_space<vmem>>
      %dma_wait3A_442 = tpu.memref_squeeze %dma_wait3A_441 : memref<1x128xi32, #tpu.memory_space<vmem>> -> memref<128xi32, #tpu.memory_space<vmem>>
      %dma_wait3A_443 = arith.constant 0 : i32
      %dma_wait3A_444 = tpu.memref_slice %arg3[%dma_wait3A_432, %dma_wait3A_443] : memref<2560x128xi32, #tpu.memory_space<hbm>> -> memref<1x128xi32, #tpu.memory_space<hbm>>
      %dma_wait3A_445 = tpu.memref_squeeze %dma_wait3A_444 : memref<1x128xi32, #tpu.memory_space<hbm>> -> memref<128xi32, #tpu.memory_space<hbm>>
      tpu.wait_dma2 semaphore(%arg16 : memref<!tpu.dma_semaphore, #tpu.memory_space<semaphore_mem>>) src(%dma_wait3A_445 : memref<128xi32, #tpu.memory_space<hbm>>) dst(%dma_wait3A_442 : memref<128xi32, #tpu.memory_space<vmem>>)
      %dma_wait3A_446 = arith.constant 0 : i32
      %dma_wait3A_447 = arith.constant 3 : i32
      %dma_wait3A_448 = arith.constant 0 : i32
      %dma_wait3A_449 = tpu.memref_slice %arg7[%dma_wait3A_447, %dma_wait3A_448] : memref<4x128xi32, #tpu.memory_space<vmem>> -> memref<1x128xi32, #tpu.memory_space<vmem>>
      %dma_wait3A_450 = tpu.memref_squeeze %dma_wait3A_449 : memref<1x128xi32, #tpu.memory_space<vmem>> -> memref<128xi32, #tpu.memory_space<vmem>>
      %dma_wait3A_451 = arith.constant 0 : i32
      %dma_wait3A_452 = tpu.memref_slice %arg4[%dma_wait3A_446, %dma_wait3A_451] : memref<2560x128xi32, #tpu.memory_space<hbm>> -> memref<1x128xi32, #tpu.memory_space<hbm>>
      %dma_wait3A_453 = tpu.memref_squeeze %dma_wait3A_452 : memref<1x128xi32, #tpu.memory_space<hbm>> -> memref<128xi32, #tpu.memory_space<hbm>>
      %dma_wait3A_454 = arith.constant 0 : i32
      %dma_wait3A_455 = tpu.memref_slice %arg7[%dma_wait3A_447, %dma_wait3A_454] : memref<4x128xi32, #tpu.memory_space<vmem>> -> memref<1x128xi32, #tpu.memory_space<vmem>>
      %dma_wait3A_456 = tpu.memref_squeeze %dma_wait3A_455 : memref<1x128xi32, #tpu.memory_space<vmem>> -> memref<128xi32, #tpu.memory_space<vmem>>
      %dma_wait3A_457 = arith.constant 0 : i32
      %dma_wait3A_458 = tpu.memref_slice %arg4[%dma_wait3A_446, %dma_wait3A_457] : memref<2560x128xi32, #tpu.memory_space<hbm>> -> memref<1x128xi32, #tpu.memory_space<hbm>>
      %dma_wait3A_459 = tpu.memref_squeeze %dma_wait3A_458 : memref<1x128xi32, #tpu.memory_space<hbm>> -> memref<128xi32, #tpu.memory_space<hbm>>
      tpu.wait_dma2 semaphore(%arg16 : memref<!tpu.dma_semaphore, #tpu.memory_space<semaphore_mem>>) src(%dma_wait3A_459 : memref<128xi32, #tpu.memory_space<hbm>>) dst(%dma_wait3A_456 : memref<128xi32, #tpu.memory_space<vmem>>)
      %dma_wait3A_460 = arith.constant 0 : i32
      %dma_wait3A_461 = arith.constant 0 : i32
      %dma_wait3A_462 = tpu.memref_slice %arg7[%dma_wait3A_460, %dma_wait3A_461] : memref<4x128xi32, #tpu.memory_space<vmem>> -> memref<1x128xi32, #tpu.memory_space<vmem>>
      %dma_wait3A_463 = tpu.memref_squeeze %dma_wait3A_462 : memref<1x128xi32, #tpu.memory_space<vmem>> -> memref<128xi32, #tpu.memory_space<vmem>>
      %dma_wait3A_464 = arith.constant 0 : i32
      %dma_wait3A_465 = arith.constant 0 : i32
      %dma_wait3A_466 = tpu.memref_slice %arg10[%dma_wait3A_464, %dma_wait3A_465] : memref<10752x128xf32, #tpu.memory_space<vmem_shared>> -> memref<10752x128xf32, #tpu.memory_space<vmem_shared>>
      tpu.wait_indirect_dma semaphore(%arg17 : memref<!tpu.dma_semaphore, #tpu.memory_space<semaphore_mem>>) src(%arg8 : memref<128x128xf32, #tpu.memory_space<vmem>>) dst(%dma_wait3A_466 : memref<10752x128xf32, #tpu.memory_space<vmem_shared>>)
      %add3A_467 = arith.constant 4 : i32
      %add3A_468 = arith.addi %add3A_375, %add3A_467 : i32
      %add3A_469 = arith.addi %mul3A_7, %add3A_468 : i32
      %dma_start3A_470 = arith.constant 0 : i32
      %dma_start3A_471 = arith.constant 0 : i32
      %dma_start3A_472 = tpu.memref_slice %arg6[%dma_start3A_470, %dma_start3A_471] : memref<4x128xi32, #tpu.memory_space<vmem>> -> memref<1x128xi32, #tpu.memory_space<vmem>>
      %dma_start3A_473 = tpu.memref_squeeze %dma_start3A_472 : memref<1x128xi32, #tpu.memory_space<vmem>> -> memref<128xi32, #tpu.memory_space<vmem>>
      %dma_start3A_474 = arith.constant 0 : i32
      %dma_start3A_475 = tpu.memref_slice %arg3[%add3A_469, %dma_start3A_474] : memref<2560x128xi32, #tpu.memory_space<hbm>> -> memref<1x128xi32, #tpu.memory_space<hbm>>
      %dma_start3A_476 = tpu.memref_squeeze %dma_start3A_475 : memref<1x128xi32, #tpu.memory_space<hbm>> -> memref<128xi32, #tpu.memory_space<hbm>>
      %dma_start3A_477 = arith.constant 0 : i32
      %dma_start3A_478 = tpu.memref_slice %arg6[%dma_start3A_470, %dma_start3A_477] : memref<4x128xi32, #tpu.memory_space<vmem>> -> memref<1x128xi32, #tpu.memory_space<vmem>>
      %dma_start3A_479 = tpu.memref_squeeze %dma_start3A_478 : memref<1x128xi32, #tpu.memory_space<vmem>> -> memref<128xi32, #tpu.memory_space<vmem>>
      %dma_start3A_480 = arith.constant 0 : i32
      %dma_start3A_481 = tpu.memref_slice %arg3[%add3A_469, %dma_start3A_480] : memref<2560x128xi32, #tpu.memory_space<hbm>> -> memref<1x128xi32, #tpu.memory_space<hbm>>
      %dma_start3A_482 = tpu.memref_squeeze %dma_start3A_481 : memref<1x128xi32, #tpu.memory_space<hbm>> -> memref<128xi32, #tpu.memory_space<hbm>>
      tpu.enqueue_dma source(%dma_start3A_482 : memref<128xi32, #tpu.memory_space<hbm>>) target(%dma_start3A_479 : memref<128xi32, #tpu.memory_space<vmem>>) target_semaphore(%arg13 : memref<!tpu.dma_semaphore, #tpu.memory_space<semaphore_mem>>)
      %add3A_483 = arith.addi %mul3A_7, %add3A_468 : i32
      %dma_start3A_484 = arith.constant 0 : i32
      %dma_start3A_485 = arith.constant 0 : i32
      %dma_start3A_486 = tpu.memref_slice %arg7[%dma_start3A_484, %dma_start3A_485] : memref<4x128xi32, #tpu.memory_space<vmem>> -> memref<1x128xi32, #tpu.memory_space<vmem>>
      %dma_start3A_487 = tpu.memref_squeeze %dma_start3A_486 : memref<1x128xi32, #tpu.memory_space<vmem>> -> memref<128xi32, #tpu.memory_space<vmem>>
      %dma_start3A_488 = arith.constant 0 : i32
      %dma_start3A_489 = tpu.memref_slice %arg4[%add3A_483, %dma_start3A_488] : memref<2560x128xi32, #tpu.memory_space<hbm>> -> memref<1x128xi32, #tpu.memory_space<hbm>>
      %dma_start3A_490 = tpu.memref_squeeze %dma_start3A_489 : memref<1x128xi32, #tpu.memory_space<hbm>> -> memref<128xi32, #tpu.memory_space<hbm>>
      %dma_start3A_491 = arith.constant 0 : i32
      %dma_start3A_492 = tpu.memref_slice %arg7[%dma_start3A_484, %dma_start3A_491] : memref<4x128xi32, #tpu.memory_space<vmem>> -> memref<1x128xi32, #tpu.memory_space<vmem>>
      %dma_start3A_493 = tpu.memref_squeeze %dma_start3A_492 : memref<1x128xi32, #tpu.memory_space<vmem>> -> memref<128xi32, #tpu.memory_space<vmem>>
      %dma_start3A_494 = arith.constant 0 : i32
      %dma_start3A_495 = tpu.memref_slice %arg4[%add3A_483, %dma_start3A_494] : memref<2560x128xi32, #tpu.memory_space<hbm>> -> memref<1x128xi32, #tpu.memory_space<hbm>>
      %dma_start3A_496 = tpu.memref_squeeze %dma_start3A_495 : memref<1x128xi32, #tpu.memory_space<hbm>> -> memref<128xi32, #tpu.memory_space<hbm>>
      tpu.enqueue_dma source(%dma_start3A_496 : memref<128xi32, #tpu.memory_space<hbm>>) target(%dma_start3A_493 : memref<128xi32, #tpu.memory_space<vmem>>) target_semaphore(%arg13 : memref<!tpu.dma_semaphore, #tpu.memory_space<semaphore_mem>>)
      %dma_start3A_497 = arith.constant 2 : i32
      %dma_start3A_498 = arith.constant 0 : i32
      %dma_start3A_499 = tpu.memref_slice %arg6[%dma_start3A_497, %dma_start3A_498] : memref<4x128xi32, #tpu.memory_space<vmem>> -> memref<1x128xi32, #tpu.memory_space<vmem>>
      %dma_start3A_500 = tpu.memref_squeeze %dma_start3A_499 : memref<1x128xi32, #tpu.memory_space<vmem>> -> memref<128xi32, #tpu.memory_space<vmem>>
      %dma_start3A_501 = arith.constant 0 : i32
      %dma_start3A_502 = arith.constant 0 : i32
      %dma_start3A_503 = tpu.memref_slice %arg2[%dma_start3A_501, %dma_start3A_502] : memref<20480x128xf32, #tpu.memory_space<hbm>> -> memref<20480x128xf32, #tpu.memory_space<hbm>>
      tpu.enqueue_indirect_dma source(%dma_start3A_503 : memref<20480x128xf32, #tpu.memory_space<hbm>>) target(%arg8 : memref<128x128xf32, #tpu.memory_space<vmem>>) offsets(%dma_start3A_500 : memref<128xi32, #tpu.memory_space<vmem>>) semaphore(%arg11 : memref<!tpu.dma_semaphore, #tpu.memory_space<semaphore_mem>>)
      %dma_wait3A_504 = arith.constant 0 : i32
      %dma_wait3A_505 = arith.constant 0 : i32
      %dma_wait3A_506 = tpu.memref_slice %arg7[%dma_wait3A_504, %dma_wait3A_505] : memref<4x128xi32, #tpu.memory_space<vmem>> -> memref<1x128xi32, #tpu.memory_space<vmem>>
      %dma_wait3A_507 = tpu.memref_squeeze %dma_wait3A_506 : memref<1x128xi32, #tpu.memory_space<vmem>> -> memref<128xi32, #tpu.memory_space<vmem>>
      %dma_wait3A_508 = arith.constant 0 : i32
      %dma_wait3A_509 = arith.constant 0 : i32
      %dma_wait3A_510 = tpu.memref_slice %arg10[%dma_wait3A_508, %dma_wait3A_509] : memref<10752x128xf32, #tpu.memory_space<vmem_shared>> -> memref<10752x128xf32, #tpu.memory_space<vmem_shared>>
      tpu.wait_indirect_dma semaphore(%arg18 : memref<!tpu.dma_semaphore, #tpu.memory_space<semaphore_mem>>) src(%arg9 : memref<128x128xf32, #tpu.memory_space<vmem>>) dst(%dma_wait3A_510 : memref<10752x128xf32, #tpu.memory_space<vmem_shared>>)
      %add3A_511 = arith.constant 5 : i32
      %add3A_512 = arith.addi %add3A_375, %add3A_511 : i32
      %add3A_513 = arith.addi %mul3A_7, %add3A_512 : i32
      %dma_start3A_514 = arith.constant 1 : i32
      %dma_start3A_515 = arith.constant 0 : i32
      %dma_start3A_516 = tpu.memref_slice %arg6[%dma_start3A_514, %dma_start3A_515] : memref<4x128xi32, #tpu.memory_space<vmem>> -> memref<1x128xi32, #tpu.memory_space<vmem>>
      %dma_start3A_517 = tpu.memref_squeeze %dma_start3A_516 : memref<1x128xi32, #tpu.memory_space<vmem>> -> memref<128xi32, #tpu.memory_space<vmem>>
      %dma_start3A_518 = arith.constant 0 : i32
      %dma_start3A_519 = tpu.memref_slice %arg3[%add3A_513, %dma_start3A_518] : memref<2560x128xi32, #tpu.memory_space<hbm>> -> memref<1x128xi32, #tpu.memory_space<hbm>>
      %dma_start3A_520 = tpu.memref_squeeze %dma_start3A_519 : memref<1x128xi32, #tpu.memory_space<hbm>> -> memref<128xi32, #tpu.memory_space<hbm>>
      %dma_start3A_521 = arith.constant 0 : i32
      %dma_start3A_522 = tpu.memref_slice %arg6[%dma_start3A_514, %dma_start3A_521] : memref<4x128xi32, #tpu.memory_space<vmem>> -> memref<1x128xi32, #tpu.memory_space<vmem>>
      %dma_start3A_523 = tpu.memref_squeeze %dma_start3A_522 : memref<1x128xi32, #tpu.memory_space<vmem>> -> memref<128xi32, #tpu.memory_space<vmem>>
      %dma_start3A_524 = arith.constant 0 : i32
      %dma_start3A_525 = tpu.memref_slice %arg3[%add3A_513, %dma_start3A_524] : memref<2560x128xi32, #tpu.memory_space<hbm>> -> memref<1x128xi32, #tpu.memory_space<hbm>>
      %dma_start3A_526 = tpu.memref_squeeze %dma_start3A_525 : memref<1x128xi32, #tpu.memory_space<hbm>> -> memref<128xi32, #tpu.memory_space<hbm>>
      tpu.enqueue_dma source(%dma_start3A_526 : memref<128xi32, #tpu.memory_space<hbm>>) target(%dma_start3A_523 : memref<128xi32, #tpu.memory_space<vmem>>) target_semaphore(%arg14 : memref<!tpu.dma_semaphore, #tpu.memory_space<semaphore_mem>>)
      %add3A_527 = arith.addi %mul3A_7, %add3A_512 : i32
      %dma_start3A_528 = arith.constant 1 : i32
      %dma_start3A_529 = arith.constant 0 : i32
      %dma_start3A_530 = tpu.memref_slice %arg7[%dma_start3A_528, %dma_start3A_529] : memref<4x128xi32, #tpu.memory_space<vmem>> -> memref<1x128xi32, #tpu.memory_space<vmem>>
      %dma_start3A_531 = tpu.memref_squeeze %dma_start3A_530 : memref<1x128xi32, #tpu.memory_space<vmem>> -> memref<128xi32, #tpu.memory_space<vmem>>
      %dma_start3A_532 = arith.constant 0 : i32
      %dma_start3A_533 = tpu.memref_slice %arg4[%add3A_527, %dma_start3A_532] : memref<2560x128xi32, #tpu.memory_space<hbm>> -> memref<1x128xi32, #tpu.memory_space<hbm>>
      %dma_start3A_534 = tpu.memref_squeeze %dma_start3A_533 : memref<1x128xi32, #tpu.memory_space<hbm>> -> memref<128xi32, #tpu.memory_space<hbm>>
      %dma_start3A_535 = arith.constant 0 : i32
      %dma_start3A_536 = tpu.memref_slice %arg7[%dma_start3A_528, %dma_start3A_535] : memref<4x128xi32, #tpu.memory_space<vmem>> -> memref<1x128xi32, #tpu.memory_space<vmem>>
      %dma_start3A_537 = tpu.memref_squeeze %dma_start3A_536 : memref<1x128xi32, #tpu.memory_space<vmem>> -> memref<128xi32, #tpu.memory_space<vmem>>
      %dma_start3A_538 = arith.constant 0 : i32
      %dma_start3A_539 = tpu.memref_slice %arg4[%add3A_527, %dma_start3A_538] : memref<2560x128xi32, #tpu.memory_space<hbm>> -> memref<1x128xi32, #tpu.memory_space<hbm>>
      %dma_start3A_540 = tpu.memref_squeeze %dma_start3A_539 : memref<1x128xi32, #tpu.memory_space<hbm>> -> memref<128xi32, #tpu.memory_space<hbm>>
      tpu.enqueue_dma source(%dma_start3A_540 : memref<128xi32, #tpu.memory_space<hbm>>) target(%dma_start3A_537 : memref<128xi32, #tpu.memory_space<vmem>>) target_semaphore(%arg14 : memref<!tpu.dma_semaphore, #tpu.memory_space<semaphore_mem>>)
      %dma_start3A_541 = arith.constant 3 : i32
      %dma_start3A_542 = arith.constant 0 : i32
      %dma_start3A_543 = tpu.memref_slice %arg6[%dma_start3A_541, %dma_start3A_542] : memref<4x128xi32, #tpu.memory_space<vmem>> -> memref<1x128xi32, #tpu.memory_space<vmem>>
      %dma_start3A_544 = tpu.memref_squeeze %dma_start3A_543 : memref<1x128xi32, #tpu.memory_space<vmem>> -> memref<128xi32, #tpu.memory_space<vmem>>
      %dma_start3A_545 = arith.constant 0 : i32
      %dma_start3A_546 = arith.constant 0 : i32
      %dma_start3A_547 = tpu.memref_slice %arg2[%dma_start3A_545, %dma_start3A_546] : memref<20480x128xf32, #tpu.memory_space<hbm>> -> memref<20480x128xf32, #tpu.memory_space<hbm>>
      tpu.enqueue_indirect_dma source(%dma_start3A_547 : memref<20480x128xf32, #tpu.memory_space<hbm>>) target(%arg9 : memref<128x128xf32, #tpu.memory_space<vmem>>) offsets(%dma_start3A_544 : memref<128xi32, #tpu.memory_space<vmem>>) semaphore(%arg12 : memref<!tpu.dma_semaphore, #tpu.memory_space<semaphore_mem>>)
      %dma_wait3A_548 = arith.constant 0 : i32
      %dma_wait3A_549 = arith.constant 0 : i32
      %dma_wait3A_550 = tpu.memref_slice %arg6[%dma_wait3A_548, %dma_wait3A_549] : memref<4x128xi32, #tpu.memory_space<vmem>> -> memref<1x128xi32, #tpu.memory_space<vmem>>
      %dma_wait3A_551 = tpu.memref_squeeze %dma_wait3A_550 : memref<1x128xi32, #tpu.memory_space<vmem>> -> memref<128xi32, #tpu.memory_space<vmem>>
      %dma_wait3A_552 = arith.constant 0 : i32
      %dma_wait3A_553 = arith.constant 0 : i32
      %dma_wait3A_554 = tpu.memref_slice %arg2[%dma_wait3A_552, %dma_wait3A_553] : memref<20480x128xf32, #tpu.memory_space<hbm>> -> memref<20480x128xf32, #tpu.memory_space<hbm>>
      tpu.wait_indirect_dma semaphore(%arg11 : memref<!tpu.dma_semaphore, #tpu.memory_space<semaphore_mem>>) src(%dma_wait3A_554 : memref<20480x128xf32, #tpu.memory_space<hbm>>) dst(%arg8 : memref<128x128xf32, #tpu.memory_space<vmem>>)
      %dma_start3A_555 = arith.constant 2 : i32
      %dma_start3A_556 = arith.constant 0 : i32
      %dma_start3A_557 = tpu.memref_slice %arg7[%dma_start3A_555, %dma_start3A_556] : memref<4x128xi32, #tpu.memory_space<vmem>> -> memref<1x128xi32, #tpu.memory_space<vmem>>
      %dma_start3A_558 = tpu.memref_squeeze %dma_start3A_557 : memref<1x128xi32, #tpu.memory_space<vmem>> -> memref<128xi32, #tpu.memory_space<vmem>>
      %dma_start3A_559 = arith.constant 0 : i32
      %dma_start3A_560 = arith.constant 0 : i32
      %dma_start3A_561 = tpu.memref_slice %arg10[%dma_start3A_559, %dma_start3A_560] : memref<10752x128xf32, #tpu.memory_space<vmem_shared>> -> memref<10752x128xf32, #tpu.memory_space<vmem_shared>>
      tpu.enqueue_indirect_dma source(%arg8 : memref<128x128xf32, #tpu.memory_space<vmem>>) target(%dma_start3A_561 : memref<10752x128xf32, #tpu.memory_space<vmem_shared>>) offsets(%dma_start3A_558 : memref<128xi32, #tpu.memory_space<vmem>>) semaphore(%arg17 : memref<!tpu.dma_semaphore, #tpu.memory_space<semaphore_mem>>) {add = true}
      %dma_wait3A_562 = arith.constant 0 : i32
      %dma_wait3A_563 = arith.constant 0 : i32
      %dma_wait3A_564 = arith.constant 0 : i32
      %dma_wait3A_565 = tpu.memref_slice %arg6[%dma_wait3A_563, %dma_wait3A_564] : memref<4x128xi32, #tpu.memory_space<vmem>> -> memref<1x128xi32, #tpu.memory_space<vmem>>
      %dma_wait3A_566 = tpu.memref_squeeze %dma_wait3A_565 : memref<1x128xi32, #tpu.memory_space<vmem>> -> memref<128xi32, #tpu.memory_space<vmem>>
      %dma_wait3A_567 = arith.constant 0 : i32
      %dma_wait3A_568 = tpu.memref_slice %arg3[%dma_wait3A_562, %dma_wait3A_567] : memref<2560x128xi32, #tpu.memory_space<hbm>> -> memref<1x128xi32, #tpu.memory_space<hbm>>
      %dma_wait3A_569 = tpu.memref_squeeze %dma_wait3A_568 : memref<1x128xi32, #tpu.memory_space<hbm>> -> memref<128xi32, #tpu.memory_space<hbm>>
      %dma_wait3A_570 = arith.constant 0 : i32
      %dma_wait3A_571 = tpu.memref_slice %arg6[%dma_wait3A_563, %dma_wait3A_570] : memref<4x128xi32, #tpu.memory_space<vmem>> -> memref<1x128xi32, #tpu.memory_space<vmem>>
      %dma_wait3A_572 = tpu.memref_squeeze %dma_wait3A_571 : memref<1x128xi32, #tpu.memory_space<vmem>> -> memref<128xi32, #tpu.memory_space<vmem>>
      %dma_wait3A_573 = arith.constant 0 : i32
      %dma_wait3A_574 = tpu.memref_slice %arg3[%dma_wait3A_562, %dma_wait3A_573] : memref<2560x128xi32, #tpu.memory_space<hbm>> -> memref<1x128xi32, #tpu.memory_space<hbm>>
      %dma_wait3A_575 = tpu.memref_squeeze %dma_wait3A_574 : memref<1x128xi32, #tpu.memory_space<hbm>> -> memref<128xi32, #tpu.memory_space<hbm>>
      tpu.wait_dma2 semaphore(%arg13 : memref<!tpu.dma_semaphore, #tpu.memory_space<semaphore_mem>>) src(%dma_wait3A_575 : memref<128xi32, #tpu.memory_space<hbm>>) dst(%dma_wait3A_572 : memref<128xi32, #tpu.memory_space<vmem>>)
      %dma_wait3A_576 = arith.constant 0 : i32
      %dma_wait3A_577 = arith.constant 0 : i32
      %dma_wait3A_578 = arith.constant 0 : i32
      %dma_wait3A_579 = tpu.memref_slice %arg7[%dma_wait3A_577, %dma_wait3A_578] : memref<4x128xi32, #tpu.memory_space<vmem>> -> memref<1x128xi32, #tpu.memory_space<vmem>>
      %dma_wait3A_580 = tpu.memref_squeeze %dma_wait3A_579 : memref<1x128xi32, #tpu.memory_space<vmem>> -> memref<128xi32, #tpu.memory_space<vmem>>
      %dma_wait3A_581 = arith.constant 0 : i32
      %dma_wait3A_582 = tpu.memref_slice %arg4[%dma_wait3A_576, %dma_wait3A_581] : memref<2560x128xi32, #tpu.memory_space<hbm>> -> memref<1x128xi32, #tpu.memory_space<hbm>>
      %dma_wait3A_583 = tpu.memref_squeeze %dma_wait3A_582 : memref<1x128xi32, #tpu.memory_space<hbm>> -> memref<128xi32, #tpu.memory_space<hbm>>
      %dma_wait3A_584 = arith.constant 0 : i32
      %dma_wait3A_585 = tpu.memref_slice %arg7[%dma_wait3A_577, %dma_wait3A_584] : memref<4x128xi32, #tpu.memory_space<vmem>> -> memref<1x128xi32, #tpu.memory_space<vmem>>
      %dma_wait3A_586 = tpu.memref_squeeze %dma_wait3A_585 : memref<1x128xi32, #tpu.memory_space<vmem>> -> memref<128xi32, #tpu.memory_space<vmem>>
      %dma_wait3A_587 = arith.constant 0 : i32
      %dma_wait3A_588 = tpu.memref_slice %arg4[%dma_wait3A_576, %dma_wait3A_587] : memref<2560x128xi32, #tpu.memory_space<hbm>> -> memref<1x128xi32, #tpu.memory_space<hbm>>
      %dma_wait3A_589 = tpu.memref_squeeze %dma_wait3A_588 : memref<1x128xi32, #tpu.memory_space<hbm>> -> memref<128xi32, #tpu.memory_space<hbm>>
      tpu.wait_dma2 semaphore(%arg13 : memref<!tpu.dma_semaphore, #tpu.memory_space<semaphore_mem>>) src(%dma_wait3A_589 : memref<128xi32, #tpu.memory_space<hbm>>) dst(%dma_wait3A_586 : memref<128xi32, #tpu.memory_space<vmem>>)
      %dma_wait3A_590 = arith.constant 0 : i32
      %dma_wait3A_591 = arith.constant 0 : i32
      %dma_wait3A_592 = tpu.memref_slice %arg6[%dma_wait3A_590, %dma_wait3A_591] : memref<4x128xi32, #tpu.memory_space<vmem>> -> memref<1x128xi32, #tpu.memory_space<vmem>>
      %dma_wait3A_593 = tpu.memref_squeeze %dma_wait3A_592 : memref<1x128xi32, #tpu.memory_space<vmem>> -> memref<128xi32, #tpu.memory_space<vmem>>
      %dma_wait3A_594 = arith.constant 0 : i32
      %dma_wait3A_595 = arith.constant 0 : i32
      %dma_wait3A_596 = tpu.memref_slice %arg2[%dma_wait3A_594, %dma_wait3A_595] : memref<20480x128xf32, #tpu.memory_space<hbm>> -> memref<20480x128xf32, #tpu.memory_space<hbm>>
      tpu.wait_indirect_dma semaphore(%arg12 : memref<!tpu.dma_semaphore, #tpu.memory_space<semaphore_mem>>) src(%dma_wait3A_596 : memref<20480x128xf32, #tpu.memory_space<hbm>>) dst(%arg9 : memref<128x128xf32, #tpu.memory_space<vmem>>)
      %dma_start3A_597 = arith.constant 3 : i32
      %dma_start3A_598 = arith.constant 0 : i32
      %dma_start3A_599 = tpu.memref_slice %arg7[%dma_start3A_597, %dma_start3A_598] : memref<4x128xi32, #tpu.memory_space<vmem>> -> memref<1x128xi32, #tpu.memory_space<vmem>>
      %dma_start3A_600 = tpu.memref_squeeze %dma_start3A_599 : memref<1x128xi32, #tpu.memory_space<vmem>> -> memref<128xi32, #tpu.memory_space<vmem>>
      %dma_start3A_601 = arith.constant 0 : i32
      %dma_start3A_602 = arith.constant 0 : i32
      %dma_start3A_603 = tpu.memref_slice %arg10[%dma_start3A_601, %dma_start3A_602] : memref<10752x128xf32, #tpu.memory_space<vmem_shared>> -> memref<10752x128xf32, #tpu.memory_space<vmem_shared>>
      tpu.enqueue_indirect_dma source(%arg9 : memref<128x128xf32, #tpu.memory_space<vmem>>) target(%dma_start3A_603 : memref<10752x128xf32, #tpu.memory_space<vmem_shared>>) offsets(%dma_start3A_600 : memref<128xi32, #tpu.memory_space<vmem>>) semaphore(%arg18 : memref<!tpu.dma_semaphore, #tpu.memory_space<semaphore_mem>>) {add = true}
      %dma_wait3A_604 = arith.constant 0 : i32
      %dma_wait3A_605 = arith.constant 1 : i32
      %dma_wait3A_606 = arith.constant 0 : i32
      %dma_wait3A_607 = tpu.memref_slice %arg6[%dma_wait3A_605, %dma_wait3A_606] : memref<4x128xi32, #tpu.memory_space<vmem>> -> memref<1x128xi32, #tpu.memory_space<vmem>>
      %dma_wait3A_608 = tpu.memref_squeeze %dma_wait3A_607 : memref<1x128xi32, #tpu.memory_space<vmem>> -> memref<128xi32, #tpu.memory_space<vmem>>
      %dma_wait3A_609 = arith.constant 0 : i32
      %dma_wait3A_610 = tpu.memref_slice %arg3[%dma_wait3A_604, %dma_wait3A_609] : memref<2560x128xi32, #tpu.memory_space<hbm>> -> memref<1x128xi32, #tpu.memory_space<hbm>>
      %dma_wait3A_611 = tpu.memref_squeeze %dma_wait3A_610 : memref<1x128xi32, #tpu.memory_space<hbm>> -> memref<128xi32, #tpu.memory_space<hbm>>
      %dma_wait3A_612 = arith.constant 0 : i32
      %dma_wait3A_613 = tpu.memref_slice %arg6[%dma_wait3A_605, %dma_wait3A_612] : memref<4x128xi32, #tpu.memory_space<vmem>> -> memref<1x128xi32, #tpu.memory_space<vmem>>
      %dma_wait3A_614 = tpu.memref_squeeze %dma_wait3A_613 : memref<1x128xi32, #tpu.memory_space<vmem>> -> memref<128xi32, #tpu.memory_space<vmem>>
      %dma_wait3A_615 = arith.constant 0 : i32
      %dma_wait3A_616 = tpu.memref_slice %arg3[%dma_wait3A_604, %dma_wait3A_615] : memref<2560x128xi32, #tpu.memory_space<hbm>> -> memref<1x128xi32, #tpu.memory_space<hbm>>
      %dma_wait3A_617 = tpu.memref_squeeze %dma_wait3A_616 : memref<1x128xi32, #tpu.memory_space<hbm>> -> memref<128xi32, #tpu.memory_space<hbm>>
      tpu.wait_dma2 semaphore(%arg14 : memref<!tpu.dma_semaphore, #tpu.memory_space<semaphore_mem>>) src(%dma_wait3A_617 : memref<128xi32, #tpu.memory_space<hbm>>) dst(%dma_wait3A_614 : memref<128xi32, #tpu.memory_space<vmem>>)
      %dma_wait3A_618 = arith.constant 0 : i32
      %dma_wait3A_619 = arith.constant 1 : i32
      %dma_wait3A_620 = arith.constant 0 : i32
      %dma_wait3A_621 = tpu.memref_slice %arg7[%dma_wait3A_619, %dma_wait3A_620] : memref<4x128xi32, #tpu.memory_space<vmem>> -> memref<1x128xi32, #tpu.memory_space<vmem>>
      %dma_wait3A_622 = tpu.memref_squeeze %dma_wait3A_621 : memref<1x128xi32, #tpu.memory_space<vmem>> -> memref<128xi32, #tpu.memory_space<vmem>>
      %dma_wait3A_623 = arith.constant 0 : i32
      %dma_wait3A_624 = tpu.memref_slice %arg4[%dma_wait3A_618, %dma_wait3A_623] : memref<2560x128xi32, #tpu.memory_space<hbm>> -> memref<1x128xi32, #tpu.memory_space<hbm>>
      %dma_wait3A_625 = tpu.memref_squeeze %dma_wait3A_624 : memref<1x128xi32, #tpu.memory_space<hbm>> -> memref<128xi32, #tpu.memory_space<hbm>>
      %dma_wait3A_626 = arith.constant 0 : i32
      %dma_wait3A_627 = tpu.memref_slice %arg7[%dma_wait3A_619, %dma_wait3A_626] : memref<4x128xi32, #tpu.memory_space<vmem>> -> memref<1x128xi32, #tpu.memory_space<vmem>>
      %dma_wait3A_628 = tpu.memref_squeeze %dma_wait3A_627 : memref<1x128xi32, #tpu.memory_space<vmem>> -> memref<128xi32, #tpu.memory_space<vmem>>
      %dma_wait3A_629 = arith.constant 0 : i32
      %dma_wait3A_630 = tpu.memref_slice %arg4[%dma_wait3A_618, %dma_wait3A_629] : memref<2560x128xi32, #tpu.memory_space<hbm>> -> memref<1x128xi32, #tpu.memory_space<hbm>>
      %dma_wait3A_631 = tpu.memref_squeeze %dma_wait3A_630 : memref<1x128xi32, #tpu.memory_space<hbm>> -> memref<128xi32, #tpu.memory_space<hbm>>
      tpu.wait_dma2 semaphore(%arg14 : memref<!tpu.dma_semaphore, #tpu.memory_space<semaphore_mem>>) src(%dma_wait3A_631 : memref<128xi32, #tpu.memory_space<hbm>>) dst(%dma_wait3A_628 : memref<128xi32, #tpu.memory_space<vmem>>)
      %dma_wait3A_632 = arith.constant 0 : i32
      %dma_wait3A_633 = arith.constant 0 : i32
      %dma_wait3A_634 = tpu.memref_slice %arg7[%dma_wait3A_632, %dma_wait3A_633] : memref<4x128xi32, #tpu.memory_space<vmem>> -> memref<1x128xi32, #tpu.memory_space<vmem>>
      %dma_wait3A_635 = tpu.memref_squeeze %dma_wait3A_634 : memref<1x128xi32, #tpu.memory_space<vmem>> -> memref<128xi32, #tpu.memory_space<vmem>>
      %dma_wait3A_636 = arith.constant 0 : i32
      %dma_wait3A_637 = arith.constant 0 : i32
      %dma_wait3A_638 = tpu.memref_slice %arg10[%dma_wait3A_636, %dma_wait3A_637] : memref<10752x128xf32, #tpu.memory_space<vmem_shared>> -> memref<10752x128xf32, #tpu.memory_space<vmem_shared>>
      tpu.wait_indirect_dma semaphore(%arg17 : memref<!tpu.dma_semaphore, #tpu.memory_space<semaphore_mem>>) src(%arg8 : memref<128x128xf32, #tpu.memory_space<vmem>>) dst(%dma_wait3A_638 : memref<10752x128xf32, #tpu.memory_space<vmem_shared>>)
      %add3A_639 = arith.constant 6 : i32
      %add3A_640 = arith.addi %add3A_375, %add3A_639 : i32
      %add3A_641 = arith.addi %mul3A_7, %add3A_640 : i32
      %dma_start3A_642 = arith.constant 2 : i32
      %dma_start3A_643 = arith.constant 0 : i32
      %dma_start3A_644 = tpu.memref_slice %arg6[%dma_start3A_642, %dma_start3A_643] : memref<4x128xi32, #tpu.memory_space<vmem>> -> memref<1x128xi32, #tpu.memory_space<vmem>>
      %dma_start3A_645 = tpu.memref_squeeze %dma_start3A_644 : memref<1x128xi32, #tpu.memory_space<vmem>> -> memref<128xi32, #tpu.memory_space<vmem>>
      %dma_start3A_646 = arith.constant 0 : i32
      %dma_start3A_647 = tpu.memref_slice %arg3[%add3A_641, %dma_start3A_646] : memref<2560x128xi32, #tpu.memory_space<hbm>> -> memref<1x128xi32, #tpu.memory_space<hbm>>
      %dma_start3A_648 = tpu.memref_squeeze %dma_start3A_647 : memref<1x128xi32, #tpu.memory_space<hbm>> -> memref<128xi32, #tpu.memory_space<hbm>>
      %dma_start3A_649 = arith.constant 0 : i32
      %dma_start3A_650 = tpu.memref_slice %arg6[%dma_start3A_642, %dma_start3A_649] : memref<4x128xi32, #tpu.memory_space<vmem>> -> memref<1x128xi32, #tpu.memory_space<vmem>>
      %dma_start3A_651 = tpu.memref_squeeze %dma_start3A_650 : memref<1x128xi32, #tpu.memory_space<vmem>> -> memref<128xi32, #tpu.memory_space<vmem>>
      %dma_start3A_652 = arith.constant 0 : i32
      %dma_start3A_653 = tpu.memref_slice %arg3[%add3A_641, %dma_start3A_652] : memref<2560x128xi32, #tpu.memory_space<hbm>> -> memref<1x128xi32, #tpu.memory_space<hbm>>
      %dma_start3A_654 = tpu.memref_squeeze %dma_start3A_653 : memref<1x128xi32, #tpu.memory_space<hbm>> -> memref<128xi32, #tpu.memory_space<hbm>>
      tpu.enqueue_dma source(%dma_start3A_654 : memref<128xi32, #tpu.memory_space<hbm>>) target(%dma_start3A_651 : memref<128xi32, #tpu.memory_space<vmem>>) target_semaphore(%arg15 : memref<!tpu.dma_semaphore, #tpu.memory_space<semaphore_mem>>)
      %add3A_655 = arith.addi %mul3A_7, %add3A_640 : i32
      %dma_start3A_656 = arith.constant 2 : i32
      %dma_start3A_657 = arith.constant 0 : i32
      %dma_start3A_658 = tpu.memref_slice %arg7[%dma_start3A_656, %dma_start3A_657] : memref<4x128xi32, #tpu.memory_space<vmem>> -> memref<1x128xi32, #tpu.memory_space<vmem>>
      %dma_start3A_659 = tpu.memref_squeeze %dma_start3A_658 : memref<1x128xi32, #tpu.memory_space<vmem>> -> memref<128xi32, #tpu.memory_space<vmem>>
      %dma_start3A_660 = arith.constant 0 : i32
      %dma_start3A_661 = tpu.memref_slice %arg4[%add3A_655, %dma_start3A_660] : memref<2560x128xi32, #tpu.memory_space<hbm>> -> memref<1x128xi32, #tpu.memory_space<hbm>>
      %dma_start3A_662 = tpu.memref_squeeze %dma_start3A_661 : memref<1x128xi32, #tpu.memory_space<hbm>> -> memref<128xi32, #tpu.memory_space<hbm>>
      %dma_start3A_663 = arith.constant 0 : i32
      %dma_start3A_664 = tpu.memref_slice %arg7[%dma_start3A_656, %dma_start3A_663] : memref<4x128xi32, #tpu.memory_space<vmem>> -> memref<1x128xi32, #tpu.memory_space<vmem>>
      %dma_start3A_665 = tpu.memref_squeeze %dma_start3A_664 : memref<1x128xi32, #tpu.memory_space<vmem>> -> memref<128xi32, #tpu.memory_space<vmem>>
      %dma_start3A_666 = arith.constant 0 : i32
      %dma_start3A_667 = tpu.memref_slice %arg4[%add3A_655, %dma_start3A_666] : memref<2560x128xi32, #tpu.memory_space<hbm>> -> memref<1x128xi32, #tpu.memory_space<hbm>>
      %dma_start3A_668 = tpu.memref_squeeze %dma_start3A_667 : memref<1x128xi32, #tpu.memory_space<hbm>> -> memref<128xi32, #tpu.memory_space<hbm>>
      tpu.enqueue_dma source(%dma_start3A_668 : memref<128xi32, #tpu.memory_space<hbm>>) target(%dma_start3A_665 : memref<128xi32, #tpu.memory_space<vmem>>) target_semaphore(%arg15 : memref<!tpu.dma_semaphore, #tpu.memory_space<semaphore_mem>>)
      %dma_start3A_669 = arith.constant 0 : i32
      %dma_start3A_670 = arith.constant 0 : i32
      %dma_start3A_671 = tpu.memref_slice %arg6[%dma_start3A_669, %dma_start3A_670] : memref<4x128xi32, #tpu.memory_space<vmem>> -> memref<1x128xi32, #tpu.memory_space<vmem>>
      %dma_start3A_672 = tpu.memref_squeeze %dma_start3A_671 : memref<1x128xi32, #tpu.memory_space<vmem>> -> memref<128xi32, #tpu.memory_space<vmem>>
      %dma_start3A_673 = arith.constant 0 : i32
      %dma_start3A_674 = arith.constant 0 : i32
      %dma_start3A_675 = tpu.memref_slice %arg2[%dma_start3A_673, %dma_start3A_674] : memref<20480x128xf32, #tpu.memory_space<hbm>> -> memref<20480x128xf32, #tpu.memory_space<hbm>>
      tpu.enqueue_indirect_dma source(%dma_start3A_675 : memref<20480x128xf32, #tpu.memory_space<hbm>>) target(%arg8 : memref<128x128xf32, #tpu.memory_space<vmem>>) offsets(%dma_start3A_672 : memref<128xi32, #tpu.memory_space<vmem>>) semaphore(%arg11 : memref<!tpu.dma_semaphore, #tpu.memory_space<semaphore_mem>>)
      %dma_wait3A_676 = arith.constant 0 : i32
      %dma_wait3A_677 = arith.constant 0 : i32
      %dma_wait3A_678 = tpu.memref_slice %arg7[%dma_wait3A_676, %dma_wait3A_677] : memref<4x128xi32, #tpu.memory_space<vmem>> -> memref<1x128xi32, #tpu.memory_space<vmem>>
      %dma_wait3A_679 = tpu.memref_squeeze %dma_wait3A_678 : memref<1x128xi32, #tpu.memory_space<vmem>> -> memref<128xi32, #tpu.memory_space<vmem>>
      %dma_wait3A_680 = arith.constant 0 : i32
      %dma_wait3A_681 = arith.constant 0 : i32
      %dma_wait3A_682 = tpu.memref_slice %arg10[%dma_wait3A_680, %dma_wait3A_681] : memref<10752x128xf32, #tpu.memory_space<vmem_shared>> -> memref<10752x128xf32, #tpu.memory_space<vmem_shared>>
      tpu.wait_indirect_dma semaphore(%arg18 : memref<!tpu.dma_semaphore, #tpu.memory_space<semaphore_mem>>) src(%arg9 : memref<128x128xf32, #tpu.memory_space<vmem>>) dst(%dma_wait3A_682 : memref<10752x128xf32, #tpu.memory_space<vmem_shared>>)
      %add3A_683 = arith.constant 7 : i32
      %add3A_684 = arith.addi %add3A_375, %add3A_683 : i32
      %add3A_685 = arith.addi %mul3A_7, %add3A_684 : i32
      %dma_start3A_686 = arith.constant 3 : i32
      %dma_start3A_687 = arith.constant 0 : i32
      %dma_start3A_688 = tpu.memref_slice %arg6[%dma_start3A_686, %dma_start3A_687] : memref<4x128xi32, #tpu.memory_space<vmem>> -> memref<1x128xi32, #tpu.memory_space<vmem>>
      %dma_start3A_689 = tpu.memref_squeeze %dma_start3A_688 : memref<1x128xi32, #tpu.memory_space<vmem>> -> memref<128xi32, #tpu.memory_space<vmem>>
      %dma_start3A_690 = arith.constant 0 : i32
      %dma_start3A_691 = tpu.memref_slice %arg3[%add3A_685, %dma_start3A_690] : memref<2560x128xi32, #tpu.memory_space<hbm>> -> memref<1x128xi32, #tpu.memory_space<hbm>>
      %dma_start3A_692 = tpu.memref_squeeze %dma_start3A_691 : memref<1x128xi32, #tpu.memory_space<hbm>> -> memref<128xi32, #tpu.memory_space<hbm>>
      %dma_start3A_693 = arith.constant 0 : i32
      %dma_start3A_694 = tpu.memref_slice %arg6[%dma_start3A_686, %dma_start3A_693] : memref<4x128xi32, #tpu.memory_space<vmem>> -> memref<1x128xi32, #tpu.memory_space<vmem>>
      %dma_start3A_695 = tpu.memref_squeeze %dma_start3A_694 : memref<1x128xi32, #tpu.memory_space<vmem>> -> memref<128xi32, #tpu.memory_space<vmem>>
      %dma_start3A_696 = arith.constant 0 : i32
      %dma_start3A_697 = tpu.memref_slice %arg3[%add3A_685, %dma_start3A_696] : memref<2560x128xi32, #tpu.memory_space<hbm>> -> memref<1x128xi32, #tpu.memory_space<hbm>>
      %dma_start3A_698 = tpu.memref_squeeze %dma_start3A_697 : memref<1x128xi32, #tpu.memory_space<hbm>> -> memref<128xi32, #tpu.memory_space<hbm>>
      tpu.enqueue_dma source(%dma_start3A_698 : memref<128xi32, #tpu.memory_space<hbm>>) target(%dma_start3A_695 : memref<128xi32, #tpu.memory_space<vmem>>) target_semaphore(%arg16 : memref<!tpu.dma_semaphore, #tpu.memory_space<semaphore_mem>>)
      %add3A_699 = arith.addi %mul3A_7, %add3A_684 : i32
      %dma_start3A_700 = arith.constant 3 : i32
      %dma_start3A_701 = arith.constant 0 : i32
      %dma_start3A_702 = tpu.memref_slice %arg7[%dma_start3A_700, %dma_start3A_701] : memref<4x128xi32, #tpu.memory_space<vmem>> -> memref<1x128xi32, #tpu.memory_space<vmem>>
      %dma_start3A_703 = tpu.memref_squeeze %dma_start3A_702 : memref<1x128xi32, #tpu.memory_space<vmem>> -> memref<128xi32, #tpu.memory_space<vmem>>
      %dma_start3A_704 = arith.constant 0 : i32
      %dma_start3A_705 = tpu.memref_slice %arg4[%add3A_699, %dma_start3A_704] : memref<2560x128xi32, #tpu.memory_space<hbm>> -> memref<1x128xi32, #tpu.memory_space<hbm>>
      %dma_start3A_706 = tpu.memref_squeeze %dma_start3A_705 : memref<1x128xi32, #tpu.memory_space<hbm>> -> memref<128xi32, #tpu.memory_space<hbm>>
      %dma_start3A_707 = arith.constant 0 : i32
      %dma_start3A_708 = tpu.memref_slice %arg7[%dma_start3A_700, %dma_start3A_707] : memref<4x128xi32, #tpu.memory_space<vmem>> -> memref<1x128xi32, #tpu.memory_space<vmem>>
      %dma_start3A_709 = tpu.memref_squeeze %dma_start3A_708 : memref<1x128xi32, #tpu.memory_space<vmem>> -> memref<128xi32, #tpu.memory_space<vmem>>
      %dma_start3A_710 = arith.constant 0 : i32
      %dma_start3A_711 = tpu.memref_slice %arg4[%add3A_699, %dma_start3A_710] : memref<2560x128xi32, #tpu.memory_space<hbm>> -> memref<1x128xi32, #tpu.memory_space<hbm>>
      %dma_start3A_712 = tpu.memref_squeeze %dma_start3A_711 : memref<1x128xi32, #tpu.memory_space<hbm>> -> memref<128xi32, #tpu.memory_space<hbm>>
      tpu.enqueue_dma source(%dma_start3A_712 : memref<128xi32, #tpu.memory_space<hbm>>) target(%dma_start3A_709 : memref<128xi32, #tpu.memory_space<vmem>>) target_semaphore(%arg16 : memref<!tpu.dma_semaphore, #tpu.memory_space<semaphore_mem>>)
      %dma_start3A_713 = arith.constant 1 : i32
      %dma_start3A_714 = arith.constant 0 : i32
      %dma_start3A_715 = tpu.memref_slice %arg6[%dma_start3A_713, %dma_start3A_714] : memref<4x128xi32, #tpu.memory_space<vmem>> -> memref<1x128xi32, #tpu.memory_space<vmem>>
      %dma_start3A_716 = tpu.memref_squeeze %dma_start3A_715 : memref<1x128xi32, #tpu.memory_space<vmem>> -> memref<128xi32, #tpu.memory_space<vmem>>
      %dma_start3A_717 = arith.constant 0 : i32
      %dma_start3A_718 = arith.constant 0 : i32
      %dma_start3A_719 = tpu.memref_slice %arg2[%dma_start3A_717, %dma_start3A_718] : memref<20480x128xf32, #tpu.memory_space<hbm>> -> memref<20480x128xf32, #tpu.memory_space<hbm>>
      tpu.enqueue_indirect_dma source(%dma_start3A_719 : memref<20480x128xf32, #tpu.memory_space<hbm>>) target(%arg9 : memref<128x128xf32, #tpu.memory_space<vmem>>) offsets(%dma_start3A_716 : memref<128xi32, #tpu.memory_space<vmem>>) semaphore(%arg12 : memref<!tpu.dma_semaphore, #tpu.memory_space<semaphore_mem>>)
    }
    %scan3A_210 = arith.constant 19 : i32
    %dma_wait3A_211 = arith.constant 0 : i32
    %dma_wait3A_212 = arith.constant 0 : i32
    %dma_wait3A_213 = tpu.memref_slice %arg6[%dma_wait3A_211, %dma_wait3A_212] : memref<4x128xi32, #tpu.memory_space<vmem>> -> memref<1x128xi32, #tpu.memory_space<vmem>>
    %dma_wait3A_214 = tpu.memref_squeeze %dma_wait3A_213 : memref<1x128xi32, #tpu.memory_space<vmem>> -> memref<128xi32, #tpu.memory_space<vmem>>
    %dma_wait3A_215 = arith.constant 0 : i32
    %dma_wait3A_216 = arith.constant 0 : i32
    %dma_wait3A_217 = tpu.memref_slice %arg2[%dma_wait3A_215, %dma_wait3A_216] : memref<20480x128xf32, #tpu.memory_space<hbm>> -> memref<20480x128xf32, #tpu.memory_space<hbm>>
    tpu.wait_indirect_dma semaphore(%arg11 : memref<!tpu.dma_semaphore, #tpu.memory_space<semaphore_mem>>) src(%dma_wait3A_217 : memref<20480x128xf32, #tpu.memory_space<hbm>>) dst(%arg8 : memref<128x128xf32, #tpu.memory_space<vmem>>)
    %dma_start3A_218 = arith.constant 0 : i32
    %dma_start3A_219 = arith.constant 0 : i32
    %dma_start3A_220 = tpu.memref_slice %arg7[%dma_start3A_218, %dma_start3A_219] : memref<4x128xi32, #tpu.memory_space<vmem>> -> memref<1x128xi32, #tpu.memory_space<vmem>>
    %dma_start3A_221 = tpu.memref_squeeze %dma_start3A_220 : memref<1x128xi32, #tpu.memory_space<vmem>> -> memref<128xi32, #tpu.memory_space<vmem>>
    %dma_start3A_222 = arith.constant 0 : i32
    %dma_start3A_223 = arith.constant 0 : i32
    %dma_start3A_224 = tpu.memref_slice %arg10[%dma_start3A_222, %dma_start3A_223] : memref<10752x128xf32, #tpu.memory_space<vmem_shared>> -> memref<10752x128xf32, #tpu.memory_space<vmem_shared>>
    tpu.enqueue_indirect_dma source(%arg8 : memref<128x128xf32, #tpu.memory_space<vmem>>) target(%dma_start3A_224 : memref<10752x128xf32, #tpu.memory_space<vmem_shared>>) offsets(%dma_start3A_221 : memref<128xi32, #tpu.memory_space<vmem>>) semaphore(%arg17 : memref<!tpu.dma_semaphore, #tpu.memory_space<semaphore_mem>>) {add = true}
    %dma_wait3A_225 = arith.constant 0 : i32
    %dma_wait3A_226 = arith.constant 2 : i32
    %dma_wait3A_227 = arith.constant 0 : i32
    %dma_wait3A_228 = tpu.memref_slice %arg6[%dma_wait3A_226, %dma_wait3A_227] : memref<4x128xi32, #tpu.memory_space<vmem>> -> memref<1x128xi32, #tpu.memory_space<vmem>>
    %dma_wait3A_229 = tpu.memref_squeeze %dma_wait3A_228 : memref<1x128xi32, #tpu.memory_space<vmem>> -> memref<128xi32, #tpu.memory_space<vmem>>
    %dma_wait3A_230 = arith.constant 0 : i32
    %dma_wait3A_231 = tpu.memref_slice %arg3[%dma_wait3A_225, %dma_wait3A_230] : memref<2560x128xi32, #tpu.memory_space<hbm>> -> memref<1x128xi32, #tpu.memory_space<hbm>>
    %dma_wait3A_232 = tpu.memref_squeeze %dma_wait3A_231 : memref<1x128xi32, #tpu.memory_space<hbm>> -> memref<128xi32, #tpu.memory_space<hbm>>
    %dma_wait3A_233 = arith.constant 0 : i32
    %dma_wait3A_234 = tpu.memref_slice %arg6[%dma_wait3A_226, %dma_wait3A_233] : memref<4x128xi32, #tpu.memory_space<vmem>> -> memref<1x128xi32, #tpu.memory_space<vmem>>
    %dma_wait3A_235 = tpu.memref_squeeze %dma_wait3A_234 : memref<1x128xi32, #tpu.memory_space<vmem>> -> memref<128xi32, #tpu.memory_space<vmem>>
    %dma_wait3A_236 = arith.constant 0 : i32
    %dma_wait3A_237 = tpu.memref_slice %arg3[%dma_wait3A_225, %dma_wait3A_236] : memref<2560x128xi32, #tpu.memory_space<hbm>> -> memref<1x128xi32, #tpu.memory_space<hbm>>
    %dma_wait3A_238 = tpu.memref_squeeze %dma_wait3A_237 : memref<1x128xi32, #tpu.memory_space<hbm>> -> memref<128xi32, #tpu.memory_space<hbm>>
    tpu.wait_dma2 semaphore(%arg15 : memref<!tpu.dma_semaphore, #tpu.memory_space<semaphore_mem>>) src(%dma_wait3A_238 : memref<128xi32, #tpu.memory_space<hbm>>) dst(%dma_wait3A_235 : memref<128xi32, #tpu.memory_space<vmem>>)
    %dma_wait3A_239 = arith.constant 0 : i32
    %dma_wait3A_240 = arith.constant 2 : i32
    %dma_wait3A_241 = arith.constant 0 : i32
    %dma_wait3A_242 = tpu.memref_slice %arg7[%dma_wait3A_240, %dma_wait3A_241] : memref<4x128xi32, #tpu.memory_space<vmem>> -> memref<1x128xi32, #tpu.memory_space<vmem>>
    %dma_wait3A_243 = tpu.memref_squeeze %dma_wait3A_242 : memref<1x128xi32, #tpu.memory_space<vmem>> -> memref<128xi32, #tpu.memory_space<vmem>>
    %dma_wait3A_244 = arith.constant 0 : i32
    %dma_wait3A_245 = tpu.memref_slice %arg4[%dma_wait3A_239, %dma_wait3A_244] : memref<2560x128xi32, #tpu.memory_space<hbm>> -> memref<1x128xi32, #tpu.memory_space<hbm>>
    %dma_wait3A_246 = tpu.memref_squeeze %dma_wait3A_245 : memref<1x128xi32, #tpu.memory_space<hbm>> -> memref<128xi32, #tpu.memory_space<hbm>>
    %dma_wait3A_247 = arith.constant 0 : i32
    %dma_wait3A_248 = tpu.memref_slice %arg7[%dma_wait3A_240, %dma_wait3A_247] : memref<4x128xi32, #tpu.memory_space<vmem>> -> memref<1x128xi32, #tpu.memory_space<vmem>>
    %dma_wait3A_249 = tpu.memref_squeeze %dma_wait3A_248 : memref<1x128xi32, #tpu.memory_space<vmem>> -> memref<128xi32, #tpu.memory_space<vmem>>
    %dma_wait3A_250 = arith.constant 0 : i32
    %dma_wait3A_251 = tpu.memref_slice %arg4[%dma_wait3A_239, %dma_wait3A_250] : memref<2560x128xi32, #tpu.memory_space<hbm>> -> memref<1x128xi32, #tpu.memory_space<hbm>>
    %dma_wait3A_252 = tpu.memref_squeeze %dma_wait3A_251 : memref<1x128xi32, #tpu.memory_space<hbm>> -> memref<128xi32, #tpu.memory_space<hbm>>
    tpu.wait_dma2 semaphore(%arg15 : memref<!tpu.dma_semaphore, #tpu.memory_space<semaphore_mem>>) src(%dma_wait3A_252 : memref<128xi32, #tpu.memory_space<hbm>>) dst(%dma_wait3A_249 : memref<128xi32, #tpu.memory_space<vmem>>)
    %dma_wait3A_253 = arith.constant 0 : i32
    %dma_wait3A_254 = arith.constant 0 : i32
    %dma_wait3A_255 = tpu.memref_slice %arg6[%dma_wait3A_253, %dma_wait3A_254] : memref<4x128xi32, #tpu.memory_space<vmem>> -> memref<1x128xi32, #tpu.memory_space<vmem>>
    %dma_wait3A_256 = tpu.memref_squeeze %dma_wait3A_255 : memref<1x128xi32, #tpu.memory_space<vmem>> -> memref<128xi32, #tpu.memory_space<vmem>>
    %dma_wait3A_257 = arith.constant 0 : i32
    %dma_wait3A_258 = arith.constant 0 : i32
    %dma_wait3A_259 = tpu.memref_slice %arg2[%dma_wait3A_257, %dma_wait3A_258] : memref<20480x128xf32, #tpu.memory_space<hbm>> -> memref<20480x128xf32, #tpu.memory_space<hbm>>
    tpu.wait_indirect_dma semaphore(%arg12 : memref<!tpu.dma_semaphore, #tpu.memory_space<semaphore_mem>>) src(%dma_wait3A_259 : memref<20480x128xf32, #tpu.memory_space<hbm>>) dst(%arg9 : memref<128x128xf32, #tpu.memory_space<vmem>>)
    %dma_start3A_260 = arith.constant 1 : i32
    %dma_start3A_261 = arith.constant 0 : i32
    %dma_start3A_262 = tpu.memref_slice %arg7[%dma_start3A_260, %dma_start3A_261] : memref<4x128xi32, #tpu.memory_space<vmem>> -> memref<1x128xi32, #tpu.memory_space<vmem>>
    %dma_start3A_263 = tpu.memref_squeeze %dma_start3A_262 : memref<1x128xi32, #tpu.memory_space<vmem>> -> memref<128xi32, #tpu.memory_space<vmem>>
    %dma_start3A_264 = arith.constant 0 : i32
    %dma_start3A_265 = arith.constant 0 : i32
    %dma_start3A_266 = tpu.memref_slice %arg10[%dma_start3A_264, %dma_start3A_265] : memref<10752x128xf32, #tpu.memory_space<vmem_shared>> -> memref<10752x128xf32, #tpu.memory_space<vmem_shared>>
    tpu.enqueue_indirect_dma source(%arg9 : memref<128x128xf32, #tpu.memory_space<vmem>>) target(%dma_start3A_266 : memref<10752x128xf32, #tpu.memory_space<vmem_shared>>) offsets(%dma_start3A_263 : memref<128xi32, #tpu.memory_space<vmem>>) semaphore(%arg18 : memref<!tpu.dma_semaphore, #tpu.memory_space<semaphore_mem>>) {add = true}
    %dma_wait3A_267 = arith.constant 0 : i32
    %dma_wait3A_268 = arith.constant 3 : i32
    %dma_wait3A_269 = arith.constant 0 : i32
    %dma_wait3A_270 = tpu.memref_slice %arg6[%dma_wait3A_268, %dma_wait3A_269] : memref<4x128xi32, #tpu.memory_space<vmem>> -> memref<1x128xi32, #tpu.memory_space<vmem>>
    %dma_wait3A_271 = tpu.memref_squeeze %dma_wait3A_270 : memref<1x128xi32, #tpu.memory_space<vmem>> -> memref<128xi32, #tpu.memory_space<vmem>>
    %dma_wait3A_272 = arith.constant 0 : i32
    %dma_wait3A_273 = tpu.memref_slice %arg3[%dma_wait3A_267, %dma_wait3A_272] : memref<2560x128xi32, #tpu.memory_space<hbm>> -> memref<1x128xi32, #tpu.memory_space<hbm>>
    %dma_wait3A_274 = tpu.memref_squeeze %dma_wait3A_273 : memref<1x128xi32, #tpu.memory_space<hbm>> -> memref<128xi32, #tpu.memory_space<hbm>>
    %dma_wait3A_275 = arith.constant 0 : i32
    %dma_wait3A_276 = tpu.memref_slice %arg6[%dma_wait3A_268, %dma_wait3A_275] : memref<4x128xi32, #tpu.memory_space<vmem>> -> memref<1x128xi32, #tpu.memory_space<vmem>>
    %dma_wait3A_277 = tpu.memref_squeeze %dma_wait3A_276 : memref<1x128xi32, #tpu.memory_space<vmem>> -> memref<128xi32, #tpu.memory_space<vmem>>
    %dma_wait3A_278 = arith.constant 0 : i32
    %dma_wait3A_279 = tpu.memref_slice %arg3[%dma_wait3A_267, %dma_wait3A_278] : memref<2560x128xi32, #tpu.memory_space<hbm>> -> memref<1x128xi32, #tpu.memory_space<hbm>>
    %dma_wait3A_280 = tpu.memref_squeeze %dma_wait3A_279 : memref<1x128xi32, #tpu.memory_space<hbm>> -> memref<128xi32, #tpu.memory_space<hbm>>
    tpu.wait_dma2 semaphore(%arg16 : memref<!tpu.dma_semaphore, #tpu.memory_space<semaphore_mem>>) src(%dma_wait3A_280 : memref<128xi32, #tpu.memory_space<hbm>>) dst(%dma_wait3A_277 : memref<128xi32, #tpu.memory_space<vmem>>)
    %dma_wait3A_281 = arith.constant 0 : i32
    %dma_wait3A_282 = arith.constant 3 : i32
    %dma_wait3A_283 = arith.constant 0 : i32
    %dma_wait3A_284 = tpu.memref_slice %arg7[%dma_wait3A_282, %dma_wait3A_283] : memref<4x128xi32, #tpu.memory_space<vmem>> -> memref<1x128xi32, #tpu.memory_space<vmem>>
    %dma_wait3A_285 = tpu.memref_squeeze %dma_wait3A_284 : memref<1x128xi32, #tpu.memory_space<vmem>> -> memref<128xi32, #tpu.memory_space<vmem>>
    %dma_wait3A_286 = arith.constant 0 : i32
    %dma_wait3A_287 = tpu.memref_slice %arg4[%dma_wait3A_281, %dma_wait3A_286] : memref<2560x128xi32, #tpu.memory_space<hbm>> -> memref<1x128xi32, #tpu.memory_space<hbm>>
    %dma_wait3A_288 = tpu.memref_squeeze %dma_wait3A_287 : memref<1x128xi32, #tpu.memory_space<hbm>> -> memref<128xi32, #tpu.memory_space<hbm>>
    %dma_wait3A_289 = arith.constant 0 : i32
    %dma_wait3A_290 = tpu.memref_slice %arg7[%dma_wait3A_282, %dma_wait3A_289] : memref<4x128xi32, #tpu.memory_space<vmem>> -> memref<1x128xi32, #tpu.memory_space<vmem>>
    %dma_wait3A_291 = tpu.memref_squeeze %dma_wait3A_290 : memref<1x128xi32, #tpu.memory_space<vmem>> -> memref<128xi32, #tpu.memory_space<vmem>>
    %dma_wait3A_292 = arith.constant 0 : i32
    %dma_wait3A_293 = tpu.memref_slice %arg4[%dma_wait3A_281, %dma_wait3A_292] : memref<2560x128xi32, #tpu.memory_space<hbm>> -> memref<1x128xi32, #tpu.memory_space<hbm>>
    %dma_wait3A_294 = tpu.memref_squeeze %dma_wait3A_293 : memref<1x128xi32, #tpu.memory_space<hbm>> -> memref<128xi32, #tpu.memory_space<hbm>>
    tpu.wait_dma2 semaphore(%arg16 : memref<!tpu.dma_semaphore, #tpu.memory_space<semaphore_mem>>) src(%dma_wait3A_294 : memref<128xi32, #tpu.memory_space<hbm>>) dst(%dma_wait3A_291 : memref<128xi32, #tpu.memory_space<vmem>>)
    %dma_wait3A_295 = arith.constant 0 : i32
    %dma_wait3A_296 = arith.constant 0 : i32
    %dma_wait3A_297 = tpu.memref_slice %arg7[%dma_wait3A_295, %dma_wait3A_296] : memref<4x128xi32, #tpu.memory_space<vmem>> -> memref<1x128xi32, #tpu.memory_space<vmem>>
    %dma_wait3A_298 = tpu.memref_squeeze %dma_wait3A_297 : memref<1x128xi32, #tpu.memory_space<vmem>> -> memref<128xi32, #tpu.memory_space<vmem>>
    %dma_wait3A_299 = arith.constant 0 : i32
    %dma_wait3A_300 = arith.constant 0 : i32
    %dma_wait3A_301 = tpu.memref_slice %arg10[%dma_wait3A_299, %dma_wait3A_300] : memref<10752x128xf32, #tpu.memory_space<vmem_shared>> -> memref<10752x128xf32, #tpu.memory_space<vmem_shared>>
    tpu.wait_indirect_dma semaphore(%arg17 : memref<!tpu.dma_semaphore, #tpu.memory_space<semaphore_mem>>) src(%arg8 : memref<128x128xf32, #tpu.memory_space<vmem>>) dst(%dma_wait3A_301 : memref<10752x128xf32, #tpu.memory_space<vmem_shared>>)
    %dma_start3A_302 = arith.constant 2 : i32
    %dma_start3A_303 = arith.constant 0 : i32
    %dma_start3A_304 = tpu.memref_slice %arg6[%dma_start3A_302, %dma_start3A_303] : memref<4x128xi32, #tpu.memory_space<vmem>> -> memref<1x128xi32, #tpu.memory_space<vmem>>
    %dma_start3A_305 = tpu.memref_squeeze %dma_start3A_304 : memref<1x128xi32, #tpu.memory_space<vmem>> -> memref<128xi32, #tpu.memory_space<vmem>>
    %dma_start3A_306 = arith.constant 0 : i32
    %dma_start3A_307 = arith.constant 0 : i32
    %dma_start3A_308 = tpu.memref_slice %arg2[%dma_start3A_306, %dma_start3A_307] : memref<20480x128xf32, #tpu.memory_space<hbm>> -> memref<20480x128xf32, #tpu.memory_space<hbm>>
    tpu.enqueue_indirect_dma source(%dma_start3A_308 : memref<20480x128xf32, #tpu.memory_space<hbm>>) target(%arg8 : memref<128x128xf32, #tpu.memory_space<vmem>>) offsets(%dma_start3A_305 : memref<128xi32, #tpu.memory_space<vmem>>) semaphore(%arg11 : memref<!tpu.dma_semaphore, #tpu.memory_space<semaphore_mem>>)
    %dma_wait3A_309 = arith.constant 0 : i32
    %dma_wait3A_310 = arith.constant 0 : i32
    %dma_wait3A_311 = tpu.memref_slice %arg7[%dma_wait3A_309, %dma_wait3A_310] : memref<4x128xi32, #tpu.memory_space<vmem>> -> memref<1x128xi32, #tpu.memory_space<vmem>>
    %dma_wait3A_312 = tpu.memref_squeeze %dma_wait3A_311 : memref<1x128xi32, #tpu.memory_space<vmem>> -> memref<128xi32, #tpu.memory_space<vmem>>
    %dma_wait3A_313 = arith.constant 0 : i32
    %dma_wait3A_314 = arith.constant 0 : i32
    %dma_wait3A_315 = tpu.memref_slice %arg10[%dma_wait3A_313, %dma_wait3A_314] : memref<10752x128xf32, #tpu.memory_space<vmem_shared>> -> memref<10752x128xf32, #tpu.memory_space<vmem_shared>>
    tpu.wait_indirect_dma semaphore(%arg18 : memref<!tpu.dma_semaphore, #tpu.memory_space<semaphore_mem>>) src(%arg9 : memref<128x128xf32, #tpu.memory_space<vmem>>) dst(%dma_wait3A_315 : memref<10752x128xf32, #tpu.memory_space<vmem_shared>>)
    %dma_start3A_316 = arith.constant 3 : i32
    %dma_start3A_317 = arith.constant 0 : i32
    %dma_start3A_318 = tpu.memref_slice %arg6[%dma_start3A_316, %dma_start3A_317] : memref<4x128xi32, #tpu.memory_space<vmem>> -> memref<1x128xi32, #tpu.memory_space<vmem>>
    %dma_start3A_319 = tpu.memref_squeeze %dma_start3A_318 : memref<1x128xi32, #tpu.memory_space<vmem>> -> memref<128xi32, #tpu.memory_space<vmem>>
    %dma_start3A_320 = arith.constant 0 : i32
    %dma_start3A_321 = arith.constant 0 : i32
    %dma_start3A_322 = tpu.memref_slice %arg2[%dma_start3A_320, %dma_start3A_321] : memref<20480x128xf32, #tpu.memory_space<hbm>> -> memref<20480x128xf32, #tpu.memory_space<hbm>>
    tpu.enqueue_indirect_dma source(%dma_start3A_322 : memref<20480x128xf32, #tpu.memory_space<hbm>>) target(%arg9 : memref<128x128xf32, #tpu.memory_space<vmem>>) offsets(%dma_start3A_319 : memref<128xi32, #tpu.memory_space<vmem>>) semaphore(%arg12 : memref<!tpu.dma_semaphore, #tpu.memory_space<semaphore_mem>>)
    %dma_wait3A_323 = arith.constant 0 : i32
    %dma_wait3A_324 = arith.constant 0 : i32
    %dma_wait3A_325 = tpu.memref_slice %arg6[%dma_wait3A_323, %dma_wait3A_324] : memref<4x128xi32, #tpu.memory_space<vmem>> -> memref<1x128xi32, #tpu.memory_space<vmem>>
    %dma_wait3A_326 = tpu.memref_squeeze %dma_wait3A_325 : memref<1x128xi32, #tpu.memory_space<vmem>> -> memref<128xi32, #tpu.memory_space<vmem>>
    %dma_wait3A_327 = arith.constant 0 : i32
    %dma_wait3A_328 = arith.constant 0 : i32
    %dma_wait3A_329 = tpu.memref_slice %arg2[%dma_wait3A_327, %dma_wait3A_328] : memref<20480x128xf32, #tpu.memory_space<hbm>> -> memref<20480x128xf32, #tpu.memory_space<hbm>>
    tpu.wait_indirect_dma semaphore(%arg11 : memref<!tpu.dma_semaphore, #tpu.memory_space<semaphore_mem>>) src(%dma_wait3A_329 : memref<20480x128xf32, #tpu.memory_space<hbm>>) dst(%arg8 : memref<128x128xf32, #tpu.memory_space<vmem>>)
    %dma_start3A_330 = arith.constant 2 : i32
    %dma_start3A_331 = arith.constant 0 : i32
    %dma_start3A_332 = tpu.memref_slice %arg7[%dma_start3A_330, %dma_start3A_331] : memref<4x128xi32, #tpu.memory_space<vmem>> -> memref<1x128xi32, #tpu.memory_space<vmem>>
    %dma_start3A_333 = tpu.memref_squeeze %dma_start3A_332 : memref<1x128xi32, #tpu.memory_space<vmem>> -> memref<128xi32, #tpu.memory_space<vmem>>
    %dma_start3A_334 = arith.constant 0 : i32
    %dma_start3A_335 = arith.constant 0 : i32
    %dma_start3A_336 = tpu.memref_slice %arg10[%dma_start3A_334, %dma_start3A_335] : memref<10752x128xf32, #tpu.memory_space<vmem_shared>> -> memref<10752x128xf32, #tpu.memory_space<vmem_shared>>
    tpu.enqueue_indirect_dma source(%arg8 : memref<128x128xf32, #tpu.memory_space<vmem>>) target(%dma_start3A_336 : memref<10752x128xf32, #tpu.memory_space<vmem_shared>>) offsets(%dma_start3A_333 : memref<128xi32, #tpu.memory_space<vmem>>) semaphore(%arg17 : memref<!tpu.dma_semaphore, #tpu.memory_space<semaphore_mem>>) {add = true}
    %dma_wait3A_337 = arith.constant 0 : i32
    %dma_wait3A_338 = arith.constant 0 : i32
    %dma_wait3A_339 = tpu.memref_slice %arg6[%dma_wait3A_337, %dma_wait3A_338] : memref<4x128xi32, #tpu.memory_space<vmem>> -> memref<1x128xi32, #tpu.memory_space<vmem>>
    %dma_wait3A_340 = tpu.memref_squeeze %dma_wait3A_339 : memref<1x128xi32, #tpu.memory_space<vmem>> -> memref<128xi32, #tpu.memory_space<vmem>>
    %dma_wait3A_341 = arith.constant 0 : i32
    %dma_wait3A_342 = arith.constant 0 : i32
    %dma_wait3A_343 = tpu.memref_slice %arg2[%dma_wait3A_341, %dma_wait3A_342] : memref<20480x128xf32, #tpu.memory_space<hbm>> -> memref<20480x128xf32, #tpu.memory_space<hbm>>
    tpu.wait_indirect_dma semaphore(%arg12 : memref<!tpu.dma_semaphore, #tpu.memory_space<semaphore_mem>>) src(%dma_wait3A_343 : memref<20480x128xf32, #tpu.memory_space<hbm>>) dst(%arg9 : memref<128x128xf32, #tpu.memory_space<vmem>>)
    %dma_start3A_344 = arith.constant 3 : i32
    %dma_start3A_345 = arith.constant 0 : i32
    %dma_start3A_346 = tpu.memref_slice %arg7[%dma_start3A_344, %dma_start3A_345] : memref<4x128xi32, #tpu.memory_space<vmem>> -> memref<1x128xi32, #tpu.memory_space<vmem>>
    %dma_start3A_347 = tpu.memref_squeeze %dma_start3A_346 : memref<1x128xi32, #tpu.memory_space<vmem>> -> memref<128xi32, #tpu.memory_space<vmem>>
    %dma_start3A_348 = arith.constant 0 : i32
    %dma_start3A_349 = arith.constant 0 : i32
    %dma_start3A_350 = tpu.memref_slice %arg10[%dma_start3A_348, %dma_start3A_349] : memref<10752x128xf32, #tpu.memory_space<vmem_shared>> -> memref<10752x128xf32, #tpu.memory_space<vmem_shared>>
    tpu.enqueue_indirect_dma source(%arg9 : memref<128x128xf32, #tpu.memory_space<vmem>>) target(%dma_start3A_350 : memref<10752x128xf32, #tpu.memory_space<vmem_shared>>) offsets(%dma_start3A_347 : memref<128xi32, #tpu.memory_space<vmem>>) semaphore(%arg18 : memref<!tpu.dma_semaphore, #tpu.memory_space<semaphore_mem>>) {add = true}
    %dma_wait3A_351 = arith.constant 0 : i32
    %dma_wait3A_352 = arith.constant 0 : i32
    %dma_wait3A_353 = tpu.memref_slice %arg7[%dma_wait3A_351, %dma_wait3A_352] : memref<4x128xi32, #tpu.memory_space<vmem>> -> memref<1x128xi32, #tpu.memory_space<vmem>>
    %dma_wait3A_354 = tpu.memref_squeeze %dma_wait3A_353 : memref<1x128xi32, #tpu.memory_space<vmem>> -> memref<128xi32, #tpu.memory_space<vmem>>
    %dma_wait3A_355 = arith.constant 0 : i32
    %dma_wait3A_356 = arith.constant 0 : i32
    %dma_wait3A_357 = tpu.memref_slice %arg10[%dma_wait3A_355, %dma_wait3A_356] : memref<10752x128xf32, #tpu.memory_space<vmem_shared>> -> memref<10752x128xf32, #tpu.memory_space<vmem_shared>>
    tpu.wait_indirect_dma semaphore(%arg17 : memref<!tpu.dma_semaphore, #tpu.memory_space<semaphore_mem>>) src(%arg8 : memref<128x128xf32, #tpu.memory_space<vmem>>) dst(%dma_wait3A_357 : memref<10752x128xf32, #tpu.memory_space<vmem_shared>>)
    %dma_wait3A_358 = arith.constant 0 : i32
    %dma_wait3A_359 = arith.constant 0 : i32
    %dma_wait3A_360 = tpu.memref_slice %arg7[%dma_wait3A_358, %dma_wait3A_359] : memref<4x128xi32, #tpu.memory_space<vmem>> -> memref<1x128xi32, #tpu.memory_space<vmem>>
    %dma_wait3A_361 = tpu.memref_squeeze %dma_wait3A_360 : memref<1x128xi32, #tpu.memory_space<vmem>> -> memref<128xi32, #tpu.memory_space<vmem>>
    %dma_wait3A_362 = arith.constant 0 : i32
    %dma_wait3A_363 = arith.constant 0 : i32
    %dma_wait3A_364 = tpu.memref_slice %arg10[%dma_wait3A_362, %dma_wait3A_363] : memref<10752x128xf32, #tpu.memory_space<vmem_shared>> -> memref<10752x128xf32, #tpu.memory_space<vmem_shared>>
    tpu.wait_indirect_dma semaphore(%arg18 : memref<!tpu.dma_semaphore, #tpu.memory_space<semaphore_mem>>) src(%arg9 : memref<128x128xf32, #tpu.memory_space<vmem>>) dst(%dma_wait3A_364 : memref<10752x128xf32, #tpu.memory_space<vmem_shared>>)
    %barrier3A_365 = arith.constant 0 : index
    tpu.barrier barrier_id(%barrier3A_365)
    %mul3A_366 = arith.constant 10240 : i32
    %mul3A_367 = arith.muli %arg0, %mul3A_366 : i32
    %mul3A_368 = arith.constant 640 : i32
    %mul3A_369 = arith.muli %arg1, %mul3A_368 : i32
    %add3A_370 = arith.addi %mul3A_367, %mul3A_369 : i32
    "tpu.region"() ({
      %run_scoped3A = tpu.sem_alloc : memref<!tpu.dma_semaphore, #tpu.memory_space<semaphore_mem>>
      %dma_start3A_371 = arith.constant 0 : i32
      %dma_start3A_372 = tpu.memref_slice %arg5[%add3A_370, %dma_start3A_371] : memref<20480x128xf32, #tpu.memory_space<hbm>> -> memref<640x128xf32, #tpu.memory_space<hbm>>
      %dma_start3A_373 = arith.constant 0 : i32
      %dma_start3A_374 = tpu.memref_slice %arg10[%add3A, %dma_start3A_373] : memref<10752x128xf32, #tpu.memory_space<vmem_shared>> -> memref<640x128xf32, #tpu.memory_space<vmem_shared>>
      tpu.enqueue_dma source(%dma_start3A_374 : memref<640x128xf32, #tpu.memory_space<vmem_shared>>) target(%dma_start3A_372 : memref<640x128xf32, #tpu.memory_space<hbm>>) target_semaphore(%run_scoped3A : memref<!tpu.dma_semaphore, #tpu.memory_space<semaphore_mem>>)
      %dma_wait3A_375 = arith.constant 0 : i32
      %dma_wait3A_376 = tpu.memref_slice %arg5[%add3A_370, %dma_wait3A_375] : memref<20480x128xf32, #tpu.memory_space<hbm>> -> memref<640x128xf32, #tpu.memory_space<hbm>>
      %dma_wait3A_377 = arith.constant 0 : i32
      %dma_wait3A_378 = tpu.memref_slice %arg10[%add3A, %dma_wait3A_377] : memref<10752x128xf32, #tpu.memory_space<vmem_shared>> -> memref<640x128xf32, #tpu.memory_space<vmem_shared>>
      tpu.wait_dma2 semaphore(%run_scoped3A : memref<!tpu.dma_semaphore, #tpu.memory_space<semaphore_mem>>) src(%dma_wait3A_378 : memref<640x128xf32, #tpu.memory_space<vmem_shared>>) dst(%dma_wait3A_376 : memref<640x128xf32, #tpu.memory_space<hbm>>)
      tpu.yield
    }) : () -> ()
    return
  }
}

module attributes {stable_mosaic.version = 14 : i64} {
  func.func @_k1_body(%arg0: memref<10240x256xf32, #tpu.memory_space<vmem>>, %arg1: memref<10240x128xf32, #tpu.memory_space<vmem>>, %arg2: memref<10240x128xf32, #tpu.memory_space<vmem>>, %arg3: memref<10240x1xf32, #tpu.memory_space<vmem>>, %arg4: memref<10240x128xf32, #tpu.memory_space<vmem>>, %arg5: memref<10240x128xf32, #tpu.memory_space<vmem>>) attributes {dimension_semantics = [], scalar_prefetch = 0 : i64, scratch_operands = 0 : i64, tpu.core_type = #tpu.core_type<tc>} {
    %get3A = arith.constant 0 : index
    %get3A_0 = arith.constant 0 : index
    %get3A_1 = vector.load %arg1[%get3A, %get3A_0] : memref<10240x128xf32, #tpu.memory_space<vmem>>, vector<10240x1xf32>
    %add3A = arith.constant 1.000000e+00 : f32
    %add3A_2 = vector.broadcast %add3A : f32 to vector<10240x1xf32>
    %add3A_3 = arith.addf %add3A_2, %get3A_1 : vector<10240x1xf32>
    %get3A_4 = arith.constant 0 : index
    %get3A_5 = arith.constant 0 : index
    %get3A_6 = vector.load %arg2[%get3A_4, %get3A_5] : memref<10240x128xf32, #tpu.memory_space<vmem>>, vector<10240x1xf32>
    %add3A_7 = arith.addf %add3A_3, %get3A_6 : vector<10240x1xf32>
    %iota3A = tpu.iota {dimensions = array<i32: 0>} : vector<10240x1xi32>
    %lt3A = arith.constant 10000 : i32
    %lt3A_8 = vector.broadcast %lt3A : i32 to vector<10240x1xi32>
    %lt3A_9 = arith.cmpi slt, %iota3A, %lt3A_8 : vector<10240x1xi32>
    %max3A = arith.constant 9.99999996E-13 : f32
    %max3A_10 = vector.broadcast %max3A : f32 to vector<10240x1xf32>
    %max3A_11 = arith.maximumf %add3A_7, %max3A_10 : vector<10240x1xf32>
    %rsqrt3A = math.rsqrt %max3A_11 : vector<10240x1xf32>
    %jit3A = arith.constant 0.000000e+00 : f32
    %broadcast_in_dim3A = vector.broadcast %jit3A : f32 to vector<10240x1xf32>
    %select_n3A = arith.select %lt3A_9, %rsqrt3A, %broadcast_in_dim3A : vector<10240x1xi1>, vector<10240x1xf32>
    %swap3A = arith.constant 0 : index
    %swap3A_12 = arith.constant 0 : index
    %swap3A_13 = vector.load %arg3[%swap3A, %swap3A_12] : memref<10240x1xf32, #tpu.memory_space<vmem>>, vector<10240x1xf32>
    tpu.vector_store %arg3[%swap3A, %swap3A_12], %select_n3A {strides = array<i32>} : memref<10240x1xf32, #tpu.memory_space<vmem>>, vector<10240x1xf32>,
    %get3A_14 = arith.constant 0 : index
    %get3A_15 = arith.constant 0 : index
    %get3A_16 = vector.load %arg0[%get3A_14, %get3A_15] : memref<10240x256xf32, #tpu.memory_space<vmem>>, vector<10240x256xf32>
    %slice3A = vector.extract_strided_slice %get3A_16 {offsets = [0, 0], sizes = [10240, 128], strides = [1, 1]} : vector<10240x256xf32> to vector<10240x128xf32>
    %mul3A = vector.broadcast %select_n3A : vector<10240x1xf32> to vector<10240x128xf32>
    %mul3A_17 = arith.mulf %slice3A, %mul3A : vector<10240x128xf32>
    %swap3A_18 = arith.constant 0 : index
    %swap3A_19 = arith.constant 0 : index
    %swap3A_20 = vector.load %arg4[%swap3A_18, %swap3A_19] : memref<10240x128xf32, #tpu.memory_space<vmem>>, vector<10240x128xf32>
    tpu.vector_store %arg4[%swap3A_18, %swap3A_19], %mul3A_17 {strides = array<i32>} : memref<10240x128xf32, #tpu.memory_space<vmem>>, vector<10240x128xf32>,
    %slice3A_21 = vector.extract_strided_slice %get3A_16 {offsets = [0, 128], sizes = [10240, 128], strides = [1, 1]} : vector<10240x256xf32> to vector<10240x128xf32>
    %mul3A_22 = vector.broadcast %select_n3A : vector<10240x1xf32> to vector<10240x128xf32>
    %mul3A_23 = arith.mulf %slice3A_21, %mul3A_22 : vector<10240x128xf32>
    %swap3A_24 = arith.constant 0 : index
    %swap3A_25 = arith.constant 0 : index
    %swap3A_26 = vector.load %arg5[%swap3A_24, %swap3A_25] : memref<10240x128xf32, #tpu.memory_space<vmem>>, vector<10240x128xf32>
    tpu.vector_store %arg5[%swap3A_24, %swap3A_25], %mul3A_23 {strides = array<i32>} : memref<10240x128xf32, #tpu.memory_space<vmem>>, vector<10240x128xf32>,
    return
  }
}

module attributes {stable_mosaic.version = 14 : i64} {
  func.func @_k2_body(%arg0: i32, %arg1: memref<1280x128xf32, #tpu.memory_space<vmem>>, %arg2: memref<1280x128xf32, #tpu.memory_space<vmem>>, %arg3: memref<1280x128xf32, #tpu.memory_space<vmem>>, %arg4: memref<1280x128xf32, #tpu.memory_space<vmem>>, %arg5: memref<1280x1xf32, #tpu.memory_space<vmem>>, %arg6: memref<128x512xf32, #tpu.memory_space<vmem>>, %arg7: memref<128x512xf32, #tpu.memory_space<vmem>>, %arg8: memref<1x512xf32, #tpu.memory_space<vmem>>, %arg9: memref<512x128xf32, #tpu.memory_space<vmem>>, %arg10: memref<1280x128xf32, #tpu.memory_space<vmem>>) attributes {dimension_semantics = [#tpu.dimension_semantics<arbitrary>], iteration_bounds = array<i64: 8>, scalar_prefetch = 0 : i64, scratch_operands = 0 : i64, tpu.core_type = #tpu.core_type<tc>, window_params = [{transform_indices = @transform_0, window_bounds = array<i64: 1280, 128>}, {transform_indices = @transform_1, window_bounds = array<i64: 1280, 128>}, {transform_indices = @transform_2, window_bounds = array<i64: 1280, 128>}, {transform_indices = @transform_3, window_bounds = array<i64: 1280, 128>}, {transform_indices = @transform_4, window_bounds = array<i64: 1280, 1>}, {pipeline_mode = #tpu.pipeline_mode<synchronous>, transform_indices = @transform_5, window_bounds = array<i64: 128, 512>}, {pipeline_mode = #tpu.pipeline_mode<synchronous>, transform_indices = @transform_6, window_bounds = array<i64: 128, 512>}, {pipeline_mode = #tpu.pipeline_mode<synchronous>, transform_indices = @transform_7, window_bounds = array<i64: 1, 512>}, {pipeline_mode = #tpu.pipeline_mode<synchronous>, transform_indices = @transform_8, window_bounds = array<i64: 512, 128>}, {transform_indices = @transform_9, window_bounds = array<i64: 1280, 128>}]} {
    %get3A = arith.constant 0 : index
    %get3A_0 = arith.constant 0 : index
    %get3A_1 = vector.load %arg5[%get3A, %get3A_0] : memref<1280x1xf32, #tpu.memory_space<vmem>>, vector<1280x1xf32>
    %get3A_2 = arith.constant 0 : index
    %get3A_3 = arith.constant 0 : index
    %get3A_4 = vector.load %arg1[%get3A_2, %get3A_3] : memref<1280x128xf32, #tpu.memory_space<vmem>>, vector<1280x128xf32>
    %get3A_5 = arith.constant 0 : index
    %get3A_6 = arith.constant 0 : index
    %get3A_7 = vector.load %arg3[%get3A_5, %get3A_6] : memref<1280x128xf32, #tpu.memory_space<vmem>>, vector<1280x128xf32>
    %add3A = arith.addf %get3A_4, %get3A_7 : vector<1280x128xf32>
    %mul3A = vector.broadcast %get3A_1 : vector<1280x1xf32> to vector<1280x128xf32>
    %mul3A_8 = arith.mulf %add3A, %mul3A : vector<1280x128xf32>
    %get3A_9 = arith.constant 0 : index
    %get3A_10 = arith.constant 0 : index
    %get3A_11 = vector.load %arg2[%get3A_9, %get3A_10] : memref<1280x128xf32, #tpu.memory_space<vmem>>, vector<1280x128xf32>
    %get3A_12 = arith.constant 0 : index
    %get3A_13 = arith.constant 0 : index
    %get3A_14 = vector.load %arg4[%get3A_12, %get3A_13] : memref<1280x128xf32, #tpu.memory_space<vmem>>, vector<1280x128xf32>
    %add3A_15 = arith.addf %get3A_11, %get3A_14 : vector<1280x128xf32>
    %mul3A_16 = vector.broadcast %get3A_1 : vector<1280x1xf32> to vector<1280x128xf32>
    %mul3A_17 = arith.mulf %add3A_15, %mul3A_16 : vector<1280x128xf32>
    %get3A_18 = arith.constant 0 : index
    %get3A_19 = arith.constant 0 : index
    %get3A_20 = vector.load %arg6[%get3A_18, %get3A_19] : memref<128x512xf32, #tpu.memory_space<vmem>>, vector<128x512xf32>
    %dot_general3A = arith.constant dense<0.000000e+00> : vector<1280x512xf32>
    %dot_general3A_21 = tpu.matmul %mul3A_8, %get3A_20, %dot_general3A {dimension_numbers = #tpu.dot_dimension_numbers<[1], [0], [0], [1], [0, 0, 1, 1], [], []>, transpose_lhs_hint = false} : vector<1280x128xf32>, vector<128x512xf32>, vector<1280x512xf32> -> vector<1280x512xf32>
    %get3A_22 = arith.constant 0 : index
    %get3A_23 = arith.constant 0 : index
    %get3A_24 = vector.load %arg7[%get3A_22, %get3A_23] : memref<128x512xf32, #tpu.memory_space<vmem>>, vector<128x512xf32>
    %dot_general3A_25 = arith.constant dense<0.000000e+00> : vector<1280x512xf32>
    %dot_general3A_26 = tpu.matmul %mul3A_17, %get3A_24, %dot_general3A_25 {dimension_numbers = #tpu.dot_dimension_numbers<[1], [0], [0], [1], [0, 0, 1, 1], [], []>, transpose_lhs_hint = false} : vector<1280x128xf32>, vector<128x512xf32>, vector<1280x512xf32> -> vector<1280x512xf32>
    %add3A_27 = arith.addf %dot_general3A_21, %dot_general3A_26 : vector<1280x512xf32>
    %get3A_28 = arith.constant 0 : index
    %get3A_29 = arith.constant 0 : index
    %get3A_30 = vector.load %arg8[%get3A_28, %get3A_29] : memref<1x512xf32, #tpu.memory_space<vmem>>, vector<1x512xf32>
    %add3A_31 = vector.broadcast %get3A_30 : vector<1x512xf32> to vector<1280x512xf32>
    %add3A_32 = arith.addf %add3A_27, %add3A_31 : vector<1280x512xf32>
    %max3A = arith.constant 0.000000e+00 : f32
    %max3A_33 = vector.broadcast %max3A : f32 to vector<1280x512xf32>
    %max3A_34 = arith.maximumf %add3A_32, %max3A_33 : vector<1280x512xf32>
    %get3A_35 = arith.constant 0 : index
    %get3A_36 = arith.constant 0 : index
    %get3A_37 = vector.load %arg9[%get3A_35, %get3A_36] : memref<512x128xf32, #tpu.memory_space<vmem>>, vector<512x128xf32>
    %dot_general3A_38 = arith.constant dense<0.000000e+00> : vector<1280x128xf32>
    %dot_general3A_39 = tpu.matmul %max3A_34, %get3A_37, %dot_general3A_38 {dimension_numbers = #tpu.dot_dimension_numbers<[1], [0], [0], [1], [0, 0, 1, 1], [], []>, transpose_lhs_hint = false} : vector<1280x512xf32>, vector<512x128xf32>, vector<1280x128xf32> -> vector<1280x128xf32>
    %mul3A_40 = vector.broadcast %get3A_1 : vector<1280x1xf32> to vector<1280x128xf32>
    %mul3A_41 = arith.mulf %dot_general3A_39, %mul3A_40 : vector<1280x128xf32>
    %swap3A = arith.constant 0 : index
    %swap3A_42 = arith.constant 0 : index
    %swap3A_43 = vector.load %arg10[%swap3A, %swap3A_42] : memref<1280x128xf32, #tpu.memory_space<vmem>>, vector<1280x128xf32>
    tpu.vector_store %arg10[%swap3A, %swap3A_42], %mul3A_41 {strides = array<i32>} : memref<1280x128xf32, #tpu.memory_space<vmem>>, vector<1280x128xf32>,
    return
  }
  func.func @transform_0(%arg0: i32) -> (i32, i32) {
    %c0_i32 = arith.constant 0 : i32
    %c0_i32_0 = arith.constant 0 : i32
    return %arg0, %c0_i32 : i32, i32
  }
  func.func @transform_1(%arg0: i32) -> (i32, i32) {
    %c0_i32 = arith.constant 0 : i32
    %c0_i32_0 = arith.constant 0 : i32
    return %arg0, %c0_i32 : i32, i32
  }
  func.func @transform_2(%arg0: i32) -> (i32, i32) {
    %c0_i32 = arith.constant 0 : i32
    %c0_i32_0 = arith.constant 0 : i32
    return %arg0, %c0_i32 : i32, i32
  }
  func.func @transform_3(%arg0: i32) -> (i32, i32) {
    %c0_i32 = arith.constant 0 : i32
    %c0_i32_0 = arith.constant 0 : i32
    return %arg0, %c0_i32 : i32, i32
  }
  func.func @transform_4(%arg0: i32) -> (i32, i32) {
    %c0_i32 = arith.constant 0 : i32
    %c0_i32_0 = arith.constant 0 : i32
    return %arg0, %c0_i32 : i32, i32
  }
  func.func @transform_5(%arg0: i32) -> (i32, i32) {
    %c0_i32 = arith.constant 0 : i32
    %c0_i32_0 = arith.constant 0 : i32
    %c0_i32_1 = arith.constant 0 : i32
    return %c0_i32, %c0_i32_0 : i32, i32
  }
  func.func @transform_6(%arg0: i32) -> (i32, i32) {
    %c0_i32 = arith.constant 0 : i32
    %c0_i32_0 = arith.constant 0 : i32
    %c0_i32_1 = arith.constant 0 : i32
    return %c0_i32, %c0_i32_0 : i32, i32
  }
  func.func @transform_7(%arg0: i32) -> (i32, i32) {
    %c0_i32 = arith.constant 0 : i32
    %c0_i32_0 = arith.constant 0 : i32
    %c0_i32_1 = arith.constant 0 : i32
    return %c0_i32, %c0_i32_0 : i32, i32
  }
  func.func @transform_8(%arg0: i32) -> (i32, i32) {
    %c0_i32 = arith.constant 0 : i32
    %c0_i32_0 = arith.constant 0 : i32
    %c0_i32_1 = arith.constant 0 : i32
    return %c0_i32, %c0_i32_0 : i32, i32
  }
  func.func @transform_9(%arg0: i32) -> (i32, i32) {
    %c0_i32 = arith.constant 0 : i32
    %c0_i32_0 = arith.constant 0 : i32
    return %arg0, %c0_i32 : i32, i32
  }
}

module attributes {stable_mosaic.version = 14 : i64} {
  func.func @_k3_body(%arg0: i32, %arg1: memref<1280x128xf32, #tpu.memory_space<vmem>>, %arg2: memref<1280x128xf32, #tpu.memory_space<vmem>>, %arg3: memref<1280x128xf32, #tpu.memory_space<vmem>>, %arg4: memref<1280x1xf32, #tpu.memory_space<vmem>>, %arg5: memref<1x128xf32, #tpu.memory_space<vmem>>, %arg6: memref<1280x128xf32, #tpu.memory_space<vmem>>) attributes {dimension_semantics = [#tpu.dimension_semantics<arbitrary>], iteration_bounds = array<i64: 8>, scalar_prefetch = 0 : i64, scratch_operands = 0 : i64, tpu.core_type = #tpu.core_type<tc>, window_params = [{transform_indices = @transform_0, window_bounds = array<i64: 1280, 128>}, {transform_indices = @transform_1, window_bounds = array<i64: 1280, 128>}, {transform_indices = @transform_2, window_bounds = array<i64: 1280, 128>}, {transform_indices = @transform_3, window_bounds = array<i64: 1280, 1>}, {pipeline_mode = #tpu.pipeline_mode<synchronous>, transform_indices = @transform_4, window_bounds = array<i64: 1, 128>}, {transform_indices = @transform_5, window_bounds = array<i64: 1280, 128>}]} {
    %get3A = arith.constant 0 : index
    %get3A_0 = arith.constant 0 : index
    %get3A_1 = vector.load %arg1[%get3A, %get3A_0] : memref<1280x128xf32, #tpu.memory_space<vmem>>, vector<1280x128xf32>
    %get3A_2 = arith.constant 0 : index
    %get3A_3 = arith.constant 0 : index
    %get3A_4 = vector.load %arg2[%get3A_2, %get3A_3] : memref<1280x128xf32, #tpu.memory_space<vmem>>, vector<1280x128xf32>
    %add3A = arith.addf %get3A_1, %get3A_4 : vector<1280x128xf32>
    %get3A_5 = arith.constant 0 : index
    %get3A_6 = arith.constant 0 : index
    %get3A_7 = vector.load %arg3[%get3A_5, %get3A_6] : memref<1280x128xf32, #tpu.memory_space<vmem>>, vector<1280x128xf32>
    %add3A_8 = arith.addf %add3A, %get3A_7 : vector<1280x128xf32>
    %get3A_9 = arith.constant 0 : index
    %get3A_10 = arith.constant 0 : index
    %get3A_11 = vector.load %arg4[%get3A_9, %get3A_10] : memref<1280x1xf32, #tpu.memory_space<vmem>>, vector<1280x1xf32>
    %mul3A = vector.broadcast %get3A_11 : vector<1280x1xf32> to vector<1280x128xf32>
    %mul3A_12 = arith.mulf %add3A_8, %mul3A : vector<1280x128xf32>
    %get3A_13 = arith.constant 0 : index
    %get3A_14 = arith.constant 0 : index
    %get3A_15 = vector.load %arg5[%get3A_13, %get3A_14] : memref<1x128xf32, #tpu.memory_space<vmem>>, vector<1x128xf32>
    %add3A_16 = vector.broadcast %get3A_15 : vector<1x128xf32> to vector<1280x128xf32>
    %add3A_17 = arith.addf %mul3A_12, %add3A_16 : vector<1280x128xf32>
    %reduce_max3A = arith.constant dense<0xFF800000> : vector<1280xf32>
    %reduce_max3A_18 = vector.multi_reduction <maximumf>, %add3A_17, %reduce_max3A [1] : vector<1280x128xf32> to vector<1280xf32>
    %broadcast_in_dim3A = vector.shape_cast %reduce_max3A_18 : vector<1280xf32> to vector<1280x1xf32>
    %sub3A = vector.broadcast %broadcast_in_dim3A : vector<1280x1xf32> to vector<1280x128xf32>
    %sub3A_19 = arith.subf %add3A_17, %sub3A : vector<1280x128xf32>
    %exp3A = math.exp %sub3A_19 : vector<1280x128xf32>
    %reduce_sum3A = arith.constant dense<0.000000e+00> : vector<1280xf32>
    %reduce_sum3A_20 = vector.multi_reduction <add>, %exp3A, %reduce_sum3A [1] : vector<1280x128xf32> to vector<1280xf32>
    %broadcast_in_dim3A_21 = vector.shape_cast %reduce_sum3A_20 : vector<1280xf32> to vector<1280x1xf32>
    %log3A = math.log %broadcast_in_dim3A_21 : vector<1280x1xf32>
    %sub3A_22 = vector.broadcast %broadcast_in_dim3A : vector<1280x1xf32> to vector<1280x128xf32>
    %sub3A_23 = arith.subf %add3A_17, %sub3A_22 : vector<1280x128xf32>
    %sub3A_24 = vector.broadcast %log3A : vector<1280x1xf32> to vector<1280x128xf32>
    %sub3A_25 = arith.subf %sub3A_23, %sub3A_24 : vector<1280x128xf32>
    %swap3A = arith.constant 0 : index
    %swap3A_26 = arith.constant 0 : index
    %swap3A_27 = vector.load %arg6[%swap3A, %swap3A_26] : memref<1280x128xf32, #tpu.memory_space<vmem>>, vector<1280x128xf32>
    tpu.vector_store %arg6[%swap3A, %swap3A_26], %sub3A_25 {strides = array<i32>} : memref<1280x128xf32, #tpu.memory_space<vmem>>, vector<1280x128xf32>,
    return
  }
  func.func @transform_0(%arg0: i32) -> (i32, i32) {
    %c0_i32 = arith.constant 0 : i32
    %c0_i32_0 = arith.constant 0 : i32
    return %arg0, %c0_i32 : i32, i32
  }
  func.func @transform_1(%arg0: i32) -> (i32, i32) {
    %c0_i32 = arith.constant 0 : i32
    %c0_i32_0 = arith.constant 0 : i32
    return %arg0, %c0_i32 : i32, i32
  }
  func.func @transform_2(%arg0: i32) -> (i32, i32) {
    %c0_i32 = arith.constant 0 : i32
    %c0_i32_0 = arith.constant 0 : i32
    return %arg0, %c0_i32 : i32, i32
  }
  func.func @transform_3(%arg0: i32) -> (i32, i32) {
    %c0_i32 = arith.constant 0 : i32
    %c0_i32_0 = arith.constant 0 : i32
    return %arg0, %c0_i32 : i32, i32
  }
  func.func @transform_4(%arg0: i32) -> (i32, i32) {
    %c0_i32 = arith.constant 0 : i32
    %c0_i32_0 = arith.constant 0 : i32
    %c0_i32_1 = arith.constant 0 : i32
    return %c0_i32, %c0_i32_0 : i32, i32
  }
  func.func @transform_5(%arg0: i32) -> (i32, i32) {
    %c0_i32 = arith.constant 0 : i32
    %c0_i32_0 = arith.constant 0 : i32
    return %arg0, %c0_i32 : i32, i32
  }
}

</mosaic_0001>

<sc_bundles>
// kernel: kernel.11.cloned.1.call-start
scs
__scs_entry_jumppad:
0x0: {  	(pc) =	sbr.rel $0x88, $3  }
0x1: {  	(tag) =	ssettag $0x0;
	lr =	simm.s32 $0x1  }
0x2: {  	[smem:$0x3F9B] =	sst lr;
	_ =	strace $0xD0000000  }
0x3: {  	_ = 	snop  }
0x4: {  	_ = 	snop  }
0x5: {  	_ = 	snop  }
0x6: {  	_ = 	snop  }
0x7: {  	_ = 	snop  }
__scs_overlays_trampoline_lowered:
0x8: {  	[smem:$0x3FAA] =	sst s0  }
0x9: {  	[smem:$0x3FAB] =	sst s1  }
0xa: {  	[smem:$0x3FAC] =	sst s2  }
0xb: {  	[smem:$0x3FAD] =	sst s3  }
0xc: {  	[smem:$0x3FAE] =	sst s4  }
0xd: {  	[smem:$0x3FAF] =	sst s5  }
0xe: {  	[smem:$0x3FB0] =	sst s6  }
0xf: {  	[smem:$0x3FB1] =	sst s7  }
0x10: {  	[smem:$0x3FB2] =	sst s8  }
0x11: {  	[smem:$0x3FB3] =	sst s9;
	s0 =	simm.s32 @!p0 $0x0  }
0x12: {  	s1 =	sld [smem:$0x3F99];
	s0 =	simm.s32 @p0 $0x1  }
0x13: {  	[smem:$0x3FB4] =	sst s0;
	s0 =	simm.s32 @!p1 $0x0  }
0x14: {  	s2 =	sld [smem:$0x3F98];
	s0 =	simm.s32 @p1 $0x1  }
0x15: {  	[smem:$0x3FB5] =	sst s0;
	s0 =	simm.s32 @!p2 $0x0  }
0x16: {  	s3 =	sld [smem:$0x3FDB];
	s0 =	simm.s32 @p2 $0x1  }
0x17: {  	s4 =	simm.s32 $0x1BF5;
	[smem:$0x3FB7] =	sst s0  }
0x18: {  	s0 =	sld [smem:$0x3F9A];
	_ =	swait.ge [sflag:s4], $0x0  }
0x19: {  	s7 =	sld [smem:$0x3F9B]  }
0x1a: {  	s8 =	sadd.s32 $0xFFFFE003, lr  }
0x1b: {  	s9 =	sadd.s32 $0xFFFFFEF7, lr;
	s5 =	simm.s32 $0xFFFFFFFF;
	p2 =	slt.u32 s8, $0xFFFFF086  }
0x1c: {  	p1 =	slt.u32 s9, $0xF7A;
	s5 =	simm.s32 @!p2 $0x0  }
0x1d: {  	s5 =	simm.s32 @p1 $0x1;
	p0 =	seq.s32 s7, s2  }
0x1e: {  	s7 =	smul.u32 @!p0 $0xF7A, s2;
	p2 =	seq.s32 @!p0 s5, $0x0  }
0x1f: {  	s9 =	smul.u32 $0xF7A, s1;
	s8 =	simm.s32 @!p0 $0x1BF5;
	p2 =	por !p2, p0  }
0x20: {  	[sflag:s8] =	ssyncset.s32 @!p0 $0xFFFFF086;
	s6 =	sadd.s32 @!p0 s3, s7;
	s7 =	simm.s32 @!p0 $0x108  }
0x21: {  	s3 =	sadd.s32 s3, s9;
	s6 =	sadd.s32 @!p0 $0x88, s6;
	s7 =	simm.s32 @p2 $0x1082  }
0x22: {  	[simem:s7], [sflag:s8] =	dma.local @!p0 [hbm:s6], $0xF7A  }
0x23: {  	s9 =	sor.u32 $0xD0000000, s2;
	s6 =	simm.s32 $0x108;
	_ =	swait.ge @!p0 [sflag:s8], $0x0  }
0x24: {  	s3 =	sadd.s32 $0x88, s3;
	s6 =	simm.s32 @!p1 $0x1082;
	[sflag:s4] =	ssyncset.s32 $0xFFFFF086  }
0x25: {  	[simem:s6], [sflag:s4] =	dma.local [hbm:s3], $0xF7A  }
0x26: {  	[smem:$0x3F9B] =	sst s1;
	(tag) =	ssettag s2;
	_ =	strace s9  }
0x27: {  	s1 =	sld [smem:$0x3FAB]  }
0x28: {  	s2 =	sld [smem:$0x3FAC]  }
0x29: {  	s4 =	sld [smem:$0x3FAE]  }
0x2a: {  	p0 =	seq.s32 s5, $0x0;
	s5 =	sld [smem:$0x3FAF]  }
0x2b: {  	s6 =	sld [smem:$0x3FB0]  }
0x2c: {  	s7 =	sld [smem:$0x3FB1]  }
0x2d: {  	s3 =	simm.s32 $0x108;
	s8 =	sld [smem:$0x3FB2]  }
0x2e: {  	s3 =	simm.s32 @!p0 $0x1082;
	s9 =	sld [smem:$0x3FB3]  }
0x2f: {  	lr =	sadd.s32 s0, s3;
	s0 =	sld [smem:$0x3FAA]  }
0x30: {  	s3 =	sld [smem:$0x3FAD]  }
0x31: {  	[smem:$0x3FB6] =	sst s10  }
0x32: {  	s10 =	sld [smem:$0x3FB4];
	_ =	sdelay $0x3  }
0x33: {  	p0 =	seq.s32 s10, $0x1;
	s10 =	sld [smem:$0x3FB6];
	_ =	sdelay $0x3  }
0x34: {  	[smem:$0x3FB6] =	sst s10  }
0x35: {  	s10 =	sld [smem:$0x3FB5];
	_ =	sdelay $0x3  }
0x36: {  	p1 =	seq.s32 s10, $0x1;
	s10 =	sld [smem:$0x3FB6];
	_ =	sdelay $0x3  }
0x37: {  	[smem:$0x3FB6] =	sst s10  }
0x38: {  	s10 =	sld [smem:$0x3FB7]  }
0x39: {  	_ = 	snop;
	(pc) =	sbr.ind lr, $3  }
0x3a: {  	_ = 	snop  }
0x3b: {  	_ = 	snop  }
0x3c: {  	p2 =	seq.s32 s10, $0x1;
	s10 =	sld [smem:$0x3FB6]  }
0x3d: {  	_ =	shalt  }
0x3e: {  	_ =	shalt  }
0x3f: {  	_ =	shalt  }
0x40: {  	_ =	shalt  }
0x41: {  	_ =	shalt  }
0x42: {  	_ =	shalt  }
0x43: {  	_ =	shalt  }
0x44: {  	_ =	shalt  }
0x45: {  	_ =	shalt  }
0x46: {  	_ =	shalt  }
0x47: {  	_ =	shalt  }
0x48: {  	_ =	shalt  }
0x49: {  	_ =	shalt  }
0x4a: {  	_ =	shalt  }
0x4b: {  	_ =	shalt  }
0x4c: {  	_ =	shalt  }
0x4d: {  	_ =	shalt  }
0x4e: {  	_ =	shalt  }
0x4f: {  	_ =	shalt  }
0x50: {  	_ =	shalt  }
0x51: {  	_ =	shalt  }
0x52: {  	_ =	shalt  }
0x53: {  	_ =	shalt  }
0x54: {  	_ =	shalt  }
0x55: {  	_ =	shalt  }
0x56: {  	_ =	shalt  }
0x57: {  	_ =	shalt  }
0x58: {  	_ =	shalt  }
0x59: {  	_ =	shalt  }
0x5a: {  	_ =	shalt  }
0x5b: {  	_ =	shalt  }
0x5c: {  	_ =	shalt  }
0x5d: {  	_ =	shalt  }
0x5e: {  	_ =	shalt  }
0x5f: {  	_ =	shalt  }
0x60: {  	_ =	shalt  }
0x61: {  	_ =	shalt  }
0x62: {  	_ =	shalt  }
0x63: {  	_ =	shalt  }
0x64: {  	_ =	shalt  }
0x65: {  	_ =	shalt  }
0x66: {  	_ =	shalt  }
0x67: {  	_ =	shalt  }
0x68: {  	_ =	shalt  }
0x69: {  	_ =	shalt  }
0x6a: {  	_ =	shalt  }
0x6b: {  	_ =	shalt  }
0x6c: {  	_ =	shalt  }
0x6d: {  	_ =	shalt  }
0x6e: {  	_ =	shalt  }
0x6f: {  	_ =	shalt  }
0x70: {  	_ =	shalt  }
0x71: {  	_ =	shalt  }
0x72: {  	_ =	shalt  }
0x73: {  	_ =	shalt  }
0x74: {  	_ =	shalt  }
0x75: {  	_ =	shalt  }
0x76: {  	_ =	shalt  }
0x77: {  	_ =	shalt  }
0x78: {  	_ =	shalt  }
0x79: {  	_ =	shalt  }
0x7a: {  	_ =	shalt  }
0x7b: {  	_ =	shalt  }
0x7c: {  	_ =	shalt  }
0x7d: {  	_ =	shalt  }
0x7e: {  	_ =	shalt  }
0x7f: {  	_ =	shalt  }
0x80: {  	_ =	shalt  }
0x81: {  	_ =	shalt  }
0x82: {  	_ =	shalt  }
0x83: {  	_ =	shalt  }
0x84: {  	_ =	shalt  }
0x85: {  	_ =	shalt  }
0x86: {  	_ =	shalt  }
0x87: {  	_ =	shalt  }
.Lfunc_end0:
.L_simem_size_0:
called_computation.1_lowered:
.L_overlay_start_0:
0x88: {  	s2 =	sld [smem:$0x3FD9]  }
0x89: {  	s3 =	sld [smem:$0x3FFE];
	_ =	sdelay $0x1  }
0x8a: {  	s1 =	srdreg.scid  }
0x8b: {  	s0 =	sand.u32 $0x1, s1  }
0x8c: {  	s17 =	sshll.u32 s0, $0xA;
	s2 =	sadd.s32 s3, s2  }
0x8d: {  	s2 =	sadd.s32 s2, s17  }
0x8e: {  	[smem:$0x3FC2] =	sst s2  }
0x8f: {  	_ = 	snop  }
0x90: {  	s2 =	sld [smem:$0x3FD0];
	(tm) =	ssettm $0x1  }
0x91: {  	s18 =	sld [smem:$0x3FFB];
	_ =	sdelay $0x3  }
0x92: {  	_ =	strace s18  }
0x93: {  	s3 =	sld [smem:$0x3FFC];
	_ =	sdelay $0x3  }
0x94: {  	_ =	strace s3  }
0x95: {  	s3 =	sld [smem:$0x3FFD];
	_ =	sdelay $0x3  }
0x96: {  	_ =	strace s3  }
0x97: {  	_ =	strace $0x8FFFFFFF  }
0x98: {  	s19 =	sld [smem:$0x3FDB];
	_ =	sdelay $0x1  }
0x99: {  	s4 =	simm.s32 $_scs_section_size  }
0x9a: {  	s5 =	simm.s32 $_size__tile_overlayer_lowered;
	s6 =	simm.s32 $_tile_overlayer_lowered  }
0x9b: {  	s22 =	simm.s32 $0x1BFF;
	s21 =	sshll.u32 s6, $0x1;
	s3 =	sadd.s32 s4, s19  }
0x9c: {  	s7 =	simm.s32 $0x0;
	s20 =	sshll.u32 s5, $0x1;
	s5 =	sadd.s32 s21, s3  }
0x9d: {  	[timem:s7], [sflag:s22] =	dma.local [hbm:s5], s20  }
0x9e: {  	_ =	swait.ge [sflag:s22], s20  }
0x9f: {  	s4 =	ssub.s32 $0x0, s20;
	[sflag:s22] =	ssyncset.done $0x0  }
0xa0: {  	[sflag:s22] =	ssyncadd.s32 s4;
	_ =	sdelay $0x1  }
0xa1: {  	s23 =	simm.s32 $0x1B8B  }
0xa2: {  	_ =	swait.ge [sflag:s23], $0x1  }
0xa3: {  	[sflag:s23] =	ssyncset.done $0x0  }
0xa4: {  	s25 =	simm.s32 $0x1B8E;
	s24 =	sld [smem:$0x3FFE];
	[sflag:s23] =	ssyncadd.s32 $0xFFFFFFFF  }
0xa5: {  	s26 =	simm.s32 $execute0_lowered;
	[smem:$0x3FD2] =	sst s25  }
0xa6: {  	s5 =	sshll.u32 s26, $0x1;
	_ =	strace $0x80000049;
	[dreg:$0x1] =	wrdreg $0xFFFFFFFF  }
0xa7: {  	s28 =	simm.s32 $_size_execute0_lowered;
	s3 =	sadd.s32 s3, s5;
	[dreg:$0x0] =	wrdreg $0x0  }
0xa8: {  	s5 =	sshll.u32 s28, $0x1;
	[dreg:$0x2] =	wrdreg s3  }
0xa9: {  	[dreg:$0x3] =	wrdreg s5  }
0xaa: {  	[dreg:$0x4] =	wrdreg $0xC0  }
0xab: {  	_ =	task [dreg:s7], $0x5FFFF  }
0xac: {  	[dreg:$0x1] =	wrdreg $0xFFFFFFFF  }
0xad: {  	[dreg:$0x0] =	wrdreg $0x60  }
0xae: {  	[dreg:$0x2] =	wrdreg s24  }
0xaf: {  	[dreg:$0x3] =	wrdreg s2  }
0xb0: {  	[dreg:$0x4] =	wrdreg $0x84000  }
0xb1: {  	[dreg:$0x5] =	wrdreg $0x9  }
0xb2: {  	_ =	task.clear_ibuf [dreg:s7], $0x6FFFF;
	_ =	strace $0x90000049  }
0xb3: {  	s29 =	simm.s32 $0x9;
	_ =	strace $0x8000004B  }
0xb4: {  	_ =	swait.ge [sflag:s29], $0x1  }
0xb5: {  	[sflag:s29] =	ssyncadd.s32 $0xFFFFFFFF  }
0xb6: {  	_ =	strace $0x9000004B  }
0xb7: {  	_ =	sfence  }
0xb8: {  	s30 =	sld [smem:$0x0];
	_ =	sdelay $0x2  }
0xb9: {  	s31 =	sshll.u32 s1, $0xD;
	s1 =	sshrl.u32 s1, $0x2  }
0xba: {  	s3 =	sand.u32 $0x4000, s31;
	s1 =	sadd.s32 s1, s30  }
0xbb: {  	s0 =	sor.u32 s3, s0;
	s1 =	sshll.u32 s1, $0x11  }
0xbc: {  	s0 =	sor.u32 s1, s0  }
0xbd: {  	s0 =	sadd.s32 $0x8F2B, s0  }
0xbe: {  	[sflag:s0] =	ssyncadd.remote.s32 $0x1  }
0xbf: {  	_ =	sfence.sel $0xFFFF  }
0xc0: {  	[dreg:$0x0] =	wrdreg $0xFFFFFFFF;
	(pc) =	sbr.abs _section_cstart, $3  }
0xc1: {  	[dreg:$0x1] =	wrdreg $0xFFFFFFFF  }
0xc2: {  	_ =	task.clear_ibuf [dreg:s7], $0x2FFFF;
	_ =	strace $0x9FFFFFFF  }
0xc3: {  	(tm) =	ssettm $0x7FFFFFFF  }
tec
execute0_lowered:
.L_overlay_start_1:
0x0: {  	(tag) =	ssettag $0x1  }
0x1: {  	s0 =	rddreg [dreg:$0x0]  }
0x2: {  	s2 =	rddreg [dreg:$0x1]  }
0x3: {  	s3 =	rddreg [dreg:$0x2]  }
0x4: {  	s1 =	srdreg.scid;
	s13 =	stileid.u32  }
0x5: {  	s4 =	simm.s32 $0x0;
	s9 =	simm.s32 $0x200;
	s28 =	simm.s32 $0x100  }
0x6: {  	s29 =	simm.s32 $0x300;
	s30 =	simm.s32 $0x180;
	s31 =	simm.s32 $0x380  }
0x7: {  	s1 =	sand.u32 $0x1, s1;
	s7 =	smul.u32 $0x280, s13;
	[smem:$0x7FF] =	sst s4  }
0x8: {  	s5 =	sadd.s32 $0x5D000, s0;
	s6 =	sadd.s32 $0xAD000, s0;
	s18 =	smul.u32 $0x500, s13  }
0x9: {  	p0 =	sgt.u32 s13, $0x1;
	s8 =	smul.u32 $0x2800, s1;
	_ =	strace $0x8000004A  }
0xa: {  	s9 =	simm.s32 @!p0 $0x0;
	s22 =	sshll.u32 s1, $0x4;
	s10 =	ssub.s32 $0x2, s1  }
0xb: {  	s1 =	smul.u32 $0x5000, s1;
	s23 =	sshrl.u32 s10, $0x1;
	s8 =	sadd.s32 s7, s8  }
0xc: {  	s7 =	sadd.s32 s7, s9;
	s9 =	ssub.s32 s10, s23;
	s8 =	sshll.u32 s8, $0x4  }
0xd: {  	s11 =	sshll.u32 s7, $0x7;
	s7 =	simm.s32 $0x200;
	s21 =	smax.u32 s9, $0x1  }
0xe: {  	s0 =	sadd.s32 s8, s0;
	s19 =	sadd.s32 s11, s3;
	[dreg:$0xf] =	wrdreg s21  }
0xf: {  	s8 =	sor.u32 s13, s22;
	s0 =	sadd.s32 $0xB7000, s0;
	[dreg:$0x5] =	wrdreg s19  }
0x10: {  	s12 =	smul.u32 $0x500, s8;
	s22 =	sadd.s32 $0x4000, s19;
	[dreg:$0xe] =	wrdreg s0  }
0x11: {  	s9 =	simm.s32 $0x4400;
	s23 =	sadd.s32 $0x8000, s19;
	[dreg:$0x10] =	wrdreg s22  }
0x12: {  	s13 =	simm.s32 $0x6;
	[dreg:$0x11] =	wrdreg s23;
	s8 =	sadd.s32 s2, s12  }
0x13: {  	s24 =	sadd.s32 s6, s12;
	s25 =	sor.u32 $0x10, s12;
	[dreg:$0x6] =	wrdreg s8  }
0x14: {  	s23 =	simm.s32 $0x400;
	[dreg:$0x7] =	wrdreg s24;
	s26 =	sadd.s32 s2, s25  }
0x15: {  	s11 =	sor.u32 $0x20, s12;
	s10 =	sadd.s32 s6, s25;
	[dreg:$0x8] =	wrdreg s26  }
0x16: {  	s0 =	simm.s32 $0x3;
	s14 =	sadd.s32 s2, s11;
	[dreg:$0x9] =	wrdreg s10  }
0x17: {  	s15 =	sor.u32 $0x30, s12;
	s16 =	sadd.s32 s6, s11;
	[dreg:$0xa] =	wrdreg s14  }
0x18: {  	s12 =	simm.s32 $0x2;
	s17 =	sadd.s32 s2, s15;
	[dreg:$0xb] =	wrdreg s16  }
0x19: {  	s20 =	sadd.s32 s6, s15;
	s24 =	sadd.s32 s18, s1;
	[dreg:$0xc] =	wrdreg s17  }
0x1a: {  	s25 =	sadd.s32 $0xC000, s19;
	s1 =	simm.s32 $0x4;
	[dreg:$0xd] =	wrdreg s20  }
0x1b: {  	s11 =	simm.s32 $0x5;
	s15 =	simm.s32 $0x8;
	[dreg:$0x12] =	wrdreg s25  }
0x1c: {  	s26 =	sadd.s32 $0x10000, s19;
	[dreg:$0x4] =	wrdreg s24;
	s24 =	simm.s32 $0x9  }
0x1d: {  	s25 =	simm.s32 $0x80;
	s10 =	simm.s32 $0x1;
	s14 =	simm.s32 $0x7  }
0x1e: {  	v0 =	vimm.f32 $0.0e+00;
	s16 =	simm.s32 $0x0;
	[dreg:$0x13] =	wrdreg s26;
	s26 =	simm.s32 $0x280  }
.LBB2_1:
0x1f: {  	s17 =	simm.s32 $0x0;
	s18 =	simm.s32 $0x200  }
.LBB2_2:
0x20: {  	p0 =	sne.s32 s18, $0xFE00;
	[tilespmem:s17+$0x470] =	vst v0  }
0x21: {  	[tilespmem:s17+$0x400] =	vst v0  }
0x22: {  	[tilespmem:s17+$0x410] =	vst v0  }
.Ltmp0:
0x23: {  	[tilespmem:s17+$0x420] =	vst v0;
	(pc) =	sbr.rel @p0 .LBB2_2-.Ltmp0, $4  }
0x24: {  	[tilespmem:s17+$0x430] =	vst v0  }
0x25: {  	[tilespmem:s17+$0x440] =	vst v0  }
0x26: {  	[tilespmem:s17+$0x450] =	vst v0  }
0x27: {  	[tilespmem:s17+$0x460] =	vst v0;
	s17 =	sshra.s32 s18, $0x2;
	s18 =	sadd.s32 $0x200, s18  }
0x28: {  	[tilespmem:s17+$0x470] =	vst v0  }
0x29: {  	[tilespmem:s17+$0x400] =	vst v0  }
0x2a: {  	[tilespmem:s17+$0x410] =	vst v0  }
0x2b: {  	[tilespmem:s17+$0x420] =	vst v0  }
0x2c: {  	[tilespmem:s17+$0x430] =	vst v0  }
0x2d: {  	[tilespmem:s17+$0x440] =	vst v0  }
0x2e: {  	[tilespmem:s17+$0x450] =	vst v0  }
0x2f: {  	[dreg:$0x14] =	wrdreg s16;
	[tilespmem:s17+$0x460] =	vst v0  }
0x30: {  	[spmem:s19] =	stream.linear.scatter [tilespmem:s23], [sflag:$0x9], $0x4000, $0x38;
	[tilespmem:$0x1D400] =	vst v63  }
0x31: {  	_ =	swait.ge [sflag:s24], $0x4000  }
0x32: {  	[sflag:s24] =	ssyncset.done $0x0  }
0x33: {  	s8 =	rddreg [dreg:$0x10];
	[sflag:s24] =	ssyncadd.s32 $0xFFFFC000  }
0x34: {  	[spmem:s8] =	stream.linear.scatter [tilespmem:s23], [sflag:$0x9], $0x4000, $0x38;
	[tilespmem:$0x1D400] =	vst v63  }
0x35: {  	_ =	swait.ge [sflag:s24], $0x4000  }
0x36: {  	[sflag:s24] =	ssyncset.done $0x0  }
0x37: {  	s17 =	rddreg [dreg:$0x11];
	[sflag:s24] =	ssyncadd.s32 $0xFFFFC000  }
0x38: {  	[spmem:s17] =	stream.linear.scatter [tilespmem:s23], [sflag:$0x9], $0x4000, $0x38;
	[tilespmem:$0x1D400] =	vst v63  }
0x39: {  	_ =	swait.ge [sflag:s24], $0x4000  }
0x3a: {  	[sflag:s24] =	ssyncset.done $0x0  }
0x3b: {  	s18 =	rddreg [dreg:$0x12];
	[sflag:s24] =	ssyncadd.s32 $0xFFFFC000  }
0x3c: {  	[spmem:s18] =	stream.linear.scatter [tilespmem:s23], [sflag:$0x9], $0x4000, $0x38;
	[tilespmem:$0x1D400] =	vst v63  }
0x3d: {  	_ =	swait.ge [sflag:s24], $0x4000  }
0x3e: {  	[sflag:s24] =	ssyncset.done $0x0  }
0x3f: {  	s19 =	rddreg [dreg:$0x13];
	[sflag:s24] =	ssyncadd.s32 $0xFFFFC000  }
0x40: {  	[spmem:s19] =	stream.linear.scatter [tilespmem:s23], [sflag:$0x9], $0x4000, $0x38;
	[tilespmem:$0x1D400] =	vst v63  }
0x41: {  	_ =	swait.ge [sflag:s24], $0x4000  }
0x42: {  	[sflag:s24] =	ssyncset.done $0x0  }
0x43: {  	[sflag:s24] =	ssyncadd.s32 $0xFFFFC000  }
0x44: {  	[bflag:$0x0] =	sbarrier.arrive $0xFFFF  }
0x45: {  	s20 =	rddreg [dreg:$0x6]  }
0x46: {  	[tilespmem:s4], [sflag:$0x3] =	stream.linear.gather [hbm4b:s20+s4], $0x80, $0x38;
	[tilespmem:$0x1D400] =	vst v63  }
0x47: {  	s21 =	rddreg [dreg:$0x7]  }
0x48: {  	[tilespmem:s7], [sflag:$0x3] =	stream.linear.gather [hbm4b:s21+s4], $0x80, $0x38;
	[tilespmem:$0x1D400] =	vst v63  }
0x49: {  	s22 =	rddreg [dreg:$0x8]  }
0x4a: {  	[tilespmem:s25], [sflag:$0x4] =	stream.linear.gather [hbm4b:s22+s4], $0x80, $0x38;
	[tilespmem:$0x1D400] =	vst v63  }
0x4b: {  	s16 =	rddreg [dreg:$0x9]  }
0x4c: {  	[tilespmem:s26], [sflag:$0x4] =	stream.linear.gather [hbm4b:s16+s4], $0x80, $0x38;
	[tilespmem:$0x1D400] =	vst v63  }
0x4d: {  	s17 =	rddreg [dreg:$0xa]  }
0x4e: {  	[tilespmem:s28], [sflag:$0x5] =	stream.linear.gather [hbm4b:s17+s4], $0x80, $0x38;
	[tilespmem:$0x1D400] =	vst v63  }
0x4f: {  	s18 =	rddreg [dreg:$0xb]  }
0x50: {  	[tilespmem:s29], [sflag:$0x5] =	stream.linear.gather [hbm4b:s18+s4], $0x80, $0x38;
	[tilespmem:$0x1D400] =	vst v63  }
0x51: {  	s19 =	rddreg [dreg:$0xc]  }
0x52: {  	[tilespmem:s30], [sflag:$0x6] =	stream.linear.gather [hbm4b:s19+s4], $0x80, $0x38;
	[tilespmem:$0x1D400] =	vst v63  }
0x53: {  	s20 =	rddreg [dreg:$0xd]  }
0x54: {  	[tilespmem:s31], [sflag:$0x6] =	stream.linear.gather [hbm4b:s20+s4], $0x80, $0x38;
	[tilespmem:$0x1D400] =	vst v63  }
0x55: {  	_ =	swait.ge [sflag:s0], $0x80  }
0x56: {  	[sflag:s0] =	ssyncset.done $0x0  }
0x57: {  	[sflag:s0] =	ssyncadd.s32 $0xFFFFFF80  }
0x58: {  	_ =	swait.ge [sflag:s0], $0x80  }
0x59: {  	[sflag:s0] =	ssyncset.done $0x0  }
0x5a: {  	[sflag:s0] =	ssyncadd.s32 $0xFFFFFF80  }
0x5b: {  	[tilespmem:s23], [sflag:$0x1] =	stream.indirect.gather [hbm4b:s5+s25], $0x80, s4, s25, $0xb8;
	[tilespmem:$0x1D400] =	vst v63  }
0x5c: {  	_ =	swait.ge [sflag:s1], $0x80  }
0x5d: {  	[sflag:s1] =	ssyncset.done $0x0  }
0x5e: {  	[sflag:s1] =	ssyncadd.s32 $0xFFFFFF80  }
0x5f: {  	_ =	swait.ge [sflag:s1], $0x80  }
0x60: {  	[sflag:s1] =	ssyncset.done $0x0  }
0x61: {  	[sflag:s1] =	ssyncadd.s32 $0xFFFFFF80  }
0x62: {  	[tilespmem:s9], [sflag:$0x2] =	stream.indirect.gather [hbm4b:s5+s25], $0x80, s25, s25, $0xb8;
	[tilespmem:$0x1D400] =	vst v63  }
0x63: {  	_ =	swait.ge [sflag:s10], $0x4000  }
0x64: {  	[sflag:s10] =	ssyncset.done $0x0  }
0x65: {  	[sflag:s10] =	ssyncadd.s32 $0xFFFFC000  }
0x66: {  	[spmem:s3] =	stream.indirect.scatter.add.f32 [tilespmem:s23], [sflag:$0x7], $0x80, s7, s25, $0xb8;
	[tilespmem:$0x1D400] =	vst v63  }
0x67: {  	_ =	swait.ge [sflag:s11], $0x80  }
0x68: {  	[sflag:s11] =	ssyncset.done $0x0  }
0x69: {  	[sflag:s11] =	ssyncadd.s32 $0xFFFFFF80  }
0x6a: {  	_ =	swait.ge [sflag:s11], $0x80  }
0x6b: {  	[sflag:s11] =	ssyncset.done $0x0  }
0x6c: {  	[sflag:s11] =	ssyncadd.s32 $0xFFFFFF80  }
0x6d: {  	_ =	swait.ge [sflag:s12], $0x4000  }
0x6e: {  	[sflag:s12] =	ssyncset.done $0x0  }
0x6f: {  	[sflag:s12] =	ssyncadd.s32 $0xFFFFC000  }
0x70: {  	[spmem:s3] =	stream.indirect.scatter.add.f32 [tilespmem:s9], [sflag:$0x8], $0x80, s26, s25, $0xb8;
	[tilespmem:$0x1D400] =	vst v63  }
0x71: {  	_ =	swait.ge [sflag:s13], $0x80  }
0x72: {  	[sflag:s13] =	ssyncset.done $0x0  }
0x73: {  	[sflag:s13] =	ssyncadd.s32 $0xFFFFFF80  }
0x74: {  	_ =	swait.ge [sflag:s13], $0x80  }
0x75: {  	[sflag:s13] =	ssyncset.done $0x0  }
0x76: {  	[sflag:s13] =	ssyncadd.s32 $0xFFFFFF80  }
0x77: {  	_ =	swait.ge [sflag:s14], $0x4000  }
0x78: {  	s21 =	rddreg [dreg:$0x4]  }
0x79: {  	s17 =	sadd.s32 $0x70, s21  }
0x7a: {  	s18 =	simm.s32 $0x40;
	s22 =	sadd.s32 $0xFFFFFFD0, s17  }
0x7b: {  	s18 =	sand.u32 $0x40, s18;
	s19 =	sand.u32 $0xFFFFF80, s22  }
0x7c: {  	[sflag:s14] =	ssyncset.done $0x0;
	s18 =	sor.u32 s18, s19  }
0x7d: {  	[sflag:s14] =	ssyncadd.s32 $0xFFFFC000;
	s19 =	sadd.s32 s2, s18  }
0x7e: {  	[tilespmem:s4], [sflag:$0x3] =	stream.linear.gather [hbm4b:s19+s4], $0x80, $0x38;
	[tilespmem:$0x1D400] =	vst v63  }
0x7f: {  	s18 =	sadd.s32 s6, s18  }
0x80: {  	[tilespmem:s7], [sflag:$0x3] =	stream.linear.gather [hbm4b:s18+s4], $0x80, $0x38;
	[tilespmem:$0x1D400] =	vst v63  }
0x81: {  	s8 =	simm.s32 $0x50;
	s16 =	sadd.s32 $0xFFFFFFE0, s17  }
0x82: {  	[tilespmem:s23], [sflag:$0x1] =	stream.indirect.gather [hbm4b:s5+s25], $0x80, s28, s25, $0xb8;
	[tilespmem:$0x1D400] =	vst v63  }
0x83: {  	s19 =	sand.u32 $0xFFFFF80, s16;
	s18 =	sand.u32 $0x50, s8;
	_ =	swait.ge [sflag:s15], $0x4000  }
0x84: {  	s18 =	sor.u32 s18, s19;
	[sflag:s15] =	ssyncset.done $0x0  }
0x85: {  	s19 =	sadd.s32 s2, s18;
	[sflag:s15] =	ssyncadd.s32 $0xFFFFC000  }
0x86: {  	[tilespmem:s25], [sflag:$0x4] =	stream.linear.gather [hbm4b:s19+s4], $0x80, $0x38;
	[tilespmem:$0x1D400] =	vst v63  }
0x87: {  	s18 =	sadd.s32 s6, s18  }
0x88: {  	[tilespmem:s26], [sflag:$0x4] =	stream.linear.gather [hbm4b:s18+s4], $0x80, $0x38;
	[tilespmem:$0x1D400] =	vst v63  }
0x89: {  	_ = 	snop  }
0x8a: {  	[tilespmem:s9], [sflag:$0x2] =	stream.indirect.gather [hbm4b:s5+s25], $0x80, s30, s25, $0xb8;
	[tilespmem:$0x1D400] =	vst v63  }
0x8b: {  	_ =	swait.ge [sflag:s10], $0x4000  }
0x8c: {  	[sflag:s10] =	ssyncset.done $0x0  }
0x8d: {  	[sflag:s10] =	ssyncadd.s32 $0xFFFFC000  }
0x8e: {  	[spmem:s3] =	stream.indirect.scatter.add.f32 [tilespmem:s23], [sflag:$0x7], $0x80, s29, s25, $0xb8;
	[tilespmem:$0x1D400] =	vst v63  }
0x8f: {  	_ =	swait.ge [sflag:s0], $0x80  }
0x90: {  	[sflag:s0] =	ssyncset.done $0x0  }
0x91: {  	[sflag:s0] =	ssyncadd.s32 $0xFFFFFF80  }
0x92: {  	_ =	swait.ge [sflag:s0], $0x80  }
0x93: {  	[sflag:s0] =	ssyncset.done $0x0  }
0x94: {  	[sflag:s0] =	ssyncadd.s32 $0xFFFFFF80  }
0x95: {  	_ =	swait.ge [sflag:s12], $0x4000  }
0x96: {  	[sflag:s12] =	ssyncset.done $0x0  }
0x97: {  	[sflag:s12] =	ssyncadd.s32 $0xFFFFC000  }
0x98: {  	[spmem:s3] =	stream.indirect.scatter.add.f32 [tilespmem:s9], [sflag:$0x8], $0x80, s31, s25, $0xb8;
	[tilespmem:$0x1D400] =	vst v63  }
0x99: {  	_ =	swait.ge [sflag:s1], $0x80  }
0x9a: {  	[sflag:s1] =	ssyncset.done $0x0  }
0x9b: {  	[sflag:s1] =	ssyncadd.s32 $0xFFFFFF80  }
0x9c: {  	_ =	swait.ge [sflag:s1], $0x80  }
0x9d: {  	[sflag:s1] =	ssyncset.done $0x0  }
0x9e: {  	s20 =	simm.s32 $0x60;
	s21 =	sadd.s32 $0xFFFFFFF0, s17;
	[sflag:s1] =	ssyncadd.s32 $0xFFFFFF80  }
0x9f: {  	s19 =	sand.u32 $0xFFFFF80, s21;
	s18 =	sand.u32 $0x60, s20;
	_ =	swait.ge [sflag:s14], $0x4000  }
0xa0: {  	s18 =	sor.u32 s18, s19;
	[sflag:s14] =	ssyncset.done $0x0  }
0xa1: {  	s19 =	sadd.s32 s2, s18;
	[sflag:s14] =	ssyncadd.s32 $0xFFFFC000  }
0xa2: {  	[tilespmem:s28], [sflag:$0x5] =	stream.linear.gather [hbm4b:s19+s4], $0x80, $0x38;
	[tilespmem:$0x1D400] =	vst v63  }
0xa3: {  	s18 =	sadd.s32 s6, s18  }
0xa4: {  	[tilespmem:s29], [sflag:$0x5] =	stream.linear.gather [hbm4b:s18+s4], $0x80, $0x38;
	[tilespmem:$0x1D400] =	vst v63  }
0xa5: {  	s22 =	simm.s32 $0x70  }
0xa6: {  	[tilespmem:s23], [sflag:$0x1] =	stream.indirect.gather [hbm4b:s5+s25], $0x80, s4, s25, $0xb8;
	[tilespmem:$0x1D400] =	vst v63  }
0xa7: {  	s17 =	sand.u32 $0xFFFFF80, s17;
	s18 =	sand.u32 $0x70, s22;
	_ =	swait.ge [sflag:s15], $0x4000  }
0xa8: {  	s17 =	sor.u32 s18, s17;
	[sflag:s15] =	ssyncset.done $0x0  }
0xa9: {  	s18 =	sadd.s32 s2, s17;
	[sflag:s15] =	ssyncadd.s32 $0xFFFFC000  }
0xaa: {  	[tilespmem:s30], [sflag:$0x6] =	stream.linear.gather [hbm4b:s18+s4], $0x80, $0x38;
	[tilespmem:$0x1D400] =	vst v63  }
0xab: {  	s17 =	sadd.s32 s6, s17  }
0xac: {  	[tilespmem:s31], [sflag:$0x6] =	stream.linear.gather [hbm4b:s17+s4], $0x80, $0x38;
	[tilespmem:$0x1D400] =	vst v63  }
0xad: {  	s17 =	simm.s32 $0xB0  }
.LBB2_4:
0xae: {  	[tilespmem:s9], [sflag:$0x2] =	stream.indirect.gather [hbm4b:s5+s25], $0x80, s25, s25, $0xb8;
	[tilespmem:$0x1D400] =	vst v63  }
0xaf: {  	_ =	swait.ge [sflag:s10], $0x4000  }
0xb0: {  	[sflag:s10] =	ssyncset.done $0x0  }
0xb1: {  	[sflag:s10] =	ssyncadd.s32 $0xFFFFC000  }
0xb2: {  	[spmem:s3] =	stream.indirect.scatter.add.f32 [tilespmem:s23], [sflag:$0x7], $0x80, s7, s25, $0xb8;
	[tilespmem:$0x1D400] =	vst v63  }
0xb3: {  	_ =	swait.ge [sflag:s11], $0x80  }
0xb4: {  	[sflag:s11] =	ssyncset.done $0x0  }
0xb5: {  	[sflag:s11] =	ssyncadd.s32 $0xFFFFFF80  }
0xb6: {  	_ =	swait.ge [sflag:s11], $0x80  }
0xb7: {  	[sflag:s11] =	ssyncset.done $0x0  }
0xb8: {  	[sflag:s11] =	ssyncadd.s32 $0xFFFFFF80  }
0xb9: {  	_ =	swait.ge [sflag:s12], $0x4000  }
0xba: {  	[sflag:s12] =	ssyncset.done $0x0  }
0xbb: {  	[sflag:s12] =	ssyncadd.s32 $0xFFFFC000  }
0xbc: {  	[spmem:s3] =	stream.indirect.scatter.add.f32 [tilespmem:s9], [sflag:$0x8], $0x80, s26, s25, $0xb8;
	[tilespmem:$0x1D400] =	vst v63  }
0xbd: {  	_ =	swait.ge [sflag:s13], $0x80  }
0xbe: {  	[sflag:s13] =	ssyncset.done $0x0  }
0xbf: {  	[sflag:s13] =	ssyncadd.s32 $0xFFFFFF80  }
0xc0: {  	_ =	swait.ge [sflag:s13], $0x80  }
0xc1: {  	[sflag:s13] =	ssyncset.done $0x0  }
0xc2: {  	[sflag:s13] =	ssyncadd.s32 $0xFFFFFF80  }
0xc3: {  	s18 =	smov.u32 s17;
	_ =	swait.ge [sflag:s14], $0x4000  }
0xc4: {  	s20 =	sadd.s32 $0xFFFFFFD0, s18;
	s19 =	rddreg [dreg:$0x4]  }
0xc5: {  	s21 =	sadd.s32 $0xFFFFFFF0, s18;
	s22 =	sand.u32 $0x70, s18;
	s19 =	sadd.s32 s18, s19  }
0xc6: {  	s20 =	sand.u32 $0x40, s20;
	[sflag:s14] =	ssyncset.done $0x0;
	s8 =	sadd.s32 $0xFFFFFFD0, s19  }
0xc7: {  	s18 =	sadd.s32 $0xFFFFFFE0, s18;
	s16 =	sadd.s32 $0xFFFFFFE0, s19;
	s8 =	sand.u32 $0xFFFFF80, s8  }
0xc8: {  	s18 =	sand.u32 $0x50, s18;
	s16 =	sand.u32 $0xFFFFF80, s16;
	s8 =	sor.u32 s20, s8  }
0xc9: {  	[sflag:s14] =	ssyncadd.s32 $0xFFFFC000;
	s16 =	sor.u32 s18, s16;
	s18 =	sadd.s32 s2, s8  }
0xca: {  	[tilespmem:s4], [sflag:$0x3] =	stream.linear.gather [hbm4b:s18+s4], $0x80, $0x38;
	[tilespmem:$0x1D400] =	vst v63  }
0xcb: {  	s8 =	sadd.s32 s6, s8  }
0xcc: {  	[tilespmem:s7], [sflag:$0x3] =	stream.linear.gather [hbm4b:s8+s4], $0x80, $0x38;
	[tilespmem:$0x1D400] =	vst v63  }
0xcd: {  	_ = 	snop  }
0xce: {  	[tilespmem:s23], [sflag:$0x1] =	stream.indirect.gather [hbm4b:s5+s25], $0x80, s28, s25, $0xb8;
	[tilespmem:$0x1D400] =	vst v63  }
0xcf: {  	s21 =	sand.u32 $0x60, s21;
	s20 =	sadd.s32 $0xFFFFFFF0, s19;
	_ =	swait.ge [sflag:s15], $0x4000  }
0xd0: {  	s18 =	sand.u32 $0xFFFFF80, s20;
	s20 =	sand.u32 $0xFFFFF80, s19;
	[sflag:s15] =	ssyncset.done $0x0  }
0xd1: {  	s19 =	sor.u32 s21, s18;
	s21 =	sadd.s32 s2, s16;
	[sflag:s15] =	ssyncadd.s32 $0xFFFFC000  }
0xd2: {  	[tilespmem:s25], [sflag:$0x4] =	stream.linear.gather [hbm4b:s21+s4], $0x80, $0x38;
	[tilespmem:$0x1D400] =	vst v63  }
0xd3: {  	s18 =	sor.u32 s22, s20;
	s22 =	sadd.s32 s6, s16  }
0xd4: {  	[tilespmem:s26], [sflag:$0x4] =	stream.linear.gather [hbm4b:s22+s4], $0x80, $0x38;
	[tilespmem:$0x1D400] =	vst v63  }
0xd5: {  	_ = 	snop  }
0xd6: {  	[tilespmem:s9], [sflag:$0x2] =	stream.indirect.gather [hbm4b:s5+s25], $0x80, s30, s25, $0xb8;
	[tilespmem:$0x1D400] =	vst v63  }
0xd7: {  	_ =	swait.ge [sflag:s10], $0x4000  }
0xd8: {  	[sflag:s10] =	ssyncset.done $0x0  }
0xd9: {  	[sflag:s10] =	ssyncadd.s32 $0xFFFFC000  }
0xda: {  	[spmem:s3] =	stream.indirect.scatter.add.f32 [tilespmem:s23], [sflag:$0x7], $0x80, s29, s25, $0xb8;
	[tilespmem:$0x1D400] =	vst v63  }
0xdb: {  	_ =	swait.ge [sflag:s0], $0x80  }
0xdc: {  	[sflag:s0] =	ssyncset.done $0x0  }
0xdd: {  	[sflag:s0] =	ssyncadd.s32 $0xFFFFFF80  }
0xde: {  	_ =	swait.ge [sflag:s0], $0x80  }
0xdf: {  	[sflag:s0] =	ssyncset.done $0x0  }
0xe0: {  	[sflag:s0] =	ssyncadd.s32 $0xFFFFFF80  }
0xe1: {  	_ =	swait.ge [sflag:s12], $0x4000  }
0xe2: {  	[sflag:s12] =	ssyncset.done $0x0  }
0xe3: {  	[sflag:s12] =	ssyncadd.s32 $0xFFFFC000  }
0xe4: {  	[spmem:s3] =	stream.indirect.scatter.add.f32 [tilespmem:s9], [sflag:$0x8], $0x80, s31, s25, $0xb8;
	[tilespmem:$0x1D400] =	vst v63  }
0xe5: {  	_ =	swait.ge [sflag:s1], $0x80  }
0xe6: {  	[sflag:s1] =	ssyncset.done $0x0  }
0xe7: {  	[sflag:s1] =	ssyncadd.s32 $0xFFFFFF80  }
0xe8: {  	_ =	swait.ge [sflag:s1], $0x80  }
0xe9: {  	[sflag:s1] =	ssyncset.done $0x0  }
0xea: {  	[sflag:s1] =	ssyncadd.s32 $0xFFFFFF80  }
0xeb: {  	_ =	swait.ge [sflag:s14], $0x4000  }
0xec: {  	[sflag:s14] =	ssyncset.done $0x0  }
0xed: {  	s16 =	sadd.s32 s2, s19;
	[sflag:s14] =	ssyncadd.s32 $0xFFFFC000  }
0xee: {  	[tilespmem:s28], [sflag:$0x5] =	stream.linear.gather [hbm4b:s16+s4], $0x80, $0x38;
	[tilespmem:$0x1D400] =	vst v63  }
0xef: {  	s20 =	sadd.s32 s6, s19  }
0xf0: {  	[tilespmem:s29], [sflag:$0x5] =	stream.linear.gather [hbm4b:s20+s4], $0x80, $0x38;
	[tilespmem:$0x1D400] =	vst v63  }
0xf1: {  	_ = 	snop  }
0xf2: {  	[tilespmem:s23], [sflag:$0x1] =	stream.indirect.gather [hbm4b:s5+s25], $0x80, s4, s25, $0xb8;
	[tilespmem:$0x1D400] =	vst v63  }
0xf3: {  	p0 =	sne.s32 s17, $0x4F0;
	_ =	swait.ge [sflag:s15], $0x4000  }
.Ltmp1:
0xf4: {  	[sflag:s15] =	ssyncset.done $0x0;
	(pc) =	sbr.rel @p0 .LBB2_4-.Ltmp1, $4  }
0xf5: {  	s21 =	sadd.s32 s2, s18;
	[sflag:s15] =	ssyncadd.s32 $0xFFFFC000  }
0xf6: {  	[tilespmem:s30], [sflag:$0x6] =	stream.linear.gather [hbm4b:s21+s4], $0x80, $0x38;
	[tilespmem:$0x1D400] =	vst v63  }
0xf7: {  	s17 =	sadd.s32 $0x40, s17;
	s22 =	sadd.s32 s6, s18  }
0xf8: {  	[tilespmem:s31], [sflag:$0x6] =	stream.linear.gather [hbm4b:s22+s4], $0x80, $0x38;
	[tilespmem:$0x1D400] =	vst v63  }
0xf9: {  	[tilespmem:s9], [sflag:$0x2] =	stream.indirect.gather [hbm4b:s5+s25], $0x80, s25, s25, $0xb8;
	[tilespmem:$0x1D400] =	vst v63  }
0xfa: {  	_ =	swait.ge [sflag:s10], $0x4000  }
0xfb: {  	[sflag:s10] =	ssyncset.done $0x0  }
0xfc: {  	[sflag:s10] =	ssyncadd.s32 $0xFFFFC000  }
0xfd: {  	[spmem:s3] =	stream.indirect.scatter.add.f32 [tilespmem:s23], [sflag:$0x7], $0x80, s7, s25, $0xb8;
	[tilespmem:$0x1D400] =	vst v63  }
0xfe: {  	_ =	swait.ge [sflag:s11], $0x80  }
0xff: {  	[sflag:s11] =	ssyncset.done $0x0  }
0x100: {  	[sflag:s11] =	ssyncadd.s32 $0xFFFFFF80  }
0x101: {  	_ =	swait.ge [sflag:s11], $0x80  }
0x102: {  	[sflag:s11] =	ssyncset.done $0x0  }
0x103: {  	[sflag:s11] =	ssyncadd.s32 $0xFFFFFF80  }
0x104: {  	_ =	swait.ge [sflag:s12], $0x4000  }
0x105: {  	[sflag:s12] =	ssyncset.done $0x0  }
0x106: {  	[sflag:s12] =	ssyncadd.s32 $0xFFFFC000  }
0x107: {  	[spmem:s3] =	stream.indirect.scatter.add.f32 [tilespmem:s9], [sflag:$0x8], $0x80, s26, s25, $0xb8;
	[tilespmem:$0x1D400] =	vst v63  }
0x108: {  	_ =	swait.ge [sflag:s13], $0x80  }
0x109: {  	[sflag:s13] =	ssyncset.done $0x0  }
0x10a: {  	[sflag:s13] =	ssyncadd.s32 $0xFFFFFF80  }
0x10b: {  	_ =	swait.ge [sflag:s13], $0x80  }
0x10c: {  	[sflag:s13] =	ssyncset.done $0x0  }
0x10d: {  	[sflag:s13] =	ssyncadd.s32 $0xFFFFFF80  }
0x10e: {  	_ =	swait.ge [sflag:s14], $0x4000  }
0x10f: {  	[sflag:s14] =	ssyncset.done $0x0  }
0x110: {  	[sflag:s14] =	ssyncadd.s32 $0xFFFFC000  }
0x111: {  	[tilespmem:s23], [sflag:$0x1] =	stream.indirect.gather [hbm4b:s5+s25], $0x80, s28, s25, $0xb8;
	[tilespmem:$0x1D400] =	vst v63  }
0x112: {  	_ =	swait.ge [sflag:s15], $0x4000  }
0x113: {  	[sflag:s15] =	ssyncset.done $0x0  }
0x114: {  	[sflag:s15] =	ssyncadd.s32 $0xFFFFC000  }
0x115: {  	[tilespmem:s9], [sflag:$0x2] =	stream.indirect.gather [hbm4b:s5+s25], $0x80, s30, s25, $0xb8;
	[tilespmem:$0x1D400] =	vst v63  }
0x116: {  	_ =	swait.ge [sflag:s10], $0x4000  }
0x117: {  	[sflag:s10] =	ssyncset.done $0x0  }
0x118: {  	[sflag:s10] =	ssyncadd.s32 $0xFFFFC000  }
0x119: {  	[spmem:s3] =	stream.indirect.scatter.add.f32 [tilespmem:s23], [sflag:$0x7], $0x80, s29, s25, $0xb8;
	[tilespmem:$0x1D400] =	vst v63  }
0x11a: {  	_ =	swait.ge [sflag:s12], $0x4000  }
0x11b: {  	[sflag:s12] =	ssyncset.done $0x0  }
0x11c: {  	[sflag:s12] =	ssyncadd.s32 $0xFFFFC000  }
0x11d: {  	[spmem:s3] =	stream.indirect.scatter.add.f32 [tilespmem:s9], [sflag:$0x8], $0x80, s31, s25, $0xb8;
	[tilespmem:$0x1D400] =	vst v63  }
0x11e: {  	_ =	swait.ge [sflag:s14], $0x4000  }
0x11f: {  	[sflag:s14] =	ssyncset.done $0x0  }
0x120: {  	[sflag:s14] =	ssyncadd.s32 $0xFFFFC000  }
0x121: {  	_ =	swait.ge [sflag:s15], $0x4000  }
0x122: {  	[sflag:s15] =	ssyncset.done $0x0  }
0x123: {  	[sflag:s15] =	ssyncadd.s32 $0xFFFFC000  }
0x124: {  	s8 =	stileid.u32;
	[bflag:$0x0] =	sbarrier.arrive $0xFFFF  }
0x125: {  	s8 =	sshll.u32 s8, $0x6;
	s19 =	rddreg [dreg:$0x5]  }
0x126: {  	s8 =	sor.u32 $0x1C09, s8;
	s17 =	rddreg [dreg:$0xe];
	s16 =	sshrl.u32 s19, $0x3  }
0x127: {  	[hbm:s17], [sflag:s8] =	dma.local [spmem:s16], $0x2800  }
0x128: {  	_ =	swait.ge [sflag:s24], $0x2800  }
0x129: {  	s21 =	rddreg [dreg:$0x14]  }
0x12a: {  	s22 =	rddreg [dreg:$0xf];
	s16 =	sadd.s32 $0x1, s21  }
0x12b: {  	p0 =	sne.s32 s16, s22  }
.Ltmp2:
0x12c: {  	_ = 	snop;
	(pc) =	sbr.rel @p0 .LBB2_1-.Ltmp2, $3  }
0x12d: {  	_ =	sdelay $0x1  }
0x12e: {  	[sflag:s24] =	ssyncset.done $0x0  }
0x12f: {  	[sflag:s24] =	ssyncadd.s32 $0xFFFFD800  }
0x130: {  	_ =	sfence.sel $0x180000  }
0x131: {  	[bflag:$0x0] =	sbarrier.arrive $0xFFFF  }
0x132: {  	_ =	strace $0x9000004A  }
0x133: {  	s0 =	stileid.u32;
	[bflag:$0x2] =	sbarrier.arrive $0xFFFF  }
0x134: {  	p0 =	sne.s32 s0, $0x0;
	s0 =	rddreg [dreg:$0x3]  }
0x135: {  	s0 =	sadd.s32 @!p0 $0x100000, s0  }
0x136: {  	[sflag:s0] =	ssyncadd.tile.s32 @!p0 $0x1;
	_ =	shalt  }
.Lfunc_end2:
_tile_overlayer_lowered:
.L_overlay_start_2:
0x137: {  	(tag) =	ssettag $0x2  }
0x138: {  	s0 =	rddreg [dreg:$0x0];
	s2 =	stileid.u32  }
0x139: {  	s1 =	rddreg [dreg:$0x1];
	p0 =	sne.s32 s2, $0x0  }
0x13a: {  	s3 =	rddreg [dreg:$0x2];
	[bflag:$0x3] =	sbarrier.arrive $0xFFFF;
	s2 =	simm.s32 @!p0 $0x1C09  }
0x13b: {  	[timem:s3], [sflag:s2] =	dma.local @!p0 [hbm:s0], s1  }
0x13c: {  	s0 =	simm.s32 @!p0 $0x9  }
0x13d: {  	_ =	swait.ge @!p0 [sflag:s0], s1  }
0x13e: {  	s1 =	ssub.s32 @!p0 $0x0, s1;
	[sflag:s0] =	ssyncset.done @!p0 $0x0  }
0x13f: {  	[sflag:s0] =	ssyncadd.s32 @!p0 s1  }
0x140: {  	[bflag:$0x3] =	sbarrier.arrive $0xFFFF  }
0x141: {  	_ =	shalt  }

// kernel: kernel.14.cloned.1.call-start
scs
__scs_entry_jumppad:
0x0: {  	(pc) =	sbr.rel $0x88, $3  }
0x1: {  	(tag) =	ssettag $0x0;
	lr =	simm.s32 $0x1  }
0x2: {  	[smem:$0x3F9B] =	sst lr;
	_ =	strace $0xD0000000  }
0x3: {  	_ = 	snop  }
0x4: {  	_ = 	snop  }
0x5: {  	_ = 	snop  }
0x6: {  	_ = 	snop  }
0x7: {  	_ = 	snop  }
__scs_overlays_trampoline_lowered:
0x8: {  	[smem:$0x3FAA] =	sst s0  }
0x9: {  	[smem:$0x3FAB] =	sst s1  }
0xa: {  	[smem:$0x3FAC] =	sst s2  }
0xb: {  	[smem:$0x3FAD] =	sst s3  }
0xc: {  	[smem:$0x3FAE] =	sst s4  }
0xd: {  	[smem:$0x3FAF] =	sst s5  }
0xe: {  	[smem:$0x3FB0] =	sst s6  }
0xf: {  	[smem:$0x3FB1] =	sst s7  }
0x10: {  	[smem:$0x3FB2] =	sst s8  }
0x11: {  	[smem:$0x3FB3] =	sst s9;
	s0 =	simm.s32 @!p0 $0x0  }
0x12: {  	s1 =	sld [smem:$0x3F99];
	s0 =	simm.s32 @p0 $0x1  }
0x13: {  	[smem:$0x3FB4] =	sst s0;
	s0 =	simm.s32 @!p1 $0x0  }
0x14: {  	s2 =	sld [smem:$0x3F98];
	s0 =	simm.s32 @p1 $0x1  }
0x15: {  	[smem:$0x3FB5] =	sst s0;
	s0 =	simm.s32 @!p2 $0x0  }
0x16: {  	s3 =	sld [smem:$0x3FDB];
	s0 =	simm.s32 @p2 $0x1  }
0x17: {  	s4 =	simm.s32 $0x1BF5;
	[smem:$0x3FB7] =	sst s0  }
0x18: {  	s0 =	sld [smem:$0x3F9A];
	_ =	swait.ge [sflag:s4], $0x0  }
0x19: {  	s7 =	sld [smem:$0x3F9B]  }
0x1a: {  	s8 =	sadd.s32 $0xFFFFE003, lr  }
0x1b: {  	s9 =	sadd.s32 $0xFFFFFEF7, lr;
	s5 =	simm.s32 $0xFFFFFFFF;
	p2 =	slt.u32 s8, $0xFFFFF086  }
0x1c: {  	p1 =	slt.u32 s9, $0xF7A;
	s5 =	simm.s32 @!p2 $0x0  }
0x1d: {  	s5 =	simm.s32 @p1 $0x1;
	p0 =	seq.s32 s7, s2  }
0x1e: {  	s7 =	smul.u32 @!p0 $0xF7A, s2;
	p2 =	seq.s32 @!p0 s5, $0x0  }
0x1f: {  	s9 =	smul.u32 $0xF7A, s1;
	s8 =	simm.s32 @!p0 $0x1BF5;
	p2 =	por !p2, p0  }
0x20: {  	[sflag:s8] =	ssyncset.s32 @!p0 $0xFFFFF086;
	s6 =	sadd.s32 @!p0 s3, s7;
	s7 =	simm.s32 @!p0 $0x108  }
0x21: {  	s3 =	sadd.s32 s3, s9;
	s6 =	sadd.s32 @!p0 $0x88, s6;
	s7 =	simm.s32 @p2 $0x1082  }
0x22: {  	[simem:s7], [sflag:s8] =	dma.local @!p0 [hbm:s6], $0xF7A  }
0x23: {  	s9 =	sor.u32 $0xD0000000, s2;
	s6 =	simm.s32 $0x108;
	_ =	swait.ge @!p0 [sflag:s8], $0x0  }
0x24: {  	s3 =	sadd.s32 $0x88, s3;
	s6 =	simm.s32 @!p1 $0x1082;
	[sflag:s4] =	ssyncset.s32 $0xFFFFF086  }
0x25: {  	[simem:s6], [sflag:s4] =	dma.local [hbm:s3], $0xF7A  }
0x26: {  	[smem:$0x3F9B] =	sst s1;
	(tag) =	ssettag s2;
	_ =	strace s9  }
0x27: {  	s1 =	sld [smem:$0x3FAB]  }
0x28: {  	s2 =	sld [smem:$0x3FAC]  }
0x29: {  	s4 =	sld [smem:$0x3FAE]  }
0x2a: {  	p0 =	seq.s32 s5, $0x0;
	s5 =	sld [smem:$0x3FAF]  }
0x2b: {  	s6 =	sld [smem:$0x3FB0]  }
0x2c: {  	s7 =	sld [smem:$0x3FB1]  }
0x2d: {  	s3 =	simm.s32 $0x108;
	s8 =	sld [smem:$0x3FB2]  }
0x2e: {  	s3 =	simm.s32 @!p0 $0x1082;
	s9 =	sld [smem:$0x3FB3]  }
0x2f: {  	lr =	sadd.s32 s0, s3;
	s0 =	sld [smem:$0x3FAA]  }
0x30: {  	s3 =	sld [smem:$0x3FAD]  }
0x31: {  	[smem:$0x3FB6] =	sst s10  }
0x32: {  	s10 =	sld [smem:$0x3FB4];
	_ =	sdelay $0x3  }
0x33: {  	p0 =	seq.s32 s10, $0x1;
	s10 =	sld [smem:$0x3FB6];
	_ =	sdelay $0x3  }
0x34: {  	[smem:$0x3FB6] =	sst s10  }
0x35: {  	s10 =	sld [smem:$0x3FB5];
	_ =	sdelay $0x3  }
0x36: {  	p1 =	seq.s32 s10, $0x1;
	s10 =	sld [smem:$0x3FB6];
	_ =	sdelay $0x3  }
0x37: {  	[smem:$0x3FB6] =	sst s10  }
0x38: {  	s10 =	sld [smem:$0x3FB7]  }
0x39: {  	_ = 	snop;
	(pc) =	sbr.ind lr, $3  }
0x3a: {  	_ = 	snop  }
0x3b: {  	_ = 	snop  }
0x3c: {  	p2 =	seq.s32 s10, $0x1;
	s10 =	sld [smem:$0x3FB6]  }
0x3d: {  	_ =	shalt  }
0x3e: {  	_ =	shalt  }
0x3f: {  	_ =	shalt  }
0x40: {  	_ =	shalt  }
0x41: {  	_ =	shalt  }
0x42: {  	_ =	shalt  }
0x43: {  	_ =	shalt  }
0x44: {  	_ =	shalt  }
0x45: {  	_ =	shalt  }
0x46: {  	_ =	shalt  }
0x47: {  	_ =	shalt  }
0x48: {  	_ =	shalt  }
0x49: {  	_ =	shalt  }
0x4a: {  	_ =	shalt  }
0x4b: {  	_ =	shalt  }
0x4c: {  	_ =	shalt  }
0x4d: {  	_ =	shalt  }
0x4e: {  	_ =	shalt  }
0x4f: {  	_ =	shalt  }
0x50: {  	_ =	shalt  }
0x51: {  	_ =	shalt  }
0x52: {  	_ =	shalt  }
0x53: {  	_ =	shalt  }
0x54: {  	_ =	shalt  }
0x55: {  	_ =	shalt  }
0x56: {  	_ =	shalt  }
0x57: {  	_ =	shalt  }
0x58: {  	_ =	shalt  }
0x59: {  	_ =	shalt  }
0x5a: {  	_ =	shalt  }
0x5b: {  	_ =	shalt  }
0x5c: {  	_ =	shalt  }
0x5d: {  	_ =	shalt  }
0x5e: {  	_ =	shalt  }
0x5f: {  	_ =	shalt  }
0x60: {  	_ =	shalt  }
0x61: {  	_ =	shalt  }
0x62: {  	_ =	shalt  }
0x63: {  	_ =	shalt  }
0x64: {  	_ =	shalt  }
0x65: {  	_ =	shalt  }
0x66: {  	_ =	shalt  }
0x67: {  	_ =	shalt  }
0x68: {  	_ =	shalt  }
0x69: {  	_ =	shalt  }
0x6a: {  	_ =	shalt  }
0x6b: {  	_ =	shalt  }
0x6c: {  	_ =	shalt  }
0x6d: {  	_ =	shalt  }
0x6e: {  	_ =	shalt  }
0x6f: {  	_ =	shalt  }
0x70: {  	_ =	shalt  }
0x71: {  	_ =	shalt  }
0x72: {  	_ =	shalt  }
0x73: {  	_ =	shalt  }
0x74: {  	_ =	shalt  }
0x75: {  	_ =	shalt  }
0x76: {  	_ =	shalt  }
0x77: {  	_ =	shalt  }
0x78: {  	_ =	shalt  }
0x79: {  	_ =	shalt  }
0x7a: {  	_ =	shalt  }
0x7b: {  	_ =	shalt  }
0x7c: {  	_ =	shalt  }
0x7d: {  	_ =	shalt  }
0x7e: {  	_ =	shalt  }
0x7f: {  	_ =	shalt  }
0x80: {  	_ =	shalt  }
0x81: {  	_ =	shalt  }
0x82: {  	_ =	shalt  }
0x83: {  	_ =	shalt  }
0x84: {  	_ =	shalt  }
0x85: {  	_ =	shalt  }
0x86: {  	_ =	shalt  }
0x87: {  	_ =	shalt  }
.Lfunc_end0:
.L_simem_size_0:
called_computation.2_lowered:
.L_overlay_start_0:
0x88: {  	s2 =	sld [smem:$0x3FD9]  }
0x89: {  	s3 =	sld [smem:$0x3FFE];
	_ =	sdelay $0x1  }
0x8a: {  	s1 =	srdreg.scid  }
0x8b: {  	s0 =	sand.u32 $0x1, s1  }
0x8c: {  	s16 =	sshll.u32 s0, $0xA;
	s2 =	sadd.s32 s3, s2  }
0x8d: {  	s2 =	sadd.s32 s2, s16  }
0x8e: {  	[smem:$0x3FC2] =	sst s2  }
0x8f: {  	_ = 	snop  }
0x90: {  	(tm) =	ssettm $0x1  }
0x91: {  	s17 =	sld [smem:$0x3FFB];
	_ =	sdelay $0x3  }
0x92: {  	_ =	strace s17  }
0x93: {  	s2 =	sld [smem:$0x3FFC];
	_ =	sdelay $0x3  }
0x94: {  	_ =	strace s2  }
0x95: {  	s2 =	sld [smem:$0x3FFD];
	_ =	sdelay $0x3  }
0x96: {  	_ =	strace s2  }
0x97: {  	_ =	strace $0x8FFFFFFF  }
0x98: {  	s18 =	sld [smem:$0x3FDB];
	_ =	sdelay $0x1  }
0x99: {  	s19 =	simm.s32 $_scs_section_size  }
0x9a: {  	s4 =	simm.s32 $_size__tile_overlayer_lowered;
	s5 =	simm.s32 $_tile_overlayer_lowered  }
0x9b: {  	s22 =	simm.s32 $0x1BFF;
	s21 =	sshll.u32 s5, $0x1;
	s2 =	sadd.s32 s19, s18  }
0x9c: {  	s6 =	simm.s32 $0x0;
	s20 =	sshll.u32 s4, $0x1;
	s4 =	sadd.s32 s21, s2  }
0x9d: {  	[timem:s6], [sflag:s22] =	dma.local [hbm:s4], s20  }
0x9e: {  	_ =	swait.ge [sflag:s22], s20  }
0x9f: {  	s3 =	ssub.s32 $0x0, s20;
	[sflag:s22] =	ssyncset.done $0x0  }
0xa0: {  	[sflag:s22] =	ssyncadd.s32 s3;
	_ =	sdelay $0x1  }
0xa1: {  	s23 =	simm.s32 $0x1B8B  }
0xa2: {  	_ =	swait.ge [sflag:s23], $0x1  }
0xa3: {  	[sflag:s23] =	ssyncset.done $0x0  }
0xa4: {  	s25 =	simm.s32 $0x1B8E;
	s24 =	sld [smem:$0x3FFE];
	[sflag:s23] =	ssyncadd.s32 $0xFFFFFFFF  }
0xa5: {  	s26 =	simm.s32 $execute0_lowered;
	[smem:$0x3FD2] =	sst s25  }
0xa6: {  	s4 =	sshll.u32 s26, $0x1;
	_ =	strace $0x8000004C;
	[dreg:$0x1] =	wrdreg $0xFFFFFFFF  }
0xa7: {  	s28 =	simm.s32 $_size_execute0_lowered;
	s2 =	sadd.s32 s2, s4;
	[dreg:$0x0] =	wrdreg $0x0  }
0xa8: {  	s4 =	sshll.u32 s28, $0x1;
	[dreg:$0x2] =	wrdreg s2  }
0xa9: {  	[dreg:$0x3] =	wrdreg s4  }
0xaa: {  	[dreg:$0x4] =	wrdreg $0xC0  }
0xab: {  	_ =	task [dreg:s6], $0x5FFFF  }
0xac: {  	[dreg:$0x1] =	wrdreg $0xFFFFFFFF  }
0xad: {  	[dreg:$0x0] =	wrdreg $0x60  }
0xae: {  	[dreg:$0x2] =	wrdreg s24  }
0xaf: {  	[dreg:$0x3] =	wrdreg $0x84000  }
0xb0: {  	[dreg:$0x4] =	wrdreg $0x9  }
0xb1: {  	_ =	task.clear_ibuf [dreg:s6], $0x5FFFF;
	_ =	strace $0x9000004C  }
0xb2: {  	s29 =	simm.s32 $0x9;
	_ =	strace $0x8000004E  }
0xb3: {  	_ =	swait.ge [sflag:s29], $0x1  }
0xb4: {  	[sflag:s29] =	ssyncadd.s32 $0xFFFFFFFF  }
0xb5: {  	_ =	strace $0x9000004E  }
0xb6: {  	_ =	sfence  }
0xb7: {  	s30 =	sld [smem:$0x0];
	_ =	sdelay $0x2  }
0xb8: {  	s31 =	sshll.u32 s1, $0xD;
	s1 =	sshrl.u32 s1, $0x2  }
0xb9: {  	s3 =	sand.u32 $0x4000, s31;
	s1 =	sadd.s32 s1, s30  }
0xba: {  	s0 =	sor.u32 s3, s0;
	s1 =	sshll.u32 s1, $0x11  }
0xbb: {  	s0 =	sor.u32 s1, s0  }
0xbc: {  	s0 =	sadd.s32 $0x8F2B, s0  }
0xbd: {  	[sflag:s0] =	ssyncadd.remote.s32 $0x1  }
0xbe: {  	_ =	sfence.sel $0xFFFF  }
0xbf: {  	[dreg:$0x0] =	wrdreg $0xFFFFFFFF;
	(pc) =	sbr.abs _section_cstart, $3  }
0xc0: {  	[dreg:$0x1] =	wrdreg $0xFFFFFFFF  }
0xc1: {  	_ =	task.clear_ibuf [dreg:s6], $0x2FFFF;
	_ =	strace $0x9FFFFFFF  }
0xc2: {  	(tm) =	ssettm $0x7FFFFFFF  }
0xc3: {  	_ =	shalt  }
tec
execute0_lowered:
.L_overlay_start_1:
0x0: {  	(tag) =	ssettag $0x1  }
0x1: {  	s0 =	srdreg.scid;
	s1 =	rddreg [dreg:$0x0]  }
0x2: {  	s11 =	stileid.u32;
	s2 =	rddreg [dreg:$0x1]  }
0x3: {  	s3 =	simm.s32 $0x0;
	s28 =	simm.s32 $0x280;
	s29 =	simm.s32 $0x100  }
0x4: {  	s30 =	simm.s32 $0x300;
	s31 =	simm.s32 $0x180;
	s0 =	sand.u32 $0x1, s0  }
0x5: {  	s8 =	smul.u32 $0x280, s11;
	[smem:$0x7FF] =	sst s3;
	s5 =	sadd.s32 $0xD000, s1  }
0x6: {  	s6 =	sadd.s32 $0x8000, s1;
	s7 =	sadd.s32 $0x3000, s1;
	p0 =	sgt.u32 s11, $0x1  }
0x7: {  	s4 =	smul.u32 $0x2800, s0;
	s10 =	sshll.u32 s0, $0x4;
	s0 =	ssub.s32 $0x2, s0  }
0x8: {  	_ =	strace $0x8000004D;
	s10 =	sor.u32 s11, s10;
	s12 =	sshrl.u32 s0, $0x1  }
0x9: {  	s4 =	sadd.s32 s8, s4;
	s10 =	smul.u32 $0x280, s10;
	s0 =	ssub.s32 s0, s12  }
0xa: {  	s11 =	simm.s32 $0x4400;
	s9 =	sshll.u32 s4, $0x4;
	s0 =	smax.u32 s0, $0x1  }
0xb: {  	s1 =	sadd.s32 s9, s1;
	s9 =	simm.s32 $0x200;
	s13 =	sadd.s32 s6, s10  }
0xc: {  	s14 =	sor.u32 $0x10, s10;
	s15 =	sadd.s32 s7, s10;
	[dreg:$0xd] =	wrdreg s0  }
0xd: {  	s12 =	sor.u32 $0x20, s10;
	s10 =	sor.u32 $0x30, s10;
	[dreg:$0x4] =	wrdreg s13  }
0xe: {  	s0 =	simm.s32 $0x3;
	s9 =	simm.s32 @!p0 $0x0;
	[dreg:$0x5] =	wrdreg s15  }
0xf: {  	s16 =	sadd.s32 s6, s14;
	s17 =	sadd.s32 s7, s14;
	s18 =	sadd.s32 s6, s12  }
0x10: {  	s19 =	sadd.s32 s7, s12;
	s20 =	sadd.s32 s6, s10;
	[dreg:$0x6] =	wrdreg s16  }
0x11: {  	s22 =	sadd.s32 s7, s10;
	s1 =	sadd.s32 $0x5D000, s1;
	[dreg:$0x7] =	wrdreg s17  }
0x12: {  	s10 =	simm.s32 $0x4;
	s12 =	simm.s32 $0x1;
	[dreg:$0x8] =	wrdreg s18  }
0x13: {  	s13 =	simm.s32 $0x5;
	s14 =	simm.s32 $0x2;
	[dreg:$0x9] =	wrdreg s19  }
0x14: {  	s15 =	simm.s32 $0x6;
	s9 =	sadd.s32 s8, s9;
	[dreg:$0xa] =	wrdreg s20  }
0x15: {  	s8 =	simm.s32 $0x200;
	[dreg:$0xb] =	wrdreg s22;
	s9 =	sshll.u32 s9, $0x7  }
0x16: {  	[dreg:$0xc] =	wrdreg s1;
	s18 =	simm.s32 $0x9;
	s21 =	sadd.s32 s9, s2  }
0x17: {  	s1 =	simm.s32 $0x380;
	s23 =	sadd.s32 $0x4000, s21;
	[dreg:$0x3] =	wrdreg s21  }
0x18: {  	s16 =	simm.s32 $0x7;
	s24 =	sadd.s32 $0x8000, s21;
	[dreg:$0xe] =	wrdreg s23  }
0x19: {  	s17 =	simm.s32 $0x8;
	s25 =	sadd.s32 $0xC000, s21;
	[dreg:$0xf] =	wrdreg s24  }
0x1a: {  	s19 =	simm.s32 $0x0;
	s26 =	sadd.s32 $0x10000, s21;
	[dreg:$0x10] =	wrdreg s25  }
0x1b: {  	v0 =	vimm.f32 $0.0e+00;
	[dreg:$0x11] =	wrdreg s26;
	s24 =	simm.s32 $0x400;
	s26 =	simm.s32 $0x80  }
.LBB2_1:
0x1c: {  	[dreg:$0x12] =	wrdreg s19;
	s19 =	simm.s32 $0x0;
	s20 =	simm.s32 $0x200  }
.LBB2_2:
0x1d: {  	p0 =	sne.s32 s20, $0xFE00;
	[tilespmem:s19+$0x470] =	vst v0  }
0x1e: {  	[tilespmem:s19+$0x400] =	vst v0  }
0x1f: {  	[tilespmem:s19+$0x410] =	vst v0  }
.Ltmp0:
0x20: {  	[tilespmem:s19+$0x420] =	vst v0;
	(pc) =	sbr.rel @p0 .LBB2_2-.Ltmp0, $4  }
0x21: {  	[tilespmem:s19+$0x430] =	vst v0  }
0x22: {  	[tilespmem:s19+$0x440] =	vst v0  }
0x23: {  	[tilespmem:s19+$0x450] =	vst v0  }
0x24: {  	[tilespmem:s19+$0x460] =	vst v0;
	s19 =	sshra.s32 s20, $0x2;
	s20 =	sadd.s32 $0x200, s20  }
0x25: {  	[tilespmem:s19+$0x470] =	vst v0  }
0x26: {  	[tilespmem:s19+$0x400] =	vst v0  }
0x27: {  	[tilespmem:s19+$0x410] =	vst v0  }
0x28: {  	[tilespmem:s19+$0x420] =	vst v0  }
0x29: {  	[tilespmem:s19+$0x430] =	vst v0  }
0x2a: {  	[tilespmem:s19+$0x440] =	vst v0  }
0x2b: {  	[tilespmem:s19+$0x450] =	vst v0  }
0x2c: {  	[tilespmem:s19+$0x460] =	vst v0  }
0x2d: {  	[spmem:s21] =	stream.linear.scatter [tilespmem:s24], [sflag:$0x9], $0x4000, $0x38;
	[tilespmem:$0x1D400] =	vst v63  }
0x2e: {  	_ =	swait.ge [sflag:s18], $0x4000  }
0x2f: {  	[sflag:s18] =	ssyncset.done $0x0  }
0x30: {  	s9 =	rddreg [dreg:$0xe];
	[sflag:s18] =	ssyncadd.s32 $0xFFFFC000  }
0x31: {  	[spmem:s9] =	stream.linear.scatter [tilespmem:s24], [sflag:$0x9], $0x4000, $0x38;
	[tilespmem:$0x1D400] =	vst v63  }
0x32: {  	_ =	swait.ge [sflag:s18], $0x4000  }
0x33: {  	[sflag:s18] =	ssyncset.done $0x0  }
0x34: {  	s20 =	rddreg [dreg:$0xf];
	[sflag:s18] =	ssyncadd.s32 $0xFFFFC000  }
0x35: {  	[spmem:s20] =	stream.linear.scatter [tilespmem:s24], [sflag:$0x9], $0x4000, $0x38;
	[tilespmem:$0x1D400] =	vst v63  }
0x36: {  	_ =	swait.ge [sflag:s18], $0x4000  }
0x37: {  	[sflag:s18] =	ssyncset.done $0x0  }
0x38: {  	s21 =	rddreg [dreg:$0x10];
	[sflag:s18] =	ssyncadd.s32 $0xFFFFC000  }
0x39: {  	[spmem:s21] =	stream.linear.scatter [tilespmem:s24], [sflag:$0x9], $0x4000, $0x38;
	[tilespmem:$0x1D400] =	vst v63  }
0x3a: {  	_ =	swait.ge [sflag:s18], $0x4000  }
0x3b: {  	[sflag:s18] =	ssyncset.done $0x0  }
0x3c: {  	s22 =	rddreg [dreg:$0x11];
	[sflag:s18] =	ssyncadd.s32 $0xFFFFC000  }
0x3d: {  	[spmem:s22] =	stream.linear.scatter [tilespmem:s24], [sflag:$0x9], $0x4000, $0x38;
	[tilespmem:$0x1D400] =	vst v63  }
0x3e: {  	_ =	swait.ge [sflag:s18], $0x4000  }
0x3f: {  	[sflag:s18] =	ssyncset.done $0x0  }
0x40: {  	[sflag:s18] =	ssyncadd.s32 $0xFFFFC000  }
0x41: {  	[bflag:$0x0] =	sbarrier.arrive $0xFFFF  }
0x42: {  	s23 =	rddreg [dreg:$0x4]  }
0x43: {  	[tilespmem:s3], [sflag:$0x3] =	stream.linear.gather [hbm4b:s23+s3], $0x80, $0x38;
	[tilespmem:$0x1D400] =	vst v63  }
0x44: {  	s25 =	rddreg [dreg:$0x5]  }
0x45: {  	[tilespmem:s8], [sflag:$0x3] =	stream.linear.gather [hbm4b:s25+s3], $0x80, $0x38;
	[tilespmem:$0x1D400] =	vst v63  }
0x46: {  	s18 =	rddreg [dreg:$0x6]  }
0x47: {  	[tilespmem:s26], [sflag:$0x4] =	stream.linear.gather [hbm4b:s18+s3], $0x80, $0x38;
	[tilespmem:$0x1D400] =	vst v63  }
0x48: {  	s19 =	rddreg [dreg:$0x7]  }
0x49: {  	[tilespmem:s28], [sflag:$0x4] =	stream.linear.gather [hbm4b:s19+s3], $0x80, $0x38;
	[tilespmem:$0x1D400] =	vst v63  }
0x4a: {  	s20 =	rddreg [dreg:$0x8]  }
0x4b: {  	[tilespmem:s29], [sflag:$0x5] =	stream.linear.gather [hbm4b:s20+s3], $0x80, $0x38;
	[tilespmem:$0x1D400] =	vst v63  }
0x4c: {  	s21 =	rddreg [dreg:$0x9]  }
0x4d: {  	[tilespmem:s30], [sflag:$0x5] =	stream.linear.gather [hbm4b:s21+s3], $0x80, $0x38;
	[tilespmem:$0x1D400] =	vst v63  }
0x4e: {  	s22 =	rddreg [dreg:$0xa]  }
0x4f: {  	[tilespmem:s31], [sflag:$0x6] =	stream.linear.gather [hbm4b:s22+s3], $0x80, $0x38;
	[tilespmem:$0x1D400] =	vst v63  }
0x50: {  	s23 =	rddreg [dreg:$0xb]  }
0x51: {  	[tilespmem:s1], [sflag:$0x6] =	stream.linear.gather [hbm4b:s23+s3], $0x80, $0x38;
	[tilespmem:$0x1D400] =	vst v63  }
0x52: {  	_ =	swait.ge [sflag:s0], $0x80  }
0x53: {  	[sflag:s0] =	ssyncset.done $0x0  }
0x54: {  	[sflag:s0] =	ssyncadd.s32 $0xFFFFFF80  }
0x55: {  	_ =	swait.ge [sflag:s0], $0x80  }
0x56: {  	[sflag:s0] =	ssyncset.done $0x0  }
0x57: {  	[sflag:s0] =	ssyncadd.s32 $0xFFFFFF80  }
0x58: {  	[tilespmem:s24], [sflag:$0x1] =	stream.indirect.gather [hbm4b:s5+s26], $0x80, s3, s26, $0xb8;
	[tilespmem:$0x1D400] =	vst v63  }
0x59: {  	_ =	swait.ge [sflag:s10], $0x80  }
0x5a: {  	[sflag:s10] =	ssyncset.done $0x0  }
0x5b: {  	[sflag:s10] =	ssyncadd.s32 $0xFFFFFF80  }
0x5c: {  	_ =	swait.ge [sflag:s10], $0x80  }
0x5d: {  	[sflag:s10] =	ssyncset.done $0x0  }
0x5e: {  	[sflag:s10] =	ssyncadd.s32 $0xFFFFFF80  }
0x5f: {  	[tilespmem:s11], [sflag:$0x2] =	stream.indirect.gather [hbm4b:s5+s26], $0x80, s26, s26, $0xb8;
	[tilespmem:$0x1D400] =	vst v63  }
0x60: {  	_ =	swait.ge [sflag:s12], $0x4000  }
0x61: {  	[sflag:s12] =	ssyncset.done $0x0  }
0x62: {  	[sflag:s12] =	ssyncadd.s32 $0xFFFFC000  }
0x63: {  	[spmem:s2] =	stream.indirect.scatter.add.f32 [tilespmem:s24], [sflag:$0x7], $0x80, s8, s26, $0xb8;
	[tilespmem:$0x1D400] =	vst v63  }
0x64: {  	_ =	swait.ge [sflag:s13], $0x80  }
0x65: {  	[sflag:s13] =	ssyncset.done $0x0  }
0x66: {  	[sflag:s13] =	ssyncadd.s32 $0xFFFFFF80  }
0x67: {  	_ =	swait.ge [sflag:s13], $0x80  }
0x68: {  	[sflag:s13] =	ssyncset.done $0x0  }
0x69: {  	[sflag:s13] =	ssyncadd.s32 $0xFFFFFF80  }
0x6a: {  	_ =	swait.ge [sflag:s14], $0x4000  }
0x6b: {  	[sflag:s14] =	ssyncset.done $0x0  }
0x6c: {  	[sflag:s14] =	ssyncadd.s32 $0xFFFFC000  }
0x6d: {  	[spmem:s2] =	stream.indirect.scatter.add.f32 [tilespmem:s11], [sflag:$0x8], $0x80, s28, s26, $0xb8;
	[tilespmem:$0x1D400] =	vst v63  }
0x6e: {  	_ =	swait.ge [sflag:s15], $0x80  }
0x6f: {  	[sflag:s15] =	ssyncset.done $0x0  }
0x70: {  	[sflag:s15] =	ssyncadd.s32 $0xFFFFFF80  }
0x71: {  	_ =	swait.ge [sflag:s15], $0x80  }
0x72: {  	s19 =	sadd.s32 $0x70, s4;
	[sflag:s15] =	ssyncset.done $0x0  }
0x73: {  	s25 =	sadd.s32 $0xFFFFFFD0, s19;
	s20 =	simm.s32 $0x40;
	[sflag:s15] =	ssyncadd.s32 $0xFFFFFF80  }
0x74: {  	s20 =	sand.u32 $0x40, s20;
	s21 =	sand.u32 $0xFFFFF80, s25;
	_ =	swait.ge [sflag:s16], $0x4000  }
0x75: {  	s20 =	sor.u32 s20, s21;
	[sflag:s16] =	ssyncset.done $0x0  }
0x76: {  	s21 =	sadd.s32 s6, s20;
	[sflag:s16] =	ssyncadd.s32 $0xFFFFC000  }
0x77: {  	[tilespmem:s3], [sflag:$0x3] =	stream.linear.gather [hbm4b:s21+s3], $0x80, $0x38;
	[tilespmem:$0x1D400] =	vst v63  }
0x78: {  	s20 =	sadd.s32 s7, s20  }
0x79: {  	[tilespmem:s8], [sflag:$0x3] =	stream.linear.gather [hbm4b:s20+s3], $0x80, $0x38;
	[tilespmem:$0x1D400] =	vst v63  }
0x7a: {  	s18 =	simm.s32 $0x50;
	s9 =	sadd.s32 $0xFFFFFFE0, s19  }
0x7b: {  	[tilespmem:s24], [sflag:$0x1] =	stream.indirect.gather [hbm4b:s5+s26], $0x80, s29, s26, $0xb8;
	[tilespmem:$0x1D400] =	vst v63  }
0x7c: {  	s21 =	sand.u32 $0x50, s18;
	s20 =	sand.u32 $0xFFFFF80, s9;
	_ =	swait.ge [sflag:s17], $0x4000  }
0x7d: {  	s20 =	sor.u32 s21, s20;
	[sflag:s17] =	ssyncset.done $0x0  }
0x7e: {  	s21 =	sadd.s32 s6, s20;
	[sflag:s17] =	ssyncadd.s32 $0xFFFFC000  }
0x7f: {  	[tilespmem:s26], [sflag:$0x4] =	stream.linear.gather [hbm4b:s21+s3], $0x80, $0x38;
	[tilespmem:$0x1D400] =	vst v63  }
0x80: {  	s20 =	sadd.s32 s7, s20  }
0x81: {  	[tilespmem:s28], [sflag:$0x4] =	stream.linear.gather [hbm4b:s20+s3], $0x80, $0x38;
	[tilespmem:$0x1D400] =	vst v63  }
0x82: {  	_ = 	snop  }
0x83: {  	[tilespmem:s11], [sflag:$0x2] =	stream.indirect.gather [hbm4b:s5+s26], $0x80, s31, s26, $0xb8;
	[tilespmem:$0x1D400] =	vst v63  }
0x84: {  	_ =	swait.ge [sflag:s12], $0x4000  }
0x85: {  	[sflag:s12] =	ssyncset.done $0x0  }
0x86: {  	[sflag:s12] =	ssyncadd.s32 $0xFFFFC000  }
0x87: {  	[spmem:s2] =	stream.indirect.scatter.add.f32 [tilespmem:s24], [sflag:$0x7], $0x80, s30, s26, $0xb8;
	[tilespmem:$0x1D400] =	vst v63  }
0x88: {  	_ =	swait.ge [sflag:s0], $0x80  }
0x89: {  	[sflag:s0] =	ssyncset.done $0x0  }
0x8a: {  	[sflag:s0] =	ssyncadd.s32 $0xFFFFFF80  }
0x8b: {  	_ =	swait.ge [sflag:s0], $0x80  }
0x8c: {  	[sflag:s0] =	ssyncset.done $0x0  }
0x8d: {  	[sflag:s0] =	ssyncadd.s32 $0xFFFFFF80  }
0x8e: {  	_ =	swait.ge [sflag:s14], $0x4000  }
0x8f: {  	[sflag:s14] =	ssyncset.done $0x0  }
0x90: {  	[sflag:s14] =	ssyncadd.s32 $0xFFFFC000  }
0x91: {  	[spmem:s2] =	stream.indirect.scatter.add.f32 [tilespmem:s11], [sflag:$0x8], $0x80, s1, s26, $0xb8;
	[tilespmem:$0x1D400] =	vst v63  }
0x92: {  	_ =	swait.ge [sflag:s10], $0x80  }
0x93: {  	[sflag:s10] =	ssyncset.done $0x0  }
0x94: {  	[sflag:s10] =	ssyncadd.s32 $0xFFFFFF80  }
0x95: {  	_ =	swait.ge [sflag:s10], $0x80  }
0x96: {  	[sflag:s10] =	ssyncset.done $0x0  }
0x97: {  	s22 =	simm.s32 $0x60;
	s23 =	sadd.s32 $0xFFFFFFF0, s19;
	[sflag:s10] =	ssyncadd.s32 $0xFFFFFF80  }
0x98: {  	s21 =	sand.u32 $0xFFFFF80, s23;
	s20 =	sand.u32 $0x60, s22;
	_ =	swait.ge [sflag:s16], $0x4000  }
0x99: {  	s20 =	sor.u32 s20, s21;
	[sflag:s16] =	ssyncset.done $0x0  }
0x9a: {  	s21 =	sadd.s32 s6, s20;
	[sflag:s16] =	ssyncadd.s32 $0xFFFFC000  }
0x9b: {  	[tilespmem:s29], [sflag:$0x5] =	stream.linear.gather [hbm4b:s21+s3], $0x80, $0x38;
	[tilespmem:$0x1D400] =	vst v63  }
0x9c: {  	s20 =	sadd.s32 s7, s20  }
0x9d: {  	[tilespmem:s30], [sflag:$0x5] =	stream.linear.gather [hbm4b:s20+s3], $0x80, $0x38;
	[tilespmem:$0x1D400] =	vst v63  }
0x9e: {  	s25 =	simm.s32 $0x70  }
0x9f: {  	[tilespmem:s24], [sflag:$0x1] =	stream.indirect.gather [hbm4b:s5+s26], $0x80, s3, s26, $0xb8;
	[tilespmem:$0x1D400] =	vst v63  }
0xa0: {  	s19 =	sand.u32 $0xFFFFF80, s19;
	s20 =	sand.u32 $0x70, s25;
	_ =	swait.ge [sflag:s17], $0x4000  }
0xa1: {  	s19 =	sor.u32 s20, s19;
	[sflag:s17] =	ssyncset.done $0x0  }
0xa2: {  	s20 =	sadd.s32 s6, s19;
	[sflag:s17] =	ssyncadd.s32 $0xFFFFC000  }
0xa3: {  	[tilespmem:s31], [sflag:$0x6] =	stream.linear.gather [hbm4b:s20+s3], $0x80, $0x38;
	[tilespmem:$0x1D400] =	vst v63  }
0xa4: {  	s19 =	sadd.s32 s7, s19  }
0xa5: {  	[tilespmem:s1], [sflag:$0x6] =	stream.linear.gather [hbm4b:s19+s3], $0x80, $0x38;
	[tilespmem:$0x1D400] =	vst v63  }
0xa6: {  	s19 =	simm.s32 $0xB0  }
.LBB2_4:
0xa7: {  	p0 =	sne.s32 s19, $0x270;
	s20 =	smov.u32 s19;
	s19 =	sadd.s32 $0x40, s19  }
0xa8: {  	[tilespmem:s11], [sflag:$0x2] =	stream.indirect.gather [hbm4b:s5+s26], $0x80, s26, s26, $0xb8;
	[tilespmem:$0x1D400] =	vst v63  }
0xa9: {  	_ =	swait.ge [sflag:s12], $0x4000  }
0xaa: {  	[sflag:s12] =	ssyncset.done $0x0  }
0xab: {  	[sflag:s12] =	ssyncadd.s32 $0xFFFFC000  }
0xac: {  	[spmem:s2] =	stream.indirect.scatter.add.f32 [tilespmem:s24], [sflag:$0x7], $0x80, s8, s26, $0xb8;
	[tilespmem:$0x1D400] =	vst v63  }
0xad: {  	_ =	swait.ge [sflag:s13], $0x80  }
0xae: {  	[sflag:s13] =	ssyncset.done $0x0  }
0xaf: {  	[sflag:s13] =	ssyncadd.s32 $0xFFFFFF80  }
0xb0: {  	_ =	swait.ge [sflag:s13], $0x80  }
0xb1: {  	[sflag:s13] =	ssyncset.done $0x0  }
0xb2: {  	[sflag:s13] =	ssyncadd.s32 $0xFFFFFF80  }
0xb3: {  	_ =	swait.ge [sflag:s14], $0x4000  }
0xb4: {  	[sflag:s14] =	ssyncset.done $0x0  }
0xb5: {  	[sflag:s14] =	ssyncadd.s32 $0xFFFFC000  }
0xb6: {  	[spmem:s2] =	stream.indirect.scatter.add.f32 [tilespmem:s11], [sflag:$0x8], $0x80, s28, s26, $0xb8;
	[tilespmem:$0x1D400] =	vst v63  }
0xb7: {  	_ =	swait.ge [sflag:s15], $0x80  }
0xb8: {  	[sflag:s15] =	ssyncset.done $0x0  }
0xb9: {  	s21 =	sadd.s32 $0xFFFFFFF0, s20;
	[sflag:s15] =	ssyncadd.s32 $0xFFFFFF80  }
0xba: {  	s21 =	sand.u32 $0x60, s21;
	_ =	swait.ge [sflag:s15], $0x80  }
0xbb: {  	s22 =	sadd.s32 s20, s4;
	s23 =	sadd.s32 $0xFFFFFFD0, s20;
	[sflag:s15] =	ssyncset.done $0x0  }
0xbc: {  	s9 =	sadd.s32 $0xFFFFFFD0, s22;
	s18 =	sadd.s32 $0xFFFFFFE0, s22;
	[sflag:s15] =	ssyncadd.s32 $0xFFFFFF80  }
0xbd: {  	s9 =	sand.u32 $0xFFFFF80, s9;
	s18 =	sand.u32 $0xFFFFF80, s18;
	_ =	swait.ge [sflag:s16], $0x4000  }
0xbe: {  	s23 =	sand.u32 $0x40, s23;
	s25 =	sadd.s32 $0xFFFFFFF0, s22;
	[sflag:s16] =	ssyncset.done $0x0  }
0xbf: {  	s9 =	sor.u32 s23, s9;
	s23 =	sand.u32 $0xFFFFF80, s25;
	[sflag:s16] =	ssyncadd.s32 $0xFFFFC000  }
0xc0: {  	s25 =	sadd.s32 s6, s9;
	s9 =	sadd.s32 s7, s9;
	s21 =	sor.u32 s21, s23  }
0xc1: {  	[tilespmem:s3], [sflag:$0x3] =	stream.linear.gather [hbm4b:s25+s3], $0x80, $0x38;
	[tilespmem:$0x1D400] =	vst v63  }
0xc2: {  	s22 =	sand.u32 $0xFFFFF80, s22;
	s23 =	sand.u32 $0x70, s20  }
0xc3: {  	[tilespmem:s8], [sflag:$0x3] =	stream.linear.gather [hbm4b:s9+s3], $0x80, $0x38;
	[tilespmem:$0x1D400] =	vst v63  }
0xc4: {  	s9 =	sadd.s32 $0xFFFFFFE0, s20;
	s20 =	sor.u32 s23, s22  }
0xc5: {  	[tilespmem:s24], [sflag:$0x1] =	stream.indirect.gather [hbm4b:s5+s26], $0x80, s29, s26, $0xb8;
	[tilespmem:$0x1D400] =	vst v63  }
0xc6: {  	s9 =	sand.u32 $0x50, s9;
	_ =	swait.ge [sflag:s17], $0x4000  }
0xc7: {  	s9 =	sor.u32 s9, s18;
	[sflag:s17] =	ssyncset.done $0x0  }
0xc8: {  	s18 =	sadd.s32 s6, s9;
	[sflag:s17] =	ssyncadd.s32 $0xFFFFC000  }
0xc9: {  	[tilespmem:s26], [sflag:$0x4] =	stream.linear.gather [hbm4b:s18+s3], $0x80, $0x38;
	[tilespmem:$0x1D400] =	vst v63  }
0xca: {  	s9 =	sadd.s32 s7, s9  }
0xcb: {  	[tilespmem:s28], [sflag:$0x4] =	stream.linear.gather [hbm4b:s9+s3], $0x80, $0x38;
	[tilespmem:$0x1D400] =	vst v63  }
0xcc: {  	_ = 	snop  }
0xcd: {  	[tilespmem:s11], [sflag:$0x2] =	stream.indirect.gather [hbm4b:s5+s26], $0x80, s31, s26, $0xb8;
	[tilespmem:$0x1D400] =	vst v63  }
0xce: {  	_ =	swait.ge [sflag:s12], $0x4000  }
0xcf: {  	[sflag:s12] =	ssyncset.done $0x0  }
0xd0: {  	[sflag:s12] =	ssyncadd.s32 $0xFFFFC000  }
0xd1: {  	[spmem:s2] =	stream.indirect.scatter.add.f32 [tilespmem:s24], [sflag:$0x7], $0x80, s30, s26, $0xb8;
	[tilespmem:$0x1D400] =	vst v63  }
0xd2: {  	_ =	swait.ge [sflag:s0], $0x80  }
0xd3: {  	[sflag:s0] =	ssyncset.done $0x0  }
0xd4: {  	[sflag:s0] =	ssyncadd.s32 $0xFFFFFF80  }
0xd5: {  	_ =	swait.ge [sflag:s0], $0x80  }
0xd6: {  	[sflag:s0] =	ssyncset.done $0x0  }
0xd7: {  	[sflag:s0] =	ssyncadd.s32 $0xFFFFFF80  }
0xd8: {  	_ =	swait.ge [sflag:s14], $0x4000  }
0xd9: {  	[sflag:s14] =	ssyncset.done $0x0  }
0xda: {  	[sflag:s14] =	ssyncadd.s32 $0xFFFFC000  }
0xdb: {  	[spmem:s2] =	stream.indirect.scatter.add.f32 [tilespmem:s11], [sflag:$0x8], $0x80, s1, s26, $0xb8;
	[tilespmem:$0x1D400] =	vst v63  }
0xdc: {  	_ =	swait.ge [sflag:s10], $0x80  }
0xdd: {  	[sflag:s10] =	ssyncset.done $0x0  }
0xde: {  	[sflag:s10] =	ssyncadd.s32 $0xFFFFFF80  }
0xdf: {  	_ =	swait.ge [sflag:s10], $0x80  }
0xe0: {  	[sflag:s10] =	ssyncset.done $0x0  }
0xe1: {  	[sflag:s10] =	ssyncadd.s32 $0xFFFFFF80  }
0xe2: {  	_ =	swait.ge [sflag:s16], $0x4000  }
0xe3: {  	[sflag:s16] =	ssyncset.done $0x0  }
0xe4: {  	s9 =	sadd.s32 s6, s21;
	[sflag:s16] =	ssyncadd.s32 $0xFFFFC000  }
0xe5: {  	[tilespmem:s29], [sflag:$0x5] =	stream.linear.gather [hbm4b:s9+s3], $0x80, $0x38;
	[tilespmem:$0x1D400] =	vst v63  }
0xe6: {  	s9 =	sadd.s32 s7, s21  }
0xe7: {  	[tilespmem:s30], [sflag:$0x5] =	stream.linear.gather [hbm4b:s9+s3], $0x80, $0x38;
	[tilespmem:$0x1D400] =	vst v63  }
0xe8: {  	_ = 	snop  }
0xe9: {  	[tilespmem:s24], [sflag:$0x1] =	stream.indirect.gather [hbm4b:s5+s26], $0x80, s3, s26, $0xb8;
	[tilespmem:$0x1D400] =	vst v63  }
0xea: {  	_ =	swait.ge [sflag:s17], $0x4000  }
.Ltmp1:
0xeb: {  	[sflag:s17] =	ssyncset.done $0x0;
	(pc) =	sbr.rel @p0 .LBB2_4-.Ltmp1, $4  }
0xec: {  	s9 =	sadd.s32 s6, s20;
	[sflag:s17] =	ssyncadd.s32 $0xFFFFC000  }
0xed: {  	[tilespmem:s31], [sflag:$0x6] =	stream.linear.gather [hbm4b:s9+s3], $0x80, $0x38;
	[tilespmem:$0x1D400] =	vst v63  }
0xee: {  	s9 =	sadd.s32 s7, s20  }
0xef: {  	[tilespmem:s1], [sflag:$0x6] =	stream.linear.gather [hbm4b:s9+s3], $0x80, $0x38;
	[tilespmem:$0x1D400] =	vst v63  }
0xf0: {  	[tilespmem:s11], [sflag:$0x2] =	stream.indirect.gather [hbm4b:s5+s26], $0x80, s26, s26, $0xb8;
	[tilespmem:$0x1D400] =	vst v63  }
0xf1: {  	_ =	swait.ge [sflag:s12], $0x4000  }
0xf2: {  	[sflag:s12] =	ssyncset.done $0x0  }
0xf3: {  	[sflag:s12] =	ssyncadd.s32 $0xFFFFC000  }
0xf4: {  	[spmem:s2] =	stream.indirect.scatter.add.f32 [tilespmem:s24], [sflag:$0x7], $0x80, s8, s26, $0xb8;
	[tilespmem:$0x1D400] =	vst v63  }
0xf5: {  	_ =	swait.ge [sflag:s13], $0x80  }
0xf6: {  	[sflag:s13] =	ssyncset.done $0x0  }
0xf7: {  	[sflag:s13] =	ssyncadd.s32 $0xFFFFFF80  }
0xf8: {  	_ =	swait.ge [sflag:s13], $0x80  }
0xf9: {  	[sflag:s13] =	ssyncset.done $0x0  }
0xfa: {  	[sflag:s13] =	ssyncadd.s32 $0xFFFFFF80  }
0xfb: {  	_ =	swait.ge [sflag:s14], $0x4000  }
0xfc: {  	[sflag:s14] =	ssyncset.done $0x0  }
0xfd: {  	[sflag:s14] =	ssyncadd.s32 $0xFFFFC000  }
0xfe: {  	[spmem:s2] =	stream.indirect.scatter.add.f32 [tilespmem:s11], [sflag:$0x8], $0x80, s28, s26, $0xb8;
	[tilespmem:$0x1D400] =	vst v63  }
0xff: {  	_ =	swait.ge [sflag:s15], $0x80  }
0x100: {  	[sflag:s15] =	ssyncset.done $0x0  }
0x101: {  	[sflag:s15] =	ssyncadd.s32 $0xFFFFFF80  }
0x102: {  	_ =	swait.ge [sflag:s15], $0x80  }
0x103: {  	[sflag:s15] =	ssyncset.done $0x0  }
0x104: {  	[sflag:s15] =	ssyncadd.s32 $0xFFFFFF80  }
0x105: {  	_ =	swait.ge [sflag:s16], $0x4000  }
0x106: {  	[sflag:s16] =	ssyncset.done $0x0  }
0x107: {  	[sflag:s16] =	ssyncadd.s32 $0xFFFFC000  }
0x108: {  	[tilespmem:s24], [sflag:$0x1] =	stream.indirect.gather [hbm4b:s5+s26], $0x80, s29, s26, $0xb8;
	[tilespmem:$0x1D400] =	vst v63  }
0x109: {  	_ =	swait.ge [sflag:s17], $0x4000  }
0x10a: {  	[sflag:s17] =	ssyncset.done $0x0  }
0x10b: {  	[sflag:s17] =	ssyncadd.s32 $0xFFFFC000  }
0x10c: {  	[tilespmem:s11], [sflag:$0x2] =	stream.indirect.gather [hbm4b:s5+s26], $0x80, s31, s26, $0xb8;
	[tilespmem:$0x1D400] =	vst v63  }
0x10d: {  	_ =	swait.ge [sflag:s12], $0x4000  }
0x10e: {  	[sflag:s12] =	ssyncset.done $0x0  }
0x10f: {  	[sflag:s12] =	ssyncadd.s32 $0xFFFFC000  }
0x110: {  	[spmem:s2] =	stream.indirect.scatter.add.f32 [tilespmem:s24], [sflag:$0x7], $0x80, s30, s26, $0xb8;
	[tilespmem:$0x1D400] =	vst v63  }
0x111: {  	_ =	swait.ge [sflag:s14], $0x4000  }
0x112: {  	[sflag:s14] =	ssyncset.done $0x0  }
0x113: {  	[sflag:s14] =	ssyncadd.s32 $0xFFFFC000  }
0x114: {  	[spmem:s2] =	stream.indirect.scatter.add.f32 [tilespmem:s11], [sflag:$0x8], $0x80, s1, s26, $0xb8;
	[tilespmem:$0x1D400] =	vst v63  }
0x115: {  	_ =	swait.ge [sflag:s16], $0x4000  }
0x116: {  	[sflag:s16] =	ssyncset.done $0x0  }
0x117: {  	[sflag:s16] =	ssyncadd.s32 $0xFFFFC000  }
0x118: {  	_ =	swait.ge [sflag:s17], $0x4000  }
0x119: {  	[sflag:s17] =	ssyncset.done $0x0  }
0x11a: {  	[sflag:s17] =	ssyncadd.s32 $0xFFFFC000  }
0x11b: {  	s9 =	stileid.u32;
	[bflag:$0x0] =	sbarrier.arrive $0xFFFF  }
0x11c: {  	s9 =	sshll.u32 s9, $0x6;
	s21 =	rddreg [dreg:$0x3]  }
0x11d: {  	s9 =	sor.u32 $0x1C09, s9;
	s19 =	rddreg [dreg:$0xc];
	s18 =	sshrl.u32 s21, $0x3  }
0x11e: {  	[hbm:s19], [sflag:s9] =	dma.local [spmem:s18], $0x2800  }
0x11f: {  	s18 =	simm.s32 $0x9  }
0x120: {  	_ =	swait.ge [sflag:s18], $0x2800  }
0x121: {  	s23 =	rddreg [dreg:$0x12]  }
0x122: {  	s25 =	rddreg [dreg:$0xd];
	s19 =	sadd.s32 $0x1, s23  }
0x123: {  	p0 =	sne.s32 s19, s25  }
.Ltmp2:
0x124: {  	_ = 	snop;
	(pc) =	sbr.rel @p0 .LBB2_1-.Ltmp2, $3  }
0x125: {  	_ =	sdelay $0x1  }
0x126: {  	[sflag:s18] =	ssyncset.done $0x0  }
0x127: {  	[sflag:s18] =	ssyncadd.s32 $0xFFFFD800  }
0x128: {  	_ =	sfence.sel $0x180000  }
0x129: {  	[bflag:$0x0] =	sbarrier.arrive $0xFFFF  }
0x12a: {  	_ =	strace $0x9000004D  }
0x12b: {  	s0 =	stileid.u32;
	[bflag:$0x2] =	sbarrier.arrive $0xFFFF  }
0x12c: {  	p0 =	sne.s32 s0, $0x0;
	s0 =	rddreg [dreg:$0x2]  }
0x12d: {  	s0 =	sadd.s32 @!p0 $0x100000, s0  }
0x12e: {  	[sflag:s0] =	ssyncadd.tile.s32 @!p0 $0x1;
	_ =	shalt  }
.Lfunc_end2:
_tile_overlayer_lowered:
.L_overlay_start_2:
0x12f: {  	(tag) =	ssettag $0x2  }
0x130: {  	s0 =	rddreg [dreg:$0x0];
	s2 =	stileid.u32  }
0x131: {  	s1 =	rddreg [dreg:$0x1];
	p0 =	sne.s32 s2, $0x0  }
0x132: {  	s3 =	rddreg [dreg:$0x2];
	[bflag:$0x3] =	sbarrier.arrive $0xFFFF;
	s2 =	simm.s32 @!p0 $0x1C09  }
0x133: {  	[timem:s3], [sflag:s2] =	dma.local @!p0 [hbm:s0], s1  }
0x134: {  	s0 =	simm.s32 @!p0 $0x9  }
0x135: {  	_ =	swait.ge @!p0 [sflag:s0], s1  }
0x136: {  	s1 =	ssub.s32 @!p0 $0x0, s1;
	[sflag:s0] =	ssyncset.done @!p0 $0x0  }
0x137: {  	[sflag:s0] =	ssyncadd.s32 @!p0 s1  }
0x138: {  	[bflag:$0x3] =	sbarrier.arrive $0xFFFF  }
0x139: {  	_ =	shalt  }

// kernel: kernel.8.cloned.1.call-start
scs
__scs_entry_jumppad:
0x0: {  	(pc) =	sbr.rel $0x88, $3  }
0x1: {  	(tag) =	ssettag $0x0;
	lr =	simm.s32 $0x1  }
0x2: {  	[smem:$0x3F9B] =	sst lr;
	_ =	strace $0xD0000000  }
0x3: {  	_ = 	snop  }
0x4: {  	_ = 	snop  }
0x5: {  	_ = 	snop  }
0x6: {  	_ = 	snop  }
0x7: {  	_ = 	snop  }
__scs_overlays_trampoline_lowered:
0x8: {  	[smem:$0x3FAA] =	sst s0  }
0x9: {  	[smem:$0x3FAB] =	sst s1  }
0xa: {  	[smem:$0x3FAC] =	sst s2  }
0xb: {  	[smem:$0x3FAD] =	sst s3  }
0xc: {  	[smem:$0x3FAE] =	sst s4  }
0xd: {  	[smem:$0x3FAF] =	sst s5  }
0xe: {  	[smem:$0x3FB0] =	sst s6  }
0xf: {  	[smem:$0x3FB1] =	sst s7  }
0x10: {  	[smem:$0x3FB2] =	sst s8  }
0x11: {  	[smem:$0x3FB3] =	sst s9;
	s0 =	simm.s32 @!p0 $0x0  }
0x12: {  	s1 =	sld [smem:$0x3F99];
	s0 =	simm.s32 @p0 $0x1  }
0x13: {  	[smem:$0x3FB4] =	sst s0;
	s0 =	simm.s32 @!p1 $0x0  }
0x14: {  	s2 =	sld [smem:$0x3F98];
	s0 =	simm.s32 @p1 $0x1  }
0x15: {  	[smem:$0x3FB5] =	sst s0;
	s0 =	simm.s32 @!p2 $0x0  }
0x16: {  	s3 =	sld [smem:$0x3FDB];
	s0 =	simm.s32 @p2 $0x1  }
0x17: {  	s4 =	simm.s32 $0x1BF5;
	[smem:$0x3FB7] =	sst s0  }
0x18: {  	s0 =	sld [smem:$0x3F9A];
	_ =	swait.ge [sflag:s4], $0x0  }
0x19: {  	s7 =	sld [smem:$0x3F9B]  }
0x1a: {  	s8 =	sadd.s32 $0xFFFFE003, lr  }
0x1b: {  	s9 =	sadd.s32 $0xFFFFFEF7, lr;
	s5 =	simm.s32 $0xFFFFFFFF;
	p2 =	slt.u32 s8, $0xFFFFF086  }
0x1c: {  	p1 =	slt.u32 s9, $0xF7A;
	s5 =	simm.s32 @!p2 $0x0  }
0x1d: {  	s5 =	simm.s32 @p1 $0x1;
	p0 =	seq.s32 s7, s2  }
0x1e: {  	s7 =	smul.u32 @!p0 $0xF7A, s2;
	p2 =	seq.s32 @!p0 s5, $0x0  }
0x1f: {  	s9 =	smul.u32 $0xF7A, s1;
	s8 =	simm.s32 @!p0 $0x1BF5;
	p2 =	por !p2, p0  }
0x20: {  	[sflag:s8] =	ssyncset.s32 @!p0 $0xFFFFF086;
	s6 =	sadd.s32 @!p0 s3, s7;
	s7 =	simm.s32 @!p0 $0x108  }
0x21: {  	s3 =	sadd.s32 s3, s9;
	s6 =	sadd.s32 @!p0 $0x88, s6;
	s7 =	simm.s32 @p2 $0x1082  }
0x22: {  	[simem:s7], [sflag:s8] =	dma.local @!p0 [hbm:s6], $0xF7A  }
0x23: {  	s9 =	sor.u32 $0xD0000000, s2;
	s6 =	simm.s32 $0x108;
	_ =	swait.ge @!p0 [sflag:s8], $0x0  }
0x24: {  	s3 =	sadd.s32 $0x88, s3;
	s6 =	simm.s32 @!p1 $0x1082;
	[sflag:s4] =	ssyncset.s32 $0xFFFFF086  }
0x25: {  	[simem:s6], [sflag:s4] =	dma.local [hbm:s3], $0xF7A  }
0x26: {  	[smem:$0x3F9B] =	sst s1;
	(tag) =	ssettag s2;
	_ =	strace s9  }
0x27: {  	s1 =	sld [smem:$0x3FAB]  }
0x28: {  	s2 =	sld [smem:$0x3FAC]  }
0x29: {  	s4 =	sld [smem:$0x3FAE]  }
0x2a: {  	p0 =	seq.s32 s5, $0x0;
	s5 =	sld [smem:$0x3FAF]  }
0x2b: {  	s6 =	sld [smem:$0x3FB0]  }
0x2c: {  	s7 =	sld [smem:$0x3FB1]  }
0x2d: {  	s3 =	simm.s32 $0x108;
	s8 =	sld [smem:$0x3FB2]  }
0x2e: {  	s3 =	simm.s32 @!p0 $0x1082;
	s9 =	sld [smem:$0x3FB3]  }
0x2f: {  	lr =	sadd.s32 s0, s3;
	s0 =	sld [smem:$0x3FAA]  }
0x30: {  	s3 =	sld [smem:$0x3FAD]  }
0x31: {  	[smem:$0x3FB6] =	sst s10  }
0x32: {  	s10 =	sld [smem:$0x3FB4];
	_ =	sdelay $0x3  }
0x33: {  	p0 =	seq.s32 s10, $0x1;
	s10 =	sld [smem:$0x3FB6];
	_ =	sdelay $0x3  }
0x34: {  	[smem:$0x3FB6] =	sst s10  }
0x35: {  	s10 =	sld [smem:$0x3FB5];
	_ =	sdelay $0x3  }
0x36: {  	p1 =	seq.s32 s10, $0x1;
	s10 =	sld [smem:$0x3FB6];
	_ =	sdelay $0x3  }
0x37: {  	[smem:$0x3FB6] =	sst s10  }
0x38: {  	s10 =	sld [smem:$0x3FB7]  }
0x39: {  	_ = 	snop;
	(pc) =	sbr.ind lr, $3  }
0x3a: {  	_ = 	snop  }
0x3b: {  	_ = 	snop  }
0x3c: {  	p2 =	seq.s32 s10, $0x1;
	s10 =	sld [smem:$0x3FB6]  }
0x3d: {  	_ =	shalt  }
0x3e: {  	_ =	shalt  }
0x3f: {  	_ =	shalt  }
0x40: {  	_ =	shalt  }
0x41: {  	_ =	shalt  }
0x42: {  	_ =	shalt  }
0x43: {  	_ =	shalt  }
0x44: {  	_ =	shalt  }
0x45: {  	_ =	shalt  }
0x46: {  	_ =	shalt  }
0x47: {  	_ =	shalt  }
0x48: {  	_ =	shalt  }
0x49: {  	_ =	shalt  }
0x4a: {  	_ =	shalt  }
0x4b: {  	_ =	shalt  }
0x4c: {  	_ =	shalt  }
0x4d: {  	_ =	shalt  }
0x4e: {  	_ =	shalt  }
0x4f: {  	_ =	shalt  }
0x50: {  	_ =	shalt  }
0x51: {  	_ =	shalt  }
0x52: {  	_ =	shalt  }
0x53: {  	_ =	shalt  }
0x54: {  	_ =	shalt  }
0x55: {  	_ =	shalt  }
0x56: {  	_ =	shalt  }
0x57: {  	_ =	shalt  }
0x58: {  	_ =	shalt  }
0x59: {  	_ =	shalt  }
0x5a: {  	_ =	shalt  }
0x5b: {  	_ =	shalt  }
0x5c: {  	_ =	shalt  }
0x5d: {  	_ =	shalt  }
0x5e: {  	_ =	shalt  }
0x5f: {  	_ =	shalt  }
0x60: {  	_ =	shalt  }
0x61: {  	_ =	shalt  }
0x62: {  	_ =	shalt  }
0x63: {  	_ =	shalt  }
0x64: {  	_ =	shalt  }
0x65: {  	_ =	shalt  }
0x66: {  	_ =	shalt  }
0x67: {  	_ =	shalt  }
0x68: {  	_ =	shalt  }
0x69: {  	_ =	shalt  }
0x6a: {  	_ =	shalt  }
0x6b: {  	_ =	shalt  }
0x6c: {  	_ =	shalt  }
0x6d: {  	_ =	shalt  }
0x6e: {  	_ =	shalt  }
0x6f: {  	_ =	shalt  }
0x70: {  	_ =	shalt  }
0x71: {  	_ =	shalt  }
0x72: {  	_ =	shalt  }
0x73: {  	_ =	shalt  }
0x74: {  	_ =	shalt  }
0x75: {  	_ =	shalt  }
0x76: {  	_ =	shalt  }
0x77: {  	_ =	shalt  }
0x78: {  	_ =	shalt  }
0x79: {  	_ =	shalt  }
0x7a: {  	_ =	shalt  }
0x7b: {  	_ =	shalt  }
0x7c: {  	_ =	shalt  }
0x7d: {  	_ =	shalt  }
0x7e: {  	_ =	shalt  }
0x7f: {  	_ =	shalt  }
0x80: {  	_ =	shalt  }
0x81: {  	_ =	shalt  }
0x82: {  	_ =	shalt  }
0x83: {  	_ =	shalt  }
0x84: {  	_ =	shalt  }
0x85: {  	_ =	shalt  }
0x86: {  	_ =	shalt  }
0x87: {  	_ =	shalt  }
.Lfunc_end0:
.L_simem_size_0:
called_computation_lowered:
.L_overlay_start_0:
0x88: {  	s2 =	sld [smem:$0x3FD9]  }
0x89: {  	s3 =	sld [smem:$0x3FFE];
	_ =	sdelay $0x1  }
0x8a: {  	s1 =	srdreg.scid  }
0x8b: {  	s0 =	sand.u32 $0x1, s1  }
0x8c: {  	s16 =	sshll.u32 s0, $0xA;
	s2 =	sadd.s32 s3, s2  }
0x8d: {  	s2 =	sadd.s32 s2, s16  }
0x8e: {  	[smem:$0x3FC2] =	sst s2  }
0x8f: {  	_ = 	snop  }
0x90: {  	(tm) =	ssettm $0x1  }
0x91: {  	s17 =	sld [smem:$0x3FFB];
	_ =	sdelay $0x3  }
0x92: {  	_ =	strace s17  }
0x93: {  	s2 =	sld [smem:$0x3FFC];
	_ =	sdelay $0x3  }
0x94: {  	_ =	strace s2  }
0x95: {  	s2 =	sld [smem:$0x3FFD];
	_ =	sdelay $0x3  }
0x96: {  	_ =	strace s2  }
0x97: {  	_ =	strace $0x8FFFFFFF  }
0x98: {  	s18 =	sld [smem:$0x3FDB];
	_ =	sdelay $0x1  }
0x99: {  	s19 =	simm.s32 $_scs_section_size  }
0x9a: {  	s4 =	simm.s32 $_size__tile_overlayer_lowered;
	s5 =	simm.s32 $_tile_overlayer_lowered  }
0x9b: {  	s22 =	simm.s32 $0x1BFF;
	s21 =	sshll.u32 s5, $0x1;
	s2 =	sadd.s32 s19, s18  }
0x9c: {  	s6 =	simm.s32 $0x0;
	s20 =	sshll.u32 s4, $0x1;
	s4 =	sadd.s32 s21, s2  }
0x9d: {  	[timem:s6], [sflag:s22] =	dma.local [hbm:s4], s20  }
0x9e: {  	_ =	swait.ge [sflag:s22], s20  }
0x9f: {  	s3 =	ssub.s32 $0x0, s20;
	[sflag:s22] =	ssyncset.done $0x0  }
0xa0: {  	[sflag:s22] =	ssyncadd.s32 s3;
	_ =	sdelay $0x1  }
0xa1: {  	s23 =	simm.s32 $0x1B8B  }
0xa2: {  	_ =	swait.ge [sflag:s23], $0x1  }
0xa3: {  	[sflag:s23] =	ssyncset.done $0x0  }
0xa4: {  	s25 =	simm.s32 $0x1B8E;
	s24 =	sld [smem:$0x3FFE];
	[sflag:s23] =	ssyncadd.s32 $0xFFFFFFFF  }
0xa5: {  	s26 =	simm.s32 $execute0_lowered;
	[smem:$0x3FD2] =	sst s25  }
0xa6: {  	s4 =	sshll.u32 s26, $0x1;
	_ =	strace $0x80000046;
	[dreg:$0x1] =	wrdreg $0xFFFFFFFF  }
0xa7: {  	s28 =	simm.s32 $_size_execute0_lowered;
	s2 =	sadd.s32 s2, s4;
	[dreg:$0x0] =	wrdreg $0x0  }
0xa8: {  	s4 =	sshll.u32 s28, $0x1;
	[dreg:$0x2] =	wrdreg s2  }
0xa9: {  	[dreg:$0x3] =	wrdreg s4  }
0xaa: {  	[dreg:$0x4] =	wrdreg $0xC0  }
0xab: {  	_ =	task [dreg:s6], $0x5FFFF  }
0xac: {  	[dreg:$0x1] =	wrdreg $0xFFFFFFFF  }
0xad: {  	[dreg:$0x0] =	wrdreg $0x60  }
0xae: {  	[dreg:$0x2] =	wrdreg s24  }
0xaf: {  	[dreg:$0x3] =	wrdreg $0x54000  }
0xb0: {  	[dreg:$0x4] =	wrdreg $0x9  }
0xb1: {  	_ =	task.clear_ibuf [dreg:s6], $0x5FFFF;
	_ =	strace $0x90000046  }
0xb2: {  	s29 =	simm.s32 $0x9;
	_ =	strace $0x80000048  }
0xb3: {  	_ =	swait.ge [sflag:s29], $0x1  }
0xb4: {  	[sflag:s29] =	ssyncadd.s32 $0xFFFFFFFF  }
0xb5: {  	_ =	strace $0x90000048  }
0xb6: {  	_ =	sfence  }
0xb7: {  	s30 =	sld [smem:$0x0];
	_ =	sdelay $0x2  }
0xb8: {  	s31 =	sshll.u32 s1, $0xD;
	s1 =	sshrl.u32 s1, $0x2  }
0xb9: {  	s3 =	sand.u32 $0x4000, s31;
	s1 =	sadd.s32 s1, s30  }
0xba: {  	s0 =	sor.u32 s3, s0;
	s1 =	sshll.u32 s1, $0x11  }
0xbb: {  	s0 =	sor.u32 s1, s0  }
0xbc: {  	s0 =	sadd.s32 $0x8F2B, s0  }
0xbd: {  	[sflag:s0] =	ssyncadd.remote.s32 $0x1  }
0xbe: {  	_ =	sfence.sel $0xFFFF  }
0xbf: {  	[dreg:$0x0] =	wrdreg $0xFFFFFFFF;
	(pc) =	sbr.abs _section_cstart, $3  }
0xc0: {  	[dreg:$0x1] =	wrdreg $0xFFFFFFFF  }
0xc1: {  	_ =	task.clear_ibuf [dreg:s6], $0x2FFFF;
	_ =	strace $0x9FFFFFFF  }
0xc2: {  	(tm) =	ssettm $0x7FFFFFFF  }
0xc3: {  	_ =	shalt  }
tec
execute0_lowered:
.L_overlay_start_1:
0x0: {  	(tag) =	ssettag $0x1  }
0x1: {  	s5 =	rddreg [dreg:$0x0]  }
0x2: {  	s0 =	srdreg.scid;
	s2 =	rddreg [dreg:$0x1];
	s3 =	simm.s32 $0x0  }
0x3: {  	s9 =	simm.s32 $0x200;
	s12 =	simm.s32 $0x1400;
	s13 =	simm.s32 $0x1  }
0x4: {  	s14 =	simm.s32 $0x80;
	s4 =	sand.u32 $0x1, s0;
	s0 =	stileid.u32  }
0x5: {  	[smem:$0x7FF] =	sst s3;
	s1 =	sshll.u32 s4, $0x4;
	s7 =	smul.u32 $0x280, s0  }
0x6: {  	s8 =	smul.u32 $0x2800, s4;
	p0 =	sgt.u32 s0, $0x1;
	s4 =	ssub.s32 $0x2, s4  }
0x7: {  	s15 =	sshll.u32 s0, $0x6;
	s1 =	sor.u32 s0, s1;
	s9 =	simm.s32 @!p0 $0x0  }
0x8: {  	s30 =	sshrl.u32 s4, $0x1;
	s15 =	sor.u32 $0x1C01, s15;
	s6 =	smul.u32 $0x280, s1  }
0x9: {  	s1 =	rddreg [dreg:$0x2];
	_ =	strace $0x80000047;
	s8 =	sadd.s32 s7, s8  }
0xa: {  	s7 =	sadd.s32 s7, s9;
	s31 =	ssub.s32 s4, s30;
	s8 =	sshll.u32 s8, $0x4  }
0xb: {  	s7 =	sshll.u32 s7, $0x7;
	s6 =	sadd.s32 s6, s5;
	s8 =	sadd.s32 s8, s5  }
0xc: {  	s4 =	sadd.s32 s7, s2;
	s7 =	smax.u32 s31, $0x1;
	s5 =	sadd.s32 $0x3000, s6  }
0xd: {  	s6 =	sadd.s32 $0xD000, s8;
	s8 =	sadd.s32 $0x4000, s4;
	s9 =	sadd.s32 $0x8000, s4  }
0xe: {  	v0 =	vimm.f32 $0.0e+00;
	v1 =	vimm.f32 $1.000000000e+00;
	s10 =	sadd.s32 $0xC000, s4;
	s11 =	sadd.s32 $0x10000, s4;
	s16 =	sshrl.u32 s4, $0x3  }
.LBB2_1:
0xf: {  	s17 =	simm.s32 $0x0;
	s18 =	simm.s32 $0x200  }
.LBB2_2:
0x10: {  	p0 =	sne.s32 s18, $0xFE00;
	[tilespmem:s17+$0x1470] =	vst v0  }
0x11: {  	[tilespmem:s17+$0x1400] =	vst v0  }
0x12: {  	[tilespmem:s17+$0x1410] =	vst v0  }
.Ltmp0:
0x13: {  	[tilespmem:s17+$0x1420] =	vst v0;
	(pc) =	sbr.rel @p0 .LBB2_2-.Ltmp0, $4  }
0x14: {  	[tilespmem:s17+$0x1430] =	vst v0  }
0x15: {  	[tilespmem:s17+$0x1440] =	vst v0  }
0x16: {  	[tilespmem:s17+$0x1450] =	vst v0  }
0x17: {  	[tilespmem:s17+$0x1460] =	vst v0;
	s17 =	sshra.s32 s18, $0x2;
	s18 =	sadd.s32 $0x200, s18  }
0x18: {  	[tilespmem:s17+$0x1470] =	vst v0  }
0x19: {  	[tilespmem:s17+$0x1400] =	vst v0  }
0x1a: {  	[tilespmem:s17+$0x1410] =	vst v0  }
0x1b: {  	[tilespmem:s17+$0x1420] =	vst v0  }
0x1c: {  	[tilespmem:s17+$0x1430] =	vst v0  }
0x1d: {  	[tilespmem:s17+$0x1440] =	vst v0  }
0x1e: {  	[tilespmem:s17+$0x1450] =	vst v0  }
0x1f: {  	[tilespmem:s17+$0x1460] =	vst v0  }
0x20: {  	[spmem:s4] =	stream.linear.scatter [tilespmem:s12], [sflag:$0x1], $0x4000, $0x38;
	[tilespmem:$0x1A400] =	vst v63  }
0x21: {  	_ =	swait.ge [sflag:s13], $0x4000  }
0x22: {  	[sflag:s13] =	ssyncset.done $0x0  }
0x23: {  	[sflag:s13] =	ssyncadd.s32 $0xFFFFC000  }
0x24: {  	[spmem:s8] =	stream.linear.scatter [tilespmem:s12], [sflag:$0x1], $0x4000, $0x38;
	[tilespmem:$0x1A400] =	vst v63  }
0x25: {  	_ =	swait.ge [sflag:s13], $0x4000  }
0x26: {  	[sflag:s13] =	ssyncset.done $0x0  }
0x27: {  	[sflag:s13] =	ssyncadd.s32 $0xFFFFC000  }
0x28: {  	[spmem:s9] =	stream.linear.scatter [tilespmem:s12], [sflag:$0x1], $0x4000, $0x38;
	[tilespmem:$0x1A400] =	vst v63  }
0x29: {  	_ =	swait.ge [sflag:s13], $0x4000  }
0x2a: {  	[sflag:s13] =	ssyncset.done $0x0  }
0x2b: {  	[sflag:s13] =	ssyncadd.s32 $0xFFFFC000  }
0x2c: {  	[spmem:s10] =	stream.linear.scatter [tilespmem:s12], [sflag:$0x1], $0x4000, $0x38;
	[tilespmem:$0x1A400] =	vst v63  }
0x2d: {  	_ =	swait.ge [sflag:s13], $0x4000  }
0x2e: {  	[sflag:s13] =	ssyncset.done $0x0  }
0x2f: {  	[sflag:s13] =	ssyncadd.s32 $0xFFFFC000  }
0x30: {  	[spmem:s11] =	stream.linear.scatter [tilespmem:s12], [sflag:$0x1], $0x4000, $0x38;
	[tilespmem:$0x1A400] =	vst v63  }
0x31: {  	_ =	swait.ge [sflag:s13], $0x4000  }
0x32: {  	[sflag:s13] =	ssyncset.done $0x0  }
0x33: {  	s31 =	simm.s32 $0x0;
	[sflag:s13] =	ssyncadd.s32 $0xFFFFC000  }
0x34: {  	[tilespmem:s31], [sflag:$0x1] =	stream.linear.gather [hbm4b:s5+s31], $0x1400, $0x38;
	[tilespmem:$0x1A400] =	vst v63  }
0x35: {  	_ =	swait.ge [sflag:s13], $0x1400  }
0x36: {  	[sflag:s13] =	ssyncset.done $0x0  }
0x37: {  	s17 =	simm.s32 $0x0;
	s18 =	simm.s32 $0x200;
	[sflag:s13] =	ssyncadd.s32 $0xFFFFEC00  }
.LBB2_4:
0x38: {  	p0 =	sne.s32 s18, $0xFE00;
	[tilespmem:s17+$0x1470] =	vst v1  }
0x39: {  	[tilespmem:s17+$0x1400] =	vst v1  }
0x3a: {  	[tilespmem:s17+$0x1410] =	vst v1  }
.Ltmp1:
0x3b: {  	[tilespmem:s17+$0x1420] =	vst v1;
	(pc) =	sbr.rel @p0 .LBB2_4-.Ltmp1, $4  }
0x3c: {  	[tilespmem:s17+$0x1430] =	vst v1  }
0x3d: {  	[tilespmem:s17+$0x1440] =	vst v1  }
0x3e: {  	[tilespmem:s17+$0x1450] =	vst v1  }
0x3f: {  	[tilespmem:s17+$0x1460] =	vst v1;
	s17 =	sshra.s32 s18, $0x2;
	s18 =	sadd.s32 $0x200, s18  }
0x40: {  	[tilespmem:s17+$0x1470] =	vst v1  }
0x41: {  	[tilespmem:s17+$0x1400] =	vst v1  }
0x42: {  	[tilespmem:s17+$0x1410] =	vst v1  }
0x43: {  	[tilespmem:s17+$0x1420] =	vst v1  }
0x44: {  	[tilespmem:s17+$0x1430] =	vst v1  }
0x45: {  	[tilespmem:s17+$0x1440] =	vst v1  }
0x46: {  	[tilespmem:s17+$0x1450] =	vst v1  }
0x47: {  	[tilespmem:s17+$0x1460] =	vst v1  }
0x48: {  	s31 =	simm.s32 $0x0;
	[bflag:$0x0] =	sbarrier.arrive $0xFFFF  }
0x49: {  	[spmem:s2] =	stream.indirect.scatter.add.f32 [tilespmem:s12], [sflag:$0x1], $0x80, s31, s14, $0xb8;
	[tilespmem:$0x1A400] =	vst v63  }
0x4a: {  	_ =	swait.ge [sflag:s13], $0x4000  }
0x4b: {  	s17 =	simm.s32 $0x200;
	[sflag:s13] =	ssyncset.done $0x0  }
.LBB2_6:
0x4c: {  	s18 =	sshra.s32 s17, $0x2;
	[sflag:s13] =	ssyncadd.s32 $0xFFFFC000;
	p0 =	sne.s32 s17, $0x4E00  }
0x4d: {  	[spmem:s2] =	stream.indirect.scatter.add.f32 [tilespmem:s12], [sflag:$0x1], $0x80, s18, s14, $0xb8;
	[tilespmem:$0x1A400] =	vst v63  }
.Ltmp2:
0x4e: {  	_ = 	snop;
	(pc) =	sbr.rel @p0 .LBB2_6-.Ltmp2, $4  }
0x4f: {  	_ = 	snop  }
0x50: {  	s17 =	sadd.s32 $0x200, s17  }
0x51: {  	_ =	swait.ge [sflag:s13], $0x4000  }
0x52: {  	[sflag:s13] =	ssyncset.done $0x0  }
0x53: {  	s3 =	sadd.s32 $0x1, s3  }
0x54: {  	[sflag:s13] =	ssyncadd.s32 $0xFFFFC000;
	p0 =	sne.s32 s3, s7  }
.Ltmp3:
0x55: {  	[bflag:$0x0] =	sbarrier.arrive $0xFFFF;
	(pc) =	sbr.rel @p0 .LBB2_1-.Ltmp3, $4  }
0x56: {  	[hbm:s6], [sflag:s15] =	dma.local [spmem:s16], $0x2800  }
0x57: {  	_ =	swait.ge [sflag:s13], $0x2800  }
0x58: {  	[sflag:s13] =	ssyncset.done $0x0  }
0x59: {  	[sflag:s13] =	ssyncadd.s32 $0xFFFFD800  }
0x5a: {  	_ =	sfence.sel $0x180000  }
0x5b: {  	[bflag:$0x0] =	sbarrier.arrive $0xFFFF  }
0x5c: {  	p0 =	sne.s32 s0, $0x0;
	_ =	strace $0x90000047  }
0x5d: {  	s0 =	sadd.s32 @!p0 $0x100000, s1;
	[bflag:$0x2] =	sbarrier.arrive $0xFFFF  }
0x5e: {  	[sflag:s0] =	ssyncadd.tile.s32 @!p0 $0x1;
	_ =	shalt  }
.Lfunc_end2:
_tile_overlayer_lowered:
.L_overlay_start_2:
0x5f: {  	(tag) =	ssettag $0x2  }
0x60: {  	s0 =	rddreg [dreg:$0x0];
	s2 =	stileid.u32  }
0x61: {  	s1 =	rddreg [dreg:$0x1];
	p0 =	sne.s32 s2, $0x0  }
0x62: {  	s3 =	rddreg [dreg:$0x2];
	[bflag:$0x3] =	sbarrier.arrive $0xFFFF;
	s2 =	simm.s32 @!p0 $0x1C01  }
0x63: {  	[timem:s3], [sflag:s2] =	dma.local @!p0 [hbm:s0], s1  }
0x64: {  	s0 =	simm.s32 @!p0 $0x1  }
0x65: {  	_ =	swait.ge @!p0 [sflag:s0], s1  }
0x66: {  	s1 =	ssub.s32 @!p0 $0x0, s1;
	[sflag:s0] =	ssyncset.done @!p0 $0x0  }
0x67: {  	[sflag:s0] =	ssyncadd.s32 @!p0 s1  }
0x68: {  	[bflag:$0x3] =	sbarrier.arrive $0xFFFF  }
0x69: {  	_ =	shalt  }

</sc_bundles>
